<compile_context>
chip_gen: v7x
topology: tpu7x:2x2x1
jax: 0.10.2.dev20260603
libtpu: 0.0.44.dev20260713+nightly
codegen_flags: <defaults>
</compile_context>

<pallas_src>
import jax
import jax.numpy as jnp
from jax import lax
from jax.experimental import pallas as pl
from jax.experimental.pallas import tpu as pltpu
from jax.experimental.pallas import tpu_sc as plsc

N_LOC = 50000
N_EVT = 50000
E = 800000
D = 128
H = 64
HH = 32

NS = 16
CHUNK = 128
ROWS_PER_TILE = 400
ROWS_TOTAL = NS * ROWS_PER_TILE
E_PAD = ROWS_TOTAL * CHUNK
BLKJ = 8
NBLK = ROWS_PER_TILE // BLKJ
ACC_ROWS = 50048
APT = ACC_ROWS // NS
AW = 128
HALF = N_LOC // 2
CNT_ROWS = 25088
CPT = CNT_ROWS // NS
CNTW = 200
CW = 8


ROWS_BLK = 1000
GRID = N_LOC // ROWS_BLK


def _evt_proj_body(x_ref, w_ref, b_ref, o_ref):
    h = jnp.dot(x_ref[...], w_ref[...], preferred_element_type=jnp.float32)
    h = jnp.maximum(h + b_ref[...], 0.0).astype(jnp.bfloat16)
    o_ref[0, :, :] = h[:, :HH]
    o_ref[1, :, :] = h[:, HH:]


_evt_proj = pl.pallas_call(
    _evt_proj_body,
    grid=(GRID,),
    in_specs=[
        pl.BlockSpec((ROWS_BLK, D), lambda i: (i, 0)),
        pl.BlockSpec((D, H), lambda i: (0, 0)),
        pl.BlockSpec((1, H), lambda i: (0, 0)),
    ],
    out_specs=pl.BlockSpec((2, ROWS_BLK, HH), lambda i: (0, i, 0)),
    out_shape=jax.ShapeDtypeStruct((2, N_EVT, HH), jnp.bfloat16),
)


def _loc_proj_body(x_ref, w_ref, b_ref, o_ref):
    h = jnp.dot(x_ref[...], w_ref[...], preferred_element_type=jnp.float32)
    o_ref[...] = jnp.maximum(h + b_ref[...], 0.0)


_loc_proj = pl.pallas_call(
    _loc_proj_body,
    grid=(GRID,),
    in_specs=[
        pl.BlockSpec((ROWS_BLK, D), lambda i: (i, 0)),
        pl.BlockSpec((D, H), lambda i: (0, 0)),
        pl.BlockSpec((1, H), lambda i: (0, 0)),
    ],
    out_specs=pl.BlockSpec((ROWS_BLK, H), lambda i: (i, 0)),
    out_shape=jax.ShapeDtypeStruct((N_LOC, H), jnp.float32),
)


def _head_body(sl_ref, sh_ref, c16_ref, lh_ref, wl_ref, bl_ref, wr_ref,
               w1_ref, b1_ref, w2_ref, b2_ref, o_ref):
    cnt = c16_ref[...][:, 0:1]
    inv = 1.0 / jnp.maximum(cnt, 1.0)
    ml = sl_ref[...] * inv
    mh = sh_ref[...] * inv
    wl = wl_ref[...]
    conv = (jnp.dot(ml, wl[:HH, :], preferred_element_type=jnp.float32)
            + jnp.dot(mh, wl[HH:, :], preferred_element_type=jnp.float32)
            + jnp.dot(lh_ref[...], wr_ref[...], preferred_element_type=jnp.float32)
            + bl_ref[...])
    lo = jnp.maximum(conv, 0.0)
    h = jnp.dot(lo, w1_ref[...], preferred_element_type=jnp.float32) + b1_ref[...]
    h = jnp.maximum(h, 0.0)
    logits = jnp.sum(h * w2_ref[...], axis=1, keepdims=True) + b2_ref[...]
    o_ref[...] = logits


_head = pl.pallas_call(
    _head_body,
    grid=(GRID,),
    in_specs=[
        pl.BlockSpec((ROWS_BLK, HH), lambda i: (i, 0)),
        pl.BlockSpec((ROWS_BLK, HH), lambda i: (i + GRID, 0)),
        pl.BlockSpec((ROWS_BLK, CW), lambda i: (i, 0)),
        pl.BlockSpec((ROWS_BLK, H), lambda i: (i, 0)),
        pl.BlockSpec((H, H), lambda i: (0, 0)),
        pl.BlockSpec((1, H), lambda i: (0, 0)),
        pl.BlockSpec((H, H), lambda i: (0, 0)),
        pl.BlockSpec((H, HH), lambda i: (0, 0)),
        pl.BlockSpec((1, HH), lambda i: (0, 0)),
        pl.BlockSpec((1, HH), lambda i: (0, 0)),
        pl.BlockSpec((1, 1), lambda i: (0, 0)),
    ],
    out_specs=pl.BlockSpec((ROWS_BLK, 1), lambda i: (i, 0)),
    out_shape=jax.ShapeDtypeStruct((N_LOC, 1), jnp.float32),
)



def _sc_body(evt_cat, src2d, dst2d, ones8, zeros8, s_cat, cnt16,
             acc, cnt, src_v, dst_v, dstl_v, bf0, bf1, rows_v, ones_v, zba, zbc,
             gs0, gs1, ss0, ss1, cs0, cs1):
    c = lax.axis_index("c")
    s = lax.axis_index("s")

    zero16 = jnp.zeros((16,), jnp.float32)

    pltpu.sync_copy(ones8, ones_v)
    pltpu.sync_copy(zeros8, zbc)

    def zero_cnt(i, _):
        pltpu.sync_copy(zbc, cnt.at[pl.ds(s * CPT + i * CNTW, CNTW)])
        return 0

    lax.fori_loop(0, CPT // CNTW, zero_cnt, 0)
    pltpu.sync_copy(zbc.at[pl.ds(0, CPT % CNTW)],
                    cnt.at[pl.ds(s * CPT + (CPT // CNTW) * CNTW, CPT % CNTW)])

    def fill_zba(i, _):
        zba[i, pl.ds(0, 16)] = zero16
        zba[i, pl.ds(16, 16)] = zero16
        return 0

    lax.fori_loop(0, AW, fill_zba, 0)

    def zero_acc(i, _):
        pltpu.sync_copy(zba, acc.at[pl.ds(s * APT + i * AW, AW)])
        return 0

    lax.fori_loop(0, APT // AW, zero_acc, 0)
    pltpu.sync_copy(zba.at[pl.ds(0, APT % AW)],
                    acc.at[pl.ds(s * APT + (APT // AW) * AW, APT % AW)])

    plsc.subcore_barrier()

    c0 = c * HALF
    cN = c * N_EVT

    BF = (bf0, bf1)
    F = (rows_v, zba)
    GS = (gs0, gs1)
    SS = (ss0, ss1)
    CS = (cs0, cs1)
    m16 = jnp.full((16,), -65536, jnp.int32)

    def block_body(b, _):
        row0 = s * ROWS_PER_TILE + b * BLKJ
        pltpu.sync_copy(src2d.at[pl.ds(row0, BLKJ)], src_v)
        pltpu.sync_copy(dst2d.at[pl.ds(row0, BLKJ)], dst_v)

        def jbody(j, _):
            def lbody(l, _):
                v = dst_v[j, pl.ds(l * 16, 16)]
                lv = v - c0
                oob = (lv < 0) | (lv >= HALF)
                dstl_v[j, pl.ds(l * 16, 16)] = jnp.where(oob, HALF, lv)
                sv = src_v[j, pl.ds(l * 16, 16)]
                src_v[j, pl.ds(l * 16, 16)] = sv + cN
                return 0

            lax.fori_loop(0, CHUNK // 16, lbody, 0)
            return 0

        lax.fori_loop(0, BLKJ, jbody, 0)

        g = [None] * BLKJ
        sd = [None, None]
        cd = [None, None]
        g[0] = pltpu.async_copy(evt_cat.at[src_v.at[0]], BF[0], GS[0])
        for j in range(BLKJ):
            p = j % 2
            if j + 1 < BLKJ:
                g[j + 1] = pltpu.async_copy(evt_cat.at[src_v.at[j + 1]], BF[1 - p], GS[1 - p])
            g[j].wait()
            if j >= 2:
                sd[p].wait()
                cd[p].wait()
            bfr = BF[p]
            fr = F[p]

            def conv_row(i, _):
                bb = plsc.bitcast(bfr[i, :], jnp.int32)
                fr[i, pl.ds(0, 16)] = plsc.bitcast(lax.shift_left(bb, 16), jnp.float32)
                fr[i, pl.ds(16, 16)] = plsc.bitcast(jnp.bitwise_and(bb, m16), jnp.float32)
                return 0

            lax.fori_loop(0, CHUNK, conv_row, 0)
            sd[p] = pltpu.async_copy(fr, acc.at[dst_v.at[j]], SS[p], add=True)
            cd[p] = pltpu.async_copy(ones_v, cnt.at[dstl_v.at[j]], CS[p], add=True)
        for t in (BLKJ - 2, BLKJ - 1):
            sd[t % 2].wait()
            cd[t % 2].wait()
        return 0

    lax.fori_loop(0, NBLK, block_body, 0)

    plsc.subcore_barrier()

    for k in range(25):
        widx = s + k * NS

        @pl.when(widx < N_LOC // AW)
        def _():
            b = widx * AW
            pltpu.sync_copy(acc.at[pl.ds(b, AW)], zba)
            pltpu.sync_copy(zba, s_cat.at[pl.ds(c * N_LOC + b, AW)])

    @pl.when(s == NS - 1)
    def _():
        b = (N_LOC // AW) * AW
        rem = N_LOC % AW
        pltpu.sync_copy(acc.at[pl.ds(b, rem)], zba.at[pl.ds(0, rem)])
        pltpu.sync_copy(zba.at[pl.ds(0, rem)], s_cat.at[pl.ds(c * N_LOC + b, rem)])

    for k in range(8):
        idx = s + k * NS

        @pl.when(idx < HALF // CNTW)
        def _():
            lb = idx * CNTW
            pltpu.sync_copy(cnt.at[pl.ds(lb, CNTW)], zbc)
            pltpu.sync_copy(zbc, cnt16.at[pl.ds(c * HALF + lb, CNTW)])


def _build_sc_segment():
    return pl.kernel(
        _sc_body,
        out_type=(
            jax.ShapeDtypeStruct((2 * N_LOC, HH), jnp.float32),
            jax.ShapeDtypeStruct((N_LOC, CW), jnp.float32),
        ),
        mesh=plsc.VectorSubcoreMesh(core_axis_name="c", subcore_axis_name="s",
                                    num_cores=2, num_subcores=NS),
        compiler_params=pltpu.CompilerParams(use_tc_tiling_on_sc=False,
                                             needs_layout_passes=False),
        scratch_types=(
            pltpu.VMEM_SHARED((ACC_ROWS, HH), jnp.float32),
            pltpu.VMEM_SHARED((CNT_ROWS, CW), jnp.float32),
            pltpu.VMEM((BLKJ, CHUNK), jnp.int32),
            pltpu.VMEM((BLKJ, CHUNK), jnp.int32),
            pltpu.VMEM((BLKJ, CHUNK), jnp.int32),
            pltpu.VMEM((CHUNK, HH), jnp.bfloat16),
            pltpu.VMEM((CHUNK, HH), jnp.bfloat16),
            pltpu.VMEM((CHUNK, HH), jnp.float32),
            pltpu.VMEM((CHUNK, CW), jnp.float32),
            pltpu.VMEM((AW, HH), jnp.float32),
            pltpu.VMEM((CNTW, CW), jnp.float32),
            pltpu.SemaphoreType.DMA,
            pltpu.SemaphoreType.DMA,
            pltpu.SemaphoreType.DMA,
            pltpu.SemaphoreType.DMA,
            pltpu.SemaphoreType.DMA,
            pltpu.SemaphoreType.DMA,
        ),
    )


_sc_segment_cache = []


def _sc_segment(*args):
    if not _sc_segment_cache:
        _sc_segment_cache.append(_build_sc_segment())
    return _sc_segment_cache[0](*args)



def kernel(loc_x, evt_x, W_loc, b_loc, W_evt, b_evt, W_l, b_l, W_r,
           W_h1, b_h1, W_h2, b_h2, edge_index):
    src = edge_index[0].astype(jnp.int32)
    dst = edge_index[1].astype(jnp.int32)
    pad = E_PAD - E
    src2d = jnp.concatenate([src, jnp.zeros((pad,), jnp.int32)]).reshape(ROWS_TOTAL, CHUNK)
    dst2d = jnp.concatenate([dst, jnp.full((pad,), N_LOC, jnp.int32)]).reshape(ROWS_TOTAL, CHUNK)

    evt_pair = _evt_proj(evt_x, W_evt, b_evt.reshape(1, H))
    loc_h = _loc_proj(loc_x, W_loc, b_loc.reshape(1, H))
    evt_cat = evt_pair.reshape(2 * N_EVT, HH)
    ones8 = jnp.ones((CHUNK, CW), jnp.float32)
    zeros8 = jnp.zeros((CNTW, CW), jnp.float32)
    s_cat, cnt16 = _sc_segment(evt_cat, src2d, dst2d, ones8, zeros8)
    perm = jnp.arange(0, HH, 2, dtype=jnp.int32)
    perm = jnp.concatenate([perm, perm + 1])
    perm_full = jnp.concatenate([perm, perm + HH])
    W_l_p = W_l[perm_full, :]
    out = _head(s_cat, s_cat, cnt16, loc_h, W_l_p, b_l.reshape(1, H), W_r,
                W_h1, b_h1.reshape(1, HH), W_h2.reshape(1, H // 2), b_h2.reshape(1, 1))
    return out[:, 0]

# --- scband reference (transcript-rebuilt; emitter-appended) ---
"""Pipeline reference for scband-hetero-gnnmodel-43576738185766 (READ-ONLY COPY).

The authoritative reference and input builder live on the scoring server;
editing this copy changes nothing except your own understanding.
"""

import jax, jax.numpy as jnp
import numpy as np

N_LOC = 50000
N_EVT = 50000
E = 800000
D_LOC = 128
D_EVT = 128
H = 64


def setup_inputs(seed: int = 0) -> dict:
    key = jax.random.key(seed)
    ks = jax.random.split(key, 16)
    loc_x = jax.random.normal(ks[0], (N_LOC, D_LOC), dtype=jnp.float32)
    evt_x = jax.random.normal(ks[1], (N_EVT, D_EVT), dtype=jnp.float32)
    src = jax.random.randint(ks[2], (E,), 0, N_EVT, dtype=jnp.int64)
    dst = jax.random.randint(ks[3], (E,), 0, N_LOC, dtype=jnp.int64)
    edge_index = jnp.stack([src, dst], axis=0)
    def lin(k, fan_in, fan_out):
        bound = 1.0 / np.sqrt(fan_in)
        return jax.random.uniform(k, (fan_in, fan_out), dtype=jnp.float32, minval=-bound, maxval=bound)
    def bias(k, fan_in, fan_out):
        bound = 1.0 / np.sqrt(fan_in)
        return jax.random.uniform(k, (fan_out,), dtype=jnp.float32, minval=-bound, maxval=bound)
    return {
        'loc_x': loc_x,
        'evt_x': evt_x,
        'W_loc': lin(ks[4], D_LOC, H), 'b_loc': bias(ks[5], D_LOC, H),
        'W_evt': lin(ks[6], D_EVT, H), 'b_evt': bias(ks[7], D_EVT, H),
        'W_l': lin(ks[8], H, H), 'b_l': bias(ks[9], H, H),
        'W_r': lin(ks[10], H, H),
        'W_h1': lin(ks[11], H, H // 2), 'b_h1': bias(ks[12], H, H // 2),
        'W_h2': lin(ks[13], H // 2, 1), 'b_h2': bias(ks[14], H // 2, 1),
        'edge_index': edge_index,
    }


def reference(loc_x, evt_x, W_loc, b_loc, W_evt, b_evt, W_l, b_l, W_r, W_h1, b_h1, W_h2, b_h2, edge_index):
    # projections
    loc_h = jax.nn.relu(loc_x @ W_loc + b_loc)
    evt_h = jax.nn.relu(evt_x @ W_evt + b_evt)
    # bipartite SAGEConv (mean aggregation): event -> location
    src = edge_index[0]
    dst = edge_index[1]
    msgs = jnp.take(evt_h, src, axis=0)                      # gather [E, H]
    s = jax.ops.segment_sum(msgs, dst, num_segments=N_LOC)   # scatter-add [N_LOC, H]
    cnt = jax.ops.segment_sum(jnp.ones((E,), dtype=jnp.float32), dst, num_segments=N_LOC)
    mean = s / jnp.maximum(cnt, 1.0)[:, None]
    conv_out = mean @ W_l + b_l + loc_h @ W_r                # lin_l(agg) + lin_r(x_dst)
    loc_out = jax.nn.relu(conv_out)
    # head MLP
    h = jax.nn.relu(loc_out @ W_h1 + b_h1)
    logits = (h @ W_h2 + b_h2).squeeze(-1)
    return logits

if __name__ == "__main__":
    import jax
    _d = setup_inputs()
    print(jax.jit(kernel)(*tuple(_d.values())))

</pallas_src>

<mosaic_0001>
#map = affine_map<(d0, d1) -> (0, 0)>
module attributes {stable_mosaic.version = 14 : i64} {
  func.func @_sc_body(%arg0: i32, %arg1: i32, %arg2: memref<100000x32xbf16, #tpu.memory_space<hbm>>, %arg3: memref<6400x128xi32, #tpu.memory_space<hbm>>, %arg4: memref<6400x128xi32, #tpu.memory_space<hbm>>, %arg5: memref<128x8xf32, #tpu.memory_space<hbm>>, %arg6: memref<200x8xf32, #tpu.memory_space<hbm>>, %arg7: memref<100000x32xf32, #tpu.memory_space<hbm>>, %arg8: memref<50000x8xf32, #tpu.memory_space<hbm>>, %arg9: memref<50048x32xf32, #tpu.memory_space<vmem_shared>>, %arg10: memref<25088x8xf32, #tpu.memory_space<vmem_shared>>, %arg11: memref<8x128xi32, #tpu.memory_space<vmem>>, %arg12: memref<8x128xi32, #tpu.memory_space<vmem>>, %arg13: memref<8x128xi32, #tpu.memory_space<vmem>>, %arg14: memref<128x32xbf16, #tpu.memory_space<vmem>>, %arg15: memref<128x32xbf16, #tpu.memory_space<vmem>>, %arg16: memref<128x32xf32, #tpu.memory_space<vmem>>, %arg17: memref<128x8xf32, #tpu.memory_space<vmem>>, %arg18: memref<128x32xf32, #tpu.memory_space<vmem>>, %arg19: memref<200x8xf32, #tpu.memory_space<vmem>>, %arg20: memref<!tpu.dma_semaphore, #tpu.memory_space<semaphore_mem>>, %arg21: memref<!tpu.dma_semaphore, #tpu.memory_space<semaphore_mem>>, %arg22: memref<!tpu.dma_semaphore, #tpu.memory_space<semaphore_mem>>, %arg23: memref<!tpu.dma_semaphore, #tpu.memory_space<semaphore_mem>>, %arg24: memref<!tpu.dma_semaphore, #tpu.memory_space<semaphore_mem>>, %arg25: memref<!tpu.dma_semaphore, #tpu.memory_space<semaphore_mem>>) attributes {dimension_semantics = [#tpu.dimension_semantics<core_parallel>, #tpu.dimension_semantics<subcore_parallel>], iteration_bounds = array<i64: 2, 16>, scalar_prefetch = 0 : i64, scratch_operands = 17 : i64, tpu.core_type = #tpu.core_type<sc_vector_subcore>, window_params = [{transform_indices = #map}, {transform_indices = #map}, {transform_indices = #map}, {transform_indices = #map}, {transform_indices = #map}, {transform_indices = #map}, {transform_indices = #map}]} {
    %broadcast_in_dim3A = arith.constant 0.000000e+00 : f32
    %broadcast_in_dim3A_0 = vector.broadcast %broadcast_in_dim3A : f32 to vector<16xf32>
    "tpu.region"() ({
      %run_scoped3A = tpu.sem_alloc : memref<!tpu.dma_semaphore, #tpu.memory_space<semaphore_mem>>
      tpu.enqueue_dma source(%arg5 : memref<128x8xf32, #tpu.memory_space<hbm>>) target(%arg17 : memref<128x8xf32, #tpu.memory_space<vmem>>) target_semaphore(%run_scoped3A : memref<!tpu.dma_semaphore, #tpu.memory_space<semaphore_mem>>)
      tpu.wait_dma2 semaphore(%run_scoped3A : memref<!tpu.dma_semaphore, #tpu.memory_space<semaphore_mem>>) src(%arg5 : memref<128x8xf32, #tpu.memory_space<hbm>>) dst(%arg17 : memref<128x8xf32, #tpu.memory_space<vmem>>)
      tpu.yield
    }) : () -> ()
    "tpu.region"() ({
      %run_scoped3A = tpu.sem_alloc : memref<!tpu.dma_semaphore, #tpu.memory_space<semaphore_mem>>
      tpu.enqueue_dma source(%arg6 : memref<200x8xf32, #tpu.memory_space<hbm>>) target(%arg19 : memref<200x8xf32, #tpu.memory_space<vmem>>) target_semaphore(%run_scoped3A : memref<!tpu.dma_semaphore, #tpu.memory_space<semaphore_mem>>)
      tpu.wait_dma2 semaphore(%run_scoped3A : memref<!tpu.dma_semaphore, #tpu.memory_space<semaphore_mem>>) src(%arg6 : memref<200x8xf32, #tpu.memory_space<hbm>>) dst(%arg19 : memref<200x8xf32, #tpu.memory_space<vmem>>)
      tpu.yield
    }) : () -> ()
    %scan3A = arith.constant 0 : i32
    %scan3A_1 = arith.constant 0 : i32
    %scan3A_2 = arith.constant 7 : i32
    %scan3A_3 = arith.addi %scan3A_1, %scan3A_2 : i32
    %scan3A_4 = arith.constant 1 : i32
    %scan3A_5 = scf.for %scan3A_273 = %scan3A_1 to %scan3A_3 step %scan3A_4 iter_args(%scan3A_274 = %scan3A) -> (i32)  : i32 {
      %mul3A_275 = arith.constant 1568 : i32
      %mul3A_276 = arith.muli %arg1, %mul3A_275 : i32
      %mul3A_277 = arith.constant 200 : i32
      %mul3A_278 = arith.muli %scan3A_273, %mul3A_277 : i32
      %add3A_279 = arith.addi %mul3A_276, %mul3A_278 : i32
      "tpu.region"() ({
        %run_scoped3A = tpu.sem_alloc : memref<!tpu.dma_semaphore, #tpu.memory_space<semaphore_mem>>
        %dma_start3A = arith.constant 0 : i32
        %dma_start3A_281 = tpu.memref_slice %arg10[%add3A_279, %dma_start3A] : memref<25088x8xf32, #tpu.memory_space<vmem_shared>> -> memref<200x8xf32, #tpu.memory_space<vmem_shared>>
        %dma_start3A_282 = arith.constant 0 : i32
        %dma_start3A_283 = tpu.memref_slice %arg10[%add3A_279, %dma_start3A_282] : memref<25088x8xf32, #tpu.memory_space<vmem_shared>> -> memref<200x8xf32, #tpu.memory_space<vmem_shared>>
        tpu.enqueue_dma source(%arg19 : memref<200x8xf32, #tpu.memory_space<vmem>>) target(%dma_start3A_283 : memref<200x8xf32, #tpu.memory_space<vmem_shared>>) target_semaphore(%run_scoped3A : memref<!tpu.dma_semaphore, #tpu.memory_space<semaphore_mem>>)
        %dma_wait3A = arith.constant 0 : i32
        %dma_wait3A_284 = tpu.memref_slice %arg10[%add3A_279, %dma_wait3A] : memref<25088x8xf32, #tpu.memory_space<vmem_shared>> -> memref<200x8xf32, #tpu.memory_space<vmem_shared>>
        %dma_wait3A_285 = arith.constant 0 : i32
        %dma_wait3A_286 = tpu.memref_slice %arg10[%add3A_279, %dma_wait3A_285] : memref<25088x8xf32, #tpu.memory_space<vmem_shared>> -> memref<200x8xf32, #tpu.memory_space<vmem_shared>>
        tpu.wait_dma2 semaphore(%run_scoped3A : memref<!tpu.dma_semaphore, #tpu.memory_space<semaphore_mem>>) src(%arg19 : memref<200x8xf32, #tpu.memory_space<vmem>>) dst(%dma_wait3A_286 : memref<200x8xf32, #tpu.memory_space<vmem_shared>>)
        tpu.yield
      }) : () -> ()
      %scan3A_280 = arith.constant 0 : i32
      scf.yield %scan3A_280 : i32
    }
    %scan3A_6 = arith.constant 7 : i32
    %mul3A = arith.constant 1568 : i32
    %mul3A_7 = arith.muli %arg1, %mul3A : i32
    %add3A = arith.constant 1400 : i32
    %add3A_8 = arith.addi %mul3A_7, %add3A : i32
    "tpu.region"() ({
      %run_scoped3A = tpu.sem_alloc : memref<!tpu.dma_semaphore, #tpu.memory_space<semaphore_mem>>
      %dma_start3A = arith.constant 0 : i32
      %dma_start3A_273 = arith.constant 0 : i32
      %dma_start3A_274 = tpu.memref_slice %arg19[%dma_start3A, %dma_start3A_273] : memref<200x8xf32, #tpu.memory_space<vmem>> -> memref<168x8xf32, #tpu.memory_space<vmem>>
      %dma_start3A_275 = arith.constant 0 : i32
      %dma_start3A_276 = tpu.memref_slice %arg10[%add3A_8, %dma_start3A_275] : memref<25088x8xf32, #tpu.memory_space<vmem_shared>> -> memref<168x8xf32, #tpu.memory_space<vmem_shared>>
      %dma_start3A_277 = arith.constant 0 : i32
      %dma_start3A_278 = tpu.memref_slice %arg10[%add3A_8, %dma_start3A_277] : memref<25088x8xf32, #tpu.memory_space<vmem_shared>> -> memref<168x8xf32, #tpu.memory_space<vmem_shared>>
      %dma_start3A_279 = arith.constant 0 : i32
      %dma_start3A_280 = arith.constant 0 : i32
      %dma_start3A_281 = tpu.memref_slice %arg19[%dma_start3A_279, %dma_start3A_280] : memref<200x8xf32, #tpu.memory_space<vmem>> -> memref<168x8xf32, #tpu.memory_space<vmem>>
      tpu.enqueue_dma source(%dma_start3A_281 : memref<168x8xf32, #tpu.memory_space<vmem>>) target(%dma_start3A_278 : memref<168x8xf32, #tpu.memory_space<vmem_shared>>) target_semaphore(%run_scoped3A : memref<!tpu.dma_semaphore, #tpu.memory_space<semaphore_mem>>)
      %dma_wait3A = arith.constant 0 : i32
      %dma_wait3A_282 = arith.constant 0 : i32
      %dma_wait3A_283 = tpu.memref_slice %arg19[%dma_wait3A, %dma_wait3A_282] : memref<200x8xf32, #tpu.memory_space<vmem>> -> memref<168x8xf32, #tpu.memory_space<vmem>>
      %dma_wait3A_284 = arith.constant 0 : i32
      %dma_wait3A_285 = tpu.memref_slice %arg10[%add3A_8, %dma_wait3A_284] : memref<25088x8xf32, #tpu.memory_space<vmem_shared>> -> memref<168x8xf32, #tpu.memory_space<vmem_shared>>
      %dma_wait3A_286 = arith.constant 0 : i32
      %dma_wait3A_287 = tpu.memref_slice %arg10[%add3A_8, %dma_wait3A_286] : memref<25088x8xf32, #tpu.memory_space<vmem_shared>> -> memref<168x8xf32, #tpu.memory_space<vmem_shared>>
      %dma_wait3A_288 = arith.constant 0 : i32
      %dma_wait3A_289 = arith.constant 0 : i32
      %dma_wait3A_290 = tpu.memref_slice %arg19[%dma_wait3A_288, %dma_wait3A_289] : memref<200x8xf32, #tpu.memory_space<vmem>> -> memref<168x8xf32, #tpu.memory_space<vmem>>
      tpu.wait_dma2 semaphore(%run_scoped3A : memref<!tpu.dma_semaphore, #tpu.memory_space<semaphore_mem>>) src(%dma_wait3A_290 : memref<168x8xf32, #tpu.memory_space<vmem>>) dst(%dma_wait3A_287 : memref<168x8xf32, #tpu.memory_space<vmem_shared>>)
      tpu.yield
    }) : () -> ()
    %scan3A_9 = arith.constant 0 : i32
    %scan3A_10 = arith.constant 0 : i32
    %scan3A_11 = arith.constant 128 : i32
    %scan3A_12 = arith.addi %scan3A_10, %scan3A_11 : i32
    %scan3A_13 = arith.constant 1 : i32
    %scan3A_14 = scf.for %scan3A_273 = %scan3A_10 to %scan3A_12 step %scan3A_13 iter_args(%scan3A_274 = %scan3A_9) -> (i32)  : i32 {
      %swap3A = arith.index_cast %scan3A_273 : i32 to index
      %swap3A_275 = arith.constant 0 : index
      %swap3A_276 = tpu.vector_load %arg18[%swap3A, %swap3A_275] {strides = array<i32>} : memref<128x32xf32, #tpu.memory_space<vmem>>, vector<16xf32>,
      tpu.vector_store %arg18[%swap3A, %swap3A_275], %broadcast_in_dim3A_0 {strides = array<i32>} : memref<128x32xf32, #tpu.memory_space<vmem>>, vector<16xf32>,
      %swap3A_277 = arith.index_cast %scan3A_273 : i32 to index
      %swap3A_278 = arith.constant 16 : index
      %swap3A_279 = tpu.vector_load %arg18[%swap3A_277, %swap3A_278] {strides = array<i32>} : memref<128x32xf32, #tpu.memory_space<vmem>>, vector<16xf32>,
      tpu.vector_store %arg18[%swap3A_277, %swap3A_278], %broadcast_in_dim3A_0 {strides = array<i32>} : memref<128x32xf32, #tpu.memory_space<vmem>>, vector<16xf32>,
      %scan3A_280 = arith.constant 0 : i32
      scf.yield %scan3A_280 : i32
    }
    %scan3A_15 = arith.constant 128 : i32
    %scan3A_16 = arith.constant 0 : i32
    %scan3A_17 = arith.constant 0 : i32
    %scan3A_18 = arith.constant 24 : i32
    %scan3A_19 = arith.addi %scan3A_17, %scan3A_18 : i32
    %scan3A_20 = arith.constant 1 : i32
    %scan3A_21 = scf.for %scan3A_273 = %scan3A_17 to %scan3A_19 step %scan3A_20 iter_args(%scan3A_274 = %scan3A_16) -> (i32)  : i32 {
      %mul3A_275 = arith.constant 3128 : i32
      %mul3A_276 = arith.muli %arg1, %mul3A_275 : i32
      %mul3A_277 = arith.constant 128 : i32
      %mul3A_278 = arith.muli %scan3A_273, %mul3A_277 : i32
      %add3A_279 = arith.addi %mul3A_276, %mul3A_278 : i32
      "tpu.region"() ({
        %run_scoped3A = tpu.sem_alloc : memref<!tpu.dma_semaphore, #tpu.memory_space<semaphore_mem>>
        %dma_start3A = arith.constant 0 : i32
        %dma_start3A_281 = tpu.memref_slice %arg9[%add3A_279, %dma_start3A] : memref<50048x32xf32, #tpu.memory_space<vmem_shared>> -> memref<128x32xf32, #tpu.memory_space<vmem_shared>>
        %dma_start3A_282 = arith.constant 0 : i32
        %dma_start3A_283 = tpu.memref_slice %arg9[%add3A_279, %dma_start3A_282] : memref<50048x32xf32, #tpu.memory_space<vmem_shared>> -> memref<128x32xf32, #tpu.memory_space<vmem_shared>>
        tpu.enqueue_dma source(%arg18 : memref<128x32xf32, #tpu.memory_space<vmem>>) target(%dma_start3A_283 : memref<128x32xf32, #tpu.memory_space<vmem_shared>>) target_semaphore(%run_scoped3A : memref<!tpu.dma_semaphore, #tpu.memory_space<semaphore_mem>>)
        %dma_wait3A = arith.constant 0 : i32
        %dma_wait3A_284 = tpu.memref_slice %arg9[%add3A_279, %dma_wait3A] : memref<50048x32xf32, #tpu.memory_space<vmem_shared>> -> memref<128x32xf32, #tpu.memory_space<vmem_shared>>
        %dma_wait3A_285 = arith.constant 0 : i32
        %dma_wait3A_286 = tpu.memref_slice %arg9[%add3A_279, %dma_wait3A_285] : memref<50048x32xf32, #tpu.memory_space<vmem_shared>> -> memref<128x32xf32, #tpu.memory_space<vmem_shared>>
        tpu.wait_dma2 semaphore(%run_scoped3A : memref<!tpu.dma_semaphore, #tpu.memory_space<semaphore_mem>>) src(%arg18 : memref<128x32xf32, #tpu.memory_space<vmem>>) dst(%dma_wait3A_286 : memref<128x32xf32, #tpu.memory_space<vmem_shared>>)
        tpu.yield
      }) : () -> ()
      %scan3A_280 = arith.constant 0 : i32
      scf.yield %scan3A_280 : i32
    }
    %scan3A_22 = arith.constant 24 : i32
    %mul3A_23 = arith.constant 3128 : i32
    %mul3A_24 = arith.muli %arg1, %mul3A_23 : i32
    %add3A_25 = arith.constant 3072 : i32
    %add3A_26 = arith.addi %mul3A_24, %add3A_25 : i32
    "tpu.region"() ({
      %run_scoped3A = tpu.sem_alloc : memref<!tpu.dma_semaphore, #tpu.memory_space<semaphore_mem>>
      %dma_start3A = arith.constant 0 : i32
      %dma_start3A_273 = arith.constant 0 : i32
      %dma_start3A_274 = tpu.memref_slice %arg18[%dma_start3A, %dma_start3A_273] : memref<128x32xf32, #tpu.memory_space<vmem>> -> memref<56x32xf32, #tpu.memory_space<vmem>>
      %dma_start3A_275 = arith.constant 0 : i32
      %dma_start3A_276 = tpu.memref_slice %arg9[%add3A_26, %dma_start3A_275] : memref<50048x32xf32, #tpu.memory_space<vmem_shared>> -> memref<56x32xf32, #tpu.memory_space<vmem_shared>>
      %dma_start3A_277 = arith.constant 0 : i32
      %dma_start3A_278 = tpu.memref_slice %arg9[%add3A_26, %dma_start3A_277] : memref<50048x32xf32, #tpu.memory_space<vmem_shared>> -> memref<56x32xf32, #tpu.memory_space<vmem_shared>>
      %dma_start3A_279 = arith.constant 0 : i32
      %dma_start3A_280 = arith.constant 0 : i32
      %dma_start3A_281 = tpu.memref_slice %arg18[%dma_start3A_279, %dma_start3A_280] : memref<128x32xf32, #tpu.memory_space<vmem>> -> memref<56x32xf32, #tpu.memory_space<vmem>>
      tpu.enqueue_dma source(%dma_start3A_281 : memref<56x32xf32, #tpu.memory_space<vmem>>) target(%dma_start3A_278 : memref<56x32xf32, #tpu.memory_space<vmem_shared>>) target_semaphore(%run_scoped3A : memref<!tpu.dma_semaphore, #tpu.memory_space<semaphore_mem>>)
      %dma_wait3A = arith.constant 0 : i32
      %dma_wait3A_282 = arith.constant 0 : i32
      %dma_wait3A_283 = tpu.memref_slice %arg18[%dma_wait3A, %dma_wait3A_282] : memref<128x32xf32, #tpu.memory_space<vmem>> -> memref<56x32xf32, #tpu.memory_space<vmem>>
      %dma_wait3A_284 = arith.constant 0 : i32
      %dma_wait3A_285 = tpu.memref_slice %arg9[%add3A_26, %dma_wait3A_284] : memref<50048x32xf32, #tpu.memory_space<vmem_shared>> -> memref<56x32xf32, #tpu.memory_space<vmem_shared>>
      %dma_wait3A_286 = arith.constant 0 : i32
      %dma_wait3A_287 = tpu.memref_slice %arg9[%add3A_26, %dma_wait3A_286] : memref<50048x32xf32, #tpu.memory_space<vmem_shared>> -> memref<56x32xf32, #tpu.memory_space<vmem_shared>>
      %dma_wait3A_288 = arith.constant 0 : i32
      %dma_wait3A_289 = arith.constant 0 : i32
      %dma_wait3A_290 = tpu.memref_slice %arg18[%dma_wait3A_288, %dma_wait3A_289] : memref<128x32xf32, #tpu.memory_space<vmem>> -> memref<56x32xf32, #tpu.memory_space<vmem>>
      tpu.wait_dma2 semaphore(%run_scoped3A : memref<!tpu.dma_semaphore, #tpu.memory_space<semaphore_mem>>) src(%dma_wait3A_290 : memref<56x32xf32, #tpu.memory_space<vmem>>) dst(%dma_wait3A_287 : memref<56x32xf32, #tpu.memory_space<vmem_shared>>)
      tpu.yield
    }) : () -> ()
    %barrier3A = arith.constant 0 : index
    tpu.barrier barrier_id(%barrier3A)
    %mul3A_27 = arith.constant 25000 : i32
    %mul3A_28 = arith.muli %arg0, %mul3A_27 : i32
    %mul3A_29 = arith.constant 50000 : i32
    %mul3A_30 = arith.muli %arg0, %mul3A_29 : i32
    %broadcast_in_dim3A_31 = arith.constant -65536 : i32
    %broadcast_in_dim3A_32 = vector.broadcast %broadcast_in_dim3A_31 : i32 to vector<16xi32>
    %scan3A_33 = arith.constant 0 : i32
    %scan3A_34 = arith.constant 0 : i32
    %scan3A_35 = arith.constant 50 : i32
    %scan3A_36 = arith.addi %scan3A_34, %scan3A_35 : i32
    %scan3A_37 = arith.constant 1 : i32
    %scan3A_38 = scf.for %scan3A_273 = %scan3A_34 to %scan3A_36 step %scan3A_37 iter_args(%scan3A_274 = %scan3A_33) -> (i32)  : i32 {
      %mul3A_275 = arith.constant 400 : i32
      %mul3A_276 = arith.muli %arg1, %mul3A_275 : i32
      %mul3A_277 = arith.constant 8 : i32
      %mul3A_278 = arith.muli %scan3A_273, %mul3A_277 : i32
      %add3A_279 = arith.addi %mul3A_276, %mul3A_278 : i32
      "tpu.region"() ({
        %run_scoped3A = tpu.sem_alloc : memref<!tpu.dma_semaphore, #tpu.memory_space<semaphore_mem>>
        %dma_start3A_678 = arith.constant 0 : i32
        %dma_start3A_679 = tpu.memref_slice %arg3[%add3A_279, %dma_start3A_678] : memref<6400x128xi32, #tpu.memory_space<hbm>> -> memref<8x128xi32, #tpu.memory_space<hbm>>
        %dma_start3A_680 = arith.constant 0 : i32
        %dma_start3A_681 = tpu.memref_slice %arg3[%add3A_279, %dma_start3A_680] : memref<6400x128xi32, #tpu.memory_space<hbm>> -> memref<8x128xi32, #tpu.memory_space<hbm>>
        tpu.enqueue_dma source(%dma_start3A_681 : memref<8x128xi32, #tpu.memory_space<hbm>>) target(%arg11 : memref<8x128xi32, #tpu.memory_space<vmem>>) target_semaphore(%run_scoped3A : memref<!tpu.dma_semaphore, #tpu.memory_space<semaphore_mem>>)
        %dma_wait3A_682 = arith.constant 0 : i32
        %dma_wait3A_683 = tpu.memref_slice %arg3[%add3A_279, %dma_wait3A_682] : memref<6400x128xi32, #tpu.memory_space<hbm>> -> memref<8x128xi32, #tpu.memory_space<hbm>>
        %dma_wait3A_684 = arith.constant 0 : i32
        %dma_wait3A_685 = tpu.memref_slice %arg3[%add3A_279, %dma_wait3A_684] : memref<6400x128xi32, #tpu.memory_space<hbm>> -> memref<8x128xi32, #tpu.memory_space<hbm>>
        tpu.wait_dma2 semaphore(%run_scoped3A : memref<!tpu.dma_semaphore, #tpu.memory_space<semaphore_mem>>) src(%dma_wait3A_685 : memref<8x128xi32, #tpu.memory_space<hbm>>) dst(%arg11 : memref<8x128xi32, #tpu.memory_space<vmem>>)
        tpu.yield
      }) : () -> ()
      "tpu.region"() ({
        %run_scoped3A = tpu.sem_alloc : memref<!tpu.dma_semaphore, #tpu.memory_space<semaphore_mem>>
        %dma_start3A_678 = arith.constant 0 : i32
        %dma_start3A_679 = tpu.memref_slice %arg4[%add3A_279, %dma_start3A_678] : memref<6400x128xi32, #tpu.memory_space<hbm>> -> memref<8x128xi32, #tpu.memory_space<hbm>>
        %dma_start3A_680 = arith.constant 0 : i32
        %dma_start3A_681 = tpu.memref_slice %arg4[%add3A_279, %dma_start3A_680] : memref<6400x128xi32, #tpu.memory_space<hbm>> -> memref<8x128xi32, #tpu.memory_space<hbm>>
        tpu.enqueue_dma source(%dma_start3A_681 : memref<8x128xi32, #tpu.memory_space<hbm>>) target(%arg12 : memref<8x128xi32, #tpu.memory_space<vmem>>) target_semaphore(%run_scoped3A : memref<!tpu.dma_semaphore, #tpu.memory_space<semaphore_mem>>)
        %dma_wait3A_682 = arith.constant 0 : i32
        %dma_wait3A_683 = tpu.memref_slice %arg4[%add3A_279, %dma_wait3A_682] : memref<6400x128xi32, #tpu.memory_space<hbm>> -> memref<8x128xi32, #tpu.memory_space<hbm>>
        %dma_wait3A_684 = arith.constant 0 : i32
        %dma_wait3A_685 = tpu.memref_slice %arg4[%add3A_279, %dma_wait3A_684] : memref<6400x128xi32, #tpu.memory_space<hbm>> -> memref<8x128xi32, #tpu.memory_space<hbm>>
        tpu.wait_dma2 semaphore(%run_scoped3A : memref<!tpu.dma_semaphore, #tpu.memory_space<semaphore_mem>>) src(%dma_wait3A_685 : memref<8x128xi32, #tpu.memory_space<hbm>>) dst(%arg12 : memref<8x128xi32, #tpu.memory_space<vmem>>)
        tpu.yield
      }) : () -> ()
      %scan3A_280 = arith.constant 0 : i32
      %scan3A_281 = arith.constant 0 : i32
      %scan3A_282 = arith.constant 8 : i32
      %scan3A_283 = arith.addi %scan3A_281, %scan3A_282 : i32
      %scan3A_284 = arith.constant 1 : i32
      %scan3A_285 = scf.for %scan3A_678 = %scan3A_281 to %scan3A_283 step %scan3A_284 iter_args(%scan3A_679 = %scan3A_280) -> (i32)  : i32 {
        %scan3A_680 = arith.constant 0 : i32
        %scan3A_681 = arith.constant 0 : i32
        %scan3A_682 = arith.constant 8 : i32
        %scan3A_683 = arith.addi %scan3A_681, %scan3A_682 : i32
        %scan3A_684 = arith.constant 1 : i32
        %scan3A_685 = scf.for %scan3A_688 = %scan3A_681 to %scan3A_683 step %scan3A_684 iter_args(%scan3A_689 = %scan3A_680) -> (i32)  : i32 {
          %mul3A_690 = arith.constant 16 : i32
          %mul3A_691 = arith.muli %scan3A_688, %mul3A_690 : i32
          %get3A = arith.index_cast %scan3A_678 : i32 to index
          %get3A_692 = arith.index_cast %mul3A_691 : i32 to index
          %get3A_693 = tpu.vector_load %arg12[%get3A, %get3A_692] {strides = array<i32>} : memref<8x128xi32, #tpu.memory_space<vmem>>, vector<16xi32>,
          %sub3A = vector.broadcast %mul3A_28 : i32 to vector<16xi32>
          %sub3A_694 = arith.subi %get3A_693, %sub3A : vector<16xi32>
          %lt3A_695 = arith.constant 0 : i32
          %lt3A_696 = vector.broadcast %lt3A_695 : i32 to vector<16xi32>
          %lt3A_697 = arith.cmpi slt, %sub3A_694, %lt3A_696 : vector<16xi32>
          %ge3A = arith.constant 25000 : i32
          %ge3A_698 = vector.broadcast %ge3A : i32 to vector<16xi32>
          %ge3A_699 = arith.cmpi sge, %sub3A_694, %ge3A_698 : vector<16xi32>
          %or3A = arith.ori %lt3A_697, %ge3A_699 : vector<16xi1>
          %jit3A = arith.constant 25000 : i32
          %broadcast_in_dim3A_700 = vector.broadcast %jit3A : i32 to vector<16xi32>
          %select_n3A = arith.select %or3A, %broadcast_in_dim3A_700, %sub3A_694 : vector<16xi1>, vector<16xi32>
          %mul3A_701 = arith.constant 16 : i32
          %mul3A_702 = arith.muli %scan3A_688, %mul3A_701 : i32
          %swap3A = arith.index_cast %scan3A_678 : i32 to index
          %swap3A_703 = arith.index_cast %mul3A_702 : i32 to index
          %swap3A_704 = tpu.vector_load %arg13[%swap3A, %swap3A_703] {strides = array<i32>} : memref<8x128xi32, #tpu.memory_space<vmem>>, vector<16xi32>,
          tpu.vector_store %arg13[%swap3A, %swap3A_703], %select_n3A {strides = array<i32>} : memref<8x128xi32, #tpu.memory_space<vmem>>, vector<16xi32>,
          %mul3A_705 = arith.constant 16 : i32
          %mul3A_706 = arith.muli %scan3A_688, %mul3A_705 : i32
          %get3A_707 = arith.index_cast %scan3A_678 : i32 to index
          %get3A_708 = arith.index_cast %mul3A_706 : i32 to index
          %get3A_709 = tpu.vector_load %arg11[%get3A_707, %get3A_708] {strides = array<i32>} : memref<8x128xi32, #tpu.memory_space<vmem>>, vector<16xi32>,
          %add3A_710 = vector.broadcast %mul3A_30 : i32 to vector<16xi32>
          %add3A_711 = arith.addi %get3A_709, %add3A_710 : vector<16xi32>
          %mul3A_712 = arith.constant 16 : i32
          %mul3A_713 = arith.muli %scan3A_688, %mul3A_712 : i32
          %swap3A_714 = arith.index_cast %scan3A_678 : i32 to index
          %swap3A_715 = arith.index_cast %mul3A_713 : i32 to index
          %swap3A_716 = tpu.vector_load %arg11[%swap3A_714, %swap3A_715] {strides = array<i32>} : memref<8x128xi32, #tpu.memory_space<vmem>>, vector<16xi32>,
          tpu.vector_store %arg11[%swap3A_714, %swap3A_715], %add3A_711 {strides = array<i32>} : memref<8x128xi32, #tpu.memory_space<vmem>>, vector<16xi32>,
          %scan3A_717 = arith.constant 0 : i32
          scf.yield %scan3A_717 : i32
        }
        %scan3A_686 = arith.constant 8 : i32
        %scan3A_687 = arith.constant 0 : i32
        scf.yield %scan3A_687 : i32
      }
      %scan3A_286 = arith.constant 8 : i32
      %dma_start3A = arith.constant 0 : i32
      %dma_start3A_287 = arith.constant 0 : i32
      %dma_start3A_288 = tpu.memref_slice %arg11[%dma_start3A, %dma_start3A_287] : memref<8x128xi32, #tpu.memory_space<vmem>> -> memref<1x128xi32, #tpu.memory_space<vmem>>
      %dma_start3A_289 = tpu.memref_squeeze %dma_start3A_288 : memref<1x128xi32, #tpu.memory_space<vmem>> -> memref<128xi32, #tpu.memory_space<vmem>>
      %dma_start3A_290 = arith.constant 0 : i32
      %dma_start3A_291 = arith.constant 0 : i32
      %dma_start3A_292 = tpu.memref_slice %arg2[%dma_start3A_290, %dma_start3A_291] : memref<100000x32xbf16, #tpu.memory_space<hbm>> -> memref<100000x32xbf16, #tpu.memory_space<hbm>>
      tpu.enqueue_indirect_dma source(%dma_start3A_292 : memref<100000x32xbf16, #tpu.memory_space<hbm>>) target(%arg14 : memref<128x32xbf16, #tpu.memory_space<vmem>>) offsets(%dma_start3A_289 : memref<128xi32, #tpu.memory_space<vmem>>) semaphore(%arg20 : memref<!tpu.dma_semaphore, #tpu.memory_space<semaphore_mem>>)
      %dma_start3A_293 = arith.constant 1 : i32
      %dma_start3A_294 = arith.constant 0 : i32
      %dma_start3A_295 = tpu.memref_slice %arg11[%dma_start3A_293, %dma_start3A_294] : memref<8x128xi32, #tpu.memory_space<vmem>> -> memref<1x128xi32, #tpu.memory_space<vmem>>
      %dma_start3A_296 = tpu.memref_squeeze %dma_start3A_295 : memref<1x128xi32, #tpu.memory_space<vmem>> -> memref<128xi32, #tpu.memory_space<vmem>>
      %dma_start3A_297 = arith.constant 0 : i32
      %dma_start3A_298 = arith.constant 0 : i32
      %dma_start3A_299 = tpu.memref_slice %arg2[%dma_start3A_297, %dma_start3A_298] : memref<100000x32xbf16, #tpu.memory_space<hbm>> -> memref<100000x32xbf16, #tpu.memory_space<hbm>>
      tpu.enqueue_indirect_dma source(%dma_start3A_299 : memref<100000x32xbf16, #tpu.memory_space<hbm>>) target(%arg15 : memref<128x32xbf16, #tpu.memory_space<vmem>>) offsets(%dma_start3A_296 : memref<128xi32, #tpu.memory_space<vmem>>) semaphore(%arg21 : memref<!tpu.dma_semaphore, #tpu.memory_space<semaphore_mem>>)
      %dma_wait3A = arith.constant 0 : i32
      %dma_wait3A_300 = arith.constant 0 : i32
      %dma_wait3A_301 = tpu.memref_slice %arg11[%dma_wait3A, %dma_wait3A_300] : memref<8x128xi32, #tpu.memory_space<vmem>> -> memref<1x128xi32, #tpu.memory_space<vmem>>
      %dma_wait3A_302 = tpu.memref_squeeze %dma_wait3A_301 : memref<1x128xi32, #tpu.memory_space<vmem>> -> memref<128xi32, #tpu.memory_space<vmem>>
      %dma_wait3A_303 = arith.constant 0 : i32
      %dma_wait3A_304 = arith.constant 0 : i32
      %dma_wait3A_305 = tpu.memref_slice %arg2[%dma_wait3A_303, %dma_wait3A_304] : memref<100000x32xbf16, #tpu.memory_space<hbm>> -> memref<100000x32xbf16, #tpu.memory_space<hbm>>
      tpu.wait_indirect_dma semaphore(%arg20 : memref<!tpu.dma_semaphore, #tpu.memory_space<semaphore_mem>>) src(%dma_wait3A_305 : memref<100000x32xbf16, #tpu.memory_space<hbm>>) dst(%arg14 : memref<128x32xbf16, #tpu.memory_space<vmem>>)
      %scan3A_306 = arith.constant 0 : i32
      %scan3A_307 = arith.constant 0 : i32
      %scan3A_308 = arith.constant 128 : i32
      %scan3A_309 = arith.addi %scan3A_307, %scan3A_308 : i32
      %scan3A_310 = arith.constant 1 : i32
      %scan3A_311 = scf.for %scan3A_678 = %scan3A_307 to %scan3A_309 step %scan3A_310 iter_args(%scan3A_679 = %scan3A_306) -> (i32)  : i32 {
        %get3A = arith.index_cast %scan3A_678 : i32 to index
        %get3A_680 = arith.constant 0 : index
        %get3A_681 = tpu.vector_load %arg14[%get3A, %get3A_680] {strides = array<i32>} : memref<128x32xbf16, #tpu.memory_space<vmem>>, vector<32xbf16>,
        %bitcast3A = vector.bitcast %get3A_681 : vector<32xbf16> to vector<16xi32>
        %shift_left3A = arith.constant 16 : i32
        %shift_left3A_682 = vector.broadcast %shift_left3A : i32 to vector<16xi32>
        %shift_left3A_683 = arith.shli %bitcast3A, %shift_left3A_682 : vector<16xi32>
        %bitcast3A_684 = vector.bitcast %shift_left3A_683 : vector<16xi32> to vector<16xf32>
        %swap3A = arith.index_cast %scan3A_678 : i32 to index
        %swap3A_685 = arith.constant 0 : index
        %swap3A_686 = tpu.vector_load %arg16[%swap3A, %swap3A_685] {strides = array<i32>} : memref<128x32xf32, #tpu.memory_space<vmem>>, vector<16xf32>,
        tpu.vector_store %arg16[%swap3A, %swap3A_685], %bitcast3A_684 {strides = array<i32>} : memref<128x32xf32, #tpu.memory_space<vmem>>, vector<16xf32>,
        %and3A = arith.andi %bitcast3A, %broadcast_in_dim3A_32 : vector<16xi32>
        %bitcast3A_687 = vector.bitcast %and3A : vector<16xi32> to vector<16xf32>
        %swap3A_688 = arith.index_cast %scan3A_678 : i32 to index
        %swap3A_689 = arith.constant 16 : index
        %swap3A_690 = tpu.vector_load %arg16[%swap3A_688, %swap3A_689] {strides = array<i32>} : memref<128x32xf32, #tpu.memory_space<vmem>>, vector<16xf32>,
        tpu.vector_store %arg16[%swap3A_688, %swap3A_689], %bitcast3A_687 {strides = array<i32>} : memref<128x32xf32, #tpu.memory_space<vmem>>, vector<16xf32>,
        %scan3A_691 = arith.constant 0 : i32
        scf.yield %scan3A_691 : i32
      }
      %scan3A_312 = arith.constant 128 : i32
      %dma_start3A_313 = arith.constant 0 : i32
      %dma_start3A_314 = arith.constant 0 : i32
      %dma_start3A_315 = tpu.memref_slice %arg12[%dma_start3A_313, %dma_start3A_314] : memref<8x128xi32, #tpu.memory_space<vmem>> -> memref<1x128xi32, #tpu.memory_space<vmem>>
      %dma_start3A_316 = tpu.memref_squeeze %dma_start3A_315 : memref<1x128xi32, #tpu.memory_space<vmem>> -> memref<128xi32, #tpu.memory_space<vmem>>
      %dma_start3A_317 = arith.constant 0 : i32
      %dma_start3A_318 = arith.constant 0 : i32
      %dma_start3A_319 = tpu.memref_slice %arg9[%dma_start3A_317, %dma_start3A_318] : memref<50048x32xf32, #tpu.memory_space<vmem_shared>> -> memref<50048x32xf32, #tpu.memory_space<vmem_shared>>
      tpu.enqueue_indirect_dma source(%arg16 : memref<128x32xf32, #tpu.memory_space<vmem>>) target(%dma_start3A_319 : memref<50048x32xf32, #tpu.memory_space<vmem_shared>>) offsets(%dma_start3A_316 : memref<128xi32, #tpu.memory_space<vmem>>) semaphore(%arg22 : memref<!tpu.dma_semaphore, #tpu.memory_space<semaphore_mem>>) {add = true}
      %dma_start3A_320 = arith.constant 0 : i32
      %dma_start3A_321 = arith.constant 0 : i32
      %dma_start3A_322 = tpu.memref_slice %arg13[%dma_start3A_320, %dma_start3A_321] : memref<8x128xi32, #tpu.memory_space<vmem>> -> memref<1x128xi32, #tpu.memory_space<vmem>>
      %dma_start3A_323 = tpu.memref_squeeze %dma_start3A_322 : memref<1x128xi32, #tpu.memory_space<vmem>> -> memref<128xi32, #tpu.memory_space<vmem>>
      %dma_start3A_324 = arith.constant 0 : i32
      %dma_start3A_325 = arith.constant 0 : i32
      %dma_start3A_326 = tpu.memref_slice %arg10[%dma_start3A_324, %dma_start3A_325] : memref<25088x8xf32, #tpu.memory_space<vmem_shared>> -> memref<25088x8xf32, #tpu.memory_space<vmem_shared>>
      tpu.enqueue_indirect_dma source(%arg17 : memref<128x8xf32, #tpu.memory_space<vmem>>) target(%dma_start3A_326 : memref<25088x8xf32, #tpu.memory_space<vmem_shared>>) offsets(%dma_start3A_323 : memref<128xi32, #tpu.memory_space<vmem>>) semaphore(%arg24 : memref<!tpu.dma_semaphore, #tpu.memory_space<semaphore_mem>>) {add = true}
      %dma_start3A_327 = arith.constant 2 : i32
      %dma_start3A_328 = arith.constant 0 : i32
      %dma_start3A_329 = tpu.memref_slice %arg11[%dma_start3A_327, %dma_start3A_328] : memref<8x128xi32, #tpu.memory_space<vmem>> -> memref<1x128xi32, #tpu.memory_space<vmem>>
      %dma_start3A_330 = tpu.memref_squeeze %dma_start3A_329 : memref<1x128xi32, #tpu.memory_space<vmem>> -> memref<128xi32, #tpu.memory_space<vmem>>
      %dma_start3A_331 = arith.constant 0 : i32
      %dma_start3A_332 = arith.constant 0 : i32
      %dma_start3A_333 = tpu.memref_slice %arg2[%dma_start3A_331, %dma_start3A_332] : memref<100000x32xbf16, #tpu.memory_space<hbm>> -> memref<100000x32xbf16, #tpu.memory_space<hbm>>
      tpu.enqueue_indirect_dma source(%dma_start3A_333 : memref<100000x32xbf16, #tpu.memory_space<hbm>>) target(%arg14 : memref<128x32xbf16, #tpu.memory_space<vmem>>) offsets(%dma_start3A_330 : memref<128xi32, #tpu.memory_space<vmem>>) semaphore(%arg20 : memref<!tpu.dma_semaphore, #tpu.memory_space<semaphore_mem>>)
      %dma_wait3A_334 = arith.constant 1 : i32
      %dma_wait3A_335 = arith.constant 0 : i32
      %dma_wait3A_336 = tpu.memref_slice %arg11[%dma_wait3A_334, %dma_wait3A_335] : memref<8x128xi32, #tpu.memory_space<vmem>> -> memref<1x128xi32, #tpu.memory_space<vmem>>
      %dma_wait3A_337 = tpu.memref_squeeze %dma_wait3A_336 : memref<1x128xi32, #tpu.memory_space<vmem>> -> memref<128xi32, #tpu.memory_space<vmem>>
      %dma_wait3A_338 = arith.constant 0 : i32
      %dma_wait3A_339 = arith.constant 0 : i32
      %dma_wait3A_340 = tpu.memref_slice %arg2[%dma_wait3A_338, %dma_wait3A_339] : memref<100000x32xbf16, #tpu.memory_space<hbm>> -> memref<100000x32xbf16, #tpu.memory_space<hbm>>
      tpu.wait_indirect_dma semaphore(%arg21 : memref<!tpu.dma_semaphore, #tpu.memory_space<semaphore_mem>>) src(%dma_wait3A_340 : memref<100000x32xbf16, #tpu.memory_space<hbm>>) dst(%arg15 : memref<128x32xbf16, #tpu.memory_space<vmem>>)
      %scan3A_341 = arith.constant 0 : i32
      %scan3A_342 = arith.constant 0 : i32
      %scan3A_343 = arith.constant 128 : i32
      %scan3A_344 = arith.addi %scan3A_342, %scan3A_343 : i32
      %scan3A_345 = arith.constant 1 : i32
      %scan3A_346 = scf.for %scan3A_678 = %scan3A_342 to %scan3A_344 step %scan3A_345 iter_args(%scan3A_679 = %scan3A_341) -> (i32)  : i32 {
        %get3A = arith.index_cast %scan3A_678 : i32 to index
        %get3A_680 = arith.constant 0 : index
        %get3A_681 = tpu.vector_load %arg15[%get3A, %get3A_680] {strides = array<i32>} : memref<128x32xbf16, #tpu.memory_space<vmem>>, vector<32xbf16>,
        %bitcast3A = vector.bitcast %get3A_681 : vector<32xbf16> to vector<16xi32>
        %shift_left3A = arith.constant 16 : i32
        %shift_left3A_682 = vector.broadcast %shift_left3A : i32 to vector<16xi32>
        %shift_left3A_683 = arith.shli %bitcast3A, %shift_left3A_682 : vector<16xi32>
        %bitcast3A_684 = vector.bitcast %shift_left3A_683 : vector<16xi32> to vector<16xf32>
        %swap3A = arith.index_cast %scan3A_678 : i32 to index
        %swap3A_685 = arith.constant 0 : index
        %swap3A_686 = tpu.vector_load %arg18[%swap3A, %swap3A_685] {strides = array<i32>} : memref<128x32xf32, #tpu.memory_space<vmem>>, vector<16xf32>,
        tpu.vector_store %arg18[%swap3A, %swap3A_685], %bitcast3A_684 {strides = array<i32>} : memref<128x32xf32, #tpu.memory_space<vmem>>, vector<16xf32>,
        %and3A = arith.andi %bitcast3A, %broadcast_in_dim3A_32 : vector<16xi32>
        %bitcast3A_687 = vector.bitcast %and3A : vector<16xi32> to vector<16xf32>
        %swap3A_688 = arith.index_cast %scan3A_678 : i32 to index
        %swap3A_689 = arith.constant 16 : index
        %swap3A_690 = tpu.vector_load %arg18[%swap3A_688, %swap3A_689] {strides = array<i32>} : memref<128x32xf32, #tpu.memory_space<vmem>>, vector<16xf32>,
        tpu.vector_store %arg18[%swap3A_688, %swap3A_689], %bitcast3A_687 {strides = array<i32>} : memref<128x32xf32, #tpu.memory_space<vmem>>, vector<16xf32>,
        %scan3A_691 = arith.constant 0 : i32
        scf.yield %scan3A_691 : i32
      }
      %scan3A_347 = arith.constant 128 : i32
      %dma_start3A_348 = arith.constant 1 : i32
      %dma_start3A_349 = arith.constant 0 : i32
      %dma_start3A_350 = tpu.memref_slice %arg12[%dma_start3A_348, %dma_start3A_349] : memref<8x128xi32, #tpu.memory_space<vmem>> -> memref<1x128xi32, #tpu.memory_space<vmem>>
      %dma_start3A_351 = tpu.memref_squeeze %dma_start3A_350 : memref<1x128xi32, #tpu.memory_space<vmem>> -> memref<128xi32, #tpu.memory_space<vmem>>
      %dma_start3A_352 = arith.constant 0 : i32
      %dma_start3A_353 = arith.constant 0 : i32
      %dma_start3A_354 = tpu.memref_slice %arg9[%dma_start3A_352, %dma_start3A_353] : memref<50048x32xf32, #tpu.memory_space<vmem_shared>> -> memref<50048x32xf32, #tpu.memory_space<vmem_shared>>
      tpu.enqueue_indirect_dma source(%arg18 : memref<128x32xf32, #tpu.memory_space<vmem>>) target(%dma_start3A_354 : memref<50048x32xf32, #tpu.memory_space<vmem_shared>>) offsets(%dma_start3A_351 : memref<128xi32, #tpu.memory_space<vmem>>) semaphore(%arg23 : memref<!tpu.dma_semaphore, #tpu.memory_space<semaphore_mem>>) {add = true}
      %dma_start3A_355 = arith.constant 1 : i32
      %dma_start3A_356 = arith.constant 0 : i32
      %dma_start3A_357 = tpu.memref_slice %arg13[%dma_start3A_355, %dma_start3A_356] : memref<8x128xi32, #tpu.memory_space<vmem>> -> memref<1x128xi32, #tpu.memory_space<vmem>>
      %dma_start3A_358 = tpu.memref_squeeze %dma_start3A_357 : memref<1x128xi32, #tpu.memory_space<vmem>> -> memref<128xi32, #tpu.memory_space<vmem>>
      %dma_start3A_359 = arith.constant 0 : i32
      %dma_start3A_360 = arith.constant 0 : i32
      %dma_start3A_361 = tpu.memref_slice %arg10[%dma_start3A_359, %dma_start3A_360] : memref<25088x8xf32, #tpu.memory_space<vmem_shared>> -> memref<25088x8xf32, #tpu.memory_space<vmem_shared>>
      tpu.enqueue_indirect_dma source(%arg17 : memref<128x8xf32, #tpu.memory_space<vmem>>) target(%dma_start3A_361 : memref<25088x8xf32, #tpu.memory_space<vmem_shared>>) offsets(%dma_start3A_358 : memref<128xi32, #tpu.memory_space<vmem>>) semaphore(%arg25 : memref<!tpu.dma_semaphore, #tpu.memory_space<semaphore_mem>>) {add = true}
      %dma_start3A_362 = arith.constant 3 : i32
      %dma_start3A_363 = arith.constant 0 : i32
      %dma_start3A_364 = tpu.memref_slice %arg11[%dma_start3A_362, %dma_start3A_363] : memref<8x128xi32, #tpu.memory_space<vmem>> -> memref<1x128xi32, #tpu.memory_space<vmem>>
      %dma_start3A_365 = tpu.memref_squeeze %dma_start3A_364 : memref<1x128xi32, #tpu.memory_space<vmem>> -> memref<128xi32, #tpu.memory_space<vmem>>
      %dma_start3A_366 = arith.constant 0 : i32
      %dma_start3A_367 = arith.constant 0 : i32
      %dma_start3A_368 = tpu.memref_slice %arg2[%dma_start3A_366, %dma_start3A_367] : memref<100000x32xbf16, #tpu.memory_space<hbm>> -> memref<100000x32xbf16, #tpu.memory_space<hbm>>
      tpu.enqueue_indirect_dma source(%dma_start3A_368 : memref<100000x32xbf16, #tpu.memory_space<hbm>>) target(%arg15 : memref<128x32xbf16, #tpu.memory_space<vmem>>) offsets(%dma_start3A_365 : memref<128xi32, #tpu.memory_space<vmem>>) semaphore(%arg21 : memref<!tpu.dma_semaphore, #tpu.memory_space<semaphore_mem>>)
      %dma_wait3A_369 = arith.constant 2 : i32
      %dma_wait3A_370 = arith.constant 0 : i32
      %dma_wait3A_371 = tpu.memref_slice %arg11[%dma_wait3A_369, %dma_wait3A_370] : memref<8x128xi32, #tpu.memory_space<vmem>> -> memref<1x128xi32, #tpu.memory_space<vmem>>
      %dma_wait3A_372 = tpu.memref_squeeze %dma_wait3A_371 : memref<1x128xi32, #tpu.memory_space<vmem>> -> memref<128xi32, #tpu.memory_space<vmem>>
      %dma_wait3A_373 = arith.constant 0 : i32
      %dma_wait3A_374 = arith.constant 0 : i32
      %dma_wait3A_375 = tpu.memref_slice %arg2[%dma_wait3A_373, %dma_wait3A_374] : memref<100000x32xbf16, #tpu.memory_space<hbm>> -> memref<100000x32xbf16, #tpu.memory_space<hbm>>
      tpu.wait_indirect_dma semaphore(%arg20 : memref<!tpu.dma_semaphore, #tpu.memory_space<semaphore_mem>>) src(%dma_wait3A_375 : memref<100000x32xbf16, #tpu.memory_space<hbm>>) dst(%arg14 : memref<128x32xbf16, #tpu.memory_space<vmem>>)
      %dma_wait3A_376 = arith.constant 0 : i32
      %dma_wait3A_377 = arith.constant 0 : i32
      %dma_wait3A_378 = tpu.memref_slice %arg12[%dma_wait3A_376, %dma_wait3A_377] : memref<8x128xi32, #tpu.memory_space<vmem>> -> memref<1x128xi32, #tpu.memory_space<vmem>>
      %dma_wait3A_379 = tpu.memref_squeeze %dma_wait3A_378 : memref<1x128xi32, #tpu.memory_space<vmem>> -> memref<128xi32, #tpu.memory_space<vmem>>
      %dma_wait3A_380 = arith.constant 0 : i32
      %dma_wait3A_381 = arith.constant 0 : i32
      %dma_wait3A_382 = tpu.memref_slice %arg9[%dma_wait3A_380, %dma_wait3A_381] : memref<50048x32xf32, #tpu.memory_space<vmem_shared>> -> memref<50048x32xf32, #tpu.memory_space<vmem_shared>>
      tpu.wait_indirect_dma semaphore(%arg22 : memref<!tpu.dma_semaphore, #tpu.memory_space<semaphore_mem>>) src(%arg16 : memref<128x32xf32, #tpu.memory_space<vmem>>) dst(%dma_wait3A_382 : memref<50048x32xf32, #tpu.memory_space<vmem_shared>>)
      %dma_wait3A_383 = arith.constant 0 : i32
      %dma_wait3A_384 = arith.constant 0 : i32
      %dma_wait3A_385 = tpu.memref_slice %arg13[%dma_wait3A_383, %dma_wait3A_384] : memref<8x128xi32, #tpu.memory_space<vmem>> -> memref<1x128xi32, #tpu.memory_space<vmem>>
      %dma_wait3A_386 = tpu.memref_squeeze %dma_wait3A_385 : memref<1x128xi32, #tpu.memory_space<vmem>> -> memref<128xi32, #tpu.memory_space<vmem>>
      %dma_wait3A_387 = arith.constant 0 : i32
      %dma_wait3A_388 = arith.constant 0 : i32
      %dma_wait3A_389 = tpu.memref_slice %arg10[%dma_wait3A_387, %dma_wait3A_388] : memref<25088x8xf32, #tpu.memory_space<vmem_shared>> -> memref<25088x8xf32, #tpu.memory_space<vmem_shared>>
      tpu.wait_indirect_dma semaphore(%arg24 : memref<!tpu.dma_semaphore, #tpu.memory_space<semaphore_mem>>) src(%arg17 : memref<128x8xf32, #tpu.memory_space<vmem>>) dst(%dma_wait3A_389 : memref<25088x8xf32, #tpu.memory_space<vmem_shared>>)
      %scan3A_390 = arith.constant 0 : i32
      %scan3A_391 = arith.constant 0 : i32
      %scan3A_392 = arith.constant 128 : i32
      %scan3A_393 = arith.addi %scan3A_391, %scan3A_392 : i32
      %scan3A_394 = arith.constant 1 : i32
      %scan3A_395 = scf.for %scan3A_678 = %scan3A_391 to %scan3A_393 step %scan3A_394 iter_args(%scan3A_679 = %scan3A_390) -> (i32)  : i32 {
        %get3A = arith.index_cast %scan3A_678 : i32 to index
        %get3A_680 = arith.constant 0 : index
        %get3A_681 = tpu.vector_load %arg14[%get3A, %get3A_680] {strides = array<i32>} : memref<128x32xbf16, #tpu.memory_space<vmem>>, vector<32xbf16>,
        %bitcast3A = vector.bitcast %get3A_681 : vector<32xbf16> to vector<16xi32>
        %shift_left3A = arith.constant 16 : i32
        %shift_left3A_682 = vector.broadcast %shift_left3A : i32 to vector<16xi32>
        %shift_left3A_683 = arith.shli %bitcast3A, %shift_left3A_682 : vector<16xi32>
        %bitcast3A_684 = vector.bitcast %shift_left3A_683 : vector<16xi32> to vector<16xf32>
        %swap3A = arith.index_cast %scan3A_678 : i32 to index
        %swap3A_685 = arith.constant 0 : index
        %swap3A_686 = tpu.vector_load %arg16[%swap3A, %swap3A_685] {strides = array<i32>} : memref<128x32xf32, #tpu.memory_space<vmem>>, vector<16xf32>,
        tpu.vector_store %arg16[%swap3A, %swap3A_685], %bitcast3A_684 {strides = array<i32>} : memref<128x32xf32, #tpu.memory_space<vmem>>, vector<16xf32>,
        %and3A = arith.andi %bitcast3A, %broadcast_in_dim3A_32 : vector<16xi32>
        %bitcast3A_687 = vector.bitcast %and3A : vector<16xi32> to vector<16xf32>
        %swap3A_688 = arith.index_cast %scan3A_678 : i32 to index
        %swap3A_689 = arith.constant 16 : index
        %swap3A_690 = tpu.vector_load %arg16[%swap3A_688, %swap3A_689] {strides = array<i32>} : memref<128x32xf32, #tpu.memory_space<vmem>>, vector<16xf32>,
        tpu.vector_store %arg16[%swap3A_688, %swap3A_689], %bitcast3A_687 {strides = array<i32>} : memref<128x32xf32, #tpu.memory_space<vmem>>, vector<16xf32>,
        %scan3A_691 = arith.constant 0 : i32
        scf.yield %scan3A_691 : i32
      }
      %scan3A_396 = arith.constant 128 : i32
      %dma_start3A_397 = arith.constant 2 : i32
      %dma_start3A_398 = arith.constant 0 : i32
      %dma_start3A_399 = tpu.memref_slice %arg12[%dma_start3A_397, %dma_start3A_398] : memref<8x128xi32, #tpu.memory_space<vmem>> -> memref<1x128xi32, #tpu.memory_space<vmem>>
      %dma_start3A_400 = tpu.memref_squeeze %dma_start3A_399 : memref<1x128xi32, #tpu.memory_space<vmem>> -> memref<128xi32, #tpu.memory_space<vmem>>
      %dma_start3A_401 = arith.constant 0 : i32
      %dma_start3A_402 = arith.constant 0 : i32
      %dma_start3A_403 = tpu.memref_slice %arg9[%dma_start3A_401, %dma_start3A_402] : memref<50048x32xf32, #tpu.memory_space<vmem_shared>> -> memref<50048x32xf32, #tpu.memory_space<vmem_shared>>
      tpu.enqueue_indirect_dma source(%arg16 : memref<128x32xf32, #tpu.memory_space<vmem>>) target(%dma_start3A_403 : memref<50048x32xf32, #tpu.memory_space<vmem_shared>>) offsets(%dma_start3A_400 : memref<128xi32, #tpu.memory_space<vmem>>) semaphore(%arg22 : memref<!tpu.dma_semaphore, #tpu.memory_space<semaphore_mem>>) {add = true}
      %dma_start3A_404 = arith.constant 2 : i32
      %dma_start3A_405 = arith.constant 0 : i32
      %dma_start3A_406 = tpu.memref_slice %arg13[%dma_start3A_404, %dma_start3A_405] : memref<8x128xi32, #tpu.memory_space<vmem>> -> memref<1x128xi32, #tpu.memory_space<vmem>>
      %dma_start3A_407 = tpu.memref_squeeze %dma_start3A_406 : memref<1x128xi32, #tpu.memory_space<vmem>> -> memref<128xi32, #tpu.memory_space<vmem>>
      %dma_start3A_408 = arith.constant 0 : i32
      %dma_start3A_409 = arith.constant 0 : i32
      %dma_start3A_410 = tpu.memref_slice %arg10[%dma_start3A_408, %dma_start3A_409] : memref<25088x8xf32, #tpu.memory_space<vmem_shared>> -> memref<25088x8xf32, #tpu.memory_space<vmem_shared>>
      tpu.enqueue_indirect_dma source(%arg17 : memref<128x8xf32, #tpu.memory_space<vmem>>) target(%dma_start3A_410 : memref<25088x8xf32, #tpu.memory_space<vmem_shared>>) offsets(%dma_start3A_407 : memref<128xi32, #tpu.memory_space<vmem>>) semaphore(%arg24 : memref<!tpu.dma_semaphore, #tpu.memory_space<semaphore_mem>>) {add = true}
      %dma_start3A_411 = arith.constant 4 : i32
      %dma_start3A_412 = arith.constant 0 : i32
      %dma_start3A_413 = tpu.memref_slice %arg11[%dma_start3A_411, %dma_start3A_412] : memref<8x128xi32, #tpu.memory_space<vmem>> -> memref<1x128xi32, #tpu.memory_space<vmem>>
      %dma_start3A_414 = tpu.memref_squeeze %dma_start3A_413 : memref<1x128xi32, #tpu.memory_space<vmem>> -> memref<128xi32, #tpu.memory_space<vmem>>
      %dma_start3A_415 = arith.constant 0 : i32
      %dma_start3A_416 = arith.constant 0 : i32
      %dma_start3A_417 = tpu.memref_slice %arg2[%dma_start3A_415, %dma_start3A_416] : memref<100000x32xbf16, #tpu.memory_space<hbm>> -> memref<100000x32xbf16, #tpu.memory_space<hbm>>
      tpu.enqueue_indirect_dma source(%dma_start3A_417 : memref<100000x32xbf16, #tpu.memory_space<hbm>>) target(%arg14 : memref<128x32xbf16, #tpu.memory_space<vmem>>) offsets(%dma_start3A_414 : memref<128xi32, #tpu.memory_space<vmem>>) semaphore(%arg20 : memref<!tpu.dma_semaphore, #tpu.memory_space<semaphore_mem>>)
      %dma_wait3A_418 = arith.constant 3 : i32
      %dma_wait3A_419 = arith.constant 0 : i32
      %dma_wait3A_420 = tpu.memref_slice %arg11[%dma_wait3A_418, %dma_wait3A_419] : memref<8x128xi32, #tpu.memory_space<vmem>> -> memref<1x128xi32, #tpu.memory_space<vmem>>
      %dma_wait3A_421 = tpu.memref_squeeze %dma_wait3A_420 : memref<1x128xi32, #tpu.memory_space<vmem>> -> memref<128xi32, #tpu.memory_space<vmem>>
      %dma_wait3A_422 = arith.constant 0 : i32
      %dma_wait3A_423 = arith.constant 0 : i32
      %dma_wait3A_424 = tpu.memref_slice %arg2[%dma_wait3A_422, %dma_wait3A_423] : memref<100000x32xbf16, #tpu.memory_space<hbm>> -> memref<100000x32xbf16, #tpu.memory_space<hbm>>
      tpu.wait_indirect_dma semaphore(%arg21 : memref<!tpu.dma_semaphore, #tpu.memory_space<semaphore_mem>>) src(%dma_wait3A_424 : memref<100000x32xbf16, #tpu.memory_space<hbm>>) dst(%arg15 : memref<128x32xbf16, #tpu.memory_space<vmem>>)
      %dma_wait3A_425 = arith.constant 1 : i32
      %dma_wait3A_426 = arith.constant 0 : i32
      %dma_wait3A_427 = tpu.memref_slice %arg12[%dma_wait3A_425, %dma_wait3A_426] : memref<8x128xi32, #tpu.memory_space<vmem>> -> memref<1x128xi32, #tpu.memory_space<vmem>>
      %dma_wait3A_428 = tpu.memref_squeeze %dma_wait3A_427 : memref<1x128xi32, #tpu.memory_space<vmem>> -> memref<128xi32, #tpu.memory_space<vmem>>
      %dma_wait3A_429 = arith.constant 0 : i32
      %dma_wait3A_430 = arith.constant 0 : i32
      %dma_wait3A_431 = tpu.memref_slice %arg9[%dma_wait3A_429, %dma_wait3A_430] : memref<50048x32xf32, #tpu.memory_space<vmem_shared>> -> memref<50048x32xf32, #tpu.memory_space<vmem_shared>>
      tpu.wait_indirect_dma semaphore(%arg23 : memref<!tpu.dma_semaphore, #tpu.memory_space<semaphore_mem>>) src(%arg18 : memref<128x32xf32, #tpu.memory_space<vmem>>) dst(%dma_wait3A_431 : memref<50048x32xf32, #tpu.memory_space<vmem_shared>>)
      %dma_wait3A_432 = arith.constant 1 : i32
      %dma_wait3A_433 = arith.constant 0 : i32
      %dma_wait3A_434 = tpu.memref_slice %arg13[%dma_wait3A_432, %dma_wait3A_433] : memref<8x128xi32, #tpu.memory_space<vmem>> -> memref<1x128xi32, #tpu.memory_space<vmem>>
      %dma_wait3A_435 = tpu.memref_squeeze %dma_wait3A_434 : memref<1x128xi32, #tpu.memory_space<vmem>> -> memref<128xi32, #tpu.memory_space<vmem>>
      %dma_wait3A_436 = arith.constant 0 : i32
      %dma_wait3A_437 = arith.constant 0 : i32
      %dma_wait3A_438 = tpu.memref_slice %arg10[%dma_wait3A_436, %dma_wait3A_437] : memref<25088x8xf32, #tpu.memory_space<vmem_shared>> -> memref<25088x8xf32, #tpu.memory_space<vmem_shared>>
      tpu.wait_indirect_dma semaphore(%arg25 : memref<!tpu.dma_semaphore, #tpu.memory_space<semaphore_mem>>) src(%arg17 : memref<128x8xf32, #tpu.memory_space<vmem>>) dst(%dma_wait3A_438 : memref<25088x8xf32, #tpu.memory_space<vmem_shared>>)
      %scan3A_439 = arith.constant 0 : i32
      %scan3A_440 = arith.constant 0 : i32
      %scan3A_441 = arith.constant 128 : i32
      %scan3A_442 = arith.addi %scan3A_440, %scan3A_441 : i32
      %scan3A_443 = arith.constant 1 : i32
      %scan3A_444 = scf.for %scan3A_678 = %scan3A_440 to %scan3A_442 step %scan3A_443 iter_args(%scan3A_679 = %scan3A_439) -> (i32)  : i32 {
        %get3A = arith.index_cast %scan3A_678 : i32 to index
        %get3A_680 = arith.constant 0 : index
        %get3A_681 = tpu.vector_load %arg15[%get3A, %get3A_680] {strides = array<i32>} : memref<128x32xbf16, #tpu.memory_space<vmem>>, vector<32xbf16>,
        %bitcast3A = vector.bitcast %get3A_681 : vector<32xbf16> to vector<16xi32>
        %shift_left3A = arith.constant 16 : i32
        %shift_left3A_682 = vector.broadcast %shift_left3A : i32 to vector<16xi32>
        %shift_left3A_683 = arith.shli %bitcast3A, %shift_left3A_682 : vector<16xi32>
        %bitcast3A_684 = vector.bitcast %shift_left3A_683 : vector<16xi32> to vector<16xf32>
        %swap3A = arith.index_cast %scan3A_678 : i32 to index
        %swap3A_685 = arith.constant 0 : index
        %swap3A_686 = tpu.vector_load %arg18[%swap3A, %swap3A_685] {strides = array<i32>} : memref<128x32xf32, #tpu.memory_space<vmem>>, vector<16xf32>,
        tpu.vector_store %arg18[%swap3A, %swap3A_685], %bitcast3A_684 {strides = array<i32>} : memref<128x32xf32, #tpu.memory_space<vmem>>, vector<16xf32>,
        %and3A = arith.andi %bitcast3A, %broadcast_in_dim3A_32 : vector<16xi32>
        %bitcast3A_687 = vector.bitcast %and3A : vector<16xi32> to vector<16xf32>
        %swap3A_688 = arith.index_cast %scan3A_678 : i32 to index
        %swap3A_689 = arith.constant 16 : index
        %swap3A_690 = tpu.vector_load %arg18[%swap3A_688, %swap3A_689] {strides = array<i32>} : memref<128x32xf32, #tpu.memory_space<vmem>>, vector<16xf32>,
        tpu.vector_store %arg18[%swap3A_688, %swap3A_689], %bitcast3A_687 {strides = array<i32>} : memref<128x32xf32, #tpu.memory_space<vmem>>, vector<16xf32>,
        %scan3A_691 = arith.constant 0 : i32
        scf.yield %scan3A_691 : i32
      }
      %scan3A_445 = arith.constant 128 : i32
      %dma_start3A_446 = arith.constant 3 : i32
      %dma_start3A_447 = arith.constant 0 : i32
      %dma_start3A_448 = tpu.memref_slice %arg12[%dma_start3A_446, %dma_start3A_447] : memref<8x128xi32, #tpu.memory_space<vmem>> -> memref<1x128xi32, #tpu.memory_space<vmem>>
      %dma_start3A_449 = tpu.memref_squeeze %dma_start3A_448 : memref<1x128xi32, #tpu.memory_space<vmem>> -> memref<128xi32, #tpu.memory_space<vmem>>
      %dma_start3A_450 = arith.constant 0 : i32
      %dma_start3A_451 = arith.constant 0 : i32
      %dma_start3A_452 = tpu.memref_slice %arg9[%dma_start3A_450, %dma_start3A_451] : memref<50048x32xf32, #tpu.memory_space<vmem_shared>> -> memref<50048x32xf32, #tpu.memory_space<vmem_shared>>
      tpu.enqueue_indirect_dma source(%arg18 : memref<128x32xf32, #tpu.memory_space<vmem>>) target(%dma_start3A_452 : memref<50048x32xf32, #tpu.memory_space<vmem_shared>>) offsets(%dma_start3A_449 : memref<128xi32, #tpu.memory_space<vmem>>) semaphore(%arg23 : memref<!tpu.dma_semaphore, #tpu.memory_space<semaphore_mem>>) {add = true}
      %dma_start3A_453 = arith.constant 3 : i32
      %dma_start3A_454 = arith.constant 0 : i32
      %dma_start3A_455 = tpu.memref_slice %arg13[%dma_start3A_453, %dma_start3A_454] : memref<8x128xi32, #tpu.memory_space<vmem>> -> memref<1x128xi32, #tpu.memory_space<vmem>>
      %dma_start3A_456 = tpu.memref_squeeze %dma_start3A_455 : memref<1x128xi32, #tpu.memory_space<vmem>> -> memref<128xi32, #tpu.memory_space<vmem>>
      %dma_start3A_457 = arith.constant 0 : i32
      %dma_start3A_458 = arith.constant 0 : i32
      %dma_start3A_459 = tpu.memref_slice %arg10[%dma_start3A_457, %dma_start3A_458] : memref<25088x8xf32, #tpu.memory_space<vmem_shared>> -> memref<25088x8xf32, #tpu.memory_space<vmem_shared>>
      tpu.enqueue_indirect_dma source(%arg17 : memref<128x8xf32, #tpu.memory_space<vmem>>) target(%dma_start3A_459 : memref<25088x8xf32, #tpu.memory_space<vmem_shared>>) offsets(%dma_start3A_456 : memref<128xi32, #tpu.memory_space<vmem>>) semaphore(%arg25 : memref<!tpu.dma_semaphore, #tpu.memory_space<semaphore_mem>>) {add = true}
      %dma_start3A_460 = arith.constant 5 : i32
      %dma_start3A_461 = arith.constant 0 : i32
      %dma_start3A_462 = tpu.memref_slice %arg11[%dma_start3A_460, %dma_start3A_461] : memref<8x128xi32, #tpu.memory_space<vmem>> -> memref<1x128xi32, #tpu.memory_space<vmem>>
      %dma_start3A_463 = tpu.memref_squeeze %dma_start3A_462 : memref<1x128xi32, #tpu.memory_space<vmem>> -> memref<128xi32, #tpu.memory_space<vmem>>
      %dma_start3A_464 = arith.constant 0 : i32
      %dma_start3A_465 = arith.constant 0 : i32
      %dma_start3A_466 = tpu.memref_slice %arg2[%dma_start3A_464, %dma_start3A_465] : memref<100000x32xbf16, #tpu.memory_space<hbm>> -> memref<100000x32xbf16, #tpu.memory_space<hbm>>
      tpu.enqueue_indirect_dma source(%dma_start3A_466 : memref<100000x32xbf16, #tpu.memory_space<hbm>>) target(%arg15 : memref<128x32xbf16, #tpu.memory_space<vmem>>) offsets(%dma_start3A_463 : memref<128xi32, #tpu.memory_space<vmem>>) semaphore(%arg21 : memref<!tpu.dma_semaphore, #tpu.memory_space<semaphore_mem>>)
      %dma_wait3A_467 = arith.constant 4 : i32
      %dma_wait3A_468 = arith.constant 0 : i32
      %dma_wait3A_469 = tpu.memref_slice %arg11[%dma_wait3A_467, %dma_wait3A_468] : memref<8x128xi32, #tpu.memory_space<vmem>> -> memref<1x128xi32, #tpu.memory_space<vmem>>
      %dma_wait3A_470 = tpu.memref_squeeze %dma_wait3A_469 : memref<1x128xi32, #tpu.memory_space<vmem>> -> memref<128xi32, #tpu.memory_space<vmem>>
      %dma_wait3A_471 = arith.constant 0 : i32
      %dma_wait3A_472 = arith.constant 0 : i32
      %dma_wait3A_473 = tpu.memref_slice %arg2[%dma_wait3A_471, %dma_wait3A_472] : memref<100000x32xbf16, #tpu.memory_space<hbm>> -> memref<100000x32xbf16, #tpu.memory_space<hbm>>
      tpu.wait_indirect_dma semaphore(%arg20 : memref<!tpu.dma_semaphore, #tpu.memory_space<semaphore_mem>>) src(%dma_wait3A_473 : memref<100000x32xbf16, #tpu.memory_space<hbm>>) dst(%arg14 : memref<128x32xbf16, #tpu.memory_space<vmem>>)
      %dma_wait3A_474 = arith.constant 2 : i32
      %dma_wait3A_475 = arith.constant 0 : i32
      %dma_wait3A_476 = tpu.memref_slice %arg12[%dma_wait3A_474, %dma_wait3A_475] : memref<8x128xi32, #tpu.memory_space<vmem>> -> memref<1x128xi32, #tpu.memory_space<vmem>>
      %dma_wait3A_477 = tpu.memref_squeeze %dma_wait3A_476 : memref<1x128xi32, #tpu.memory_space<vmem>> -> memref<128xi32, #tpu.memory_space<vmem>>
      %dma_wait3A_478 = arith.constant 0 : i32
      %dma_wait3A_479 = arith.constant 0 : i32
      %dma_wait3A_480 = tpu.memref_slice %arg9[%dma_wait3A_478, %dma_wait3A_479] : memref<50048x32xf32, #tpu.memory_space<vmem_shared>> -> memref<50048x32xf32, #tpu.memory_space<vmem_shared>>
      tpu.wait_indirect_dma semaphore(%arg22 : memref<!tpu.dma_semaphore, #tpu.memory_space<semaphore_mem>>) src(%arg16 : memref<128x32xf32, #tpu.memory_space<vmem>>) dst(%dma_wait3A_480 : memref<50048x32xf32, #tpu.memory_space<vmem_shared>>)
      %dma_wait3A_481 = arith.constant 2 : i32
      %dma_wait3A_482 = arith.constant 0 : i32
      %dma_wait3A_483 = tpu.memref_slice %arg13[%dma_wait3A_481, %dma_wait3A_482] : memref<8x128xi32, #tpu.memory_space<vmem>> -> memref<1x128xi32, #tpu.memory_space<vmem>>
      %dma_wait3A_484 = tpu.memref_squeeze %dma_wait3A_483 : memref<1x128xi32, #tpu.memory_space<vmem>> -> memref<128xi32, #tpu.memory_space<vmem>>
      %dma_wait3A_485 = arith.constant 0 : i32
      %dma_wait3A_486 = arith.constant 0 : i32
      %dma_wait3A_487 = tpu.memref_slice %arg10[%dma_wait3A_485, %dma_wait3A_486] : memref<25088x8xf32, #tpu.memory_space<vmem_shared>> -> memref<25088x8xf32, #tpu.memory_space<vmem_shared>>
      tpu.wait_indirect_dma semaphore(%arg24 : memref<!tpu.dma_semaphore, #tpu.memory_space<semaphore_mem>>) src(%arg17 : memref<128x8xf32, #tpu.memory_space<vmem>>) dst(%dma_wait3A_487 : memref<25088x8xf32, #tpu.memory_space<vmem_shared>>)
      %scan3A_488 = arith.constant 0 : i32
      %scan3A_489 = arith.constant 0 : i32
      %scan3A_490 = arith.constant 128 : i32
      %scan3A_491 = arith.addi %scan3A_489, %scan3A_490 : i32
      %scan3A_492 = arith.constant 1 : i32
      %scan3A_493 = scf.for %scan3A_678 = %scan3A_489 to %scan3A_491 step %scan3A_492 iter_args(%scan3A_679 = %scan3A_488) -> (i32)  : i32 {
        %get3A = arith.index_cast %scan3A_678 : i32 to index
        %get3A_680 = arith.constant 0 : index
        %get3A_681 = tpu.vector_load %arg14[%get3A, %get3A_680] {strides = array<i32>} : memref<128x32xbf16, #tpu.memory_space<vmem>>, vector<32xbf16>,
        %bitcast3A = vector.bitcast %get3A_681 : vector<32xbf16> to vector<16xi32>
        %shift_left3A = arith.constant 16 : i32
        %shift_left3A_682 = vector.broadcast %shift_left3A : i32 to vector<16xi32>
        %shift_left3A_683 = arith.shli %bitcast3A, %shift_left3A_682 : vector<16xi32>
        %bitcast3A_684 = vector.bitcast %shift_left3A_683 : vector<16xi32> to vector<16xf32>
        %swap3A = arith.index_cast %scan3A_678 : i32 to index
        %swap3A_685 = arith.constant 0 : index
        %swap3A_686 = tpu.vector_load %arg16[%swap3A, %swap3A_685] {strides = array<i32>} : memref<128x32xf32, #tpu.memory_space<vmem>>, vector<16xf32>,
        tpu.vector_store %arg16[%swap3A, %swap3A_685], %bitcast3A_684 {strides = array<i32>} : memref<128x32xf32, #tpu.memory_space<vmem>>, vector<16xf32>,
        %and3A = arith.andi %bitcast3A, %broadcast_in_dim3A_32 : vector<16xi32>
        %bitcast3A_687 = vector.bitcast %and3A : vector<16xi32> to vector<16xf32>
        %swap3A_688 = arith.index_cast %scan3A_678 : i32 to index
        %swap3A_689 = arith.constant 16 : index
        %swap3A_690 = tpu.vector_load %arg16[%swap3A_688, %swap3A_689] {strides = array<i32>} : memref<128x32xf32, #tpu.memory_space<vmem>>, vector<16xf32>,
        tpu.vector_store %arg16[%swap3A_688, %swap3A_689], %bitcast3A_687 {strides = array<i32>} : memref<128x32xf32, #tpu.memory_space<vmem>>, vector<16xf32>,
        %scan3A_691 = arith.constant 0 : i32
        scf.yield %scan3A_691 : i32
      }
      %scan3A_494 = arith.constant 128 : i32
      %dma_start3A_495 = arith.constant 4 : i32
      %dma_start3A_496 = arith.constant 0 : i32
      %dma_start3A_497 = tpu.memref_slice %arg12[%dma_start3A_495, %dma_start3A_496] : memref<8x128xi32, #tpu.memory_space<vmem>> -> memref<1x128xi32, #tpu.memory_space<vmem>>
      %dma_start3A_498 = tpu.memref_squeeze %dma_start3A_497 : memref<1x128xi32, #tpu.memory_space<vmem>> -> memref<128xi32, #tpu.memory_space<vmem>>
      %dma_start3A_499 = arith.constant 0 : i32
      %dma_start3A_500 = arith.constant 0 : i32
      %dma_start3A_501 = tpu.memref_slice %arg9[%dma_start3A_499, %dma_start3A_500] : memref<50048x32xf32, #tpu.memory_space<vmem_shared>> -> memref<50048x32xf32, #tpu.memory_space<vmem_shared>>
      tpu.enqueue_indirect_dma source(%arg16 : memref<128x32xf32, #tpu.memory_space<vmem>>) target(%dma_start3A_501 : memref<50048x32xf32, #tpu.memory_space<vmem_shared>>) offsets(%dma_start3A_498 : memref<128xi32, #tpu.memory_space<vmem>>) semaphore(%arg22 : memref<!tpu.dma_semaphore, #tpu.memory_space<semaphore_mem>>) {add = true}
      %dma_start3A_502 = arith.constant 4 : i32
      %dma_start3A_503 = arith.constant 0 : i32
      %dma_start3A_504 = tpu.memref_slice %arg13[%dma_start3A_502, %dma_start3A_503] : memref<8x128xi32, #tpu.memory_space<vmem>> -> memref<1x128xi32, #tpu.memory_space<vmem>>
      %dma_start3A_505 = tpu.memref_squeeze %dma_start3A_504 : memref<1x128xi32, #tpu.memory_space<vmem>> -> memref<128xi32, #tpu.memory_space<vmem>>
      %dma_start3A_506 = arith.constant 0 : i32
      %dma_start3A_507 = arith.constant 0 : i32
      %dma_start3A_508 = tpu.memref_slice %arg10[%dma_start3A_506, %dma_start3A_507] : memref<25088x8xf32, #tpu.memory_space<vmem_shared>> -> memref<25088x8xf32, #tpu.memory_space<vmem_shared>>
      tpu.enqueue_indirect_dma source(%arg17 : memref<128x8xf32, #tpu.memory_space<vmem>>) target(%dma_start3A_508 : memref<25088x8xf32, #tpu.memory_space<vmem_shared>>) offsets(%dma_start3A_505 : memref<128xi32, #tpu.memory_space<vmem>>) semaphore(%arg24 : memref<!tpu.dma_semaphore, #tpu.memory_space<semaphore_mem>>) {add = true}
      %dma_start3A_509 = arith.constant 6 : i32
      %dma_start3A_510 = arith.constant 0 : i32
      %dma_start3A_511 = tpu.memref_slice %arg11[%dma_start3A_509, %dma_start3A_510] : memref<8x128xi32, #tpu.memory_space<vmem>> -> memref<1x128xi32, #tpu.memory_space<vmem>>
      %dma_start3A_512 = tpu.memref_squeeze %dma_start3A_511 : memref<1x128xi32, #tpu.memory_space<vmem>> -> memref<128xi32, #tpu.memory_space<vmem>>
      %dma_start3A_513 = arith.constant 0 : i32
      %dma_start3A_514 = arith.constant 0 : i32
      %dma_start3A_515 = tpu.memref_slice %arg2[%dma_start3A_513, %dma_start3A_514] : memref<100000x32xbf16, #tpu.memory_space<hbm>> -> memref<100000x32xbf16, #tpu.memory_space<hbm>>
      tpu.enqueue_indirect_dma source(%dma_start3A_515 : memref<100000x32xbf16, #tpu.memory_space<hbm>>) target(%arg14 : memref<128x32xbf16, #tpu.memory_space<vmem>>) offsets(%dma_start3A_512 : memref<128xi32, #tpu.memory_space<vmem>>) semaphore(%arg20 : memref<!tpu.dma_semaphore, #tpu.memory_space<semaphore_mem>>)
      %dma_wait3A_516 = arith.constant 5 : i32
      %dma_wait3A_517 = arith.constant 0 : i32
      %dma_wait3A_518 = tpu.memref_slice %arg11[%dma_wait3A_516, %dma_wait3A_517] : memref<8x128xi32, #tpu.memory_space<vmem>> -> memref<1x128xi32, #tpu.memory_space<vmem>>
      %dma_wait3A_519 = tpu.memref_squeeze %dma_wait3A_518 : memref<1x128xi32, #tpu.memory_space<vmem>> -> memref<128xi32, #tpu.memory_space<vmem>>
      %dma_wait3A_520 = arith.constant 0 : i32
      %dma_wait3A_521 = arith.constant 0 : i32
      %dma_wait3A_522 = tpu.memref_slice %arg2[%dma_wait3A_520, %dma_wait3A_521] : memref<100000x32xbf16, #tpu.memory_space<hbm>> -> memref<100000x32xbf16, #tpu.memory_space<hbm>>
      tpu.wait_indirect_dma semaphore(%arg21 : memref<!tpu.dma_semaphore, #tpu.memory_space<semaphore_mem>>) src(%dma_wait3A_522 : memref<100000x32xbf16, #tpu.memory_space<hbm>>) dst(%arg15 : memref<128x32xbf16, #tpu.memory_space<vmem>>)
      %dma_wait3A_523 = arith.constant 3 : i32
      %dma_wait3A_524 = arith.constant 0 : i32
      %dma_wait3A_525 = tpu.memref_slice %arg12[%dma_wait3A_523, %dma_wait3A_524] : memref<8x128xi32, #tpu.memory_space<vmem>> -> memref<1x128xi32, #tpu.memory_space<vmem>>
      %dma_wait3A_526 = tpu.memref_squeeze %dma_wait3A_525 : memref<1x128xi32, #tpu.memory_space<vmem>> -> memref<128xi32, #tpu.memory_space<vmem>>
      %dma_wait3A_527 = arith.constant 0 : i32
      %dma_wait3A_528 = arith.constant 0 : i32
      %dma_wait3A_529 = tpu.memref_slice %arg9[%dma_wait3A_527, %dma_wait3A_528] : memref<50048x32xf32, #tpu.memory_space<vmem_shared>> -> memref<50048x32xf32, #tpu.memory_space<vmem_shared>>
      tpu.wait_indirect_dma semaphore(%arg23 : memref<!tpu.dma_semaphore, #tpu.memory_space<semaphore_mem>>) src(%arg18 : memref<128x32xf32, #tpu.memory_space<vmem>>) dst(%dma_wait3A_529 : memref<50048x32xf32, #tpu.memory_space<vmem_shared>>)
      %dma_wait3A_530 = arith.constant 3 : i32
      %dma_wait3A_531 = arith.constant 0 : i32
      %dma_wait3A_532 = tpu.memref_slice %arg13[%dma_wait3A_530, %dma_wait3A_531] : memref<8x128xi32, #tpu.memory_space<vmem>> -> memref<1x128xi32, #tpu.memory_space<vmem>>
      %dma_wait3A_533 = tpu.memref_squeeze %dma_wait3A_532 : memref<1x128xi32, #tpu.memory_space<vmem>> -> memref<128xi32, #tpu.memory_space<vmem>>
      %dma_wait3A_534 = arith.constant 0 : i32
      %dma_wait3A_535 = arith.constant 0 : i32
      %dma_wait3A_536 = tpu.memref_slice %arg10[%dma_wait3A_534, %dma_wait3A_535] : memref<25088x8xf32, #tpu.memory_space<vmem_shared>> -> memref<25088x8xf32, #tpu.memory_space<vmem_shared>>
      tpu.wait_indirect_dma semaphore(%arg25 : memref<!tpu.dma_semaphore, #tpu.memory_space<semaphore_mem>>) src(%arg17 : memref<128x8xf32, #tpu.memory_space<vmem>>) dst(%dma_wait3A_536 : memref<25088x8xf32, #tpu.memory_space<vmem_shared>>)
      %scan3A_537 = arith.constant 0 : i32
      %scan3A_538 = arith.constant 0 : i32
      %scan3A_539 = arith.constant 128 : i32
      %scan3A_540 = arith.addi %scan3A_538, %scan3A_539 : i32
      %scan3A_541 = arith.constant 1 : i32
      %scan3A_542 = scf.for %scan3A_678 = %scan3A_538 to %scan3A_540 step %scan3A_541 iter_args(%scan3A_679 = %scan3A_537) -> (i32)  : i32 {
        %get3A = arith.index_cast %scan3A_678 : i32 to index
        %get3A_680 = arith.constant 0 : index
        %get3A_681 = tpu.vector_load %arg15[%get3A, %get3A_680] {strides = array<i32>} : memref<128x32xbf16, #tpu.memory_space<vmem>>, vector<32xbf16>,
        %bitcast3A = vector.bitcast %get3A_681 : vector<32xbf16> to vector<16xi32>
        %shift_left3A = arith.constant 16 : i32
        %shift_left3A_682 = vector.broadcast %shift_left3A : i32 to vector<16xi32>
        %shift_left3A_683 = arith.shli %bitcast3A, %shift_left3A_682 : vector<16xi32>
        %bitcast3A_684 = vector.bitcast %shift_left3A_683 : vector<16xi32> to vector<16xf32>
        %swap3A = arith.index_cast %scan3A_678 : i32 to index
        %swap3A_685 = arith.constant 0 : index
        %swap3A_686 = tpu.vector_load %arg18[%swap3A, %swap3A_685] {strides = array<i32>} : memref<128x32xf32, #tpu.memory_space<vmem>>, vector<16xf32>,
        tpu.vector_store %arg18[%swap3A, %swap3A_685], %bitcast3A_684 {strides = array<i32>} : memref<128x32xf32, #tpu.memory_space<vmem>>, vector<16xf32>,
        %and3A = arith.andi %bitcast3A, %broadcast_in_dim3A_32 : vector<16xi32>
        %bitcast3A_687 = vector.bitcast %and3A : vector<16xi32> to vector<16xf32>
        %swap3A_688 = arith.index_cast %scan3A_678 : i32 to index
        %swap3A_689 = arith.constant 16 : index
        %swap3A_690 = tpu.vector_load %arg18[%swap3A_688, %swap3A_689] {strides = array<i32>} : memref<128x32xf32, #tpu.memory_space<vmem>>, vector<16xf32>,
        tpu.vector_store %arg18[%swap3A_688, %swap3A_689], %bitcast3A_687 {strides = array<i32>} : memref<128x32xf32, #tpu.memory_space<vmem>>, vector<16xf32>,
        %scan3A_691 = arith.constant 0 : i32
        scf.yield %scan3A_691 : i32
      }
      %scan3A_543 = arith.constant 128 : i32
      %dma_start3A_544 = arith.constant 5 : i32
      %dma_start3A_545 = arith.constant 0 : i32
      %dma_start3A_546 = tpu.memref_slice %arg12[%dma_start3A_544, %dma_start3A_545] : memref<8x128xi32, #tpu.memory_space<vmem>> -> memref<1x128xi32, #tpu.memory_space<vmem>>
      %dma_start3A_547 = tpu.memref_squeeze %dma_start3A_546 : memref<1x128xi32, #tpu.memory_space<vmem>> -> memref<128xi32, #tpu.memory_space<vmem>>
      %dma_start3A_548 = arith.constant 0 : i32
      %dma_start3A_549 = arith.constant 0 : i32
      %dma_start3A_550 = tpu.memref_slice %arg9[%dma_start3A_548, %dma_start3A_549] : memref<50048x32xf32, #tpu.memory_space<vmem_shared>> -> memref<50048x32xf32, #tpu.memory_space<vmem_shared>>
      tpu.enqueue_indirect_dma source(%arg18 : memref<128x32xf32, #tpu.memory_space<vmem>>) target(%dma_start3A_550 : memref<50048x32xf32, #tpu.memory_space<vmem_shared>>) offsets(%dma_start3A_547 : memref<128xi32, #tpu.memory_space<vmem>>) semaphore(%arg23 : memref<!tpu.dma_semaphore, #tpu.memory_space<semaphore_mem>>) {add = true}
      %dma_start3A_551 = arith.constant 5 : i32
      %dma_start3A_552 = arith.constant 0 : i32
      %dma_start3A_553 = tpu.memref_slice %arg13[%dma_start3A_551, %dma_start3A_552] : memref<8x128xi32, #tpu.memory_space<vmem>> -> memref<1x128xi32, #tpu.memory_space<vmem>>
      %dma_start3A_554 = tpu.memref_squeeze %dma_start3A_553 : memref<1x128xi32, #tpu.memory_space<vmem>> -> memref<128xi32, #tpu.memory_space<vmem>>
      %dma_start3A_555 = arith.constant 0 : i32
      %dma_start3A_556 = arith.constant 0 : i32
      %dma_start3A_557 = tpu.memref_slice %arg10[%dma_start3A_555, %dma_start3A_556] : memref<25088x8xf32, #tpu.memory_space<vmem_shared>> -> memref<25088x8xf32, #tpu.memory_space<vmem_shared>>
      tpu.enqueue_indirect_dma source(%arg17 : memref<128x8xf32, #tpu.memory_space<vmem>>) target(%dma_start3A_557 : memref<25088x8xf32, #tpu.memory_space<vmem_shared>>) offsets(%dma_start3A_554 : memref<128xi32, #tpu.memory_space<vmem>>) semaphore(%arg25 : memref<!tpu.dma_semaphore, #tpu.memory_space<semaphore_mem>>) {add = true}
      %dma_start3A_558 = arith.constant 7 : i32
      %dma_start3A_559 = arith.constant 0 : i32
      %dma_start3A_560 = tpu.memref_slice %arg11[%dma_start3A_558, %dma_start3A_559] : memref<8x128xi32, #tpu.memory_space<vmem>> -> memref<1x128xi32, #tpu.memory_space<vmem>>
      %dma_start3A_561 = tpu.memref_squeeze %dma_start3A_560 : memref<1x128xi32, #tpu.memory_space<vmem>> -> memref<128xi32, #tpu.memory_space<vmem>>
      %dma_start3A_562 = arith.constant 0 : i32
      %dma_start3A_563 = arith.constant 0 : i32
      %dma_start3A_564 = tpu.memref_slice %arg2[%dma_start3A_562, %dma_start3A_563] : memref<100000x32xbf16, #tpu.memory_space<hbm>> -> memref<100000x32xbf16, #tpu.memory_space<hbm>>
      tpu.enqueue_indirect_dma source(%dma_start3A_564 : memref<100000x32xbf16, #tpu.memory_space<hbm>>) target(%arg15 : memref<128x32xbf16, #tpu.memory_space<vmem>>) offsets(%dma_start3A_561 : memref<128xi32, #tpu.memory_space<vmem>>) semaphore(%arg21 : memref<!tpu.dma_semaphore, #tpu.memory_space<semaphore_mem>>)
      %dma_wait3A_565 = arith.constant 6 : i32
      %dma_wait3A_566 = arith.constant 0 : i32
      %dma_wait3A_567 = tpu.memref_slice %arg11[%dma_wait3A_565, %dma_wait3A_566] : memref<8x128xi32, #tpu.memory_space<vmem>> -> memref<1x128xi32, #tpu.memory_space<vmem>>
      %dma_wait3A_568 = tpu.memref_squeeze %dma_wait3A_567 : memref<1x128xi32, #tpu.memory_space<vmem>> -> memref<128xi32, #tpu.memory_space<vmem>>
      %dma_wait3A_569 = arith.constant 0 : i32
      %dma_wait3A_570 = arith.constant 0 : i32
      %dma_wait3A_571 = tpu.memref_slice %arg2[%dma_wait3A_569, %dma_wait3A_570] : memref<100000x32xbf16, #tpu.memory_space<hbm>> -> memref<100000x32xbf16, #tpu.memory_space<hbm>>
      tpu.wait_indirect_dma semaphore(%arg20 : memref<!tpu.dma_semaphore, #tpu.memory_space<semaphore_mem>>) src(%dma_wait3A_571 : memref<100000x32xbf16, #tpu.memory_space<hbm>>) dst(%arg14 : memref<128x32xbf16, #tpu.memory_space<vmem>>)
      %dma_wait3A_572 = arith.constant 4 : i32
      %dma_wait3A_573 = arith.constant 0 : i32
      %dma_wait3A_574 = tpu.memref_slice %arg12[%dma_wait3A_572, %dma_wait3A_573] : memref<8x128xi32, #tpu.memory_space<vmem>> -> memref<1x128xi32, #tpu.memory_space<vmem>>
      %dma_wait3A_575 = tpu.memref_squeeze %dma_wait3A_574 : memref<1x128xi32, #tpu.memory_space<vmem>> -> memref<128xi32, #tpu.memory_space<vmem>>
      %dma_wait3A_576 = arith.constant 0 : i32
      %dma_wait3A_577 = arith.constant 0 : i32
      %dma_wait3A_578 = tpu.memref_slice %arg9[%dma_wait3A_576, %dma_wait3A_577] : memref<50048x32xf32, #tpu.memory_space<vmem_shared>> -> memref<50048x32xf32, #tpu.memory_space<vmem_shared>>
      tpu.wait_indirect_dma semaphore(%arg22 : memref<!tpu.dma_semaphore, #tpu.memory_space<semaphore_mem>>) src(%arg16 : memref<128x32xf32, #tpu.memory_space<vmem>>) dst(%dma_wait3A_578 : memref<50048x32xf32, #tpu.memory_space<vmem_shared>>)
      %dma_wait3A_579 = arith.constant 4 : i32
      %dma_wait3A_580 = arith.constant 0 : i32
      %dma_wait3A_581 = tpu.memref_slice %arg13[%dma_wait3A_579, %dma_wait3A_580] : memref<8x128xi32, #tpu.memory_space<vmem>> -> memref<1x128xi32, #tpu.memory_space<vmem>>
      %dma_wait3A_582 = tpu.memref_squeeze %dma_wait3A_581 : memref<1x128xi32, #tpu.memory_space<vmem>> -> memref<128xi32, #tpu.memory_space<vmem>>
      %dma_wait3A_583 = arith.constant 0 : i32
      %dma_wait3A_584 = arith.constant 0 : i32
      %dma_wait3A_585 = tpu.memref_slice %arg10[%dma_wait3A_583, %dma_wait3A_584] : memref<25088x8xf32, #tpu.memory_space<vmem_shared>> -> memref<25088x8xf32, #tpu.memory_space<vmem_shared>>
      tpu.wait_indirect_dma semaphore(%arg24 : memref<!tpu.dma_semaphore, #tpu.memory_space<semaphore_mem>>) src(%arg17 : memref<128x8xf32, #tpu.memory_space<vmem>>) dst(%dma_wait3A_585 : memref<25088x8xf32, #tpu.memory_space<vmem_shared>>)
      %scan3A_586 = arith.constant 0 : i32
      %scan3A_587 = arith.constant 0 : i32
      %scan3A_588 = arith.constant 128 : i32
      %scan3A_589 = arith.addi %scan3A_587, %scan3A_588 : i32
      %scan3A_590 = arith.constant 1 : i32
      %scan3A_591 = scf.for %scan3A_678 = %scan3A_587 to %scan3A_589 step %scan3A_590 iter_args(%scan3A_679 = %scan3A_586) -> (i32)  : i32 {
        %get3A = arith.index_cast %scan3A_678 : i32 to index
        %get3A_680 = arith.constant 0 : index
        %get3A_681 = tpu.vector_load %arg14[%get3A, %get3A_680] {strides = array<i32>} : memref<128x32xbf16, #tpu.memory_space<vmem>>, vector<32xbf16>,
        %bitcast3A = vector.bitcast %get3A_681 : vector<32xbf16> to vector<16xi32>
        %shift_left3A = arith.constant 16 : i32
        %shift_left3A_682 = vector.broadcast %shift_left3A : i32 to vector<16xi32>
        %shift_left3A_683 = arith.shli %bitcast3A, %shift_left3A_682 : vector<16xi32>
        %bitcast3A_684 = vector.bitcast %shift_left3A_683 : vector<16xi32> to vector<16xf32>
        %swap3A = arith.index_cast %scan3A_678 : i32 to index
        %swap3A_685 = arith.constant 0 : index
        %swap3A_686 = tpu.vector_load %arg16[%swap3A, %swap3A_685] {strides = array<i32>} : memref<128x32xf32, #tpu.memory_space<vmem>>, vector<16xf32>,
        tpu.vector_store %arg16[%swap3A, %swap3A_685], %bitcast3A_684 {strides = array<i32>} : memref<128x32xf32, #tpu.memory_space<vmem>>, vector<16xf32>,
        %and3A = arith.andi %bitcast3A, %broadcast_in_dim3A_32 : vector<16xi32>
        %bitcast3A_687 = vector.bitcast %and3A : vector<16xi32> to vector<16xf32>
        %swap3A_688 = arith.index_cast %scan3A_678 : i32 to index
        %swap3A_689 = arith.constant 16 : index
        %swap3A_690 = tpu.vector_load %arg16[%swap3A_688, %swap3A_689] {strides = array<i32>} : memref<128x32xf32, #tpu.memory_space<vmem>>, vector<16xf32>,
        tpu.vector_store %arg16[%swap3A_688, %swap3A_689], %bitcast3A_687 {strides = array<i32>} : memref<128x32xf32, #tpu.memory_space<vmem>>, vector<16xf32>,
        %scan3A_691 = arith.constant 0 : i32
        scf.yield %scan3A_691 : i32
      }
      %scan3A_592 = arith.constant 128 : i32
      %dma_start3A_593 = arith.constant 6 : i32
      %dma_start3A_594 = arith.constant 0 : i32
      %dma_start3A_595 = tpu.memref_slice %arg12[%dma_start3A_593, %dma_start3A_594] : memref<8x128xi32, #tpu.memory_space<vmem>> -> memref<1x128xi32, #tpu.memory_space<vmem>>
      %dma_start3A_596 = tpu.memref_squeeze %dma_start3A_595 : memref<1x128xi32, #tpu.memory_space<vmem>> -> memref<128xi32, #tpu.memory_space<vmem>>
      %dma_start3A_597 = arith.constant 0 : i32
      %dma_start3A_598 = arith.constant 0 : i32
      %dma_start3A_599 = tpu.memref_slice %arg9[%dma_start3A_597, %dma_start3A_598] : memref<50048x32xf32, #tpu.memory_space<vmem_shared>> -> memref<50048x32xf32, #tpu.memory_space<vmem_shared>>
      tpu.enqueue_indirect_dma source(%arg16 : memref<128x32xf32, #tpu.memory_space<vmem>>) target(%dma_start3A_599 : memref<50048x32xf32, #tpu.memory_space<vmem_shared>>) offsets(%dma_start3A_596 : memref<128xi32, #tpu.memory_space<vmem>>) semaphore(%arg22 : memref<!tpu.dma_semaphore, #tpu.memory_space<semaphore_mem>>) {add = true}
      %dma_start3A_600 = arith.constant 6 : i32
      %dma_start3A_601 = arith.constant 0 : i32
      %dma_start3A_602 = tpu.memref_slice %arg13[%dma_start3A_600, %dma_start3A_601] : memref<8x128xi32, #tpu.memory_space<vmem>> -> memref<1x128xi32, #tpu.memory_space<vmem>>
      %dma_start3A_603 = tpu.memref_squeeze %dma_start3A_602 : memref<1x128xi32, #tpu.memory_space<vmem>> -> memref<128xi32, #tpu.memory_space<vmem>>
      %dma_start3A_604 = arith.constant 0 : i32
      %dma_start3A_605 = arith.constant 0 : i32
      %dma_start3A_606 = tpu.memref_slice %arg10[%dma_start3A_604, %dma_start3A_605] : memref<25088x8xf32, #tpu.memory_space<vmem_shared>> -> memref<25088x8xf32, #tpu.memory_space<vmem_shared>>
      tpu.enqueue_indirect_dma source(%arg17 : memref<128x8xf32, #tpu.memory_space<vmem>>) target(%dma_start3A_606 : memref<25088x8xf32, #tpu.memory_space<vmem_shared>>) offsets(%dma_start3A_603 : memref<128xi32, #tpu.memory_space<vmem>>) semaphore(%arg24 : memref<!tpu.dma_semaphore, #tpu.memory_space<semaphore_mem>>) {add = true}
      %dma_wait3A_607 = arith.constant 7 : i32
      %dma_wait3A_608 = arith.constant 0 : i32
      %dma_wait3A_609 = tpu.memref_slice %arg11[%dma_wait3A_607, %dma_wait3A_608] : memref<8x128xi32, #tpu.memory_space<vmem>> -> memref<1x128xi32, #tpu.memory_space<vmem>>
      %dma_wait3A_610 = tpu.memref_squeeze %dma_wait3A_609 : memref<1x128xi32, #tpu.memory_space<vmem>> -> memref<128xi32, #tpu.memory_space<vmem>>
      %dma_wait3A_611 = arith.constant 0 : i32
      %dma_wait3A_612 = arith.constant 0 : i32
      %dma_wait3A_613 = tpu.memref_slice %arg2[%dma_wait3A_611, %dma_wait3A_612] : memref<100000x32xbf16, #tpu.memory_space<hbm>> -> memref<100000x32xbf16, #tpu.memory_space<hbm>>
      tpu.wait_indirect_dma semaphore(%arg21 : memref<!tpu.dma_semaphore, #tpu.memory_space<semaphore_mem>>) src(%dma_wait3A_613 : memref<100000x32xbf16, #tpu.memory_space<hbm>>) dst(%arg15 : memref<128x32xbf16, #tpu.memory_space<vmem>>)
      %dma_wait3A_614 = arith.constant 5 : i32
      %dma_wait3A_615 = arith.constant 0 : i32
      %dma_wait3A_616 = tpu.memref_slice %arg12[%dma_wait3A_614, %dma_wait3A_615] : memref<8x128xi32, #tpu.memory_space<vmem>> -> memref<1x128xi32, #tpu.memory_space<vmem>>
      %dma_wait3A_617 = tpu.memref_squeeze %dma_wait3A_616 : memref<1x128xi32, #tpu.memory_space<vmem>> -> memref<128xi32, #tpu.memory_space<vmem>>
      %dma_wait3A_618 = arith.constant 0 : i32
      %dma_wait3A_619 = arith.constant 0 : i32
      %dma_wait3A_620 = tpu.memref_slice %arg9[%dma_wait3A_618, %dma_wait3A_619] : memref<50048x32xf32, #tpu.memory_space<vmem_shared>> -> memref<50048x32xf32, #tpu.memory_space<vmem_shared>>
      tpu.wait_indirect_dma semaphore(%arg23 : memref<!tpu.dma_semaphore, #tpu.memory_space<semaphore_mem>>) src(%arg18 : memref<128x32xf32, #tpu.memory_space<vmem>>) dst(%dma_wait3A_620 : memref<50048x32xf32, #tpu.memory_space<vmem_shared>>)
      %dma_wait3A_621 = arith.constant 5 : i32
      %dma_wait3A_622 = arith.constant 0 : i32
      %dma_wait3A_623 = tpu.memref_slice %arg13[%dma_wait3A_621, %dma_wait3A_622] : memref<8x128xi32, #tpu.memory_space<vmem>> -> memref<1x128xi32, #tpu.memory_space<vmem>>
      %dma_wait3A_624 = tpu.memref_squeeze %dma_wait3A_623 : memref<1x128xi32, #tpu.memory_space<vmem>> -> memref<128xi32, #tpu.memory_space<vmem>>
      %dma_wait3A_625 = arith.constant 0 : i32
      %dma_wait3A_626 = arith.constant 0 : i32
      %dma_wait3A_627 = tpu.memref_slice %arg10[%dma_wait3A_625, %dma_wait3A_626] : memref<25088x8xf32, #tpu.memory_space<vmem_shared>> -> memref<25088x8xf32, #tpu.memory_space<vmem_shared>>
      tpu.wait_indirect_dma semaphore(%arg25 : memref<!tpu.dma_semaphore, #tpu.memory_space<semaphore_mem>>) src(%arg17 : memref<128x8xf32, #tpu.memory_space<vmem>>) dst(%dma_wait3A_627 : memref<25088x8xf32, #tpu.memory_space<vmem_shared>>)
      %scan3A_628 = arith.constant 0 : i32
      %scan3A_629 = arith.constant 0 : i32
      %scan3A_630 = arith.constant 128 : i32
      %scan3A_631 = arith.addi %scan3A_629, %scan3A_630 : i32
      %scan3A_632 = arith.constant 1 : i32
      %scan3A_633 = scf.for %scan3A_678 = %scan3A_629 to %scan3A_631 step %scan3A_632 iter_args(%scan3A_679 = %scan3A_628) -> (i32)  : i32 {
        %get3A = arith.index_cast %scan3A_678 : i32 to index
        %get3A_680 = arith.constant 0 : index
        %get3A_681 = tpu.vector_load %arg15[%get3A, %get3A_680] {strides = array<i32>} : memref<128x32xbf16, #tpu.memory_space<vmem>>, vector<32xbf16>,
        %bitcast3A = vector.bitcast %get3A_681 : vector<32xbf16> to vector<16xi32>
        %shift_left3A = arith.constant 16 : i32
        %shift_left3A_682 = vector.broadcast %shift_left3A : i32 to vector<16xi32>
        %shift_left3A_683 = arith.shli %bitcast3A, %shift_left3A_682 : vector<16xi32>
        %bitcast3A_684 = vector.bitcast %shift_left3A_683 : vector<16xi32> to vector<16xf32>
        %swap3A = arith.index_cast %scan3A_678 : i32 to index
        %swap3A_685 = arith.constant 0 : index
        %swap3A_686 = tpu.vector_load %arg18[%swap3A, %swap3A_685] {strides = array<i32>} : memref<128x32xf32, #tpu.memory_space<vmem>>, vector<16xf32>,
        tpu.vector_store %arg18[%swap3A, %swap3A_685], %bitcast3A_684 {strides = array<i32>} : memref<128x32xf32, #tpu.memory_space<vmem>>, vector<16xf32>,
        %and3A = arith.andi %bitcast3A, %broadcast_in_dim3A_32 : vector<16xi32>
        %bitcast3A_687 = vector.bitcast %and3A : vector<16xi32> to vector<16xf32>
        %swap3A_688 = arith.index_cast %scan3A_678 : i32 to index
        %swap3A_689 = arith.constant 16 : index
        %swap3A_690 = tpu.vector_load %arg18[%swap3A_688, %swap3A_689] {strides = array<i32>} : memref<128x32xf32, #tpu.memory_space<vmem>>, vector<16xf32>,
        tpu.vector_store %arg18[%swap3A_688, %swap3A_689], %bitcast3A_687 {strides = array<i32>} : memref<128x32xf32, #tpu.memory_space<vmem>>, vector<16xf32>,
        %scan3A_691 = arith.constant 0 : i32
        scf.yield %scan3A_691 : i32
      }
      %scan3A_634 = arith.constant 128 : i32
      %dma_start3A_635 = arith.constant 7 : i32
      %dma_start3A_636 = arith.constant 0 : i32
      %dma_start3A_637 = tpu.memref_slice %arg12[%dma_start3A_635, %dma_start3A_636] : memref<8x128xi32, #tpu.memory_space<vmem>> -> memref<1x128xi32, #tpu.memory_space<vmem>>
      %dma_start3A_638 = tpu.memref_squeeze %dma_start3A_637 : memref<1x128xi32, #tpu.memory_space<vmem>> -> memref<128xi32, #tpu.memory_space<vmem>>
      %dma_start3A_639 = arith.constant 0 : i32
      %dma_start3A_640 = arith.constant 0 : i32
      %dma_start3A_641 = tpu.memref_slice %arg9[%dma_start3A_639, %dma_start3A_640] : memref<50048x32xf32, #tpu.memory_space<vmem_shared>> -> memref<50048x32xf32, #tpu.memory_space<vmem_shared>>
      tpu.enqueue_indirect_dma source(%arg18 : memref<128x32xf32, #tpu.memory_space<vmem>>) target(%dma_start3A_641 : memref<50048x32xf32, #tpu.memory_space<vmem_shared>>) offsets(%dma_start3A_638 : memref<128xi32, #tpu.memory_space<vmem>>) semaphore(%arg23 : memref<!tpu.dma_semaphore, #tpu.memory_space<semaphore_mem>>) {add = true}
      %dma_start3A_642 = arith.constant 7 : i32
      %dma_start3A_643 = arith.constant 0 : i32
      %dma_start3A_644 = tpu.memref_slice %arg13[%dma_start3A_642, %dma_start3A_643] : memref<8x128xi32, #tpu.memory_space<vmem>> -> memref<1x128xi32, #tpu.memory_space<vmem>>
      %dma_start3A_645 = tpu.memref_squeeze %dma_start3A_644 : memref<1x128xi32, #tpu.memory_space<vmem>> -> memref<128xi32, #tpu.memory_space<vmem>>
      %dma_start3A_646 = arith.constant 0 : i32
      %dma_start3A_647 = arith.constant 0 : i32
      %dma_start3A_648 = tpu.memref_slice %arg10[%dma_start3A_646, %dma_start3A_647] : memref<25088x8xf32, #tpu.memory_space<vmem_shared>> -> memref<25088x8xf32, #tpu.memory_space<vmem_shared>>
      tpu.enqueue_indirect_dma source(%arg17 : memref<128x8xf32, #tpu.memory_space<vmem>>) target(%dma_start3A_648 : memref<25088x8xf32, #tpu.memory_space<vmem_shared>>) offsets(%dma_start3A_645 : memref<128xi32, #tpu.memory_space<vmem>>) semaphore(%arg25 : memref<!tpu.dma_semaphore, #tpu.memory_space<semaphore_mem>>) {add = true}
      %dma_wait3A_649 = arith.constant 6 : i32
      %dma_wait3A_650 = arith.constant 0 : i32
      %dma_wait3A_651 = tpu.memref_slice %arg12[%dma_wait3A_649, %dma_wait3A_650] : memref<8x128xi32, #tpu.memory_space<vmem>> -> memref<1x128xi32, #tpu.memory_space<vmem>>
      %dma_wait3A_652 = tpu.memref_squeeze %dma_wait3A_651 : memref<1x128xi32, #tpu.memory_space<vmem>> -> memref<128xi32, #tpu.memory_space<vmem>>
      %dma_wait3A_653 = arith.constant 0 : i32
      %dma_wait3A_654 = arith.constant 0 : i32
      %dma_wait3A_655 = tpu.memref_slice %arg9[%dma_wait3A_653, %dma_wait3A_654] : memref<50048x32xf32, #tpu.memory_space<vmem_shared>> -> memref<50048x32xf32, #tpu.memory_space<vmem_shared>>
      tpu.wait_indirect_dma semaphore(%arg22 : memref<!tpu.dma_semaphore, #tpu.memory_space<semaphore_mem>>) src(%arg16 : memref<128x32xf32, #tpu.memory_space<vmem>>) dst(%dma_wait3A_655 : memref<50048x32xf32, #tpu.memory_space<vmem_shared>>)
      %dma_wait3A_656 = arith.constant 6 : i32
      %dma_wait3A_657 = arith.constant 0 : i32
      %dma_wait3A_658 = tpu.memref_slice %arg13[%dma_wait3A_656, %dma_wait3A_657] : memref<8x128xi32, #tpu.memory_space<vmem>> -> memref<1x128xi32, #tpu.memory_space<vmem>>
      %dma_wait3A_659 = tpu.memref_squeeze %dma_wait3A_658 : memref<1x128xi32, #tpu.memory_space<vmem>> -> memref<128xi32, #tpu.memory_space<vmem>>
      %dma_wait3A_660 = arith.constant 0 : i32
      %dma_wait3A_661 = arith.constant 0 : i32
      %dma_wait3A_662 = tpu.memref_slice %arg10[%dma_wait3A_660, %dma_wait3A_661] : memref<25088x8xf32, #tpu.memory_space<vmem_shared>> -> memref<25088x8xf32, #tpu.memory_space<vmem_shared>>
      tpu.wait_indirect_dma semaphore(%arg24 : memref<!tpu.dma_semaphore, #tpu.memory_space<semaphore_mem>>) src(%arg17 : memref<128x8xf32, #tpu.memory_space<vmem>>) dst(%dma_wait3A_662 : memref<25088x8xf32, #tpu.memory_space<vmem_shared>>)
      %dma_wait3A_663 = arith.constant 7 : i32
      %dma_wait3A_664 = arith.constant 0 : i32
      %dma_wait3A_665 = tpu.memref_slice %arg12[%dma_wait3A_663, %dma_wait3A_664] : memref<8x128xi32, #tpu.memory_space<vmem>> -> memref<1x128xi32, #tpu.memory_space<vmem>>
      %dma_wait3A_666 = tpu.memref_squeeze %dma_wait3A_665 : memref<1x128xi32, #tpu.memory_space<vmem>> -> memref<128xi32, #tpu.memory_space<vmem>>
      %dma_wait3A_667 = arith.constant 0 : i32
      %dma_wait3A_668 = arith.constant 0 : i32
      %dma_wait3A_669 = tpu.memref_slice %arg9[%dma_wait3A_667, %dma_wait3A_668] : memref<50048x32xf32, #tpu.memory_space<vmem_shared>> -> memref<50048x32xf32, #tpu.memory_space<vmem_shared>>
      tpu.wait_indirect_dma semaphore(%arg23 : memref<!tpu.dma_semaphore, #tpu.memory_space<semaphore_mem>>) src(%arg18 : memref<128x32xf32, #tpu.memory_space<vmem>>) dst(%dma_wait3A_669 : memref<50048x32xf32, #tpu.memory_space<vmem_shared>>)
      %dma_wait3A_670 = arith.constant 7 : i32
      %dma_wait3A_671 = arith.constant 0 : i32
      %dma_wait3A_672 = tpu.memref_slice %arg13[%dma_wait3A_670, %dma_wait3A_671] : memref<8x128xi32, #tpu.memory_space<vmem>> -> memref<1x128xi32, #tpu.memory_space<vmem>>
      %dma_wait3A_673 = tpu.memref_squeeze %dma_wait3A_672 : memref<1x128xi32, #tpu.memory_space<vmem>> -> memref<128xi32, #tpu.memory_space<vmem>>
      %dma_wait3A_674 = arith.constant 0 : i32
      %dma_wait3A_675 = arith.constant 0 : i32
      %dma_wait3A_676 = tpu.memref_slice %arg10[%dma_wait3A_674, %dma_wait3A_675] : memref<25088x8xf32, #tpu.memory_space<vmem_shared>> -> memref<25088x8xf32, #tpu.memory_space<vmem_shared>>
      tpu.wait_indirect_dma semaphore(%arg25 : memref<!tpu.dma_semaphore, #tpu.memory_space<semaphore_mem>>) src(%arg17 : memref<128x8xf32, #tpu.memory_space<vmem>>) dst(%dma_wait3A_676 : memref<25088x8xf32, #tpu.memory_space<vmem_shared>>)
      %scan3A_677 = arith.constant 0 : i32
      scf.yield %scan3A_677 : i32
    }
    %scan3A_39 = arith.constant 50 : i32
    %barrier3A_40 = arith.constant 0 : index
    tpu.barrier barrier_id(%barrier3A_40)
    %add3A_41 = arith.constant 0 : i32
    %add3A_42 = arith.addi %arg1, %add3A_41 : i32
    %lt3A = arith.constant 390 : i32
    %lt3A_43 = arith.cmpi slt, %add3A_42, %lt3A : i32
    %convert_element_type3A = arith.extui %lt3A_43 : i1 to i32
    %cond3A = arith.constant 0 : i32
    %cond3A_44 = arith.cmpi ne, %convert_element_type3A, %cond3A : i32
    scf.if %cond3A_44 {
      %mul3A_273 = arith.constant 128 : i32
      %mul3A_274 = arith.muli %add3A_42, %mul3A_273 : i32
      "tpu.region"() ({
        %run_scoped3A = tpu.sem_alloc : memref<!tpu.dma_semaphore, #tpu.memory_space<semaphore_mem>>
        %dma_start3A = arith.constant 0 : i32
        %dma_start3A_278 = tpu.memref_slice %arg9[%mul3A_274, %dma_start3A] : memref<50048x32xf32, #tpu.memory_space<vmem_shared>> -> memref<128x32xf32, #tpu.memory_space<vmem_shared>>
        %dma_start3A_279 = arith.constant 0 : i32
        %dma_start3A_280 = tpu.memref_slice %arg9[%mul3A_274, %dma_start3A_279] : memref<50048x32xf32, #tpu.memory_space<vmem_shared>> -> memref<128x32xf32, #tpu.memory_space<vmem_shared>>
        tpu.enqueue_dma source(%dma_start3A_280 : memref<128x32xf32, #tpu.memory_space<vmem_shared>>) target(%arg18 : memref<128x32xf32, #tpu.memory_space<vmem>>) target_semaphore(%run_scoped3A : memref<!tpu.dma_semaphore, #tpu.memory_space<semaphore_mem>>)
        %dma_wait3A = arith.constant 0 : i32
        %dma_wait3A_281 = tpu.memref_slice %arg9[%mul3A_274, %dma_wait3A] : memref<50048x32xf32, #tpu.memory_space<vmem_shared>> -> memref<128x32xf32, #tpu.memory_space<vmem_shared>>
        %dma_wait3A_282 = arith.constant 0 : i32
        %dma_wait3A_283 = tpu.memref_slice %arg9[%mul3A_274, %dma_wait3A_282] : memref<50048x32xf32, #tpu.memory_space<vmem_shared>> -> memref<128x32xf32, #tpu.memory_space<vmem_shared>>
        tpu.wait_dma2 semaphore(%run_scoped3A : memref<!tpu.dma_semaphore, #tpu.memory_space<semaphore_mem>>) src(%dma_wait3A_283 : memref<128x32xf32, #tpu.memory_space<vmem_shared>>) dst(%arg18 : memref<128x32xf32, #tpu.memory_space<vmem>>)
        tpu.yield
      }) : () -> ()
      %mul3A_275 = arith.constant 50000 : i32
      %mul3A_276 = arith.muli %arg0, %mul3A_275 : i32
      %add3A_277 = arith.addi %mul3A_276, %mul3A_274 : i32
      "tpu.region"() ({
        %run_scoped3A = tpu.sem_alloc : memref<!tpu.dma_semaphore, #tpu.memory_space<semaphore_mem>>
        %dma_start3A = arith.constant 0 : i32
        %dma_start3A_278 = tpu.memref_slice %arg7[%add3A_277, %dma_start3A] : memref<100000x32xf32, #tpu.memory_space<hbm>> -> memref<128x32xf32, #tpu.memory_space<hbm>>
        %dma_start3A_279 = arith.constant 0 : i32
        %dma_start3A_280 = tpu.memref_slice %arg7[%add3A_277, %dma_start3A_279] : memref<100000x32xf32, #tpu.memory_space<hbm>> -> memref<128x32xf32, #tpu.memory_space<hbm>>
        tpu.enqueue_dma source(%arg18 : memref<128x32xf32, #tpu.memory_space<vmem>>) target(%dma_start3A_280 : memref<128x32xf32, #tpu.memory_space<hbm>>) target_semaphore(%run_scoped3A : memref<!tpu.dma_semaphore, #tpu.memory_space<semaphore_mem>>)
        %dma_wait3A = arith.constant 0 : i32
        %dma_wait3A_281 = tpu.memref_slice %arg7[%add3A_277, %dma_wait3A] : memref<100000x32xf32, #tpu.memory_space<hbm>> -> memref<128x32xf32, #tpu.memory_space<hbm>>
        %dma_wait3A_282 = arith.constant 0 : i32
        %dma_wait3A_283 = tpu.memref_slice %arg7[%add3A_277, %dma_wait3A_282] : memref<100000x32xf32, #tpu.memory_space<hbm>> -> memref<128x32xf32, #tpu.memory_space<hbm>>
        tpu.wait_dma2 semaphore(%run_scoped3A : memref<!tpu.dma_semaphore, #tpu.memory_space<semaphore_mem>>) src(%arg18 : memref<128x32xf32, #tpu.memory_space<vmem>>) dst(%dma_wait3A_283 : memref<128x32xf32, #tpu.memory_space<hbm>>)
        tpu.yield
      }) : () -> ()
    } else {
    }
    %add3A_45 = arith.constant 16 : i32
    %add3A_46 = arith.addi %arg1, %add3A_45 : i32
    %lt3A_47 = arith.constant 390 : i32
    %lt3A_48 = arith.cmpi slt, %add3A_46, %lt3A_47 : i32
    %convert_element_type3A_49 = arith.extui %lt3A_48 : i1 to i32
    %cond3A_50 = arith.constant 0 : i32
    %cond3A_51 = arith.cmpi ne, %convert_element_type3A_49, %cond3A_50 : i32
    scf.if %cond3A_51 {
      %mul3A_273 = arith.constant 128 : i32
      %mul3A_274 = arith.muli %add3A_46, %mul3A_273 : i32
      "tpu.region"() ({
        %run_scoped3A = tpu.sem_alloc : memref<!tpu.dma_semaphore, #tpu.memory_space<semaphore_mem>>
        %dma_start3A = arith.constant 0 : i32
        %dma_start3A_278 = tpu.memref_slice %arg9[%mul3A_274, %dma_start3A] : memref<50048x32xf32, #tpu.memory_space<vmem_shared>> -> memref<128x32xf32, #tpu.memory_space<vmem_shared>>
        %dma_start3A_279 = arith.constant 0 : i32
        %dma_start3A_280 = tpu.memref_slice %arg9[%mul3A_274, %dma_start3A_279] : memref<50048x32xf32, #tpu.memory_space<vmem_shared>> -> memref<128x32xf32, #tpu.memory_space<vmem_shared>>
        tpu.enqueue_dma source(%dma_start3A_280 : memref<128x32xf32, #tpu.memory_space<vmem_shared>>) target(%arg18 : memref<128x32xf32, #tpu.memory_space<vmem>>) target_semaphore(%run_scoped3A : memref<!tpu.dma_semaphore, #tpu.memory_space<semaphore_mem>>)
        %dma_wait3A = arith.constant 0 : i32
        %dma_wait3A_281 = tpu.memref_slice %arg9[%mul3A_274, %dma_wait3A] : memref<50048x32xf32, #tpu.memory_space<vmem_shared>> -> memref<128x32xf32, #tpu.memory_space<vmem_shared>>
        %dma_wait3A_282 = arith.constant 0 : i32
        %dma_wait3A_283 = tpu.memref_slice %arg9[%mul3A_274, %dma_wait3A_282] : memref<50048x32xf32, #tpu.memory_space<vmem_shared>> -> memref<128x32xf32, #tpu.memory_space<vmem_shared>>
        tpu.wait_dma2 semaphore(%run_scoped3A : memref<!tpu.dma_semaphore, #tpu.memory_space<semaphore_mem>>) src(%dma_wait3A_283 : memref<128x32xf32, #tpu.memory_space<vmem_shared>>) dst(%arg18 : memref<128x32xf32, #tpu.memory_space<vmem>>)
        tpu.yield
      }) : () -> ()
      %mul3A_275 = arith.constant 50000 : i32
      %mul3A_276 = arith.muli %arg0, %mul3A_275 : i32
      %add3A_277 = arith.addi %mul3A_276, %mul3A_274 : i32
      "tpu.region"() ({
        %run_scoped3A = tpu.sem_alloc : memref<!tpu.dma_semaphore, #tpu.memory_space<semaphore_mem>>
        %dma_start3A = arith.constant 0 : i32
        %dma_start3A_278 = tpu.memref_slice %arg7[%add3A_277, %dma_start3A] : memref<100000x32xf32, #tpu.memory_space<hbm>> -> memref<128x32xf32, #tpu.memory_space<hbm>>
        %dma_start3A_279 = arith.constant 0 : i32
        %dma_start3A_280 = tpu.memref_slice %arg7[%add3A_277, %dma_start3A_279] : memref<100000x32xf32, #tpu.memory_space<hbm>> -> memref<128x32xf32, #tpu.memory_space<hbm>>
        tpu.enqueue_dma source(%arg18 : memref<128x32xf32, #tpu.memory_space<vmem>>) target(%dma_start3A_280 : memref<128x32xf32, #tpu.memory_space<hbm>>) target_semaphore(%run_scoped3A : memref<!tpu.dma_semaphore, #tpu.memory_space<semaphore_mem>>)
        %dma_wait3A = arith.constant 0 : i32
        %dma_wait3A_281 = tpu.memref_slice %arg7[%add3A_277, %dma_wait3A] : memref<100000x32xf32, #tpu.memory_space<hbm>> -> memref<128x32xf32, #tpu.memory_space<hbm>>
        %dma_wait3A_282 = arith.constant 0 : i32
        %dma_wait3A_283 = tpu.memref_slice %arg7[%add3A_277, %dma_wait3A_282] : memref<100000x32xf32, #tpu.memory_space<hbm>> -> memref<128x32xf32, #tpu.memory_space<hbm>>
        tpu.wait_dma2 semaphore(%run_scoped3A : memref<!tpu.dma_semaphore, #tpu.memory_space<semaphore_mem>>) src(%arg18 : memref<128x32xf32, #tpu.memory_space<vmem>>) dst(%dma_wait3A_283 : memref<128x32xf32, #tpu.memory_space<hbm>>)
        tpu.yield
      }) : () -> ()
    } else {
    }
    %add3A_52 = arith.constant 32 : i32
    %add3A_53 = arith.addi %arg1, %add3A_52 : i32
    %lt3A_54 = arith.constant 390 : i32
    %lt3A_55 = arith.cmpi slt, %add3A_53, %lt3A_54 : i32
    %convert_element_type3A_56 = arith.extui %lt3A_55 : i1 to i32
    %cond3A_57 = arith.constant 0 : i32
    %cond3A_58 = arith.cmpi ne, %convert_element_type3A_56, %cond3A_57 : i32
    scf.if %cond3A_58 {
      %mul3A_273 = arith.constant 128 : i32
      %mul3A_274 = arith.muli %add3A_53, %mul3A_273 : i32
      "tpu.region"() ({
        %run_scoped3A = tpu.sem_alloc : memref<!tpu.dma_semaphore, #tpu.memory_space<semaphore_mem>>
        %dma_start3A = arith.constant 0 : i32
        %dma_start3A_278 = tpu.memref_slice %arg9[%mul3A_274, %dma_start3A] : memref<50048x32xf32, #tpu.memory_space<vmem_shared>> -> memref<128x32xf32, #tpu.memory_space<vmem_shared>>
        %dma_start3A_279 = arith.constant 0 : i32
        %dma_start3A_280 = tpu.memref_slice %arg9[%mul3A_274, %dma_start3A_279] : memref<50048x32xf32, #tpu.memory_space<vmem_shared>> -> memref<128x32xf32, #tpu.memory_space<vmem_shared>>
        tpu.enqueue_dma source(%dma_start3A_280 : memref<128x32xf32, #tpu.memory_space<vmem_shared>>) target(%arg18 : memref<128x32xf32, #tpu.memory_space<vmem>>) target_semaphore(%run_scoped3A : memref<!tpu.dma_semaphore, #tpu.memory_space<semaphore_mem>>)
        %dma_wait3A = arith.constant 0 : i32
        %dma_wait3A_281 = tpu.memref_slice %arg9[%mul3A_274, %dma_wait3A] : memref<50048x32xf32, #tpu.memory_space<vmem_shared>> -> memref<128x32xf32, #tpu.memory_space<vmem_shared>>
        %dma_wait3A_282 = arith.constant 0 : i32
        %dma_wait3A_283 = tpu.memref_slice %arg9[%mul3A_274, %dma_wait3A_282] : memref<50048x32xf32, #tpu.memory_space<vmem_shared>> -> memref<128x32xf32, #tpu.memory_space<vmem_shared>>
        tpu.wait_dma2 semaphore(%run_scoped3A : memref<!tpu.dma_semaphore, #tpu.memory_space<semaphore_mem>>) src(%dma_wait3A_283 : memref<128x32xf32, #tpu.memory_space<vmem_shared>>) dst(%arg18 : memref<128x32xf32, #tpu.memory_space<vmem>>)
        tpu.yield
      }) : () -> ()
      %mul3A_275 = arith.constant 50000 : i32
      %mul3A_276 = arith.muli %arg0, %mul3A_275 : i32
      %add3A_277 = arith.addi %mul3A_276, %mul3A_274 : i32
      "tpu.region"() ({
        %run_scoped3A = tpu.sem_alloc : memref<!tpu.dma_semaphore, #tpu.memory_space<semaphore_mem>>
        %dma_start3A = arith.constant 0 : i32
        %dma_start3A_278 = tpu.memref_slice %arg7[%add3A_277, %dma_start3A] : memref<100000x32xf32, #tpu.memory_space<hbm>> -> memref<128x32xf32, #tpu.memory_space<hbm>>
        %dma_start3A_279 = arith.constant 0 : i32
        %dma_start3A_280 = tpu.memref_slice %arg7[%add3A_277, %dma_start3A_279] : memref<100000x32xf32, #tpu.memory_space<hbm>> -> memref<128x32xf32, #tpu.memory_space<hbm>>
        tpu.enqueue_dma source(%arg18 : memref<128x32xf32, #tpu.memory_space<vmem>>) target(%dma_start3A_280 : memref<128x32xf32, #tpu.memory_space<hbm>>) target_semaphore(%run_scoped3A : memref<!tpu.dma_semaphore, #tpu.memory_space<semaphore_mem>>)
        %dma_wait3A = arith.constant 0 : i32
        %dma_wait3A_281 = tpu.memref_slice %arg7[%add3A_277, %dma_wait3A] : memref<100000x32xf32, #tpu.memory_space<hbm>> -> memref<128x32xf32, #tpu.memory_space<hbm>>
        %dma_wait3A_282 = arith.constant 0 : i32
        %dma_wait3A_283 = tpu.memref_slice %arg7[%add3A_277, %dma_wait3A_282] : memref<100000x32xf32, #tpu.memory_space<hbm>> -> memref<128x32xf32, #tpu.memory_space<hbm>>
        tpu.wait_dma2 semaphore(%run_scoped3A : memref<!tpu.dma_semaphore, #tpu.memory_space<semaphore_mem>>) src(%arg18 : memref<128x32xf32, #tpu.memory_space<vmem>>) dst(%dma_wait3A_283 : memref<128x32xf32, #tpu.memory_space<hbm>>)
        tpu.yield
      }) : () -> ()
    } else {
    }
    %add3A_59 = arith.constant 48 : i32
    %add3A_60 = arith.addi %arg1, %add3A_59 : i32
    %lt3A_61 = arith.constant 390 : i32
    %lt3A_62 = arith.cmpi slt, %add3A_60, %lt3A_61 : i32
    %convert_element_type3A_63 = arith.extui %lt3A_62 : i1 to i32
    %cond3A_64 = arith.constant 0 : i32
    %cond3A_65 = arith.cmpi ne, %convert_element_type3A_63, %cond3A_64 : i32
    scf.if %cond3A_65 {
      %mul3A_273 = arith.constant 128 : i32
      %mul3A_274 = arith.muli %add3A_60, %mul3A_273 : i32
      "tpu.region"() ({
        %run_scoped3A = tpu.sem_alloc : memref<!tpu.dma_semaphore, #tpu.memory_space<semaphore_mem>>
        %dma_start3A = arith.constant 0 : i32
        %dma_start3A_278 = tpu.memref_slice %arg9[%mul3A_274, %dma_start3A] : memref<50048x32xf32, #tpu.memory_space<vmem_shared>> -> memref<128x32xf32, #tpu.memory_space<vmem_shared>>
        %dma_start3A_279 = arith.constant 0 : i32
        %dma_start3A_280 = tpu.memref_slice %arg9[%mul3A_274, %dma_start3A_279] : memref<50048x32xf32, #tpu.memory_space<vmem_shared>> -> memref<128x32xf32, #tpu.memory_space<vmem_shared>>
        tpu.enqueue_dma source(%dma_start3A_280 : memref<128x32xf32, #tpu.memory_space<vmem_shared>>) target(%arg18 : memref<128x32xf32, #tpu.memory_space<vmem>>) target_semaphore(%run_scoped3A : memref<!tpu.dma_semaphore, #tpu.memory_space<semaphore_mem>>)
        %dma_wait3A = arith.constant 0 : i32
        %dma_wait3A_281 = tpu.memref_slice %arg9[%mul3A_274, %dma_wait3A] : memref<50048x32xf32, #tpu.memory_space<vmem_shared>> -> memref<128x32xf32, #tpu.memory_space<vmem_shared>>
        %dma_wait3A_282 = arith.constant 0 : i32
        %dma_wait3A_283 = tpu.memref_slice %arg9[%mul3A_274, %dma_wait3A_282] : memref<50048x32xf32, #tpu.memory_space<vmem_shared>> -> memref<128x32xf32, #tpu.memory_space<vmem_shared>>
        tpu.wait_dma2 semaphore(%run_scoped3A : memref<!tpu.dma_semaphore, #tpu.memory_space<semaphore_mem>>) src(%dma_wait3A_283 : memref<128x32xf32, #tpu.memory_space<vmem_shared>>) dst(%arg18 : memref<128x32xf32, #tpu.memory_space<vmem>>)
        tpu.yield
      }) : () -> ()
      %mul3A_275 = arith.constant 50000 : i32
      %mul3A_276 = arith.muli %arg0, %mul3A_275 : i32
      %add3A_277 = arith.addi %mul3A_276, %mul3A_274 : i32
      "tpu.region"() ({
        %run_scoped3A = tpu.sem_alloc : memref<!tpu.dma_semaphore, #tpu.memory_space<semaphore_mem>>
        %dma_start3A = arith.constant 0 : i32
        %dma_start3A_278 = tpu.memref_slice %arg7[%add3A_277, %dma_start3A] : memref<100000x32xf32, #tpu.memory_space<hbm>> -> memref<128x32xf32, #tpu.memory_space<hbm>>
        %dma_start3A_279 = arith.constant 0 : i32
        %dma_start3A_280 = tpu.memref_slice %arg7[%add3A_277, %dma_start3A_279] : memref<100000x32xf32, #tpu.memory_space<hbm>> -> memref<128x32xf32, #tpu.memory_space<hbm>>
        tpu.enqueue_dma source(%arg18 : memref<128x32xf32, #tpu.memory_space<vmem>>) target(%dma_start3A_280 : memref<128x32xf32, #tpu.memory_space<hbm>>) target_semaphore(%run_scoped3A : memref<!tpu.dma_semaphore, #tpu.memory_space<semaphore_mem>>)
        %dma_wait3A = arith.constant 0 : i32
        %dma_wait3A_281 = tpu.memref_slice %arg7[%add3A_277, %dma_wait3A] : memref<100000x32xf32, #tpu.memory_space<hbm>> -> memref<128x32xf32, #tpu.memory_space<hbm>>
        %dma_wait3A_282 = arith.constant 0 : i32
        %dma_wait3A_283 = tpu.memref_slice %arg7[%add3A_277, %dma_wait3A_282] : memref<100000x32xf32, #tpu.memory_space<hbm>> -> memref<128x32xf32, #tpu.memory_space<hbm>>
        tpu.wait_dma2 semaphore(%run_scoped3A : memref<!tpu.dma_semaphore, #tpu.memory_space<semaphore_mem>>) src(%arg18 : memref<128x32xf32, #tpu.memory_space<vmem>>) dst(%dma_wait3A_283 : memref<128x32xf32, #tpu.memory_space<hbm>>)
        tpu.yield
      }) : () -> ()
    } else {
    }
    %add3A_66 = arith.constant 64 : i32
    %add3A_67 = arith.addi %arg1, %add3A_66 : i32
    %lt3A_68 = arith.constant 390 : i32
    %lt3A_69 = arith.cmpi slt, %add3A_67, %lt3A_68 : i32
    %convert_element_type3A_70 = arith.extui %lt3A_69 : i1 to i32
    %cond3A_71 = arith.constant 0 : i32
    %cond3A_72 = arith.cmpi ne, %convert_element_type3A_70, %cond3A_71 : i32
    scf.if %cond3A_72 {
      %mul3A_273 = arith.constant 128 : i32
      %mul3A_274 = arith.muli %add3A_67, %mul3A_273 : i32
      "tpu.region"() ({
        %run_scoped3A = tpu.sem_alloc : memref<!tpu.dma_semaphore, #tpu.memory_space<semaphore_mem>>
        %dma_start3A = arith.constant 0 : i32
        %dma_start3A_278 = tpu.memref_slice %arg9[%mul3A_274, %dma_start3A] : memref<50048x32xf32, #tpu.memory_space<vmem_shared>> -> memref<128x32xf32, #tpu.memory_space<vmem_shared>>
        %dma_start3A_279 = arith.constant 0 : i32
        %dma_start3A_280 = tpu.memref_slice %arg9[%mul3A_274, %dma_start3A_279] : memref<50048x32xf32, #tpu.memory_space<vmem_shared>> -> memref<128x32xf32, #tpu.memory_space<vmem_shared>>
        tpu.enqueue_dma source(%dma_start3A_280 : memref<128x32xf32, #tpu.memory_space<vmem_shared>>) target(%arg18 : memref<128x32xf32, #tpu.memory_space<vmem>>) target_semaphore(%run_scoped3A : memref<!tpu.dma_semaphore, #tpu.memory_space<semaphore_mem>>)
        %dma_wait3A = arith.constant 0 : i32
        %dma_wait3A_281 = tpu.memref_slice %arg9[%mul3A_274, %dma_wait3A] : memref<50048x32xf32, #tpu.memory_space<vmem_shared>> -> memref<128x32xf32, #tpu.memory_space<vmem_shared>>
        %dma_wait3A_282 = arith.constant 0 : i32
        %dma_wait3A_283 = tpu.memref_slice %arg9[%mul3A_274, %dma_wait3A_282] : memref<50048x32xf32, #tpu.memory_space<vmem_shared>> -> memref<128x32xf32, #tpu.memory_space<vmem_shared>>
        tpu.wait_dma2 semaphore(%run_scoped3A : memref<!tpu.dma_semaphore, #tpu.memory_space<semaphore_mem>>) src(%dma_wait3A_283 : memref<128x32xf32, #tpu.memory_space<vmem_shared>>) dst(%arg18 : memref<128x32xf32, #tpu.memory_space<vmem>>)
        tpu.yield
      }) : () -> ()
      %mul3A_275 = arith.constant 50000 : i32
      %mul3A_276 = arith.muli %arg0, %mul3A_275 : i32
      %add3A_277 = arith.addi %mul3A_276, %mul3A_274 : i32
      "tpu.region"() ({
        %run_scoped3A = tpu.sem_alloc : memref<!tpu.dma_semaphore, #tpu.memory_space<semaphore_mem>>
        %dma_start3A = arith.constant 0 : i32
        %dma_start3A_278 = tpu.memref_slice %arg7[%add3A_277, %dma_start3A] : memref<100000x32xf32, #tpu.memory_space<hbm>> -> memref<128x32xf32, #tpu.memory_space<hbm>>
        %dma_start3A_279 = arith.constant 0 : i32
        %dma_start3A_280 = tpu.memref_slice %arg7[%add3A_277, %dma_start3A_279] : memref<100000x32xf32, #tpu.memory_space<hbm>> -> memref<128x32xf32, #tpu.memory_space<hbm>>
        tpu.enqueue_dma source(%arg18 : memref<128x32xf32, #tpu.memory_space<vmem>>) target(%dma_start3A_280 : memref<128x32xf32, #tpu.memory_space<hbm>>) target_semaphore(%run_scoped3A : memref<!tpu.dma_semaphore, #tpu.memory_space<semaphore_mem>>)
        %dma_wait3A = arith.constant 0 : i32
        %dma_wait3A_281 = tpu.memref_slice %arg7[%add3A_277, %dma_wait3A] : memref<100000x32xf32, #tpu.memory_space<hbm>> -> memref<128x32xf32, #tpu.memory_space<hbm>>
        %dma_wait3A_282 = arith.constant 0 : i32
        %dma_wait3A_283 = tpu.memref_slice %arg7[%add3A_277, %dma_wait3A_282] : memref<100000x32xf32, #tpu.memory_space<hbm>> -> memref<128x32xf32, #tpu.memory_space<hbm>>
        tpu.wait_dma2 semaphore(%run_scoped3A : memref<!tpu.dma_semaphore, #tpu.memory_space<semaphore_mem>>) src(%arg18 : memref<128x32xf32, #tpu.memory_space<vmem>>) dst(%dma_wait3A_283 : memref<128x32xf32, #tpu.memory_space<hbm>>)
        tpu.yield
      }) : () -> ()
    } else {
    }
    %add3A_73 = arith.constant 80 : i32
    %add3A_74 = arith.addi %arg1, %add3A_73 : i32
    %lt3A_75 = arith.constant 390 : i32
    %lt3A_76 = arith.cmpi slt, %add3A_74, %lt3A_75 : i32
    %convert_element_type3A_77 = arith.extui %lt3A_76 : i1 to i32
    %cond3A_78 = arith.constant 0 : i32
    %cond3A_79 = arith.cmpi ne, %convert_element_type3A_77, %cond3A_78 : i32
    scf.if %cond3A_79 {
      %mul3A_273 = arith.constant 128 : i32
      %mul3A_274 = arith.muli %add3A_74, %mul3A_273 : i32
      "tpu.region"() ({
        %run_scoped3A = tpu.sem_alloc : memref<!tpu.dma_semaphore, #tpu.memory_space<semaphore_mem>>
        %dma_start3A = arith.constant 0 : i32
        %dma_start3A_278 = tpu.memref_slice %arg9[%mul3A_274, %dma_start3A] : memref<50048x32xf32, #tpu.memory_space<vmem_shared>> -> memref<128x32xf32, #tpu.memory_space<vmem_shared>>
        %dma_start3A_279 = arith.constant 0 : i32
        %dma_start3A_280 = tpu.memref_slice %arg9[%mul3A_274, %dma_start3A_279] : memref<50048x32xf32, #tpu.memory_space<vmem_shared>> -> memref<128x32xf32, #tpu.memory_space<vmem_shared>>
        tpu.enqueue_dma source(%dma_start3A_280 : memref<128x32xf32, #tpu.memory_space<vmem_shared>>) target(%arg18 : memref<128x32xf32, #tpu.memory_space<vmem>>) target_semaphore(%run_scoped3A : memref<!tpu.dma_semaphore, #tpu.memory_space<semaphore_mem>>)
        %dma_wait3A = arith.constant 0 : i32
        %dma_wait3A_281 = tpu.memref_slice %arg9[%mul3A_274, %dma_wait3A] : memref<50048x32xf32, #tpu.memory_space<vmem_shared>> -> memref<128x32xf32, #tpu.memory_space<vmem_shared>>
        %dma_wait3A_282 = arith.constant 0 : i32
        %dma_wait3A_283 = tpu.memref_slice %arg9[%mul3A_274, %dma_wait3A_282] : memref<50048x32xf32, #tpu.memory_space<vmem_shared>> -> memref<128x32xf32, #tpu.memory_space<vmem_shared>>
        tpu.wait_dma2 semaphore(%run_scoped3A : memref<!tpu.dma_semaphore, #tpu.memory_space<semaphore_mem>>) src(%dma_wait3A_283 : memref<128x32xf32, #tpu.memory_space<vmem_shared>>) dst(%arg18 : memref<128x32xf32, #tpu.memory_space<vmem>>)
        tpu.yield
      }) : () -> ()
      %mul3A_275 = arith.constant 50000 : i32
      %mul3A_276 = arith.muli %arg0, %mul3A_275 : i32
      %add3A_277 = arith.addi %mul3A_276, %mul3A_274 : i32
      "tpu.region"() ({
        %run_scoped3A = tpu.sem_alloc : memref<!tpu.dma_semaphore, #tpu.memory_space<semaphore_mem>>
        %dma_start3A = arith.constant 0 : i32
        %dma_start3A_278 = tpu.memref_slice %arg7[%add3A_277, %dma_start3A] : memref<100000x32xf32, #tpu.memory_space<hbm>> -> memref<128x32xf32, #tpu.memory_space<hbm>>
        %dma_start3A_279 = arith.constant 0 : i32
        %dma_start3A_280 = tpu.memref_slice %arg7[%add3A_277, %dma_start3A_279] : memref<100000x32xf32, #tpu.memory_space<hbm>> -> memref<128x32xf32, #tpu.memory_space<hbm>>
        tpu.enqueue_dma source(%arg18 : memref<128x32xf32, #tpu.memory_space<vmem>>) target(%dma_start3A_280 : memref<128x32xf32, #tpu.memory_space<hbm>>) target_semaphore(%run_scoped3A : memref<!tpu.dma_semaphore, #tpu.memory_space<semaphore_mem>>)
        %dma_wait3A = arith.constant 0 : i32
        %dma_wait3A_281 = tpu.memref_slice %arg7[%add3A_277, %dma_wait3A] : memref<100000x32xf32, #tpu.memory_space<hbm>> -> memref<128x32xf32, #tpu.memory_space<hbm>>
        %dma_wait3A_282 = arith.constant 0 : i32
        %dma_wait3A_283 = tpu.memref_slice %arg7[%add3A_277, %dma_wait3A_282] : memref<100000x32xf32, #tpu.memory_space<hbm>> -> memref<128x32xf32, #tpu.memory_space<hbm>>
        tpu.wait_dma2 semaphore(%run_scoped3A : memref<!tpu.dma_semaphore, #tpu.memory_space<semaphore_mem>>) src(%arg18 : memref<128x32xf32, #tpu.memory_space<vmem>>) dst(%dma_wait3A_283 : memref<128x32xf32, #tpu.memory_space<hbm>>)
        tpu.yield
      }) : () -> ()
    } else {
    }
    %add3A_80 = arith.constant 96 : i32
    %add3A_81 = arith.addi %arg1, %add3A_80 : i32
    %lt3A_82 = arith.constant 390 : i32
    %lt3A_83 = arith.cmpi slt, %add3A_81, %lt3A_82 : i32
    %convert_element_type3A_84 = arith.extui %lt3A_83 : i1 to i32
    %cond3A_85 = arith.constant 0 : i32
    %cond3A_86 = arith.cmpi ne, %convert_element_type3A_84, %cond3A_85 : i32
    scf.if %cond3A_86 {
      %mul3A_273 = arith.constant 128 : i32
      %mul3A_274 = arith.muli %add3A_81, %mul3A_273 : i32
      "tpu.region"() ({
        %run_scoped3A = tpu.sem_alloc : memref<!tpu.dma_semaphore, #tpu.memory_space<semaphore_mem>>
        %dma_start3A = arith.constant 0 : i32
        %dma_start3A_278 = tpu.memref_slice %arg9[%mul3A_274, %dma_start3A] : memref<50048x32xf32, #tpu.memory_space<vmem_shared>> -> memref<128x32xf32, #tpu.memory_space<vmem_shared>>
        %dma_start3A_279 = arith.constant 0 : i32
        %dma_start3A_280 = tpu.memref_slice %arg9[%mul3A_274, %dma_start3A_279] : memref<50048x32xf32, #tpu.memory_space<vmem_shared>> -> memref<128x32xf32, #tpu.memory_space<vmem_shared>>
        tpu.enqueue_dma source(%dma_start3A_280 : memref<128x32xf32, #tpu.memory_space<vmem_shared>>) target(%arg18 : memref<128x32xf32, #tpu.memory_space<vmem>>) target_semaphore(%run_scoped3A : memref<!tpu.dma_semaphore, #tpu.memory_space<semaphore_mem>>)
        %dma_wait3A = arith.constant 0 : i32
        %dma_wait3A_281 = tpu.memref_slice %arg9[%mul3A_274, %dma_wait3A] : memref<50048x32xf32, #tpu.memory_space<vmem_shared>> -> memref<128x32xf32, #tpu.memory_space<vmem_shared>>
        %dma_wait3A_282 = arith.constant 0 : i32
        %dma_wait3A_283 = tpu.memref_slice %arg9[%mul3A_274, %dma_wait3A_282] : memref<50048x32xf32, #tpu.memory_space<vmem_shared>> -> memref<128x32xf32, #tpu.memory_space<vmem_shared>>
        tpu.wait_dma2 semaphore(%run_scoped3A : memref<!tpu.dma_semaphore, #tpu.memory_space<semaphore_mem>>) src(%dma_wait3A_283 : memref<128x32xf32, #tpu.memory_space<vmem_shared>>) dst(%arg18 : memref<128x32xf32, #tpu.memory_space<vmem>>)
        tpu.yield
      }) : () -> ()
      %mul3A_275 = arith.constant 50000 : i32
      %mul3A_276 = arith.muli %arg0, %mul3A_275 : i32
      %add3A_277 = arith.addi %mul3A_276, %mul3A_274 : i32
      "tpu.region"() ({
        %run_scoped3A = tpu.sem_alloc : memref<!tpu.dma_semaphore, #tpu.memory_space<semaphore_mem>>
        %dma_start3A = arith.constant 0 : i32
        %dma_start3A_278 = tpu.memref_slice %arg7[%add3A_277, %dma_start3A] : memref<100000x32xf32, #tpu.memory_space<hbm>> -> memref<128x32xf32, #tpu.memory_space<hbm>>
        %dma_start3A_279 = arith.constant 0 : i32
        %dma_start3A_280 = tpu.memref_slice %arg7[%add3A_277, %dma_start3A_279] : memref<100000x32xf32, #tpu.memory_space<hbm>> -> memref<128x32xf32, #tpu.memory_space<hbm>>
        tpu.enqueue_dma source(%arg18 : memref<128x32xf32, #tpu.memory_space<vmem>>) target(%dma_start3A_280 : memref<128x32xf32, #tpu.memory_space<hbm>>) target_semaphore(%run_scoped3A : memref<!tpu.dma_semaphore, #tpu.memory_space<semaphore_mem>>)
        %dma_wait3A = arith.constant 0 : i32
        %dma_wait3A_281 = tpu.memref_slice %arg7[%add3A_277, %dma_wait3A] : memref<100000x32xf32, #tpu.memory_space<hbm>> -> memref<128x32xf32, #tpu.memory_space<hbm>>
        %dma_wait3A_282 = arith.constant 0 : i32
        %dma_wait3A_283 = tpu.memref_slice %arg7[%add3A_277, %dma_wait3A_282] : memref<100000x32xf32, #tpu.memory_space<hbm>> -> memref<128x32xf32, #tpu.memory_space<hbm>>
        tpu.wait_dma2 semaphore(%run_scoped3A : memref<!tpu.dma_semaphore, #tpu.memory_space<semaphore_mem>>) src(%arg18 : memref<128x32xf32, #tpu.memory_space<vmem>>) dst(%dma_wait3A_283 : memref<128x32xf32, #tpu.memory_space<hbm>>)
        tpu.yield
      }) : () -> ()
    } else {
    }
    %add3A_87 = arith.constant 112 : i32
    %add3A_88 = arith.addi %arg1, %add3A_87 : i32
    %lt3A_89 = arith.constant 390 : i32
    %lt3A_90 = arith.cmpi slt, %add3A_88, %lt3A_89 : i32
    %convert_element_type3A_91 = arith.extui %lt3A_90 : i1 to i32
    %cond3A_92 = arith.constant 0 : i32
    %cond3A_93 = arith.cmpi ne, %convert_element_type3A_91, %cond3A_92 : i32
    scf.if %cond3A_93 {
      %mul3A_273 = arith.constant 128 : i32
      %mul3A_274 = arith.muli %add3A_88, %mul3A_273 : i32
      "tpu.region"() ({
        %run_scoped3A = tpu.sem_alloc : memref<!tpu.dma_semaphore, #tpu.memory_space<semaphore_mem>>
        %dma_start3A = arith.constant 0 : i32
        %dma_start3A_278 = tpu.memref_slice %arg9[%mul3A_274, %dma_start3A] : memref<50048x32xf32, #tpu.memory_space<vmem_shared>> -> memref<128x32xf32, #tpu.memory_space<vmem_shared>>
        %dma_start3A_279 = arith.constant 0 : i32
        %dma_start3A_280 = tpu.memref_slice %arg9[%mul3A_274, %dma_start3A_279] : memref<50048x32xf32, #tpu.memory_space<vmem_shared>> -> memref<128x32xf32, #tpu.memory_space<vmem_shared>>
        tpu.enqueue_dma source(%dma_start3A_280 : memref<128x32xf32, #tpu.memory_space<vmem_shared>>) target(%arg18 : memref<128x32xf32, #tpu.memory_space<vmem>>) target_semaphore(%run_scoped3A : memref<!tpu.dma_semaphore, #tpu.memory_space<semaphore_mem>>)
        %dma_wait3A = arith.constant 0 : i32
        %dma_wait3A_281 = tpu.memref_slice %arg9[%mul3A_274, %dma_wait3A] : memref<50048x32xf32, #tpu.memory_space<vmem_shared>> -> memref<128x32xf32, #tpu.memory_space<vmem_shared>>
        %dma_wait3A_282 = arith.constant 0 : i32
        %dma_wait3A_283 = tpu.memref_slice %arg9[%mul3A_274, %dma_wait3A_282] : memref<50048x32xf32, #tpu.memory_space<vmem_shared>> -> memref<128x32xf32, #tpu.memory_space<vmem_shared>>
        tpu.wait_dma2 semaphore(%run_scoped3A : memref<!tpu.dma_semaphore, #tpu.memory_space<semaphore_mem>>) src(%dma_wait3A_283 : memref<128x32xf32, #tpu.memory_space<vmem_shared>>) dst(%arg18 : memref<128x32xf32, #tpu.memory_space<vmem>>)
        tpu.yield
      }) : () -> ()
      %mul3A_275 = arith.constant 50000 : i32
      %mul3A_276 = arith.muli %arg0, %mul3A_275 : i32
      %add3A_277 = arith.addi %mul3A_276, %mul3A_274 : i32
      "tpu.region"() ({
        %run_scoped3A = tpu.sem_alloc : memref<!tpu.dma_semaphore, #tpu.memory_space<semaphore_mem>>
        %dma_start3A = arith.constant 0 : i32
        %dma_start3A_278 = tpu.memref_slice %arg7[%add3A_277, %dma_start3A] : memref<100000x32xf32, #tpu.memory_space<hbm>> -> memref<128x32xf32, #tpu.memory_space<hbm>>
        %dma_start3A_279 = arith.constant 0 : i32
        %dma_start3A_280 = tpu.memref_slice %arg7[%add3A_277, %dma_start3A_279] : memref<100000x32xf32, #tpu.memory_space<hbm>> -> memref<128x32xf32, #tpu.memory_space<hbm>>
        tpu.enqueue_dma source(%arg18 : memref<128x32xf32, #tpu.memory_space<vmem>>) target(%dma_start3A_280 : memref<128x32xf32, #tpu.memory_space<hbm>>) target_semaphore(%run_scoped3A : memref<!tpu.dma_semaphore, #tpu.memory_space<semaphore_mem>>)
        %dma_wait3A = arith.constant 0 : i32
        %dma_wait3A_281 = tpu.memref_slice %arg7[%add3A_277, %dma_wait3A] : memref<100000x32xf32, #tpu.memory_space<hbm>> -> memref<128x32xf32, #tpu.memory_space<hbm>>
        %dma_wait3A_282 = arith.constant 0 : i32
        %dma_wait3A_283 = tpu.memref_slice %arg7[%add3A_277, %dma_wait3A_282] : memref<100000x32xf32, #tpu.memory_space<hbm>> -> memref<128x32xf32, #tpu.memory_space<hbm>>
        tpu.wait_dma2 semaphore(%run_scoped3A : memref<!tpu.dma_semaphore, #tpu.memory_space<semaphore_mem>>) src(%arg18 : memref<128x32xf32, #tpu.memory_space<vmem>>) dst(%dma_wait3A_283 : memref<128x32xf32, #tpu.memory_space<hbm>>)
        tpu.yield
      }) : () -> ()
    } else {
    }
    %add3A_94 = arith.constant 128 : i32
    %add3A_95 = arith.addi %arg1, %add3A_94 : i32
    %lt3A_96 = arith.constant 390 : i32
    %lt3A_97 = arith.cmpi slt, %add3A_95, %lt3A_96 : i32
    %convert_element_type3A_98 = arith.extui %lt3A_97 : i1 to i32
    %cond3A_99 = arith.constant 0 : i32
    %cond3A_100 = arith.cmpi ne, %convert_element_type3A_98, %cond3A_99 : i32
    scf.if %cond3A_100 {
      %mul3A_273 = arith.constant 128 : i32
      %mul3A_274 = arith.muli %add3A_95, %mul3A_273 : i32
      "tpu.region"() ({
        %run_scoped3A = tpu.sem_alloc : memref<!tpu.dma_semaphore, #tpu.memory_space<semaphore_mem>>
        %dma_start3A = arith.constant 0 : i32
        %dma_start3A_278 = tpu.memref_slice %arg9[%mul3A_274, %dma_start3A] : memref<50048x32xf32, #tpu.memory_space<vmem_shared>> -> memref<128x32xf32, #tpu.memory_space<vmem_shared>>
        %dma_start3A_279 = arith.constant 0 : i32
        %dma_start3A_280 = tpu.memref_slice %arg9[%mul3A_274, %dma_start3A_279] : memref<50048x32xf32, #tpu.memory_space<vmem_shared>> -> memref<128x32xf32, #tpu.memory_space<vmem_shared>>
        tpu.enqueue_dma source(%dma_start3A_280 : memref<128x32xf32, #tpu.memory_space<vmem_shared>>) target(%arg18 : memref<128x32xf32, #tpu.memory_space<vmem>>) target_semaphore(%run_scoped3A : memref<!tpu.dma_semaphore, #tpu.memory_space<semaphore_mem>>)
        %dma_wait3A = arith.constant 0 : i32
        %dma_wait3A_281 = tpu.memref_slice %arg9[%mul3A_274, %dma_wait3A] : memref<50048x32xf32, #tpu.memory_space<vmem_shared>> -> memref<128x32xf32, #tpu.memory_space<vmem_shared>>
        %dma_wait3A_282 = arith.constant 0 : i32
        %dma_wait3A_283 = tpu.memref_slice %arg9[%mul3A_274, %dma_wait3A_282] : memref<50048x32xf32, #tpu.memory_space<vmem_shared>> -> memref<128x32xf32, #tpu.memory_space<vmem_shared>>
        tpu.wait_dma2 semaphore(%run_scoped3A : memref<!tpu.dma_semaphore, #tpu.memory_space<semaphore_mem>>) src(%dma_wait3A_283 : memref<128x32xf32, #tpu.memory_space<vmem_shared>>) dst(%arg18 : memref<128x32xf32, #tpu.memory_space<vmem>>)
        tpu.yield
      }) : () -> ()
      %mul3A_275 = arith.constant 50000 : i32
      %mul3A_276 = arith.muli %arg0, %mul3A_275 : i32
      %add3A_277 = arith.addi %mul3A_276, %mul3A_274 : i32
      "tpu.region"() ({
        %run_scoped3A = tpu.sem_alloc : memref<!tpu.dma_semaphore, #tpu.memory_space<semaphore_mem>>
        %dma_start3A = arith.constant 0 : i32
        %dma_start3A_278 = tpu.memref_slice %arg7[%add3A_277, %dma_start3A] : memref<100000x32xf32, #tpu.memory_space<hbm>> -> memref<128x32xf32, #tpu.memory_space<hbm>>
        %dma_start3A_279 = arith.constant 0 : i32
        %dma_start3A_280 = tpu.memref_slice %arg7[%add3A_277, %dma_start3A_279] : memref<100000x32xf32, #tpu.memory_space<hbm>> -> memref<128x32xf32, #tpu.memory_space<hbm>>
        tpu.enqueue_dma source(%arg18 : memref<128x32xf32, #tpu.memory_space<vmem>>) target(%dma_start3A_280 : memref<128x32xf32, #tpu.memory_space<hbm>>) target_semaphore(%run_scoped3A : memref<!tpu.dma_semaphore, #tpu.memory_space<semaphore_mem>>)
        %dma_wait3A = arith.constant 0 : i32
        %dma_wait3A_281 = tpu.memref_slice %arg7[%add3A_277, %dma_wait3A] : memref<100000x32xf32, #tpu.memory_space<hbm>> -> memref<128x32xf32, #tpu.memory_space<hbm>>
        %dma_wait3A_282 = arith.constant 0 : i32
        %dma_wait3A_283 = tpu.memref_slice %arg7[%add3A_277, %dma_wait3A_282] : memref<100000x32xf32, #tpu.memory_space<hbm>> -> memref<128x32xf32, #tpu.memory_space<hbm>>
        tpu.wait_dma2 semaphore(%run_scoped3A : memref<!tpu.dma_semaphore, #tpu.memory_space<semaphore_mem>>) src(%arg18 : memref<128x32xf32, #tpu.memory_space<vmem>>) dst(%dma_wait3A_283 : memref<128x32xf32, #tpu.memory_space<hbm>>)
        tpu.yield
      }) : () -> ()
    } else {
    }
    %add3A_101 = arith.constant 144 : i32
    %add3A_102 = arith.addi %arg1, %add3A_101 : i32
    %lt3A_103 = arith.constant 390 : i32
    %lt3A_104 = arith.cmpi slt, %add3A_102, %lt3A_103 : i32
    %convert_element_type3A_105 = arith.extui %lt3A_104 : i1 to i32
    %cond3A_106 = arith.constant 0 : i32
    %cond3A_107 = arith.cmpi ne, %convert_element_type3A_105, %cond3A_106 : i32
    scf.if %cond3A_107 {
      %mul3A_273 = arith.constant 128 : i32
      %mul3A_274 = arith.muli %add3A_102, %mul3A_273 : i32
      "tpu.region"() ({
        %run_scoped3A = tpu.sem_alloc : memref<!tpu.dma_semaphore, #tpu.memory_space<semaphore_mem>>
        %dma_start3A = arith.constant 0 : i32
        %dma_start3A_278 = tpu.memref_slice %arg9[%mul3A_274, %dma_start3A] : memref<50048x32xf32, #tpu.memory_space<vmem_shared>> -> memref<128x32xf32, #tpu.memory_space<vmem_shared>>
        %dma_start3A_279 = arith.constant 0 : i32
        %dma_start3A_280 = tpu.memref_slice %arg9[%mul3A_274, %dma_start3A_279] : memref<50048x32xf32, #tpu.memory_space<vmem_shared>> -> memref<128x32xf32, #tpu.memory_space<vmem_shared>>
        tpu.enqueue_dma source(%dma_start3A_280 : memref<128x32xf32, #tpu.memory_space<vmem_shared>>) target(%arg18 : memref<128x32xf32, #tpu.memory_space<vmem>>) target_semaphore(%run_scoped3A : memref<!tpu.dma_semaphore, #tpu.memory_space<semaphore_mem>>)
        %dma_wait3A = arith.constant 0 : i32
        %dma_wait3A_281 = tpu.memref_slice %arg9[%mul3A_274, %dma_wait3A] : memref<50048x32xf32, #tpu.memory_space<vmem_shared>> -> memref<128x32xf32, #tpu.memory_space<vmem_shared>>
        %dma_wait3A_282 = arith.constant 0 : i32
        %dma_wait3A_283 = tpu.memref_slice %arg9[%mul3A_274, %dma_wait3A_282] : memref<50048x32xf32, #tpu.memory_space<vmem_shared>> -> memref<128x32xf32, #tpu.memory_space<vmem_shared>>
        tpu.wait_dma2 semaphore(%run_scoped3A : memref<!tpu.dma_semaphore, #tpu.memory_space<semaphore_mem>>) src(%dma_wait3A_283 : memref<128x32xf32, #tpu.memory_space<vmem_shared>>) dst(%arg18 : memref<128x32xf32, #tpu.memory_space<vmem>>)
        tpu.yield
      }) : () -> ()
      %mul3A_275 = arith.constant 50000 : i32
      %mul3A_276 = arith.muli %arg0, %mul3A_275 : i32
      %add3A_277 = arith.addi %mul3A_276, %mul3A_274 : i32
      "tpu.region"() ({
        %run_scoped3A = tpu.sem_alloc : memref<!tpu.dma_semaphore, #tpu.memory_space<semaphore_mem>>
        %dma_start3A = arith.constant 0 : i32
        %dma_start3A_278 = tpu.memref_slice %arg7[%add3A_277, %dma_start3A] : memref<100000x32xf32, #tpu.memory_space<hbm>> -> memref<128x32xf32, #tpu.memory_space<hbm>>
        %dma_start3A_279 = arith.constant 0 : i32
        %dma_start3A_280 = tpu.memref_slice %arg7[%add3A_277, %dma_start3A_279] : memref<100000x32xf32, #tpu.memory_space<hbm>> -> memref<128x32xf32, #tpu.memory_space<hbm>>
        tpu.enqueue_dma source(%arg18 : memref<128x32xf32, #tpu.memory_space<vmem>>) target(%dma_start3A_280 : memref<128x32xf32, #tpu.memory_space<hbm>>) target_semaphore(%run_scoped3A : memref<!tpu.dma_semaphore, #tpu.memory_space<semaphore_mem>>)
        %dma_wait3A = arith.constant 0 : i32
        %dma_wait3A_281 = tpu.memref_slice %arg7[%add3A_277, %dma_wait3A] : memref<100000x32xf32, #tpu.memory_space<hbm>> -> memref<128x32xf32, #tpu.memory_space<hbm>>
        %dma_wait3A_282 = arith.constant 0 : i32
        %dma_wait3A_283 = tpu.memref_slice %arg7[%add3A_277, %dma_wait3A_282] : memref<100000x32xf32, #tpu.memory_space<hbm>> -> memref<128x32xf32, #tpu.memory_space<hbm>>
        tpu.wait_dma2 semaphore(%run_scoped3A : memref<!tpu.dma_semaphore, #tpu.memory_space<semaphore_mem>>) src(%arg18 : memref<128x32xf32, #tpu.memory_space<vmem>>) dst(%dma_wait3A_283 : memref<128x32xf32, #tpu.memory_space<hbm>>)
        tpu.yield
      }) : () -> ()
    } else {
    }
    %add3A_108 = arith.constant 160 : i32
    %add3A_109 = arith.addi %arg1, %add3A_108 : i32
    %lt3A_110 = arith.constant 390 : i32
    %lt3A_111 = arith.cmpi slt, %add3A_109, %lt3A_110 : i32
    %convert_element_type3A_112 = arith.extui %lt3A_111 : i1 to i32
    %cond3A_113 = arith.constant 0 : i32
    %cond3A_114 = arith.cmpi ne, %convert_element_type3A_112, %cond3A_113 : i32
    scf.if %cond3A_114 {
      %mul3A_273 = arith.constant 128 : i32
      %mul3A_274 = arith.muli %add3A_109, %mul3A_273 : i32
      "tpu.region"() ({
        %run_scoped3A = tpu.sem_alloc : memref<!tpu.dma_semaphore, #tpu.memory_space<semaphore_mem>>
        %dma_start3A = arith.constant 0 : i32
        %dma_start3A_278 = tpu.memref_slice %arg9[%mul3A_274, %dma_start3A] : memref<50048x32xf32, #tpu.memory_space<vmem_shared>> -> memref<128x32xf32, #tpu.memory_space<vmem_shared>>
        %dma_start3A_279 = arith.constant 0 : i32
        %dma_start3A_280 = tpu.memref_slice %arg9[%mul3A_274, %dma_start3A_279] : memref<50048x32xf32, #tpu.memory_space<vmem_shared>> -> memref<128x32xf32, #tpu.memory_space<vmem_shared>>
        tpu.enqueue_dma source(%dma_start3A_280 : memref<128x32xf32, #tpu.memory_space<vmem_shared>>) target(%arg18 : memref<128x32xf32, #tpu.memory_space<vmem>>) target_semaphore(%run_scoped3A : memref<!tpu.dma_semaphore, #tpu.memory_space<semaphore_mem>>)
        %dma_wait3A = arith.constant 0 : i32
        %dma_wait3A_281 = tpu.memref_slice %arg9[%mul3A_274, %dma_wait3A] : memref<50048x32xf32, #tpu.memory_space<vmem_shared>> -> memref<128x32xf32, #tpu.memory_space<vmem_shared>>
        %dma_wait3A_282 = arith.constant 0 : i32
        %dma_wait3A_283 = tpu.memref_slice %arg9[%mul3A_274, %dma_wait3A_282] : memref<50048x32xf32, #tpu.memory_space<vmem_shared>> -> memref<128x32xf32, #tpu.memory_space<vmem_shared>>
        tpu.wait_dma2 semaphore(%run_scoped3A : memref<!tpu.dma_semaphore, #tpu.memory_space<semaphore_mem>>) src(%dma_wait3A_283 : memref<128x32xf32, #tpu.memory_space<vmem_shared>>) dst(%arg18 : memref<128x32xf32, #tpu.memory_space<vmem>>)
        tpu.yield
      }) : () -> ()
      %mul3A_275 = arith.constant 50000 : i32
      %mul3A_276 = arith.muli %arg0, %mul3A_275 : i32
      %add3A_277 = arith.addi %mul3A_276, %mul3A_274 : i32
      "tpu.region"() ({
        %run_scoped3A = tpu.sem_alloc : memref<!tpu.dma_semaphore, #tpu.memory_space<semaphore_mem>>
        %dma_start3A = arith.constant 0 : i32
        %dma_start3A_278 = tpu.memref_slice %arg7[%add3A_277, %dma_start3A] : memref<100000x32xf32, #tpu.memory_space<hbm>> -> memref<128x32xf32, #tpu.memory_space<hbm>>
        %dma_start3A_279 = arith.constant 0 : i32
        %dma_start3A_280 = tpu.memref_slice %arg7[%add3A_277, %dma_start3A_279] : memref<100000x32xf32, #tpu.memory_space<hbm>> -> memref<128x32xf32, #tpu.memory_space<hbm>>
        tpu.enqueue_dma source(%arg18 : memref<128x32xf32, #tpu.memory_space<vmem>>) target(%dma_start3A_280 : memref<128x32xf32, #tpu.memory_space<hbm>>) target_semaphore(%run_scoped3A : memref<!tpu.dma_semaphore, #tpu.memory_space<semaphore_mem>>)
        %dma_wait3A = arith.constant 0 : i32
        %dma_wait3A_281 = tpu.memref_slice %arg7[%add3A_277, %dma_wait3A] : memref<100000x32xf32, #tpu.memory_space<hbm>> -> memref<128x32xf32, #tpu.memory_space<hbm>>
        %dma_wait3A_282 = arith.constant 0 : i32
        %dma_wait3A_283 = tpu.memref_slice %arg7[%add3A_277, %dma_wait3A_282] : memref<100000x32xf32, #tpu.memory_space<hbm>> -> memref<128x32xf32, #tpu.memory_space<hbm>>
        tpu.wait_dma2 semaphore(%run_scoped3A : memref<!tpu.dma_semaphore, #tpu.memory_space<semaphore_mem>>) src(%arg18 : memref<128x32xf32, #tpu.memory_space<vmem>>) dst(%dma_wait3A_283 : memref<128x32xf32, #tpu.memory_space<hbm>>)
        tpu.yield
      }) : () -> ()
    } else {
    }
    %add3A_115 = arith.constant 176 : i32
    %add3A_116 = arith.addi %arg1, %add3A_115 : i32
    %lt3A_117 = arith.constant 390 : i32
    %lt3A_118 = arith.cmpi slt, %add3A_116, %lt3A_117 : i32
    %convert_element_type3A_119 = arith.extui %lt3A_118 : i1 to i32
    %cond3A_120 = arith.constant 0 : i32
    %cond3A_121 = arith.cmpi ne, %convert_element_type3A_119, %cond3A_120 : i32
    scf.if %cond3A_121 {
      %mul3A_273 = arith.constant 128 : i32
      %mul3A_274 = arith.muli %add3A_116, %mul3A_273 : i32
      "tpu.region"() ({
        %run_scoped3A = tpu.sem_alloc : memref<!tpu.dma_semaphore, #tpu.memory_space<semaphore_mem>>
        %dma_start3A = arith.constant 0 : i32
        %dma_start3A_278 = tpu.memref_slice %arg9[%mul3A_274, %dma_start3A] : memref<50048x32xf32, #tpu.memory_space<vmem_shared>> -> memref<128x32xf32, #tpu.memory_space<vmem_shared>>
        %dma_start3A_279 = arith.constant 0 : i32
        %dma_start3A_280 = tpu.memref_slice %arg9[%mul3A_274, %dma_start3A_279] : memref<50048x32xf32, #tpu.memory_space<vmem_shared>> -> memref<128x32xf32, #tpu.memory_space<vmem_shared>>
        tpu.enqueue_dma source(%dma_start3A_280 : memref<128x32xf32, #tpu.memory_space<vmem_shared>>) target(%arg18 : memref<128x32xf32, #tpu.memory_space<vmem>>) target_semaphore(%run_scoped3A : memref<!tpu.dma_semaphore, #tpu.memory_space<semaphore_mem>>)
        %dma_wait3A = arith.constant 0 : i32
        %dma_wait3A_281 = tpu.memref_slice %arg9[%mul3A_274, %dma_wait3A] : memref<50048x32xf32, #tpu.memory_space<vmem_shared>> -> memref<128x32xf32, #tpu.memory_space<vmem_shared>>
        %dma_wait3A_282 = arith.constant 0 : i32
        %dma_wait3A_283 = tpu.memref_slice %arg9[%mul3A_274, %dma_wait3A_282] : memref<50048x32xf32, #tpu.memory_space<vmem_shared>> -> memref<128x32xf32, #tpu.memory_space<vmem_shared>>
        tpu.wait_dma2 semaphore(%run_scoped3A : memref<!tpu.dma_semaphore, #tpu.memory_space<semaphore_mem>>) src(%dma_wait3A_283 : memref<128x32xf32, #tpu.memory_space<vmem_shared>>) dst(%arg18 : memref<128x32xf32, #tpu.memory_space<vmem>>)
        tpu.yield
      }) : () -> ()
      %mul3A_275 = arith.constant 50000 : i32
      %mul3A_276 = arith.muli %arg0, %mul3A_275 : i32
      %add3A_277 = arith.addi %mul3A_276, %mul3A_274 : i32
      "tpu.region"() ({
        %run_scoped3A = tpu.sem_alloc : memref<!tpu.dma_semaphore, #tpu.memory_space<semaphore_mem>>
        %dma_start3A = arith.constant 0 : i32
        %dma_start3A_278 = tpu.memref_slice %arg7[%add3A_277, %dma_start3A] : memref<100000x32xf32, #tpu.memory_space<hbm>> -> memref<128x32xf32, #tpu.memory_space<hbm>>
        %dma_start3A_279 = arith.constant 0 : i32
        %dma_start3A_280 = tpu.memref_slice %arg7[%add3A_277, %dma_start3A_279] : memref<100000x32xf32, #tpu.memory_space<hbm>> -> memref<128x32xf32, #tpu.memory_space<hbm>>
        tpu.enqueue_dma source(%arg18 : memref<128x32xf32, #tpu.memory_space<vmem>>) target(%dma_start3A_280 : memref<128x32xf32, #tpu.memory_space<hbm>>) target_semaphore(%run_scoped3A : memref<!tpu.dma_semaphore, #tpu.memory_space<semaphore_mem>>)
        %dma_wait3A = arith.constant 0 : i32
        %dma_wait3A_281 = tpu.memref_slice %arg7[%add3A_277, %dma_wait3A] : memref<100000x32xf32, #tpu.memory_space<hbm>> -> memref<128x32xf32, #tpu.memory_space<hbm>>
        %dma_wait3A_282 = arith.constant 0 : i32
        %dma_wait3A_283 = tpu.memref_slice %arg7[%add3A_277, %dma_wait3A_282] : memref<100000x32xf32, #tpu.memory_space<hbm>> -> memref<128x32xf32, #tpu.memory_space<hbm>>
        tpu.wait_dma2 semaphore(%run_scoped3A : memref<!tpu.dma_semaphore, #tpu.memory_space<semaphore_mem>>) src(%arg18 : memref<128x32xf32, #tpu.memory_space<vmem>>) dst(%dma_wait3A_283 : memref<128x32xf32, #tpu.memory_space<hbm>>)
        tpu.yield
      }) : () -> ()
    } else {
    }
    %add3A_122 = arith.constant 192 : i32
    %add3A_123 = arith.addi %arg1, %add3A_122 : i32
    %lt3A_124 = arith.constant 390 : i32
    %lt3A_125 = arith.cmpi slt, %add3A_123, %lt3A_124 : i32
    %convert_element_type3A_126 = arith.extui %lt3A_125 : i1 to i32
    %cond3A_127 = arith.constant 0 : i32
    %cond3A_128 = arith.cmpi ne, %convert_element_type3A_126, %cond3A_127 : i32
    scf.if %cond3A_128 {
      %mul3A_273 = arith.constant 128 : i32
      %mul3A_274 = arith.muli %add3A_123, %mul3A_273 : i32
      "tpu.region"() ({
        %run_scoped3A = tpu.sem_alloc : memref<!tpu.dma_semaphore, #tpu.memory_space<semaphore_mem>>
        %dma_start3A = arith.constant 0 : i32
        %dma_start3A_278 = tpu.memref_slice %arg9[%mul3A_274, %dma_start3A] : memref<50048x32xf32, #tpu.memory_space<vmem_shared>> -> memref<128x32xf32, #tpu.memory_space<vmem_shared>>
        %dma_start3A_279 = arith.constant 0 : i32
        %dma_start3A_280 = tpu.memref_slice %arg9[%mul3A_274, %dma_start3A_279] : memref<50048x32xf32, #tpu.memory_space<vmem_shared>> -> memref<128x32xf32, #tpu.memory_space<vmem_shared>>
        tpu.enqueue_dma source(%dma_start3A_280 : memref<128x32xf32, #tpu.memory_space<vmem_shared>>) target(%arg18 : memref<128x32xf32, #tpu.memory_space<vmem>>) target_semaphore(%run_scoped3A : memref<!tpu.dma_semaphore, #tpu.memory_space<semaphore_mem>>)
        %dma_wait3A = arith.constant 0 : i32
        %dma_wait3A_281 = tpu.memref_slice %arg9[%mul3A_274, %dma_wait3A] : memref<50048x32xf32, #tpu.memory_space<vmem_shared>> -> memref<128x32xf32, #tpu.memory_space<vmem_shared>>
        %dma_wait3A_282 = arith.constant 0 : i32
        %dma_wait3A_283 = tpu.memref_slice %arg9[%mul3A_274, %dma_wait3A_282] : memref<50048x32xf32, #tpu.memory_space<vmem_shared>> -> memref<128x32xf32, #tpu.memory_space<vmem_shared>>
        tpu.wait_dma2 semaphore(%run_scoped3A : memref<!tpu.dma_semaphore, #tpu.memory_space<semaphore_mem>>) src(%dma_wait3A_283 : memref<128x32xf32, #tpu.memory_space<vmem_shared>>) dst(%arg18 : memref<128x32xf32, #tpu.memory_space<vmem>>)
        tpu.yield
      }) : () -> ()
      %mul3A_275 = arith.constant 50000 : i32
      %mul3A_276 = arith.muli %arg0, %mul3A_275 : i32
      %add3A_277 = arith.addi %mul3A_276, %mul3A_274 : i32
      "tpu.region"() ({
        %run_scoped3A = tpu.sem_alloc : memref<!tpu.dma_semaphore, #tpu.memory_space<semaphore_mem>>
        %dma_start3A = arith.constant 0 : i32
        %dma_start3A_278 = tpu.memref_slice %arg7[%add3A_277, %dma_start3A] : memref<100000x32xf32, #tpu.memory_space<hbm>> -> memref<128x32xf32, #tpu.memory_space<hbm>>
        %dma_start3A_279 = arith.constant 0 : i32
        %dma_start3A_280 = tpu.memref_slice %arg7[%add3A_277, %dma_start3A_279] : memref<100000x32xf32, #tpu.memory_space<hbm>> -> memref<128x32xf32, #tpu.memory_space<hbm>>
        tpu.enqueue_dma source(%arg18 : memref<128x32xf32, #tpu.memory_space<vmem>>) target(%dma_start3A_280 : memref<128x32xf32, #tpu.memory_space<hbm>>) target_semaphore(%run_scoped3A : memref<!tpu.dma_semaphore, #tpu.memory_space<semaphore_mem>>)
        %dma_wait3A = arith.constant 0 : i32
        %dma_wait3A_281 = tpu.memref_slice %arg7[%add3A_277, %dma_wait3A] : memref<100000x32xf32, #tpu.memory_space<hbm>> -> memref<128x32xf32, #tpu.memory_space<hbm>>
        %dma_wait3A_282 = arith.constant 0 : i32
        %dma_wait3A_283 = tpu.memref_slice %arg7[%add3A_277, %dma_wait3A_282] : memref<100000x32xf32, #tpu.memory_space<hbm>> -> memref<128x32xf32, #tpu.memory_space<hbm>>
        tpu.wait_dma2 semaphore(%run_scoped3A : memref<!tpu.dma_semaphore, #tpu.memory_space<semaphore_mem>>) src(%arg18 : memref<128x32xf32, #tpu.memory_space<vmem>>) dst(%dma_wait3A_283 : memref<128x32xf32, #tpu.memory_space<hbm>>)
        tpu.yield
      }) : () -> ()
    } else {
    }
    %add3A_129 = arith.constant 208 : i32
    %add3A_130 = arith.addi %arg1, %add3A_129 : i32
    %lt3A_131 = arith.constant 390 : i32
    %lt3A_132 = arith.cmpi slt, %add3A_130, %lt3A_131 : i32
    %convert_element_type3A_133 = arith.extui %lt3A_132 : i1 to i32
    %cond3A_134 = arith.constant 0 : i32
    %cond3A_135 = arith.cmpi ne, %convert_element_type3A_133, %cond3A_134 : i32
    scf.if %cond3A_135 {
      %mul3A_273 = arith.constant 128 : i32
      %mul3A_274 = arith.muli %add3A_130, %mul3A_273 : i32
      "tpu.region"() ({
        %run_scoped3A = tpu.sem_alloc : memref<!tpu.dma_semaphore, #tpu.memory_space<semaphore_mem>>
        %dma_start3A = arith.constant 0 : i32
        %dma_start3A_278 = tpu.memref_slice %arg9[%mul3A_274, %dma_start3A] : memref<50048x32xf32, #tpu.memory_space<vmem_shared>> -> memref<128x32xf32, #tpu.memory_space<vmem_shared>>
        %dma_start3A_279 = arith.constant 0 : i32
        %dma_start3A_280 = tpu.memref_slice %arg9[%mul3A_274, %dma_start3A_279] : memref<50048x32xf32, #tpu.memory_space<vmem_shared>> -> memref<128x32xf32, #tpu.memory_space<vmem_shared>>
        tpu.enqueue_dma source(%dma_start3A_280 : memref<128x32xf32, #tpu.memory_space<vmem_shared>>) target(%arg18 : memref<128x32xf32, #tpu.memory_space<vmem>>) target_semaphore(%run_scoped3A : memref<!tpu.dma_semaphore, #tpu.memory_space<semaphore_mem>>)
        %dma_wait3A = arith.constant 0 : i32
        %dma_wait3A_281 = tpu.memref_slice %arg9[%mul3A_274, %dma_wait3A] : memref<50048x32xf32, #tpu.memory_space<vmem_shared>> -> memref<128x32xf32, #tpu.memory_space<vmem_shared>>
        %dma_wait3A_282 = arith.constant 0 : i32
        %dma_wait3A_283 = tpu.memref_slice %arg9[%mul3A_274, %dma_wait3A_282] : memref<50048x32xf32, #tpu.memory_space<vmem_shared>> -> memref<128x32xf32, #tpu.memory_space<vmem_shared>>
        tpu.wait_dma2 semaphore(%run_scoped3A : memref<!tpu.dma_semaphore, #tpu.memory_space<semaphore_mem>>) src(%dma_wait3A_283 : memref<128x32xf32, #tpu.memory_space<vmem_shared>>) dst(%arg18 : memref<128x32xf32, #tpu.memory_space<vmem>>)
        tpu.yield
      }) : () -> ()
      %mul3A_275 = arith.constant 50000 : i32
      %mul3A_276 = arith.muli %arg0, %mul3A_275 : i32
      %add3A_277 = arith.addi %mul3A_276, %mul3A_274 : i32
      "tpu.region"() ({
        %run_scoped3A = tpu.sem_alloc : memref<!tpu.dma_semaphore, #tpu.memory_space<semaphore_mem>>
        %dma_start3A = arith.constant 0 : i32
        %dma_start3A_278 = tpu.memref_slice %arg7[%add3A_277, %dma_start3A] : memref<100000x32xf32, #tpu.memory_space<hbm>> -> memref<128x32xf32, #tpu.memory_space<hbm>>
        %dma_start3A_279 = arith.constant 0 : i32
        %dma_start3A_280 = tpu.memref_slice %arg7[%add3A_277, %dma_start3A_279] : memref<100000x32xf32, #tpu.memory_space<hbm>> -> memref<128x32xf32, #tpu.memory_space<hbm>>
        tpu.enqueue_dma source(%arg18 : memref<128x32xf32, #tpu.memory_space<vmem>>) target(%dma_start3A_280 : memref<128x32xf32, #tpu.memory_space<hbm>>) target_semaphore(%run_scoped3A : memref<!tpu.dma_semaphore, #tpu.memory_space<semaphore_mem>>)
        %dma_wait3A = arith.constant 0 : i32
        %dma_wait3A_281 = tpu.memref_slice %arg7[%add3A_277, %dma_wait3A] : memref<100000x32xf32, #tpu.memory_space<hbm>> -> memref<128x32xf32, #tpu.memory_space<hbm>>
        %dma_wait3A_282 = arith.constant 0 : i32
        %dma_wait3A_283 = tpu.memref_slice %arg7[%add3A_277, %dma_wait3A_282] : memref<100000x32xf32, #tpu.memory_space<hbm>> -> memref<128x32xf32, #tpu.memory_space<hbm>>
        tpu.wait_dma2 semaphore(%run_scoped3A : memref<!tpu.dma_semaphore, #tpu.memory_space<semaphore_mem>>) src(%arg18 : memref<128x32xf32, #tpu.memory_space<vmem>>) dst(%dma_wait3A_283 : memref<128x32xf32, #tpu.memory_space<hbm>>)
        tpu.yield
      }) : () -> ()
    } else {
    }
    %add3A_136 = arith.constant 224 : i32
    %add3A_137 = arith.addi %arg1, %add3A_136 : i32
    %lt3A_138 = arith.constant 390 : i32
    %lt3A_139 = arith.cmpi slt, %add3A_137, %lt3A_138 : i32
    %convert_element_type3A_140 = arith.extui %lt3A_139 : i1 to i32
    %cond3A_141 = arith.constant 0 : i32
    %cond3A_142 = arith.cmpi ne, %convert_element_type3A_140, %cond3A_141 : i32
    scf.if %cond3A_142 {
      %mul3A_273 = arith.constant 128 : i32
      %mul3A_274 = arith.muli %add3A_137, %mul3A_273 : i32
      "tpu.region"() ({
        %run_scoped3A = tpu.sem_alloc : memref<!tpu.dma_semaphore, #tpu.memory_space<semaphore_mem>>
        %dma_start3A = arith.constant 0 : i32
        %dma_start3A_278 = tpu.memref_slice %arg9[%mul3A_274, %dma_start3A] : memref<50048x32xf32, #tpu.memory_space<vmem_shared>> -> memref<128x32xf32, #tpu.memory_space<vmem_shared>>
        %dma_start3A_279 = arith.constant 0 : i32
        %dma_start3A_280 = tpu.memref_slice %arg9[%mul3A_274, %dma_start3A_279] : memref<50048x32xf32, #tpu.memory_space<vmem_shared>> -> memref<128x32xf32, #tpu.memory_space<vmem_shared>>
        tpu.enqueue_dma source(%dma_start3A_280 : memref<128x32xf32, #tpu.memory_space<vmem_shared>>) target(%arg18 : memref<128x32xf32, #tpu.memory_space<vmem>>) target_semaphore(%run_scoped3A : memref<!tpu.dma_semaphore, #tpu.memory_space<semaphore_mem>>)
        %dma_wait3A = arith.constant 0 : i32
        %dma_wait3A_281 = tpu.memref_slice %arg9[%mul3A_274, %dma_wait3A] : memref<50048x32xf32, #tpu.memory_space<vmem_shared>> -> memref<128x32xf32, #tpu.memory_space<vmem_shared>>
        %dma_wait3A_282 = arith.constant 0 : i32
        %dma_wait3A_283 = tpu.memref_slice %arg9[%mul3A_274, %dma_wait3A_282] : memref<50048x32xf32, #tpu.memory_space<vmem_shared>> -> memref<128x32xf32, #tpu.memory_space<vmem_shared>>
        tpu.wait_dma2 semaphore(%run_scoped3A : memref<!tpu.dma_semaphore, #tpu.memory_space<semaphore_mem>>) src(%dma_wait3A_283 : memref<128x32xf32, #tpu.memory_space<vmem_shared>>) dst(%arg18 : memref<128x32xf32, #tpu.memory_space<vmem>>)
        tpu.yield
      }) : () -> ()
      %mul3A_275 = arith.constant 50000 : i32
      %mul3A_276 = arith.muli %arg0, %mul3A_275 : i32
      %add3A_277 = arith.addi %mul3A_276, %mul3A_274 : i32
      "tpu.region"() ({
        %run_scoped3A = tpu.sem_alloc : memref<!tpu.dma_semaphore, #tpu.memory_space<semaphore_mem>>
        %dma_start3A = arith.constant 0 : i32
        %dma_start3A_278 = tpu.memref_slice %arg7[%add3A_277, %dma_start3A] : memref<100000x32xf32, #tpu.memory_space<hbm>> -> memref<128x32xf32, #tpu.memory_space<hbm>>
        %dma_start3A_279 = arith.constant 0 : i32
        %dma_start3A_280 = tpu.memref_slice %arg7[%add3A_277, %dma_start3A_279] : memref<100000x32xf32, #tpu.memory_space<hbm>> -> memref<128x32xf32, #tpu.memory_space<hbm>>
        tpu.enqueue_dma source(%arg18 : memref<128x32xf32, #tpu.memory_space<vmem>>) target(%dma_start3A_280 : memref<128x32xf32, #tpu.memory_space<hbm>>) target_semaphore(%run_scoped3A : memref<!tpu.dma_semaphore, #tpu.memory_space<semaphore_mem>>)
        %dma_wait3A = arith.constant 0 : i32
        %dma_wait3A_281 = tpu.memref_slice %arg7[%add3A_277, %dma_wait3A] : memref<100000x32xf32, #tpu.memory_space<hbm>> -> memref<128x32xf32, #tpu.memory_space<hbm>>
        %dma_wait3A_282 = arith.constant 0 : i32
        %dma_wait3A_283 = tpu.memref_slice %arg7[%add3A_277, %dma_wait3A_282] : memref<100000x32xf32, #tpu.memory_space<hbm>> -> memref<128x32xf32, #tpu.memory_space<hbm>>
        tpu.wait_dma2 semaphore(%run_scoped3A : memref<!tpu.dma_semaphore, #tpu.memory_space<semaphore_mem>>) src(%arg18 : memref<128x32xf32, #tpu.memory_space<vmem>>) dst(%dma_wait3A_283 : memref<128x32xf32, #tpu.memory_space<hbm>>)
        tpu.yield
      }) : () -> ()
    } else {
    }
    %add3A_143 = arith.constant 240 : i32
    %add3A_144 = arith.addi %arg1, %add3A_143 : i32
    %lt3A_145 = arith.constant 390 : i32
    %lt3A_146 = arith.cmpi slt, %add3A_144, %lt3A_145 : i32
    %convert_element_type3A_147 = arith.extui %lt3A_146 : i1 to i32
    %cond3A_148 = arith.constant 0 : i32
    %cond3A_149 = arith.cmpi ne, %convert_element_type3A_147, %cond3A_148 : i32
    scf.if %cond3A_149 {
      %mul3A_273 = arith.constant 128 : i32
      %mul3A_274 = arith.muli %add3A_144, %mul3A_273 : i32
      "tpu.region"() ({
        %run_scoped3A = tpu.sem_alloc : memref<!tpu.dma_semaphore, #tpu.memory_space<semaphore_mem>>
        %dma_start3A = arith.constant 0 : i32
        %dma_start3A_278 = tpu.memref_slice %arg9[%mul3A_274, %dma_start3A] : memref<50048x32xf32, #tpu.memory_space<vmem_shared>> -> memref<128x32xf32, #tpu.memory_space<vmem_shared>>
        %dma_start3A_279 = arith.constant 0 : i32
        %dma_start3A_280 = tpu.memref_slice %arg9[%mul3A_274, %dma_start3A_279] : memref<50048x32xf32, #tpu.memory_space<vmem_shared>> -> memref<128x32xf32, #tpu.memory_space<vmem_shared>>
        tpu.enqueue_dma source(%dma_start3A_280 : memref<128x32xf32, #tpu.memory_space<vmem_shared>>) target(%arg18 : memref<128x32xf32, #tpu.memory_space<vmem>>) target_semaphore(%run_scoped3A : memref<!tpu.dma_semaphore, #tpu.memory_space<semaphore_mem>>)
        %dma_wait3A = arith.constant 0 : i32
        %dma_wait3A_281 = tpu.memref_slice %arg9[%mul3A_274, %dma_wait3A] : memref<50048x32xf32, #tpu.memory_space<vmem_shared>> -> memref<128x32xf32, #tpu.memory_space<vmem_shared>>
        %dma_wait3A_282 = arith.constant 0 : i32
        %dma_wait3A_283 = tpu.memref_slice %arg9[%mul3A_274, %dma_wait3A_282] : memref<50048x32xf32, #tpu.memory_space<vmem_shared>> -> memref<128x32xf32, #tpu.memory_space<vmem_shared>>
        tpu.wait_dma2 semaphore(%run_scoped3A : memref<!tpu.dma_semaphore, #tpu.memory_space<semaphore_mem>>) src(%dma_wait3A_283 : memref<128x32xf32, #tpu.memory_space<vmem_shared>>) dst(%arg18 : memref<128x32xf32, #tpu.memory_space<vmem>>)
        tpu.yield
      }) : () -> ()
      %mul3A_275 = arith.constant 50000 : i32
      %mul3A_276 = arith.muli %arg0, %mul3A_275 : i32
      %add3A_277 = arith.addi %mul3A_276, %mul3A_274 : i32
      "tpu.region"() ({
        %run_scoped3A = tpu.sem_alloc : memref<!tpu.dma_semaphore, #tpu.memory_space<semaphore_mem>>
        %dma_start3A = arith.constant 0 : i32
        %dma_start3A_278 = tpu.memref_slice %arg7[%add3A_277, %dma_start3A] : memref<100000x32xf32, #tpu.memory_space<hbm>> -> memref<128x32xf32, #tpu.memory_space<hbm>>
        %dma_start3A_279 = arith.constant 0 : i32
        %dma_start3A_280 = tpu.memref_slice %arg7[%add3A_277, %dma_start3A_279] : memref<100000x32xf32, #tpu.memory_space<hbm>> -> memref<128x32xf32, #tpu.memory_space<hbm>>
        tpu.enqueue_dma source(%arg18 : memref<128x32xf32, #tpu.memory_space<vmem>>) target(%dma_start3A_280 : memref<128x32xf32, #tpu.memory_space<hbm>>) target_semaphore(%run_scoped3A : memref<!tpu.dma_semaphore, #tpu.memory_space<semaphore_mem>>)
        %dma_wait3A = arith.constant 0 : i32
        %dma_wait3A_281 = tpu.memref_slice %arg7[%add3A_277, %dma_wait3A] : memref<100000x32xf32, #tpu.memory_space<hbm>> -> memref<128x32xf32, #tpu.memory_space<hbm>>
        %dma_wait3A_282 = arith.constant 0 : i32
        %dma_wait3A_283 = tpu.memref_slice %arg7[%add3A_277, %dma_wait3A_282] : memref<100000x32xf32, #tpu.memory_space<hbm>> -> memref<128x32xf32, #tpu.memory_space<hbm>>
        tpu.wait_dma2 semaphore(%run_scoped3A : memref<!tpu.dma_semaphore, #tpu.memory_space<semaphore_mem>>) src(%arg18 : memref<128x32xf32, #tpu.memory_space<vmem>>) dst(%dma_wait3A_283 : memref<128x32xf32, #tpu.memory_space<hbm>>)
        tpu.yield
      }) : () -> ()
    } else {
    }
    %add3A_150 = arith.constant 256 : i32
    %add3A_151 = arith.addi %arg1, %add3A_150 : i32
    %lt3A_152 = arith.constant 390 : i32
    %lt3A_153 = arith.cmpi slt, %add3A_151, %lt3A_152 : i32
    %convert_element_type3A_154 = arith.extui %lt3A_153 : i1 to i32
    %cond3A_155 = arith.constant 0 : i32
    %cond3A_156 = arith.cmpi ne, %convert_element_type3A_154, %cond3A_155 : i32
    scf.if %cond3A_156 {
      %mul3A_273 = arith.constant 128 : i32
      %mul3A_274 = arith.muli %add3A_151, %mul3A_273 : i32
      "tpu.region"() ({
        %run_scoped3A = tpu.sem_alloc : memref<!tpu.dma_semaphore, #tpu.memory_space<semaphore_mem>>
        %dma_start3A = arith.constant 0 : i32
        %dma_start3A_278 = tpu.memref_slice %arg9[%mul3A_274, %dma_start3A] : memref<50048x32xf32, #tpu.memory_space<vmem_shared>> -> memref<128x32xf32, #tpu.memory_space<vmem_shared>>
        %dma_start3A_279 = arith.constant 0 : i32
        %dma_start3A_280 = tpu.memref_slice %arg9[%mul3A_274, %dma_start3A_279] : memref<50048x32xf32, #tpu.memory_space<vmem_shared>> -> memref<128x32xf32, #tpu.memory_space<vmem_shared>>
        tpu.enqueue_dma source(%dma_start3A_280 : memref<128x32xf32, #tpu.memory_space<vmem_shared>>) target(%arg18 : memref<128x32xf32, #tpu.memory_space<vmem>>) target_semaphore(%run_scoped3A : memref<!tpu.dma_semaphore, #tpu.memory_space<semaphore_mem>>)
        %dma_wait3A = arith.constant 0 : i32
        %dma_wait3A_281 = tpu.memref_slice %arg9[%mul3A_274, %dma_wait3A] : memref<50048x32xf32, #tpu.memory_space<vmem_shared>> -> memref<128x32xf32, #tpu.memory_space<vmem_shared>>
        %dma_wait3A_282 = arith.constant 0 : i32
        %dma_wait3A_283 = tpu.memref_slice %arg9[%mul3A_274, %dma_wait3A_282] : memref<50048x32xf32, #tpu.memory_space<vmem_shared>> -> memref<128x32xf32, #tpu.memory_space<vmem_shared>>
        tpu.wait_dma2 semaphore(%run_scoped3A : memref<!tpu.dma_semaphore, #tpu.memory_space<semaphore_mem>>) src(%dma_wait3A_283 : memref<128x32xf32, #tpu.memory_space<vmem_shared>>) dst(%arg18 : memref<128x32xf32, #tpu.memory_space<vmem>>)
        tpu.yield
      }) : () -> ()
      %mul3A_275 = arith.constant 50000 : i32
      %mul3A_276 = arith.muli %arg0, %mul3A_275 : i32
      %add3A_277 = arith.addi %mul3A_276, %mul3A_274 : i32
      "tpu.region"() ({
        %run_scoped3A = tpu.sem_alloc : memref<!tpu.dma_semaphore, #tpu.memory_space<semaphore_mem>>
        %dma_start3A = arith.constant 0 : i32
        %dma_start3A_278 = tpu.memref_slice %arg7[%add3A_277, %dma_start3A] : memref<100000x32xf32, #tpu.memory_space<hbm>> -> memref<128x32xf32, #tpu.memory_space<hbm>>
        %dma_start3A_279 = arith.constant 0 : i32
        %dma_start3A_280 = tpu.memref_slice %arg7[%add3A_277, %dma_start3A_279] : memref<100000x32xf32, #tpu.memory_space<hbm>> -> memref<128x32xf32, #tpu.memory_space<hbm>>
        tpu.enqueue_dma source(%arg18 : memref<128x32xf32, #tpu.memory_space<vmem>>) target(%dma_start3A_280 : memref<128x32xf32, #tpu.memory_space<hbm>>) target_semaphore(%run_scoped3A : memref<!tpu.dma_semaphore, #tpu.memory_space<semaphore_mem>>)
        %dma_wait3A = arith.constant 0 : i32
        %dma_wait3A_281 = tpu.memref_slice %arg7[%add3A_277, %dma_wait3A] : memref<100000x32xf32, #tpu.memory_space<hbm>> -> memref<128x32xf32, #tpu.memory_space<hbm>>
        %dma_wait3A_282 = arith.constant 0 : i32
        %dma_wait3A_283 = tpu.memref_slice %arg7[%add3A_277, %dma_wait3A_282] : memref<100000x32xf32, #tpu.memory_space<hbm>> -> memref<128x32xf32, #tpu.memory_space<hbm>>
        tpu.wait_dma2 semaphore(%run_scoped3A : memref<!tpu.dma_semaphore, #tpu.memory_space<semaphore_mem>>) src(%arg18 : memref<128x32xf32, #tpu.memory_space<vmem>>) dst(%dma_wait3A_283 : memref<128x32xf32, #tpu.memory_space<hbm>>)
        tpu.yield
      }) : () -> ()
    } else {
    }
    %add3A_157 = arith.constant 272 : i32
    %add3A_158 = arith.addi %arg1, %add3A_157 : i32
    %lt3A_159 = arith.constant 390 : i32
    %lt3A_160 = arith.cmpi slt, %add3A_158, %lt3A_159 : i32
    %convert_element_type3A_161 = arith.extui %lt3A_160 : i1 to i32
    %cond3A_162 = arith.constant 0 : i32
    %cond3A_163 = arith.cmpi ne, %convert_element_type3A_161, %cond3A_162 : i32
    scf.if %cond3A_163 {
      %mul3A_273 = arith.constant 128 : i32
      %mul3A_274 = arith.muli %add3A_158, %mul3A_273 : i32
      "tpu.region"() ({
        %run_scoped3A = tpu.sem_alloc : memref<!tpu.dma_semaphore, #tpu.memory_space<semaphore_mem>>
        %dma_start3A = arith.constant 0 : i32
        %dma_start3A_278 = tpu.memref_slice %arg9[%mul3A_274, %dma_start3A] : memref<50048x32xf32, #tpu.memory_space<vmem_shared>> -> memref<128x32xf32, #tpu.memory_space<vmem_shared>>
        %dma_start3A_279 = arith.constant 0 : i32
        %dma_start3A_280 = tpu.memref_slice %arg9[%mul3A_274, %dma_start3A_279] : memref<50048x32xf32, #tpu.memory_space<vmem_shared>> -> memref<128x32xf32, #tpu.memory_space<vmem_shared>>
        tpu.enqueue_dma source(%dma_start3A_280 : memref<128x32xf32, #tpu.memory_space<vmem_shared>>) target(%arg18 : memref<128x32xf32, #tpu.memory_space<vmem>>) target_semaphore(%run_scoped3A : memref<!tpu.dma_semaphore, #tpu.memory_space<semaphore_mem>>)
        %dma_wait3A = arith.constant 0 : i32
        %dma_wait3A_281 = tpu.memref_slice %arg9[%mul3A_274, %dma_wait3A] : memref<50048x32xf32, #tpu.memory_space<vmem_shared>> -> memref<128x32xf32, #tpu.memory_space<vmem_shared>>
        %dma_wait3A_282 = arith.constant 0 : i32
        %dma_wait3A_283 = tpu.memref_slice %arg9[%mul3A_274, %dma_wait3A_282] : memref<50048x32xf32, #tpu.memory_space<vmem_shared>> -> memref<128x32xf32, #tpu.memory_space<vmem_shared>>
        tpu.wait_dma2 semaphore(%run_scoped3A : memref<!tpu.dma_semaphore, #tpu.memory_space<semaphore_mem>>) src(%dma_wait3A_283 : memref<128x32xf32, #tpu.memory_space<vmem_shared>>) dst(%arg18 : memref<128x32xf32, #tpu.memory_space<vmem>>)
        tpu.yield
      }) : () -> ()
      %mul3A_275 = arith.constant 50000 : i32
      %mul3A_276 = arith.muli %arg0, %mul3A_275 : i32
      %add3A_277 = arith.addi %mul3A_276, %mul3A_274 : i32
      "tpu.region"() ({
        %run_scoped3A = tpu.sem_alloc : memref<!tpu.dma_semaphore, #tpu.memory_space<semaphore_mem>>
        %dma_start3A = arith.constant 0 : i32
        %dma_start3A_278 = tpu.memref_slice %arg7[%add3A_277, %dma_start3A] : memref<100000x32xf32, #tpu.memory_space<hbm>> -> memref<128x32xf32, #tpu.memory_space<hbm>>
        %dma_start3A_279 = arith.constant 0 : i32
        %dma_start3A_280 = tpu.memref_slice %arg7[%add3A_277, %dma_start3A_279] : memref<100000x32xf32, #tpu.memory_space<hbm>> -> memref<128x32xf32, #tpu.memory_space<hbm>>
        tpu.enqueue_dma source(%arg18 : memref<128x32xf32, #tpu.memory_space<vmem>>) target(%dma_start3A_280 : memref<128x32xf32, #tpu.memory_space<hbm>>) target_semaphore(%run_scoped3A : memref<!tpu.dma_semaphore, #tpu.memory_space<semaphore_mem>>)
        %dma_wait3A = arith.constant 0 : i32
        %dma_wait3A_281 = tpu.memref_slice %arg7[%add3A_277, %dma_wait3A] : memref<100000x32xf32, #tpu.memory_space<hbm>> -> memref<128x32xf32, #tpu.memory_space<hbm>>
        %dma_wait3A_282 = arith.constant 0 : i32
        %dma_wait3A_283 = tpu.memref_slice %arg7[%add3A_277, %dma_wait3A_282] : memref<100000x32xf32, #tpu.memory_space<hbm>> -> memref<128x32xf32, #tpu.memory_space<hbm>>
        tpu.wait_dma2 semaphore(%run_scoped3A : memref<!tpu.dma_semaphore, #tpu.memory_space<semaphore_mem>>) src(%arg18 : memref<128x32xf32, #tpu.memory_space<vmem>>) dst(%dma_wait3A_283 : memref<128x32xf32, #tpu.memory_space<hbm>>)
        tpu.yield
      }) : () -> ()
    } else {
    }
    %add3A_164 = arith.constant 288 : i32
    %add3A_165 = arith.addi %arg1, %add3A_164 : i32
    %lt3A_166 = arith.constant 390 : i32
    %lt3A_167 = arith.cmpi slt, %add3A_165, %lt3A_166 : i32
    %convert_element_type3A_168 = arith.extui %lt3A_167 : i1 to i32
    %cond3A_169 = arith.constant 0 : i32
    %cond3A_170 = arith.cmpi ne, %convert_element_type3A_168, %cond3A_169 : i32
    scf.if %cond3A_170 {
      %mul3A_273 = arith.constant 128 : i32
      %mul3A_274 = arith.muli %add3A_165, %mul3A_273 : i32
      "tpu.region"() ({
        %run_scoped3A = tpu.sem_alloc : memref<!tpu.dma_semaphore, #tpu.memory_space<semaphore_mem>>
        %dma_start3A = arith.constant 0 : i32
        %dma_start3A_278 = tpu.memref_slice %arg9[%mul3A_274, %dma_start3A] : memref<50048x32xf32, #tpu.memory_space<vmem_shared>> -> memref<128x32xf32, #tpu.memory_space<vmem_shared>>
        %dma_start3A_279 = arith.constant 0 : i32
        %dma_start3A_280 = tpu.memref_slice %arg9[%mul3A_274, %dma_start3A_279] : memref<50048x32xf32, #tpu.memory_space<vmem_shared>> -> memref<128x32xf32, #tpu.memory_space<vmem_shared>>
        tpu.enqueue_dma source(%dma_start3A_280 : memref<128x32xf32, #tpu.memory_space<vmem_shared>>) target(%arg18 : memref<128x32xf32, #tpu.memory_space<vmem>>) target_semaphore(%run_scoped3A : memref<!tpu.dma_semaphore, #tpu.memory_space<semaphore_mem>>)
        %dma_wait3A = arith.constant 0 : i32
        %dma_wait3A_281 = tpu.memref_slice %arg9[%mul3A_274, %dma_wait3A] : memref<50048x32xf32, #tpu.memory_space<vmem_shared>> -> memref<128x32xf32, #tpu.memory_space<vmem_shared>>
        %dma_wait3A_282 = arith.constant 0 : i32
        %dma_wait3A_283 = tpu.memref_slice %arg9[%mul3A_274, %dma_wait3A_282] : memref<50048x32xf32, #tpu.memory_space<vmem_shared>> -> memref<128x32xf32, #tpu.memory_space<vmem_shared>>
        tpu.wait_dma2 semaphore(%run_scoped3A : memref<!tpu.dma_semaphore, #tpu.memory_space<semaphore_mem>>) src(%dma_wait3A_283 : memref<128x32xf32, #tpu.memory_space<vmem_shared>>) dst(%arg18 : memref<128x32xf32, #tpu.memory_space<vmem>>)
        tpu.yield
      }) : () -> ()
      %mul3A_275 = arith.constant 50000 : i32
      %mul3A_276 = arith.muli %arg0, %mul3A_275 : i32
      %add3A_277 = arith.addi %mul3A_276, %mul3A_274 : i32
      "tpu.region"() ({
        %run_scoped3A = tpu.sem_alloc : memref<!tpu.dma_semaphore, #tpu.memory_space<semaphore_mem>>
        %dma_start3A = arith.constant 0 : i32
        %dma_start3A_278 = tpu.memref_slice %arg7[%add3A_277, %dma_start3A] : memref<100000x32xf32, #tpu.memory_space<hbm>> -> memref<128x32xf32, #tpu.memory_space<hbm>>
        %dma_start3A_279 = arith.constant 0 : i32
        %dma_start3A_280 = tpu.memref_slice %arg7[%add3A_277, %dma_start3A_279] : memref<100000x32xf32, #tpu.memory_space<hbm>> -> memref<128x32xf32, #tpu.memory_space<hbm>>
        tpu.enqueue_dma source(%arg18 : memref<128x32xf32, #tpu.memory_space<vmem>>) target(%dma_start3A_280 : memref<128x32xf32, #tpu.memory_space<hbm>>) target_semaphore(%run_scoped3A : memref<!tpu.dma_semaphore, #tpu.memory_space<semaphore_mem>>)
        %dma_wait3A = arith.constant 0 : i32
        %dma_wait3A_281 = tpu.memref_slice %arg7[%add3A_277, %dma_wait3A] : memref<100000x32xf32, #tpu.memory_space<hbm>> -> memref<128x32xf32, #tpu.memory_space<hbm>>
        %dma_wait3A_282 = arith.constant 0 : i32
        %dma_wait3A_283 = tpu.memref_slice %arg7[%add3A_277, %dma_wait3A_282] : memref<100000x32xf32, #tpu.memory_space<hbm>> -> memref<128x32xf32, #tpu.memory_space<hbm>>
        tpu.wait_dma2 semaphore(%run_scoped3A : memref<!tpu.dma_semaphore, #tpu.memory_space<semaphore_mem>>) src(%arg18 : memref<128x32xf32, #tpu.memory_space<vmem>>) dst(%dma_wait3A_283 : memref<128x32xf32, #tpu.memory_space<hbm>>)
        tpu.yield
      }) : () -> ()
    } else {
    }
    %add3A_171 = arith.constant 304 : i32
    %add3A_172 = arith.addi %arg1, %add3A_171 : i32
    %lt3A_173 = arith.constant 390 : i32
    %lt3A_174 = arith.cmpi slt, %add3A_172, %lt3A_173 : i32
    %convert_element_type3A_175 = arith.extui %lt3A_174 : i1 to i32
    %cond3A_176 = arith.constant 0 : i32
    %cond3A_177 = arith.cmpi ne, %convert_element_type3A_175, %cond3A_176 : i32
    scf.if %cond3A_177 {
      %mul3A_273 = arith.constant 128 : i32
      %mul3A_274 = arith.muli %add3A_172, %mul3A_273 : i32
      "tpu.region"() ({
        %run_scoped3A = tpu.sem_alloc : memref<!tpu.dma_semaphore, #tpu.memory_space<semaphore_mem>>
        %dma_start3A = arith.constant 0 : i32
        %dma_start3A_278 = tpu.memref_slice %arg9[%mul3A_274, %dma_start3A] : memref<50048x32xf32, #tpu.memory_space<vmem_shared>> -> memref<128x32xf32, #tpu.memory_space<vmem_shared>>
        %dma_start3A_279 = arith.constant 0 : i32
        %dma_start3A_280 = tpu.memref_slice %arg9[%mul3A_274, %dma_start3A_279] : memref<50048x32xf32, #tpu.memory_space<vmem_shared>> -> memref<128x32xf32, #tpu.memory_space<vmem_shared>>
        tpu.enqueue_dma source(%dma_start3A_280 : memref<128x32xf32, #tpu.memory_space<vmem_shared>>) target(%arg18 : memref<128x32xf32, #tpu.memory_space<vmem>>) target_semaphore(%run_scoped3A : memref<!tpu.dma_semaphore, #tpu.memory_space<semaphore_mem>>)
        %dma_wait3A = arith.constant 0 : i32
        %dma_wait3A_281 = tpu.memref_slice %arg9[%mul3A_274, %dma_wait3A] : memref<50048x32xf32, #tpu.memory_space<vmem_shared>> -> memref<128x32xf32, #tpu.memory_space<vmem_shared>>
        %dma_wait3A_282 = arith.constant 0 : i32
        %dma_wait3A_283 = tpu.memref_slice %arg9[%mul3A_274, %dma_wait3A_282] : memref<50048x32xf32, #tpu.memory_space<vmem_shared>> -> memref<128x32xf32, #tpu.memory_space<vmem_shared>>
        tpu.wait_dma2 semaphore(%run_scoped3A : memref<!tpu.dma_semaphore, #tpu.memory_space<semaphore_mem>>) src(%dma_wait3A_283 : memref<128x32xf32, #tpu.memory_space<vmem_shared>>) dst(%arg18 : memref<128x32xf32, #tpu.memory_space<vmem>>)
        tpu.yield
      }) : () -> ()
      %mul3A_275 = arith.constant 50000 : i32
      %mul3A_276 = arith.muli %arg0, %mul3A_275 : i32
      %add3A_277 = arith.addi %mul3A_276, %mul3A_274 : i32
      "tpu.region"() ({
        %run_scoped3A = tpu.sem_alloc : memref<!tpu.dma_semaphore, #tpu.memory_space<semaphore_mem>>
        %dma_start3A = arith.constant 0 : i32
        %dma_start3A_278 = tpu.memref_slice %arg7[%add3A_277, %dma_start3A] : memref<100000x32xf32, #tpu.memory_space<hbm>> -> memref<128x32xf32, #tpu.memory_space<hbm>>
        %dma_start3A_279 = arith.constant 0 : i32
        %dma_start3A_280 = tpu.memref_slice %arg7[%add3A_277, %dma_start3A_279] : memref<100000x32xf32, #tpu.memory_space<hbm>> -> memref<128x32xf32, #tpu.memory_space<hbm>>
        tpu.enqueue_dma source(%arg18 : memref<128x32xf32, #tpu.memory_space<vmem>>) target(%dma_start3A_280 : memref<128x32xf32, #tpu.memory_space<hbm>>) target_semaphore(%run_scoped3A : memref<!tpu.dma_semaphore, #tpu.memory_space<semaphore_mem>>)
        %dma_wait3A = arith.constant 0 : i32
        %dma_wait3A_281 = tpu.memref_slice %arg7[%add3A_277, %dma_wait3A] : memref<100000x32xf32, #tpu.memory_space<hbm>> -> memref<128x32xf32, #tpu.memory_space<hbm>>
        %dma_wait3A_282 = arith.constant 0 : i32
        %dma_wait3A_283 = tpu.memref_slice %arg7[%add3A_277, %dma_wait3A_282] : memref<100000x32xf32, #tpu.memory_space<hbm>> -> memref<128x32xf32, #tpu.memory_space<hbm>>
        tpu.wait_dma2 semaphore(%run_scoped3A : memref<!tpu.dma_semaphore, #tpu.memory_space<semaphore_mem>>) src(%arg18 : memref<128x32xf32, #tpu.memory_space<vmem>>) dst(%dma_wait3A_283 : memref<128x32xf32, #tpu.memory_space<hbm>>)
        tpu.yield
      }) : () -> ()
    } else {
    }
    %add3A_178 = arith.constant 320 : i32
    %add3A_179 = arith.addi %arg1, %add3A_178 : i32
    %lt3A_180 = arith.constant 390 : i32
    %lt3A_181 = arith.cmpi slt, %add3A_179, %lt3A_180 : i32
    %convert_element_type3A_182 = arith.extui %lt3A_181 : i1 to i32
    %cond3A_183 = arith.constant 0 : i32
    %cond3A_184 = arith.cmpi ne, %convert_element_type3A_182, %cond3A_183 : i32
    scf.if %cond3A_184 {
      %mul3A_273 = arith.constant 128 : i32
      %mul3A_274 = arith.muli %add3A_179, %mul3A_273 : i32
      "tpu.region"() ({
        %run_scoped3A = tpu.sem_alloc : memref<!tpu.dma_semaphore, #tpu.memory_space<semaphore_mem>>
        %dma_start3A = arith.constant 0 : i32
        %dma_start3A_278 = tpu.memref_slice %arg9[%mul3A_274, %dma_start3A] : memref<50048x32xf32, #tpu.memory_space<vmem_shared>> -> memref<128x32xf32, #tpu.memory_space<vmem_shared>>
        %dma_start3A_279 = arith.constant 0 : i32
        %dma_start3A_280 = tpu.memref_slice %arg9[%mul3A_274, %dma_start3A_279] : memref<50048x32xf32, #tpu.memory_space<vmem_shared>> -> memref<128x32xf32, #tpu.memory_space<vmem_shared>>
        tpu.enqueue_dma source(%dma_start3A_280 : memref<128x32xf32, #tpu.memory_space<vmem_shared>>) target(%arg18 : memref<128x32xf32, #tpu.memory_space<vmem>>) target_semaphore(%run_scoped3A : memref<!tpu.dma_semaphore, #tpu.memory_space<semaphore_mem>>)
        %dma_wait3A = arith.constant 0 : i32
        %dma_wait3A_281 = tpu.memref_slice %arg9[%mul3A_274, %dma_wait3A] : memref<50048x32xf32, #tpu.memory_space<vmem_shared>> -> memref<128x32xf32, #tpu.memory_space<vmem_shared>>
        %dma_wait3A_282 = arith.constant 0 : i32
        %dma_wait3A_283 = tpu.memref_slice %arg9[%mul3A_274, %dma_wait3A_282] : memref<50048x32xf32, #tpu.memory_space<vmem_shared>> -> memref<128x32xf32, #tpu.memory_space<vmem_shared>>
        tpu.wait_dma2 semaphore(%run_scoped3A : memref<!tpu.dma_semaphore, #tpu.memory_space<semaphore_mem>>) src(%dma_wait3A_283 : memref<128x32xf32, #tpu.memory_space<vmem_shared>>) dst(%arg18 : memref<128x32xf32, #tpu.memory_space<vmem>>)
        tpu.yield
      }) : () -> ()
      %mul3A_275 = arith.constant 50000 : i32
      %mul3A_276 = arith.muli %arg0, %mul3A_275 : i32
      %add3A_277 = arith.addi %mul3A_276, %mul3A_274 : i32
      "tpu.region"() ({
        %run_scoped3A = tpu.sem_alloc : memref<!tpu.dma_semaphore, #tpu.memory_space<semaphore_mem>>
        %dma_start3A = arith.constant 0 : i32
        %dma_start3A_278 = tpu.memref_slice %arg7[%add3A_277, %dma_start3A] : memref<100000x32xf32, #tpu.memory_space<hbm>> -> memref<128x32xf32, #tpu.memory_space<hbm>>
        %dma_start3A_279 = arith.constant 0 : i32
        %dma_start3A_280 = tpu.memref_slice %arg7[%add3A_277, %dma_start3A_279] : memref<100000x32xf32, #tpu.memory_space<hbm>> -> memref<128x32xf32, #tpu.memory_space<hbm>>
        tpu.enqueue_dma source(%arg18 : memref<128x32xf32, #tpu.memory_space<vmem>>) target(%dma_start3A_280 : memref<128x32xf32, #tpu.memory_space<hbm>>) target_semaphore(%run_scoped3A : memref<!tpu.dma_semaphore, #tpu.memory_space<semaphore_mem>>)
        %dma_wait3A = arith.constant 0 : i32
        %dma_wait3A_281 = tpu.memref_slice %arg7[%add3A_277, %dma_wait3A] : memref<100000x32xf32, #tpu.memory_space<hbm>> -> memref<128x32xf32, #tpu.memory_space<hbm>>
        %dma_wait3A_282 = arith.constant 0 : i32
        %dma_wait3A_283 = tpu.memref_slice %arg7[%add3A_277, %dma_wait3A_282] : memref<100000x32xf32, #tpu.memory_space<hbm>> -> memref<128x32xf32, #tpu.memory_space<hbm>>
        tpu.wait_dma2 semaphore(%run_scoped3A : memref<!tpu.dma_semaphore, #tpu.memory_space<semaphore_mem>>) src(%arg18 : memref<128x32xf32, #tpu.memory_space<vmem>>) dst(%dma_wait3A_283 : memref<128x32xf32, #tpu.memory_space<hbm>>)
        tpu.yield
      }) : () -> ()
    } else {
    }
    %add3A_185 = arith.constant 336 : i32
    %add3A_186 = arith.addi %arg1, %add3A_185 : i32
    %lt3A_187 = arith.constant 390 : i32
    %lt3A_188 = arith.cmpi slt, %add3A_186, %lt3A_187 : i32
    %convert_element_type3A_189 = arith.extui %lt3A_188 : i1 to i32
    %cond3A_190 = arith.constant 0 : i32
    %cond3A_191 = arith.cmpi ne, %convert_element_type3A_189, %cond3A_190 : i32
    scf.if %cond3A_191 {
      %mul3A_273 = arith.constant 128 : i32
      %mul3A_274 = arith.muli %add3A_186, %mul3A_273 : i32
      "tpu.region"() ({
        %run_scoped3A = tpu.sem_alloc : memref<!tpu.dma_semaphore, #tpu.memory_space<semaphore_mem>>
        %dma_start3A = arith.constant 0 : i32
        %dma_start3A_278 = tpu.memref_slice %arg9[%mul3A_274, %dma_start3A] : memref<50048x32xf32, #tpu.memory_space<vmem_shared>> -> memref<128x32xf32, #tpu.memory_space<vmem_shared>>
        %dma_start3A_279 = arith.constant 0 : i32
        %dma_start3A_280 = tpu.memref_slice %arg9[%mul3A_274, %dma_start3A_279] : memref<50048x32xf32, #tpu.memory_space<vmem_shared>> -> memref<128x32xf32, #tpu.memory_space<vmem_shared>>
        tpu.enqueue_dma source(%dma_start3A_280 : memref<128x32xf32, #tpu.memory_space<vmem_shared>>) target(%arg18 : memref<128x32xf32, #tpu.memory_space<vmem>>) target_semaphore(%run_scoped3A : memref<!tpu.dma_semaphore, #tpu.memory_space<semaphore_mem>>)
        %dma_wait3A = arith.constant 0 : i32
        %dma_wait3A_281 = tpu.memref_slice %arg9[%mul3A_274, %dma_wait3A] : memref<50048x32xf32, #tpu.memory_space<vmem_shared>> -> memref<128x32xf32, #tpu.memory_space<vmem_shared>>
        %dma_wait3A_282 = arith.constant 0 : i32
        %dma_wait3A_283 = tpu.memref_slice %arg9[%mul3A_274, %dma_wait3A_282] : memref<50048x32xf32, #tpu.memory_space<vmem_shared>> -> memref<128x32xf32, #tpu.memory_space<vmem_shared>>
        tpu.wait_dma2 semaphore(%run_scoped3A : memref<!tpu.dma_semaphore, #tpu.memory_space<semaphore_mem>>) src(%dma_wait3A_283 : memref<128x32xf32, #tpu.memory_space<vmem_shared>>) dst(%arg18 : memref<128x32xf32, #tpu.memory_space<vmem>>)
        tpu.yield
      }) : () -> ()
      %mul3A_275 = arith.constant 50000 : i32
      %mul3A_276 = arith.muli %arg0, %mul3A_275 : i32
      %add3A_277 = arith.addi %mul3A_276, %mul3A_274 : i32
      "tpu.region"() ({
        %run_scoped3A = tpu.sem_alloc : memref<!tpu.dma_semaphore, #tpu.memory_space<semaphore_mem>>
        %dma_start3A = arith.constant 0 : i32
        %dma_start3A_278 = tpu.memref_slice %arg7[%add3A_277, %dma_start3A] : memref<100000x32xf32, #tpu.memory_space<hbm>> -> memref<128x32xf32, #tpu.memory_space<hbm>>
        %dma_start3A_279 = arith.constant 0 : i32
        %dma_start3A_280 = tpu.memref_slice %arg7[%add3A_277, %dma_start3A_279] : memref<100000x32xf32, #tpu.memory_space<hbm>> -> memref<128x32xf32, #tpu.memory_space<hbm>>
        tpu.enqueue_dma source(%arg18 : memref<128x32xf32, #tpu.memory_space<vmem>>) target(%dma_start3A_280 : memref<128x32xf32, #tpu.memory_space<hbm>>) target_semaphore(%run_scoped3A : memref<!tpu.dma_semaphore, #tpu.memory_space<semaphore_mem>>)
        %dma_wait3A = arith.constant 0 : i32
        %dma_wait3A_281 = tpu.memref_slice %arg7[%add3A_277, %dma_wait3A] : memref<100000x32xf32, #tpu.memory_space<hbm>> -> memref<128x32xf32, #tpu.memory_space<hbm>>
        %dma_wait3A_282 = arith.constant 0 : i32
        %dma_wait3A_283 = tpu.memref_slice %arg7[%add3A_277, %dma_wait3A_282] : memref<100000x32xf32, #tpu.memory_space<hbm>> -> memref<128x32xf32, #tpu.memory_space<hbm>>
        tpu.wait_dma2 semaphore(%run_scoped3A : memref<!tpu.dma_semaphore, #tpu.memory_space<semaphore_mem>>) src(%arg18 : memref<128x32xf32, #tpu.memory_space<vmem>>) dst(%dma_wait3A_283 : memref<128x32xf32, #tpu.memory_space<hbm>>)
        tpu.yield
      }) : () -> ()
    } else {
    }
    %add3A_192 = arith.constant 352 : i32
    %add3A_193 = arith.addi %arg1, %add3A_192 : i32
    %lt3A_194 = arith.constant 390 : i32
    %lt3A_195 = arith.cmpi slt, %add3A_193, %lt3A_194 : i32
    %convert_element_type3A_196 = arith.extui %lt3A_195 : i1 to i32
    %cond3A_197 = arith.constant 0 : i32
    %cond3A_198 = arith.cmpi ne, %convert_element_type3A_196, %cond3A_197 : i32
    scf.if %cond3A_198 {
      %mul3A_273 = arith.constant 128 : i32
      %mul3A_274 = arith.muli %add3A_193, %mul3A_273 : i32
      "tpu.region"() ({
        %run_scoped3A = tpu.sem_alloc : memref<!tpu.dma_semaphore, #tpu.memory_space<semaphore_mem>>
        %dma_start3A = arith.constant 0 : i32
        %dma_start3A_278 = tpu.memref_slice %arg9[%mul3A_274, %dma_start3A] : memref<50048x32xf32, #tpu.memory_space<vmem_shared>> -> memref<128x32xf32, #tpu.memory_space<vmem_shared>>
        %dma_start3A_279 = arith.constant 0 : i32
        %dma_start3A_280 = tpu.memref_slice %arg9[%mul3A_274, %dma_start3A_279] : memref<50048x32xf32, #tpu.memory_space<vmem_shared>> -> memref<128x32xf32, #tpu.memory_space<vmem_shared>>
        tpu.enqueue_dma source(%dma_start3A_280 : memref<128x32xf32, #tpu.memory_space<vmem_shared>>) target(%arg18 : memref<128x32xf32, #tpu.memory_space<vmem>>) target_semaphore(%run_scoped3A : memref<!tpu.dma_semaphore, #tpu.memory_space<semaphore_mem>>)
        %dma_wait3A = arith.constant 0 : i32
        %dma_wait3A_281 = tpu.memref_slice %arg9[%mul3A_274, %dma_wait3A] : memref<50048x32xf32, #tpu.memory_space<vmem_shared>> -> memref<128x32xf32, #tpu.memory_space<vmem_shared>>
        %dma_wait3A_282 = arith.constant 0 : i32
        %dma_wait3A_283 = tpu.memref_slice %arg9[%mul3A_274, %dma_wait3A_282] : memref<50048x32xf32, #tpu.memory_space<vmem_shared>> -> memref<128x32xf32, #tpu.memory_space<vmem_shared>>
        tpu.wait_dma2 semaphore(%run_scoped3A : memref<!tpu.dma_semaphore, #tpu.memory_space<semaphore_mem>>) src(%dma_wait3A_283 : memref<128x32xf32, #tpu.memory_space<vmem_shared>>) dst(%arg18 : memref<128x32xf32, #tpu.memory_space<vmem>>)
        tpu.yield
      }) : () -> ()
      %mul3A_275 = arith.constant 50000 : i32
      %mul3A_276 = arith.muli %arg0, %mul3A_275 : i32
      %add3A_277 = arith.addi %mul3A_276, %mul3A_274 : i32
      "tpu.region"() ({
        %run_scoped3A = tpu.sem_alloc : memref<!tpu.dma_semaphore, #tpu.memory_space<semaphore_mem>>
        %dma_start3A = arith.constant 0 : i32
        %dma_start3A_278 = tpu.memref_slice %arg7[%add3A_277, %dma_start3A] : memref<100000x32xf32, #tpu.memory_space<hbm>> -> memref<128x32xf32, #tpu.memory_space<hbm>>
        %dma_start3A_279 = arith.constant 0 : i32
        %dma_start3A_280 = tpu.memref_slice %arg7[%add3A_277, %dma_start3A_279] : memref<100000x32xf32, #tpu.memory_space<hbm>> -> memref<128x32xf32, #tpu.memory_space<hbm>>
        tpu.enqueue_dma source(%arg18 : memref<128x32xf32, #tpu.memory_space<vmem>>) target(%dma_start3A_280 : memref<128x32xf32, #tpu.memory_space<hbm>>) target_semaphore(%run_scoped3A : memref<!tpu.dma_semaphore, #tpu.memory_space<semaphore_mem>>)
        %dma_wait3A = arith.constant 0 : i32
        %dma_wait3A_281 = tpu.memref_slice %arg7[%add3A_277, %dma_wait3A] : memref<100000x32xf32, #tpu.memory_space<hbm>> -> memref<128x32xf32, #tpu.memory_space<hbm>>
        %dma_wait3A_282 = arith.constant 0 : i32
        %dma_wait3A_283 = tpu.memref_slice %arg7[%add3A_277, %dma_wait3A_282] : memref<100000x32xf32, #tpu.memory_space<hbm>> -> memref<128x32xf32, #tpu.memory_space<hbm>>
        tpu.wait_dma2 semaphore(%run_scoped3A : memref<!tpu.dma_semaphore, #tpu.memory_space<semaphore_mem>>) src(%arg18 : memref<128x32xf32, #tpu.memory_space<vmem>>) dst(%dma_wait3A_283 : memref<128x32xf32, #tpu.memory_space<hbm>>)
        tpu.yield
      }) : () -> ()
    } else {
    }
    %add3A_199 = arith.constant 368 : i32
    %add3A_200 = arith.addi %arg1, %add3A_199 : i32
    %lt3A_201 = arith.constant 390 : i32
    %lt3A_202 = arith.cmpi slt, %add3A_200, %lt3A_201 : i32
    %convert_element_type3A_203 = arith.extui %lt3A_202 : i1 to i32
    %cond3A_204 = arith.constant 0 : i32
    %cond3A_205 = arith.cmpi ne, %convert_element_type3A_203, %cond3A_204 : i32
    scf.if %cond3A_205 {
      %mul3A_273 = arith.constant 128 : i32
      %mul3A_274 = arith.muli %add3A_200, %mul3A_273 : i32
      "tpu.region"() ({
        %run_scoped3A = tpu.sem_alloc : memref<!tpu.dma_semaphore, #tpu.memory_space<semaphore_mem>>
        %dma_start3A = arith.constant 0 : i32
        %dma_start3A_278 = tpu.memref_slice %arg9[%mul3A_274, %dma_start3A] : memref<50048x32xf32, #tpu.memory_space<vmem_shared>> -> memref<128x32xf32, #tpu.memory_space<vmem_shared>>
        %dma_start3A_279 = arith.constant 0 : i32
        %dma_start3A_280 = tpu.memref_slice %arg9[%mul3A_274, %dma_start3A_279] : memref<50048x32xf32, #tpu.memory_space<vmem_shared>> -> memref<128x32xf32, #tpu.memory_space<vmem_shared>>
        tpu.enqueue_dma source(%dma_start3A_280 : memref<128x32xf32, #tpu.memory_space<vmem_shared>>) target(%arg18 : memref<128x32xf32, #tpu.memory_space<vmem>>) target_semaphore(%run_scoped3A : memref<!tpu.dma_semaphore, #tpu.memory_space<semaphore_mem>>)
        %dma_wait3A = arith.constant 0 : i32
        %dma_wait3A_281 = tpu.memref_slice %arg9[%mul3A_274, %dma_wait3A] : memref<50048x32xf32, #tpu.memory_space<vmem_shared>> -> memref<128x32xf32, #tpu.memory_space<vmem_shared>>
        %dma_wait3A_282 = arith.constant 0 : i32
        %dma_wait3A_283 = tpu.memref_slice %arg9[%mul3A_274, %dma_wait3A_282] : memref<50048x32xf32, #tpu.memory_space<vmem_shared>> -> memref<128x32xf32, #tpu.memory_space<vmem_shared>>
        tpu.wait_dma2 semaphore(%run_scoped3A : memref<!tpu.dma_semaphore, #tpu.memory_space<semaphore_mem>>) src(%dma_wait3A_283 : memref<128x32xf32, #tpu.memory_space<vmem_shared>>) dst(%arg18 : memref<128x32xf32, #tpu.memory_space<vmem>>)
        tpu.yield
      }) : () -> ()
      %mul3A_275 = arith.constant 50000 : i32
      %mul3A_276 = arith.muli %arg0, %mul3A_275 : i32
      %add3A_277 = arith.addi %mul3A_276, %mul3A_274 : i32
      "tpu.region"() ({
        %run_scoped3A = tpu.sem_alloc : memref<!tpu.dma_semaphore, #tpu.memory_space<semaphore_mem>>
        %dma_start3A = arith.constant 0 : i32
        %dma_start3A_278 = tpu.memref_slice %arg7[%add3A_277, %dma_start3A] : memref<100000x32xf32, #tpu.memory_space<hbm>> -> memref<128x32xf32, #tpu.memory_space<hbm>>
        %dma_start3A_279 = arith.constant 0 : i32
        %dma_start3A_280 = tpu.memref_slice %arg7[%add3A_277, %dma_start3A_279] : memref<100000x32xf32, #tpu.memory_space<hbm>> -> memref<128x32xf32, #tpu.memory_space<hbm>>
        tpu.enqueue_dma source(%arg18 : memref<128x32xf32, #tpu.memory_space<vmem>>) target(%dma_start3A_280 : memref<128x32xf32, #tpu.memory_space<hbm>>) target_semaphore(%run_scoped3A : memref<!tpu.dma_semaphore, #tpu.memory_space<semaphore_mem>>)
        %dma_wait3A = arith.constant 0 : i32
        %dma_wait3A_281 = tpu.memref_slice %arg7[%add3A_277, %dma_wait3A] : memref<100000x32xf32, #tpu.memory_space<hbm>> -> memref<128x32xf32, #tpu.memory_space<hbm>>
        %dma_wait3A_282 = arith.constant 0 : i32
        %dma_wait3A_283 = tpu.memref_slice %arg7[%add3A_277, %dma_wait3A_282] : memref<100000x32xf32, #tpu.memory_space<hbm>> -> memref<128x32xf32, #tpu.memory_space<hbm>>
        tpu.wait_dma2 semaphore(%run_scoped3A : memref<!tpu.dma_semaphore, #tpu.memory_space<semaphore_mem>>) src(%arg18 : memref<128x32xf32, #tpu.memory_space<vmem>>) dst(%dma_wait3A_283 : memref<128x32xf32, #tpu.memory_space<hbm>>)
        tpu.yield
      }) : () -> ()
    } else {
    }
    %add3A_206 = arith.constant 384 : i32
    %add3A_207 = arith.addi %arg1, %add3A_206 : i32
    %lt3A_208 = arith.constant 390 : i32
    %lt3A_209 = arith.cmpi slt, %add3A_207, %lt3A_208 : i32
    %convert_element_type3A_210 = arith.extui %lt3A_209 : i1 to i32
    %cond3A_211 = arith.constant 0 : i32
    %cond3A_212 = arith.cmpi ne, %convert_element_type3A_210, %cond3A_211 : i32
    scf.if %cond3A_212 {
      %mul3A_273 = arith.constant 128 : i32
      %mul3A_274 = arith.muli %add3A_207, %mul3A_273 : i32
      "tpu.region"() ({
        %run_scoped3A = tpu.sem_alloc : memref<!tpu.dma_semaphore, #tpu.memory_space<semaphore_mem>>
        %dma_start3A = arith.constant 0 : i32
        %dma_start3A_278 = tpu.memref_slice %arg9[%mul3A_274, %dma_start3A] : memref<50048x32xf32, #tpu.memory_space<vmem_shared>> -> memref<128x32xf32, #tpu.memory_space<vmem_shared>>
        %dma_start3A_279 = arith.constant 0 : i32
        %dma_start3A_280 = tpu.memref_slice %arg9[%mul3A_274, %dma_start3A_279] : memref<50048x32xf32, #tpu.memory_space<vmem_shared>> -> memref<128x32xf32, #tpu.memory_space<vmem_shared>>
        tpu.enqueue_dma source(%dma_start3A_280 : memref<128x32xf32, #tpu.memory_space<vmem_shared>>) target(%arg18 : memref<128x32xf32, #tpu.memory_space<vmem>>) target_semaphore(%run_scoped3A : memref<!tpu.dma_semaphore, #tpu.memory_space<semaphore_mem>>)
        %dma_wait3A = arith.constant 0 : i32
        %dma_wait3A_281 = tpu.memref_slice %arg9[%mul3A_274, %dma_wait3A] : memref<50048x32xf32, #tpu.memory_space<vmem_shared>> -> memref<128x32xf32, #tpu.memory_space<vmem_shared>>
        %dma_wait3A_282 = arith.constant 0 : i32
        %dma_wait3A_283 = tpu.memref_slice %arg9[%mul3A_274, %dma_wait3A_282] : memref<50048x32xf32, #tpu.memory_space<vmem_shared>> -> memref<128x32xf32, #tpu.memory_space<vmem_shared>>
        tpu.wait_dma2 semaphore(%run_scoped3A : memref<!tpu.dma_semaphore, #tpu.memory_space<semaphore_mem>>) src(%dma_wait3A_283 : memref<128x32xf32, #tpu.memory_space<vmem_shared>>) dst(%arg18 : memref<128x32xf32, #tpu.memory_space<vmem>>)
        tpu.yield
      }) : () -> ()
      %mul3A_275 = arith.constant 50000 : i32
      %mul3A_276 = arith.muli %arg0, %mul3A_275 : i32
      %add3A_277 = arith.addi %mul3A_276, %mul3A_274 : i32
      "tpu.region"() ({
        %run_scoped3A = tpu.sem_alloc : memref<!tpu.dma_semaphore, #tpu.memory_space<semaphore_mem>>
        %dma_start3A = arith.constant 0 : i32
        %dma_start3A_278 = tpu.memref_slice %arg7[%add3A_277, %dma_start3A] : memref<100000x32xf32, #tpu.memory_space<hbm>> -> memref<128x32xf32, #tpu.memory_space<hbm>>
        %dma_start3A_279 = arith.constant 0 : i32
        %dma_start3A_280 = tpu.memref_slice %arg7[%add3A_277, %dma_start3A_279] : memref<100000x32xf32, #tpu.memory_space<hbm>> -> memref<128x32xf32, #tpu.memory_space<hbm>>
        tpu.enqueue_dma source(%arg18 : memref<128x32xf32, #tpu.memory_space<vmem>>) target(%dma_start3A_280 : memref<128x32xf32, #tpu.memory_space<hbm>>) target_semaphore(%run_scoped3A : memref<!tpu.dma_semaphore, #tpu.memory_space<semaphore_mem>>)
        %dma_wait3A = arith.constant 0 : i32
        %dma_wait3A_281 = tpu.memref_slice %arg7[%add3A_277, %dma_wait3A] : memref<100000x32xf32, #tpu.memory_space<hbm>> -> memref<128x32xf32, #tpu.memory_space<hbm>>
        %dma_wait3A_282 = arith.constant 0 : i32
        %dma_wait3A_283 = tpu.memref_slice %arg7[%add3A_277, %dma_wait3A_282] : memref<100000x32xf32, #tpu.memory_space<hbm>> -> memref<128x32xf32, #tpu.memory_space<hbm>>
        tpu.wait_dma2 semaphore(%run_scoped3A : memref<!tpu.dma_semaphore, #tpu.memory_space<semaphore_mem>>) src(%arg18 : memref<128x32xf32, #tpu.memory_space<vmem>>) dst(%dma_wait3A_283 : memref<128x32xf32, #tpu.memory_space<hbm>>)
        tpu.yield
      }) : () -> ()
    } else {
    }
    %eq3A = arith.constant 15 : i32
    %eq3A_213 = arith.cmpi eq, %arg1, %eq3A : i32
    %convert_element_type3A_214 = arith.extui %eq3A_213 : i1 to i32
    %cond3A_215 = arith.constant 0 : i32
    %cond3A_216 = arith.cmpi ne, %convert_element_type3A_214, %cond3A_215 : i32
    scf.if %cond3A_216 {
      "tpu.region"() ({
        %run_scoped3A = tpu.sem_alloc : memref<!tpu.dma_semaphore, #tpu.memory_space<semaphore_mem>>
        %dma_start3A = arith.constant 0 : i32
        %dma_start3A_277 = arith.constant 0 : i32
        %dma_start3A_278 = tpu.memref_slice %arg18[%dma_start3A, %dma_start3A_277] : memref<128x32xf32, #tpu.memory_space<vmem>> -> memref<80x32xf32, #tpu.memory_space<vmem>>
        %dma_start3A_279 = arith.constant 49920 : i32
        %dma_start3A_280 = arith.constant 0 : i32
        %dma_start3A_281 = tpu.memref_slice %arg9[%dma_start3A_279, %dma_start3A_280] : memref<50048x32xf32, #tpu.memory_space<vmem_shared>> -> memref<80x32xf32, #tpu.memory_space<vmem_shared>>
        %dma_start3A_282 = arith.constant 0 : i32
        %dma_start3A_283 = arith.constant 0 : i32
        %dma_start3A_284 = tpu.memref_slice %arg18[%dma_start3A_282, %dma_start3A_283] : memref<128x32xf32, #tpu.memory_space<vmem>> -> memref<80x32xf32, #tpu.memory_space<vmem>>
        %dma_start3A_285 = arith.constant 49920 : i32
        %dma_start3A_286 = arith.constant 0 : i32
        %dma_start3A_287 = tpu.memref_slice %arg9[%dma_start3A_285, %dma_start3A_286] : memref<50048x32xf32, #tpu.memory_space<vmem_shared>> -> memref<80x32xf32, #tpu.memory_space<vmem_shared>>
        tpu.enqueue_dma source(%dma_start3A_287 : memref<80x32xf32, #tpu.memory_space<vmem_shared>>) target(%dma_start3A_284 : memref<80x32xf32, #tpu.memory_space<vmem>>) target_semaphore(%run_scoped3A : memref<!tpu.dma_semaphore, #tpu.memory_space<semaphore_mem>>)
        %dma_wait3A = arith.constant 0 : i32
        %dma_wait3A_288 = arith.constant 0 : i32
        %dma_wait3A_289 = tpu.memref_slice %arg18[%dma_wait3A, %dma_wait3A_288] : memref<128x32xf32, #tpu.memory_space<vmem>> -> memref<80x32xf32, #tpu.memory_space<vmem>>
        %dma_wait3A_290 = arith.constant 49920 : i32
        %dma_wait3A_291 = arith.constant 0 : i32
        %dma_wait3A_292 = tpu.memref_slice %arg9[%dma_wait3A_290, %dma_wait3A_291] : memref<50048x32xf32, #tpu.memory_space<vmem_shared>> -> memref<80x32xf32, #tpu.memory_space<vmem_shared>>
        %dma_wait3A_293 = arith.constant 0 : i32
        %dma_wait3A_294 = arith.constant 0 : i32
        %dma_wait3A_295 = tpu.memref_slice %arg18[%dma_wait3A_293, %dma_wait3A_294] : memref<128x32xf32, #tpu.memory_space<vmem>> -> memref<80x32xf32, #tpu.memory_space<vmem>>
        %dma_wait3A_296 = arith.constant 49920 : i32
        %dma_wait3A_297 = arith.constant 0 : i32
        %dma_wait3A_298 = tpu.memref_slice %arg9[%dma_wait3A_296, %dma_wait3A_297] : memref<50048x32xf32, #tpu.memory_space<vmem_shared>> -> memref<80x32xf32, #tpu.memory_space<vmem_shared>>
        tpu.wait_dma2 semaphore(%run_scoped3A : memref<!tpu.dma_semaphore, #tpu.memory_space<semaphore_mem>>) src(%dma_wait3A_298 : memref<80x32xf32, #tpu.memory_space<vmem_shared>>) dst(%dma_wait3A_295 : memref<80x32xf32, #tpu.memory_space<vmem>>)
        tpu.yield
      }) : () -> ()
      %mul3A_273 = arith.constant 50000 : i32
      %mul3A_274 = arith.muli %arg0, %mul3A_273 : i32
      %add3A_275 = arith.constant 49920 : i32
      %add3A_276 = arith.addi %mul3A_274, %add3A_275 : i32
      "tpu.region"() ({
        %run_scoped3A = tpu.sem_alloc : memref<!tpu.dma_semaphore, #tpu.memory_space<semaphore_mem>>
        %dma_start3A = arith.constant 0 : i32
        %dma_start3A_277 = arith.constant 0 : i32
        %dma_start3A_278 = tpu.memref_slice %arg18[%dma_start3A, %dma_start3A_277] : memref<128x32xf32, #tpu.memory_space<vmem>> -> memref<80x32xf32, #tpu.memory_space<vmem>>
        %dma_start3A_279 = arith.constant 0 : i32
        %dma_start3A_280 = tpu.memref_slice %arg7[%add3A_276, %dma_start3A_279] : memref<100000x32xf32, #tpu.memory_space<hbm>> -> memref<80x32xf32, #tpu.memory_space<hbm>>
        %dma_start3A_281 = arith.constant 0 : i32
        %dma_start3A_282 = tpu.memref_slice %arg7[%add3A_276, %dma_start3A_281] : memref<100000x32xf32, #tpu.memory_space<hbm>> -> memref<80x32xf32, #tpu.memory_space<hbm>>
        %dma_start3A_283 = arith.constant 0 : i32
        %dma_start3A_284 = arith.constant 0 : i32
        %dma_start3A_285 = tpu.memref_slice %arg18[%dma_start3A_283, %dma_start3A_284] : memref<128x32xf32, #tpu.memory_space<vmem>> -> memref<80x32xf32, #tpu.memory_space<vmem>>
        tpu.enqueue_dma source(%dma_start3A_285 : memref<80x32xf32, #tpu.memory_space<vmem>>) target(%dma_start3A_282 : memref<80x32xf32, #tpu.memory_space<hbm>>) target_semaphore(%run_scoped3A : memref<!tpu.dma_semaphore, #tpu.memory_space<semaphore_mem>>)
        %dma_wait3A = arith.constant 0 : i32
        %dma_wait3A_286 = arith.constant 0 : i32
        %dma_wait3A_287 = tpu.memref_slice %arg18[%dma_wait3A, %dma_wait3A_286] : memref<128x32xf32, #tpu.memory_space<vmem>> -> memref<80x32xf32, #tpu.memory_space<vmem>>
        %dma_wait3A_288 = arith.constant 0 : i32
        %dma_wait3A_289 = tpu.memref_slice %arg7[%add3A_276, %dma_wait3A_288] : memref<100000x32xf32, #tpu.memory_space<hbm>> -> memref<80x32xf32, #tpu.memory_space<hbm>>
        %dma_wait3A_290 = arith.constant 0 : i32
        %dma_wait3A_291 = tpu.memref_slice %arg7[%add3A_276, %dma_wait3A_290] : memref<100000x32xf32, #tpu.memory_space<hbm>> -> memref<80x32xf32, #tpu.memory_space<hbm>>
        %dma_wait3A_292 = arith.constant 0 : i32
        %dma_wait3A_293 = arith.constant 0 : i32
        %dma_wait3A_294 = tpu.memref_slice %arg18[%dma_wait3A_292, %dma_wait3A_293] : memref<128x32xf32, #tpu.memory_space<vmem>> -> memref<80x32xf32, #tpu.memory_space<vmem>>
        tpu.wait_dma2 semaphore(%run_scoped3A : memref<!tpu.dma_semaphore, #tpu.memory_space<semaphore_mem>>) src(%dma_wait3A_294 : memref<80x32xf32, #tpu.memory_space<vmem>>) dst(%dma_wait3A_291 : memref<80x32xf32, #tpu.memory_space<hbm>>)
        tpu.yield
      }) : () -> ()
    } else {
    }
    %add3A_217 = arith.constant 0 : i32
    %add3A_218 = arith.addi %arg1, %add3A_217 : i32
    %lt3A_219 = arith.constant 125 : i32
    %lt3A_220 = arith.cmpi slt, %add3A_218, %lt3A_219 : i32
    %convert_element_type3A_221 = arith.extui %lt3A_220 : i1 to i32
    %cond3A_222 = arith.constant 0 : i32
    %cond3A_223 = arith.cmpi ne, %convert_element_type3A_221, %cond3A_222 : i32
    scf.if %cond3A_223 {
      %mul3A_273 = arith.constant 200 : i32
      %mul3A_274 = arith.muli %add3A_218, %mul3A_273 : i32
      "tpu.region"() ({
        %run_scoped3A = tpu.sem_alloc : memref<!tpu.dma_semaphore, #tpu.memory_space<semaphore_mem>>
        %dma_start3A = arith.constant 0 : i32
        %dma_start3A_278 = tpu.memref_slice %arg10[%mul3A_274, %dma_start3A] : memref<25088x8xf32, #tpu.memory_space<vmem_shared>> -> memref<200x8xf32, #tpu.memory_space<vmem_shared>>
        %dma_start3A_279 = arith.constant 0 : i32
        %dma_start3A_280 = tpu.memref_slice %arg10[%mul3A_274, %dma_start3A_279] : memref<25088x8xf32, #tpu.memory_space<vmem_shared>> -> memref<200x8xf32, #tpu.memory_space<vmem_shared>>
        tpu.enqueue_dma source(%dma_start3A_280 : memref<200x8xf32, #tpu.memory_space<vmem_shared>>) target(%arg19 : memref<200x8xf32, #tpu.memory_space<vmem>>) target_semaphore(%run_scoped3A : memref<!tpu.dma_semaphore, #tpu.memory_space<semaphore_mem>>)
        %dma_wait3A = arith.constant 0 : i32
        %dma_wait3A_281 = tpu.memref_slice %arg10[%mul3A_274, %dma_wait3A] : memref<25088x8xf32, #tpu.memory_space<vmem_shared>> -> memref<200x8xf32, #tpu.memory_space<vmem_shared>>
        %dma_wait3A_282 = arith.constant 0 : i32
        %dma_wait3A_283 = tpu.memref_slice %arg10[%mul3A_274, %dma_wait3A_282] : memref<25088x8xf32, #tpu.memory_space<vmem_shared>> -> memref<200x8xf32, #tpu.memory_space<vmem_shared>>
        tpu.wait_dma2 semaphore(%run_scoped3A : memref<!tpu.dma_semaphore, #tpu.memory_space<semaphore_mem>>) src(%dma_wait3A_283 : memref<200x8xf32, #tpu.memory_space<vmem_shared>>) dst(%arg19 : memref<200x8xf32, #tpu.memory_space<vmem>>)
        tpu.yield
      }) : () -> ()
      %mul3A_275 = arith.constant 25000 : i32
      %mul3A_276 = arith.muli %arg0, %mul3A_275 : i32
      %add3A_277 = arith.addi %mul3A_276, %mul3A_274 : i32
      "tpu.region"() ({
        %run_scoped3A = tpu.sem_alloc : memref<!tpu.dma_semaphore, #tpu.memory_space<semaphore_mem>>
        %dma_start3A = arith.constant 0 : i32
        %dma_start3A_278 = tpu.memref_slice %arg8[%add3A_277, %dma_start3A] : memref<50000x8xf32, #tpu.memory_space<hbm>> -> memref<200x8xf32, #tpu.memory_space<hbm>>
        %dma_start3A_279 = arith.constant 0 : i32
        %dma_start3A_280 = tpu.memref_slice %arg8[%add3A_277, %dma_start3A_279] : memref<50000x8xf32, #tpu.memory_space<hbm>> -> memref<200x8xf32, #tpu.memory_space<hbm>>
        tpu.enqueue_dma source(%arg19 : memref<200x8xf32, #tpu.memory_space<vmem>>) target(%dma_start3A_280 : memref<200x8xf32, #tpu.memory_space<hbm>>) target_semaphore(%run_scoped3A : memref<!tpu.dma_semaphore, #tpu.memory_space<semaphore_mem>>)
        %dma_wait3A = arith.constant 0 : i32
        %dma_wait3A_281 = tpu.memref_slice %arg8[%add3A_277, %dma_wait3A] : memref<50000x8xf32, #tpu.memory_space<hbm>> -> memref<200x8xf32, #tpu.memory_space<hbm>>
        %dma_wait3A_282 = arith.constant 0 : i32
        %dma_wait3A_283 = tpu.memref_slice %arg8[%add3A_277, %dma_wait3A_282] : memref<50000x8xf32, #tpu.memory_space<hbm>> -> memref<200x8xf32, #tpu.memory_space<hbm>>
        tpu.wait_dma2 semaphore(%run_scoped3A : memref<!tpu.dma_semaphore, #tpu.memory_space<semaphore_mem>>) src(%arg19 : memref<200x8xf32, #tpu.memory_space<vmem>>) dst(%dma_wait3A_283 : memref<200x8xf32, #tpu.memory_space<hbm>>)
        tpu.yield
      }) : () -> ()
    } else {
    }
    %add3A_224 = arith.constant 16 : i32
    %add3A_225 = arith.addi %arg1, %add3A_224 : i32
    %lt3A_226 = arith.constant 125 : i32
    %lt3A_227 = arith.cmpi slt, %add3A_225, %lt3A_226 : i32
    %convert_element_type3A_228 = arith.extui %lt3A_227 : i1 to i32
    %cond3A_229 = arith.constant 0 : i32
    %cond3A_230 = arith.cmpi ne, %convert_element_type3A_228, %cond3A_229 : i32
    scf.if %cond3A_230 {
      %mul3A_273 = arith.constant 200 : i32
      %mul3A_274 = arith.muli %add3A_225, %mul3A_273 : i32
      "tpu.region"() ({
        %run_scoped3A = tpu.sem_alloc : memref<!tpu.dma_semaphore, #tpu.memory_space<semaphore_mem>>
        %dma_start3A = arith.constant 0 : i32
        %dma_start3A_278 = tpu.memref_slice %arg10[%mul3A_274, %dma_start3A] : memref<25088x8xf32, #tpu.memory_space<vmem_shared>> -> memref<200x8xf32, #tpu.memory_space<vmem_shared>>
        %dma_start3A_279 = arith.constant 0 : i32
        %dma_start3A_280 = tpu.memref_slice %arg10[%mul3A_274, %dma_start3A_279] : memref<25088x8xf32, #tpu.memory_space<vmem_shared>> -> memref<200x8xf32, #tpu.memory_space<vmem_shared>>
        tpu.enqueue_dma source(%dma_start3A_280 : memref<200x8xf32, #tpu.memory_space<vmem_shared>>) target(%arg19 : memref<200x8xf32, #tpu.memory_space<vmem>>) target_semaphore(%run_scoped3A : memref<!tpu.dma_semaphore, #tpu.memory_space<semaphore_mem>>)
        %dma_wait3A = arith.constant 0 : i32
        %dma_wait3A_281 = tpu.memref_slice %arg10[%mul3A_274, %dma_wait3A] : memref<25088x8xf32, #tpu.memory_space<vmem_shared>> -> memref<200x8xf32, #tpu.memory_space<vmem_shared>>
        %dma_wait3A_282 = arith.constant 0 : i32
        %dma_wait3A_283 = tpu.memref_slice %arg10[%mul3A_274, %dma_wait3A_282] : memref<25088x8xf32, #tpu.memory_space<vmem_shared>> -> memref<200x8xf32, #tpu.memory_space<vmem_shared>>
        tpu.wait_dma2 semaphore(%run_scoped3A : memref<!tpu.dma_semaphore, #tpu.memory_space<semaphore_mem>>) src(%dma_wait3A_283 : memref<200x8xf32, #tpu.memory_space<vmem_shared>>) dst(%arg19 : memref<200x8xf32, #tpu.memory_space<vmem>>)
        tpu.yield
      }) : () -> ()
      %mul3A_275 = arith.constant 25000 : i32
      %mul3A_276 = arith.muli %arg0, %mul3A_275 : i32
      %add3A_277 = arith.addi %mul3A_276, %mul3A_274 : i32
      "tpu.region"() ({
        %run_scoped3A = tpu.sem_alloc : memref<!tpu.dma_semaphore, #tpu.memory_space<semaphore_mem>>
        %dma_start3A = arith.constant 0 : i32
        %dma_start3A_278 = tpu.memref_slice %arg8[%add3A_277, %dma_start3A] : memref<50000x8xf32, #tpu.memory_space<hbm>> -> memref<200x8xf32, #tpu.memory_space<hbm>>
        %dma_start3A_279 = arith.constant 0 : i32
        %dma_start3A_280 = tpu.memref_slice %arg8[%add3A_277, %dma_start3A_279] : memref<50000x8xf32, #tpu.memory_space<hbm>> -> memref<200x8xf32, #tpu.memory_space<hbm>>
        tpu.enqueue_dma source(%arg19 : memref<200x8xf32, #tpu.memory_space<vmem>>) target(%dma_start3A_280 : memref<200x8xf32, #tpu.memory_space<hbm>>) target_semaphore(%run_scoped3A : memref<!tpu.dma_semaphore, #tpu.memory_space<semaphore_mem>>)
        %dma_wait3A = arith.constant 0 : i32
        %dma_wait3A_281 = tpu.memref_slice %arg8[%add3A_277, %dma_wait3A] : memref<50000x8xf32, #tpu.memory_space<hbm>> -> memref<200x8xf32, #tpu.memory_space<hbm>>
        %dma_wait3A_282 = arith.constant 0 : i32
        %dma_wait3A_283 = tpu.memref_slice %arg8[%add3A_277, %dma_wait3A_282] : memref<50000x8xf32, #tpu.memory_space<hbm>> -> memref<200x8xf32, #tpu.memory_space<hbm>>
        tpu.wait_dma2 semaphore(%run_scoped3A : memref<!tpu.dma_semaphore, #tpu.memory_space<semaphore_mem>>) src(%arg19 : memref<200x8xf32, #tpu.memory_space<vmem>>) dst(%dma_wait3A_283 : memref<200x8xf32, #tpu.memory_space<hbm>>)
        tpu.yield
      }) : () -> ()
    } else {
    }
    %add3A_231 = arith.constant 32 : i32
    %add3A_232 = arith.addi %arg1, %add3A_231 : i32
    %lt3A_233 = arith.constant 125 : i32
    %lt3A_234 = arith.cmpi slt, %add3A_232, %lt3A_233 : i32
    %convert_element_type3A_235 = arith.extui %lt3A_234 : i1 to i32
    %cond3A_236 = arith.constant 0 : i32
    %cond3A_237 = arith.cmpi ne, %convert_element_type3A_235, %cond3A_236 : i32
    scf.if %cond3A_237 {
      %mul3A_273 = arith.constant 200 : i32
      %mul3A_274 = arith.muli %add3A_232, %mul3A_273 : i32
      "tpu.region"() ({
        %run_scoped3A = tpu.sem_alloc : memref<!tpu.dma_semaphore, #tpu.memory_space<semaphore_mem>>
        %dma_start3A = arith.constant 0 : i32
        %dma_start3A_278 = tpu.memref_slice %arg10[%mul3A_274, %dma_start3A] : memref<25088x8xf32, #tpu.memory_space<vmem_shared>> -> memref<200x8xf32, #tpu.memory_space<vmem_shared>>
        %dma_start3A_279 = arith.constant 0 : i32
        %dma_start3A_280 = tpu.memref_slice %arg10[%mul3A_274, %dma_start3A_279] : memref<25088x8xf32, #tpu.memory_space<vmem_shared>> -> memref<200x8xf32, #tpu.memory_space<vmem_shared>>
        tpu.enqueue_dma source(%dma_start3A_280 : memref<200x8xf32, #tpu.memory_space<vmem_shared>>) target(%arg19 : memref<200x8xf32, #tpu.memory_space<vmem>>) target_semaphore(%run_scoped3A : memref<!tpu.dma_semaphore, #tpu.memory_space<semaphore_mem>>)
        %dma_wait3A = arith.constant 0 : i32
        %dma_wait3A_281 = tpu.memref_slice %arg10[%mul3A_274, %dma_wait3A] : memref<25088x8xf32, #tpu.memory_space<vmem_shared>> -> memref<200x8xf32, #tpu.memory_space<vmem_shared>>
        %dma_wait3A_282 = arith.constant 0 : i32
        %dma_wait3A_283 = tpu.memref_slice %arg10[%mul3A_274, %dma_wait3A_282] : memref<25088x8xf32, #tpu.memory_space<vmem_shared>> -> memref<200x8xf32, #tpu.memory_space<vmem_shared>>
        tpu.wait_dma2 semaphore(%run_scoped3A : memref<!tpu.dma_semaphore, #tpu.memory_space<semaphore_mem>>) src(%dma_wait3A_283 : memref<200x8xf32, #tpu.memory_space<vmem_shared>>) dst(%arg19 : memref<200x8xf32, #tpu.memory_space<vmem>>)
        tpu.yield
      }) : () -> ()
      %mul3A_275 = arith.constant 25000 : i32
      %mul3A_276 = arith.muli %arg0, %mul3A_275 : i32
      %add3A_277 = arith.addi %mul3A_276, %mul3A_274 : i32
      "tpu.region"() ({
        %run_scoped3A = tpu.sem_alloc : memref<!tpu.dma_semaphore, #tpu.memory_space<semaphore_mem>>
        %dma_start3A = arith.constant 0 : i32
        %dma_start3A_278 = tpu.memref_slice %arg8[%add3A_277, %dma_start3A] : memref<50000x8xf32, #tpu.memory_space<hbm>> -> memref<200x8xf32, #tpu.memory_space<hbm>>
        %dma_start3A_279 = arith.constant 0 : i32
        %dma_start3A_280 = tpu.memref_slice %arg8[%add3A_277, %dma_start3A_279] : memref<50000x8xf32, #tpu.memory_space<hbm>> -> memref<200x8xf32, #tpu.memory_space<hbm>>
        tpu.enqueue_dma source(%arg19 : memref<200x8xf32, #tpu.memory_space<vmem>>) target(%dma_start3A_280 : memref<200x8xf32, #tpu.memory_space<hbm>>) target_semaphore(%run_scoped3A : memref<!tpu.dma_semaphore, #tpu.memory_space<semaphore_mem>>)
        %dma_wait3A = arith.constant 0 : i32
        %dma_wait3A_281 = tpu.memref_slice %arg8[%add3A_277, %dma_wait3A] : memref<50000x8xf32, #tpu.memory_space<hbm>> -> memref<200x8xf32, #tpu.memory_space<hbm>>
        %dma_wait3A_282 = arith.constant 0 : i32
        %dma_wait3A_283 = tpu.memref_slice %arg8[%add3A_277, %dma_wait3A_282] : memref<50000x8xf32, #tpu.memory_space<hbm>> -> memref<200x8xf32, #tpu.memory_space<hbm>>
        tpu.wait_dma2 semaphore(%run_scoped3A : memref<!tpu.dma_semaphore, #tpu.memory_space<semaphore_mem>>) src(%arg19 : memref<200x8xf32, #tpu.memory_space<vmem>>) dst(%dma_wait3A_283 : memref<200x8xf32, #tpu.memory_space<hbm>>)
        tpu.yield
      }) : () -> ()
    } else {
    }
    %add3A_238 = arith.constant 48 : i32
    %add3A_239 = arith.addi %arg1, %add3A_238 : i32
    %lt3A_240 = arith.constant 125 : i32
    %lt3A_241 = arith.cmpi slt, %add3A_239, %lt3A_240 : i32
    %convert_element_type3A_242 = arith.extui %lt3A_241 : i1 to i32
    %cond3A_243 = arith.constant 0 : i32
    %cond3A_244 = arith.cmpi ne, %convert_element_type3A_242, %cond3A_243 : i32
    scf.if %cond3A_244 {
      %mul3A_273 = arith.constant 200 : i32
      %mul3A_274 = arith.muli %add3A_239, %mul3A_273 : i32
      "tpu.region"() ({
        %run_scoped3A = tpu.sem_alloc : memref<!tpu.dma_semaphore, #tpu.memory_space<semaphore_mem>>
        %dma_start3A = arith.constant 0 : i32
        %dma_start3A_278 = tpu.memref_slice %arg10[%mul3A_274, %dma_start3A] : memref<25088x8xf32, #tpu.memory_space<vmem_shared>> -> memref<200x8xf32, #tpu.memory_space<vmem_shared>>
        %dma_start3A_279 = arith.constant 0 : i32
        %dma_start3A_280 = tpu.memref_slice %arg10[%mul3A_274, %dma_start3A_279] : memref<25088x8xf32, #tpu.memory_space<vmem_shared>> -> memref<200x8xf32, #tpu.memory_space<vmem_shared>>
        tpu.enqueue_dma source(%dma_start3A_280 : memref<200x8xf32, #tpu.memory_space<vmem_shared>>) target(%arg19 : memref<200x8xf32, #tpu.memory_space<vmem>>) target_semaphore(%run_scoped3A : memref<!tpu.dma_semaphore, #tpu.memory_space<semaphore_mem>>)
        %dma_wait3A = arith.constant 0 : i32
        %dma_wait3A_281 = tpu.memref_slice %arg10[%mul3A_274, %dma_wait3A] : memref<25088x8xf32, #tpu.memory_space<vmem_shared>> -> memref<200x8xf32, #tpu.memory_space<vmem_shared>>
        %dma_wait3A_282 = arith.constant 0 : i32
        %dma_wait3A_283 = tpu.memref_slice %arg10[%mul3A_274, %dma_wait3A_282] : memref<25088x8xf32, #tpu.memory_space<vmem_shared>> -> memref<200x8xf32, #tpu.memory_space<vmem_shared>>
        tpu.wait_dma2 semaphore(%run_scoped3A : memref<!tpu.dma_semaphore, #tpu.memory_space<semaphore_mem>>) src(%dma_wait3A_283 : memref<200x8xf32, #tpu.memory_space<vmem_shared>>) dst(%arg19 : memref<200x8xf32, #tpu.memory_space<vmem>>)
        tpu.yield
      }) : () -> ()
      %mul3A_275 = arith.constant 25000 : i32
      %mul3A_276 = arith.muli %arg0, %mul3A_275 : i32
      %add3A_277 = arith.addi %mul3A_276, %mul3A_274 : i32
      "tpu.region"() ({
        %run_scoped3A = tpu.sem_alloc : memref<!tpu.dma_semaphore, #tpu.memory_space<semaphore_mem>>
        %dma_start3A = arith.constant 0 : i32
        %dma_start3A_278 = tpu.memref_slice %arg8[%add3A_277, %dma_start3A] : memref<50000x8xf32, #tpu.memory_space<hbm>> -> memref<200x8xf32, #tpu.memory_space<hbm>>
        %dma_start3A_279 = arith.constant 0 : i32
        %dma_start3A_280 = tpu.memref_slice %arg8[%add3A_277, %dma_start3A_279] : memref<50000x8xf32, #tpu.memory_space<hbm>> -> memref<200x8xf32, #tpu.memory_space<hbm>>
        tpu.enqueue_dma source(%arg19 : memref<200x8xf32, #tpu.memory_space<vmem>>) target(%dma_start3A_280 : memref<200x8xf32, #tpu.memory_space<hbm>>) target_semaphore(%run_scoped3A : memref<!tpu.dma_semaphore, #tpu.memory_space<semaphore_mem>>)
        %dma_wait3A = arith.constant 0 : i32
        %dma_wait3A_281 = tpu.memref_slice %arg8[%add3A_277, %dma_wait3A] : memref<50000x8xf32, #tpu.memory_space<hbm>> -> memref<200x8xf32, #tpu.memory_space<hbm>>
        %dma_wait3A_282 = arith.constant 0 : i32
        %dma_wait3A_283 = tpu.memref_slice %arg8[%add3A_277, %dma_wait3A_282] : memref<50000x8xf32, #tpu.memory_space<hbm>> -> memref<200x8xf32, #tpu.memory_space<hbm>>
        tpu.wait_dma2 semaphore(%run_scoped3A : memref<!tpu.dma_semaphore, #tpu.memory_space<semaphore_mem>>) src(%arg19 : memref<200x8xf32, #tpu.memory_space<vmem>>) dst(%dma_wait3A_283 : memref<200x8xf32, #tpu.memory_space<hbm>>)
        tpu.yield
      }) : () -> ()
    } else {
    }
    %add3A_245 = arith.constant 64 : i32
    %add3A_246 = arith.addi %arg1, %add3A_245 : i32
    %lt3A_247 = arith.constant 125 : i32
    %lt3A_248 = arith.cmpi slt, %add3A_246, %lt3A_247 : i32
    %convert_element_type3A_249 = arith.extui %lt3A_248 : i1 to i32
    %cond3A_250 = arith.constant 0 : i32
    %cond3A_251 = arith.cmpi ne, %convert_element_type3A_249, %cond3A_250 : i32
    scf.if %cond3A_251 {
      %mul3A_273 = arith.constant 200 : i32
      %mul3A_274 = arith.muli %add3A_246, %mul3A_273 : i32
      "tpu.region"() ({
        %run_scoped3A = tpu.sem_alloc : memref<!tpu.dma_semaphore, #tpu.memory_space<semaphore_mem>>
        %dma_start3A = arith.constant 0 : i32
        %dma_start3A_278 = tpu.memref_slice %arg10[%mul3A_274, %dma_start3A] : memref<25088x8xf32, #tpu.memory_space<vmem_shared>> -> memref<200x8xf32, #tpu.memory_space<vmem_shared>>
        %dma_start3A_279 = arith.constant 0 : i32
        %dma_start3A_280 = tpu.memref_slice %arg10[%mul3A_274, %dma_start3A_279] : memref<25088x8xf32, #tpu.memory_space<vmem_shared>> -> memref<200x8xf32, #tpu.memory_space<vmem_shared>>
        tpu.enqueue_dma source(%dma_start3A_280 : memref<200x8xf32, #tpu.memory_space<vmem_shared>>) target(%arg19 : memref<200x8xf32, #tpu.memory_space<vmem>>) target_semaphore(%run_scoped3A : memref<!tpu.dma_semaphore, #tpu.memory_space<semaphore_mem>>)
        %dma_wait3A = arith.constant 0 : i32
        %dma_wait3A_281 = tpu.memref_slice %arg10[%mul3A_274, %dma_wait3A] : memref<25088x8xf32, #tpu.memory_space<vmem_shared>> -> memref<200x8xf32, #tpu.memory_space<vmem_shared>>
        %dma_wait3A_282 = arith.constant 0 : i32
        %dma_wait3A_283 = tpu.memref_slice %arg10[%mul3A_274, %dma_wait3A_282] : memref<25088x8xf32, #tpu.memory_space<vmem_shared>> -> memref<200x8xf32, #tpu.memory_space<vmem_shared>>
        tpu.wait_dma2 semaphore(%run_scoped3A : memref<!tpu.dma_semaphore, #tpu.memory_space<semaphore_mem>>) src(%dma_wait3A_283 : memref<200x8xf32, #tpu.memory_space<vmem_shared>>) dst(%arg19 : memref<200x8xf32, #tpu.memory_space<vmem>>)
        tpu.yield
      }) : () -> ()
      %mul3A_275 = arith.constant 25000 : i32
      %mul3A_276 = arith.muli %arg0, %mul3A_275 : i32
      %add3A_277 = arith.addi %mul3A_276, %mul3A_274 : i32
      "tpu.region"() ({
        %run_scoped3A = tpu.sem_alloc : memref<!tpu.dma_semaphore, #tpu.memory_space<semaphore_mem>>
        %dma_start3A = arith.constant 0 : i32
        %dma_start3A_278 = tpu.memref_slice %arg8[%add3A_277, %dma_start3A] : memref<50000x8xf32, #tpu.memory_space<hbm>> -> memref<200x8xf32, #tpu.memory_space<hbm>>
        %dma_start3A_279 = arith.constant 0 : i32
        %dma_start3A_280 = tpu.memref_slice %arg8[%add3A_277, %dma_start3A_279] : memref<50000x8xf32, #tpu.memory_space<hbm>> -> memref<200x8xf32, #tpu.memory_space<hbm>>
        tpu.enqueue_dma source(%arg19 : memref<200x8xf32, #tpu.memory_space<vmem>>) target(%dma_start3A_280 : memref<200x8xf32, #tpu.memory_space<hbm>>) target_semaphore(%run_scoped3A : memref<!tpu.dma_semaphore, #tpu.memory_space<semaphore_mem>>)
        %dma_wait3A = arith.constant 0 : i32
        %dma_wait3A_281 = tpu.memref_slice %arg8[%add3A_277, %dma_wait3A] : memref<50000x8xf32, #tpu.memory_space<hbm>> -> memref<200x8xf32, #tpu.memory_space<hbm>>
        %dma_wait3A_282 = arith.constant 0 : i32
        %dma_wait3A_283 = tpu.memref_slice %arg8[%add3A_277, %dma_wait3A_282] : memref<50000x8xf32, #tpu.memory_space<hbm>> -> memref<200x8xf32, #tpu.memory_space<hbm>>
        tpu.wait_dma2 semaphore(%run_scoped3A : memref<!tpu.dma_semaphore, #tpu.memory_space<semaphore_mem>>) src(%arg19 : memref<200x8xf32, #tpu.memory_space<vmem>>) dst(%dma_wait3A_283 : memref<200x8xf32, #tpu.memory_space<hbm>>)
        tpu.yield
      }) : () -> ()
    } else {
    }
    %add3A_252 = arith.constant 80 : i32
    %add3A_253 = arith.addi %arg1, %add3A_252 : i32
    %lt3A_254 = arith.constant 125 : i32
    %lt3A_255 = arith.cmpi slt, %add3A_253, %lt3A_254 : i32
    %convert_element_type3A_256 = arith.extui %lt3A_255 : i1 to i32
    %cond3A_257 = arith.constant 0 : i32
    %cond3A_258 = arith.cmpi ne, %convert_element_type3A_256, %cond3A_257 : i32
    scf.if %cond3A_258 {
      %mul3A_273 = arith.constant 200 : i32
      %mul3A_274 = arith.muli %add3A_253, %mul3A_273 : i32
      "tpu.region"() ({
        %run_scoped3A = tpu.sem_alloc : memref<!tpu.dma_semaphore, #tpu.memory_space<semaphore_mem>>
        %dma_start3A = arith.constant 0 : i32
        %dma_start3A_278 = tpu.memref_slice %arg10[%mul3A_274, %dma_start3A] : memref<25088x8xf32, #tpu.memory_space<vmem_shared>> -> memref<200x8xf32, #tpu.memory_space<vmem_shared>>
        %dma_start3A_279 = arith.constant 0 : i32
        %dma_start3A_280 = tpu.memref_slice %arg10[%mul3A_274, %dma_start3A_279] : memref<25088x8xf32, #tpu.memory_space<vmem_shared>> -> memref<200x8xf32, #tpu.memory_space<vmem_shared>>
        tpu.enqueue_dma source(%dma_start3A_280 : memref<200x8xf32, #tpu.memory_space<vmem_shared>>) target(%arg19 : memref<200x8xf32, #tpu.memory_space<vmem>>) target_semaphore(%run_scoped3A : memref<!tpu.dma_semaphore, #tpu.memory_space<semaphore_mem>>)
        %dma_wait3A = arith.constant 0 : i32
        %dma_wait3A_281 = tpu.memref_slice %arg10[%mul3A_274, %dma_wait3A] : memref<25088x8xf32, #tpu.memory_space<vmem_shared>> -> memref<200x8xf32, #tpu.memory_space<vmem_shared>>
        %dma_wait3A_282 = arith.constant 0 : i32
        %dma_wait3A_283 = tpu.memref_slice %arg10[%mul3A_274, %dma_wait3A_282] : memref<25088x8xf32, #tpu.memory_space<vmem_shared>> -> memref<200x8xf32, #tpu.memory_space<vmem_shared>>
        tpu.wait_dma2 semaphore(%run_scoped3A : memref<!tpu.dma_semaphore, #tpu.memory_space<semaphore_mem>>) src(%dma_wait3A_283 : memref<200x8xf32, #tpu.memory_space<vmem_shared>>) dst(%arg19 : memref<200x8xf32, #tpu.memory_space<vmem>>)
        tpu.yield
      }) : () -> ()
      %mul3A_275 = arith.constant 25000 : i32
      %mul3A_276 = arith.muli %arg0, %mul3A_275 : i32
      %add3A_277 = arith.addi %mul3A_276, %mul3A_274 : i32
      "tpu.region"() ({
        %run_scoped3A = tpu.sem_alloc : memref<!tpu.dma_semaphore, #tpu.memory_space<semaphore_mem>>
        %dma_start3A = arith.constant 0 : i32
        %dma_start3A_278 = tpu.memref_slice %arg8[%add3A_277, %dma_start3A] : memref<50000x8xf32, #tpu.memory_space<hbm>> -> memref<200x8xf32, #tpu.memory_space<hbm>>
        %dma_start3A_279 = arith.constant 0 : i32
        %dma_start3A_280 = tpu.memref_slice %arg8[%add3A_277, %dma_start3A_279] : memref<50000x8xf32, #tpu.memory_space<hbm>> -> memref<200x8xf32, #tpu.memory_space<hbm>>
        tpu.enqueue_dma source(%arg19 : memref<200x8xf32, #tpu.memory_space<vmem>>) target(%dma_start3A_280 : memref<200x8xf32, #tpu.memory_space<hbm>>) target_semaphore(%run_scoped3A : memref<!tpu.dma_semaphore, #tpu.memory_space<semaphore_mem>>)
        %dma_wait3A = arith.constant 0 : i32
        %dma_wait3A_281 = tpu.memref_slice %arg8[%add3A_277, %dma_wait3A] : memref<50000x8xf32, #tpu.memory_space<hbm>> -> memref<200x8xf32, #tpu.memory_space<hbm>>
        %dma_wait3A_282 = arith.constant 0 : i32
        %dma_wait3A_283 = tpu.memref_slice %arg8[%add3A_277, %dma_wait3A_282] : memref<50000x8xf32, #tpu.memory_space<hbm>> -> memref<200x8xf32, #tpu.memory_space<hbm>>
        tpu.wait_dma2 semaphore(%run_scoped3A : memref<!tpu.dma_semaphore, #tpu.memory_space<semaphore_mem>>) src(%arg19 : memref<200x8xf32, #tpu.memory_space<vmem>>) dst(%dma_wait3A_283 : memref<200x8xf32, #tpu.memory_space<hbm>>)
        tpu.yield
      }) : () -> ()
    } else {
    }
    %add3A_259 = arith.constant 96 : i32
    %add3A_260 = arith.addi %arg1, %add3A_259 : i32
    %lt3A_261 = arith.constant 125 : i32
    %lt3A_262 = arith.cmpi slt, %add3A_260, %lt3A_261 : i32
    %convert_element_type3A_263 = arith.extui %lt3A_262 : i1 to i32
    %cond3A_264 = arith.constant 0 : i32
    %cond3A_265 = arith.cmpi ne, %convert_element_type3A_263, %cond3A_264 : i32
    scf.if %cond3A_265 {
      %mul3A_273 = arith.constant 200 : i32
      %mul3A_274 = arith.muli %add3A_260, %mul3A_273 : i32
      "tpu.region"() ({
        %run_scoped3A = tpu.sem_alloc : memref<!tpu.dma_semaphore, #tpu.memory_space<semaphore_mem>>
        %dma_start3A = arith.constant 0 : i32
        %dma_start3A_278 = tpu.memref_slice %arg10[%mul3A_274, %dma_start3A] : memref<25088x8xf32, #tpu.memory_space<vmem_shared>> -> memref<200x8xf32, #tpu.memory_space<vmem_shared>>
        %dma_start3A_279 = arith.constant 0 : i32
        %dma_start3A_280 = tpu.memref_slice %arg10[%mul3A_274, %dma_start3A_279] : memref<25088x8xf32, #tpu.memory_space<vmem_shared>> -> memref<200x8xf32, #tpu.memory_space<vmem_shared>>
        tpu.enqueue_dma source(%dma_start3A_280 : memref<200x8xf32, #tpu.memory_space<vmem_shared>>) target(%arg19 : memref<200x8xf32, #tpu.memory_space<vmem>>) target_semaphore(%run_scoped3A : memref<!tpu.dma_semaphore, #tpu.memory_space<semaphore_mem>>)
        %dma_wait3A = arith.constant 0 : i32
        %dma_wait3A_281 = tpu.memref_slice %arg10[%mul3A_274, %dma_wait3A] : memref<25088x8xf32, #tpu.memory_space<vmem_shared>> -> memref<200x8xf32, #tpu.memory_space<vmem_shared>>
        %dma_wait3A_282 = arith.constant 0 : i32
        %dma_wait3A_283 = tpu.memref_slice %arg10[%mul3A_274, %dma_wait3A_282] : memref<25088x8xf32, #tpu.memory_space<vmem_shared>> -> memref<200x8xf32, #tpu.memory_space<vmem_shared>>
        tpu.wait_dma2 semaphore(%run_scoped3A : memref<!tpu.dma_semaphore, #tpu.memory_space<semaphore_mem>>) src(%dma_wait3A_283 : memref<200x8xf32, #tpu.memory_space<vmem_shared>>) dst(%arg19 : memref<200x8xf32, #tpu.memory_space<vmem>>)
        tpu.yield
      }) : () -> ()
      %mul3A_275 = arith.constant 25000 : i32
      %mul3A_276 = arith.muli %arg0, %mul3A_275 : i32
      %add3A_277 = arith.addi %mul3A_276, %mul3A_274 : i32
      "tpu.region"() ({
        %run_scoped3A = tpu.sem_alloc : memref<!tpu.dma_semaphore, #tpu.memory_space<semaphore_mem>>
        %dma_start3A = arith.constant 0 : i32
        %dma_start3A_278 = tpu.memref_slice %arg8[%add3A_277, %dma_start3A] : memref<50000x8xf32, #tpu.memory_space<hbm>> -> memref<200x8xf32, #tpu.memory_space<hbm>>
        %dma_start3A_279 = arith.constant 0 : i32
        %dma_start3A_280 = tpu.memref_slice %arg8[%add3A_277, %dma_start3A_279] : memref<50000x8xf32, #tpu.memory_space<hbm>> -> memref<200x8xf32, #tpu.memory_space<hbm>>
        tpu.enqueue_dma source(%arg19 : memref<200x8xf32, #tpu.memory_space<vmem>>) target(%dma_start3A_280 : memref<200x8xf32, #tpu.memory_space<hbm>>) target_semaphore(%run_scoped3A : memref<!tpu.dma_semaphore, #tpu.memory_space<semaphore_mem>>)
        %dma_wait3A = arith.constant 0 : i32
        %dma_wait3A_281 = tpu.memref_slice %arg8[%add3A_277, %dma_wait3A] : memref<50000x8xf32, #tpu.memory_space<hbm>> -> memref<200x8xf32, #tpu.memory_space<hbm>>
        %dma_wait3A_282 = arith.constant 0 : i32
        %dma_wait3A_283 = tpu.memref_slice %arg8[%add3A_277, %dma_wait3A_282] : memref<50000x8xf32, #tpu.memory_space<hbm>> -> memref<200x8xf32, #tpu.memory_space<hbm>>
        tpu.wait_dma2 semaphore(%run_scoped3A : memref<!tpu.dma_semaphore, #tpu.memory_space<semaphore_mem>>) src(%arg19 : memref<200x8xf32, #tpu.memory_space<vmem>>) dst(%dma_wait3A_283 : memref<200x8xf32, #tpu.memory_space<hbm>>)
        tpu.yield
      }) : () -> ()
    } else {
    }
    %add3A_266 = arith.constant 112 : i32
    %add3A_267 = arith.addi %arg1, %add3A_266 : i32
    %lt3A_268 = arith.constant 125 : i32
    %lt3A_269 = arith.cmpi slt, %add3A_267, %lt3A_268 : i32
    %convert_element_type3A_270 = arith.extui %lt3A_269 : i1 to i32
    %cond3A_271 = arith.constant 0 : i32
    %cond3A_272 = arith.cmpi ne, %convert_element_type3A_270, %cond3A_271 : i32
    scf.if %cond3A_272 {
      %mul3A_273 = arith.constant 200 : i32
      %mul3A_274 = arith.muli %add3A_267, %mul3A_273 : i32
      "tpu.region"() ({
        %run_scoped3A = tpu.sem_alloc : memref<!tpu.dma_semaphore, #tpu.memory_space<semaphore_mem>>
        %dma_start3A = arith.constant 0 : i32
        %dma_start3A_278 = tpu.memref_slice %arg10[%mul3A_274, %dma_start3A] : memref<25088x8xf32, #tpu.memory_space<vmem_shared>> -> memref<200x8xf32, #tpu.memory_space<vmem_shared>>
        %dma_start3A_279 = arith.constant 0 : i32
        %dma_start3A_280 = tpu.memref_slice %arg10[%mul3A_274, %dma_start3A_279] : memref<25088x8xf32, #tpu.memory_space<vmem_shared>> -> memref<200x8xf32, #tpu.memory_space<vmem_shared>>
        tpu.enqueue_dma source(%dma_start3A_280 : memref<200x8xf32, #tpu.memory_space<vmem_shared>>) target(%arg19 : memref<200x8xf32, #tpu.memory_space<vmem>>) target_semaphore(%run_scoped3A : memref<!tpu.dma_semaphore, #tpu.memory_space<semaphore_mem>>)
        %dma_wait3A = arith.constant 0 : i32
        %dma_wait3A_281 = tpu.memref_slice %arg10[%mul3A_274, %dma_wait3A] : memref<25088x8xf32, #tpu.memory_space<vmem_shared>> -> memref<200x8xf32, #tpu.memory_space<vmem_shared>>
        %dma_wait3A_282 = arith.constant 0 : i32
        %dma_wait3A_283 = tpu.memref_slice %arg10[%mul3A_274, %dma_wait3A_282] : memref<25088x8xf32, #tpu.memory_space<vmem_shared>> -> memref<200x8xf32, #tpu.memory_space<vmem_shared>>
        tpu.wait_dma2 semaphore(%run_scoped3A : memref<!tpu.dma_semaphore, #tpu.memory_space<semaphore_mem>>) src(%dma_wait3A_283 : memref<200x8xf32, #tpu.memory_space<vmem_shared>>) dst(%arg19 : memref<200x8xf32, #tpu.memory_space<vmem>>)
        tpu.yield
      }) : () -> ()
      %mul3A_275 = arith.constant 25000 : i32
      %mul3A_276 = arith.muli %arg0, %mul3A_275 : i32
      %add3A_277 = arith.addi %mul3A_276, %mul3A_274 : i32
      "tpu.region"() ({
        %run_scoped3A = tpu.sem_alloc : memref<!tpu.dma_semaphore, #tpu.memory_space<semaphore_mem>>
        %dma_start3A = arith.constant 0 : i32
        %dma_start3A_278 = tpu.memref_slice %arg8[%add3A_277, %dma_start3A] : memref<50000x8xf32, #tpu.memory_space<hbm>> -> memref<200x8xf32, #tpu.memory_space<hbm>>
        %dma_start3A_279 = arith.constant 0 : i32
        %dma_start3A_280 = tpu.memref_slice %arg8[%add3A_277, %dma_start3A_279] : memref<50000x8xf32, #tpu.memory_space<hbm>> -> memref<200x8xf32, #tpu.memory_space<hbm>>
        tpu.enqueue_dma source(%arg19 : memref<200x8xf32, #tpu.memory_space<vmem>>) target(%dma_start3A_280 : memref<200x8xf32, #tpu.memory_space<hbm>>) target_semaphore(%run_scoped3A : memref<!tpu.dma_semaphore, #tpu.memory_space<semaphore_mem>>)
        %dma_wait3A = arith.constant 0 : i32
        %dma_wait3A_281 = tpu.memref_slice %arg8[%add3A_277, %dma_wait3A] : memref<50000x8xf32, #tpu.memory_space<hbm>> -> memref<200x8xf32, #tpu.memory_space<hbm>>
        %dma_wait3A_282 = arith.constant 0 : i32
        %dma_wait3A_283 = tpu.memref_slice %arg8[%add3A_277, %dma_wait3A_282] : memref<50000x8xf32, #tpu.memory_space<hbm>> -> memref<200x8xf32, #tpu.memory_space<hbm>>
        tpu.wait_dma2 semaphore(%run_scoped3A : memref<!tpu.dma_semaphore, #tpu.memory_space<semaphore_mem>>) src(%arg19 : memref<200x8xf32, #tpu.memory_space<vmem>>) dst(%dma_wait3A_283 : memref<200x8xf32, #tpu.memory_space<hbm>>)
        tpu.yield
      }) : () -> ()
    } else {
    }
    return
  }
}

module attributes {stable_mosaic.version = 14 : i64} {
  func.func @_evt_proj_body(%arg0: i32, %arg1: memref<1000x128xf32, #tpu.memory_space<vmem>>, %arg2: memref<128x64xf32, #tpu.memory_space<vmem>>, %arg3: memref<1x64xf32, #tpu.memory_space<vmem>>, %arg4: memref<2x1000x32xbf16, #tpu.memory_space<vmem>>) attributes {dimension_semantics = [#tpu.dimension_semantics<arbitrary>], iteration_bounds = array<i64: 50>, scalar_prefetch = 0 : i64, scratch_operands = 0 : i64, tpu.core_type = #tpu.core_type<tc>, window_params = [{transform_indices = @transform_0, window_bounds = array<i64: 1000, 128>}, {pipeline_mode = #tpu.pipeline_mode<synchronous>, transform_indices = @transform_1, window_bounds = array<i64: 128, 64>}, {pipeline_mode = #tpu.pipeline_mode<synchronous>, transform_indices = @transform_2, window_bounds = array<i64: 1, 64>}, {transform_indices = @transform_3, window_bounds = array<i64: 2, 1000, 32>}]} {
    %get3A = arith.constant 0 : index
    %get3A_0 = arith.constant 0 : index
    %get3A_1 = vector.load %arg1[%get3A, %get3A_0] : memref<1000x128xf32, #tpu.memory_space<vmem>>, vector<1000x128xf32>
    %get3A_2 = arith.constant 0 : index
    %get3A_3 = arith.constant 0 : index
    %get3A_4 = vector.load %arg2[%get3A_2, %get3A_3] : memref<128x64xf32, #tpu.memory_space<vmem>>, vector<128x64xf32>
    %dot_general3A = arith.constant dense<0.000000e+00> : vector<1000x64xf32>
    %dot_general3A_5 = tpu.matmul %get3A_1, %get3A_4, %dot_general3A {dimension_numbers = #tpu.dot_dimension_numbers<[1], [0], [0], [1], [0, 0, 1, 1], [], []>, transpose_lhs_hint = false} : vector<1000x128xf32>, vector<128x64xf32>, vector<1000x64xf32> -> vector<1000x64xf32>
    %get3A_6 = arith.constant 0 : index
    %get3A_7 = arith.constant 0 : index
    %get3A_8 = vector.load %arg3[%get3A_6, %get3A_7] : memref<1x64xf32, #tpu.memory_space<vmem>>, vector<1x64xf32>
    %add3A = vector.broadcast %get3A_8 : vector<1x64xf32> to vector<1000x64xf32>
    %add3A_9 = arith.addf %dot_general3A_5, %add3A : vector<1000x64xf32>
    %max3A = arith.constant 0.000000e+00 : f32
    %max3A_10 = vector.broadcast %max3A : f32 to vector<1000x64xf32>
    %max3A_11 = arith.maximumf %add3A_9, %max3A_10 : vector<1000x64xf32>
    %convert_element_type3A = arith.truncf %max3A_11 : vector<1000x64xf32> to vector<1000x64xbf16>
    %slice3A = vector.extract_strided_slice %convert_element_type3A {offsets = [0, 0], sizes = [1000, 32], strides = [1, 1]} : vector<1000x64xbf16> to vector<1000x32xbf16>
    %swap3A = arith.constant 0 : index
    %swap3A_12 = arith.constant 0 : index
    %swap3A_13 = arith.constant 0 : index
    %swap3A_14 = vector.load %arg4[%swap3A, %swap3A_12, %swap3A_13] : memref<2x1000x32xbf16, #tpu.memory_space<vmem>>, vector<1x1000x32xbf16>
    %swap3A_15 = vector.shape_cast %swap3A_14 : vector<1x1000x32xbf16> to vector<1000x32xbf16>
    %swap3A_16 = vector.shape_cast %slice3A : vector<1000x32xbf16> to vector<1x1000x32xbf16>
    tpu.vector_store %arg4[%swap3A, %swap3A_12, %swap3A_13], %swap3A_16 {strides = array<i32>} : memref<2x1000x32xbf16, #tpu.memory_space<vmem>>, vector<1x1000x32xbf16>,
    %slice3A_17 = vector.extract_strided_slice %convert_element_type3A {offsets = [0, 32], sizes = [1000, 32], strides = [1, 1]} : vector<1000x64xbf16> to vector<1000x32xbf16>
    %swap3A_18 = arith.constant 1 : index
    %swap3A_19 = arith.constant 0 : index
    %swap3A_20 = arith.constant 0 : index
    %swap3A_21 = vector.load %arg4[%swap3A_18, %swap3A_19, %swap3A_20] : memref<2x1000x32xbf16, #tpu.memory_space<vmem>>, vector<1x1000x32xbf16>
    %swap3A_22 = vector.shape_cast %swap3A_21 : vector<1x1000x32xbf16> to vector<1000x32xbf16>
    %swap3A_23 = vector.shape_cast %slice3A_17 : vector<1000x32xbf16> to vector<1x1000x32xbf16>
    tpu.vector_store %arg4[%swap3A_18, %swap3A_19, %swap3A_20], %swap3A_23 {strides = array<i32>} : memref<2x1000x32xbf16, #tpu.memory_space<vmem>>, vector<1x1000x32xbf16>,
    return
  }
  func.func @transform_0(%arg0: i32) -> (i32, i32) {
    %c0_i32 = arith.constant 0 : i32
    %c0_i32_0 = arith.constant 0 : i32
    return %arg0, %c0_i32 : i32, i32
  }
  func.func @transform_1(%arg0: i32) -> (i32, i32) {
    %c0_i32 = arith.constant 0 : i32
    %c0_i32_0 = arith.constant 0 : i32
    %c0_i32_1 = arith.constant 0 : i32
    return %c0_i32, %c0_i32_0 : i32, i32
  }
  func.func @transform_2(%arg0: i32) -> (i32, i32) {
    %c0_i32 = arith.constant 0 : i32
    %c0_i32_0 = arith.constant 0 : i32
    %c0_i32_1 = arith.constant 0 : i32
    return %c0_i32, %c0_i32_0 : i32, i32
  }
  func.func @transform_3(%arg0: i32) -> (i32, i32, i32) {
    %c0_i32 = arith.constant 0 : i32
    %c0_i32_0 = arith.constant 0 : i32
    %c0_i32_1 = arith.constant 0 : i32
    return %c0_i32, %arg0, %c0_i32_0 : i32, i32, i32
  }
}

module attributes {stable_mosaic.version = 14 : i64} {
  func.func @_loc_proj_body(%arg0: i32, %arg1: memref<1000x128xf32, #tpu.memory_space<vmem>>, %arg2: memref<128x64xf32, #tpu.memory_space<vmem>>, %arg3: memref<1x64xf32, #tpu.memory_space<vmem>>, %arg4: memref<1000x64xf32, #tpu.memory_space<vmem>>) attributes {dimension_semantics = [#tpu.dimension_semantics<arbitrary>], iteration_bounds = array<i64: 50>, scalar_prefetch = 0 : i64, scratch_operands = 0 : i64, tpu.core_type = #tpu.core_type<tc>, window_params = [{transform_indices = @transform_0, window_bounds = array<i64: 1000, 128>}, {pipeline_mode = #tpu.pipeline_mode<synchronous>, transform_indices = @transform_1, window_bounds = array<i64: 128, 64>}, {pipeline_mode = #tpu.pipeline_mode<synchronous>, transform_indices = @transform_2, window_bounds = array<i64: 1, 64>}, {transform_indices = @transform_3, window_bounds = array<i64: 1000, 64>}]} {
    %get3A = arith.constant 0 : index
    %get3A_0 = arith.constant 0 : index
    %get3A_1 = vector.load %arg1[%get3A, %get3A_0] : memref<1000x128xf32, #tpu.memory_space<vmem>>, vector<1000x128xf32>
    %get3A_2 = arith.constant 0 : index
    %get3A_3 = arith.constant 0 : index
    %get3A_4 = vector.load %arg2[%get3A_2, %get3A_3] : memref<128x64xf32, #tpu.memory_space<vmem>>, vector<128x64xf32>
    %dot_general3A = arith.constant dense<0.000000e+00> : vector<1000x64xf32>
    %dot_general3A_5 = tpu.matmul %get3A_1, %get3A_4, %dot_general3A {dimension_numbers = #tpu.dot_dimension_numbers<[1], [0], [0], [1], [0, 0, 1, 1], [], []>, transpose_lhs_hint = false} : vector<1000x128xf32>, vector<128x64xf32>, vector<1000x64xf32> -> vector<1000x64xf32>
    %get3A_6 = arith.constant 0 : index
    %get3A_7 = arith.constant 0 : index
    %get3A_8 = vector.load %arg3[%get3A_6, %get3A_7] : memref<1x64xf32, #tpu.memory_space<vmem>>, vector<1x64xf32>
    %add3A = vector.broadcast %get3A_8 : vector<1x64xf32> to vector<1000x64xf32>
    %add3A_9 = arith.addf %dot_general3A_5, %add3A : vector<1000x64xf32>
    %max3A = arith.constant 0.000000e+00 : f32
    %max3A_10 = vector.broadcast %max3A : f32 to vector<1000x64xf32>
    %max3A_11 = arith.maximumf %add3A_9, %max3A_10 : vector<1000x64xf32>
    %swap3A = arith.constant 0 : index
    %swap3A_12 = arith.constant 0 : index
    %swap3A_13 = vector.load %arg4[%swap3A, %swap3A_12] : memref<1000x64xf32, #tpu.memory_space<vmem>>, vector<1000x64xf32>
    tpu.vector_store %arg4[%swap3A, %swap3A_12], %max3A_11 {strides = array<i32>} : memref<1000x64xf32, #tpu.memory_space<vmem>>, vector<1000x64xf32>,
    return
  }
  func.func @transform_0(%arg0: i32) -> (i32, i32) {
    %c0_i32 = arith.constant 0 : i32
    %c0_i32_0 = arith.constant 0 : i32
    return %arg0, %c0_i32 : i32, i32
  }
  func.func @transform_1(%arg0: i32) -> (i32, i32) {
    %c0_i32 = arith.constant 0 : i32
    %c0_i32_0 = arith.constant 0 : i32
    %c0_i32_1 = arith.constant 0 : i32
    return %c0_i32, %c0_i32_0 : i32, i32
  }
  func.func @transform_2(%arg0: i32) -> (i32, i32) {
    %c0_i32 = arith.constant 0 : i32
    %c0_i32_0 = arith.constant 0 : i32
    %c0_i32_1 = arith.constant 0 : i32
    return %c0_i32, %c0_i32_0 : i32, i32
  }
  func.func @transform_3(%arg0: i32) -> (i32, i32) {
    %c0_i32 = arith.constant 0 : i32
    %c0_i32_0 = arith.constant 0 : i32
    return %arg0, %c0_i32 : i32, i32
  }
}

module attributes {stable_mosaic.version = 14 : i64} {
  func.func @_head_body(%arg0: i32, %arg1: memref<1000x32xf32, #tpu.memory_space<vmem>>, %arg2: memref<1000x32xf32, #tpu.memory_space<vmem>>, %arg3: memref<1000x8xf32, #tpu.memory_space<vmem>>, %arg4: memref<1000x64xf32, #tpu.memory_space<vmem>>, %arg5: memref<64x64xf32, #tpu.memory_space<vmem>>, %arg6: memref<1x64xf32, #tpu.memory_space<vmem>>, %arg7: memref<64x64xf32, #tpu.memory_space<vmem>>, %arg8: memref<64x32xf32, #tpu.memory_space<vmem>>, %arg9: memref<1x32xf32, #tpu.memory_space<vmem>>, %arg10: memref<1x32xf32, #tpu.memory_space<vmem>>, %arg11: memref<1x1xf32, #tpu.memory_space<vmem>>, %arg12: memref<1000x1xf32, #tpu.memory_space<vmem>>) attributes {dimension_semantics = [#tpu.dimension_semantics<arbitrary>], iteration_bounds = array<i64: 50>, scalar_prefetch = 0 : i64, scratch_operands = 0 : i64, tpu.core_type = #tpu.core_type<tc>, window_params = [{transform_indices = @transform_0, window_bounds = array<i64: 1000, 32>}, {transform_indices = @transform_1, window_bounds = array<i64: 1000, 32>}, {transform_indices = @transform_2, window_bounds = array<i64: 1000, 8>}, {transform_indices = @transform_3, window_bounds = array<i64: 1000, 64>}, {pipeline_mode = #tpu.pipeline_mode<synchronous>, transform_indices = @transform_4, window_bounds = array<i64: 64, 64>}, {pipeline_mode = #tpu.pipeline_mode<synchronous>, transform_indices = @transform_5, window_bounds = array<i64: 1, 64>}, {pipeline_mode = #tpu.pipeline_mode<synchronous>, transform_indices = @transform_6, window_bounds = array<i64: 64, 64>}, {pipeline_mode = #tpu.pipeline_mode<synchronous>, transform_indices = @transform_7, window_bounds = array<i64: 64, 32>}, {pipeline_mode = #tpu.pipeline_mode<synchronous>, transform_indices = @transform_8, window_bounds = array<i64: 1, 32>}, {pipeline_mode = #tpu.pipeline_mode<synchronous>, transform_indices = @transform_9, window_bounds = array<i64: 1, 32>}, {pipeline_mode = #tpu.pipeline_mode<synchronous>, transform_indices = @transform_10, window_bounds = array<i64: 1, 1>}, {transform_indices = @transform_11, window_bounds = array<i64: 1000, 1>}]} {
    %get3A = arith.constant 0 : index
    %get3A_0 = arith.constant 0 : index
    %get3A_1 = vector.load %arg3[%get3A, %get3A_0] : memref<1000x8xf32, #tpu.memory_space<vmem>>, vector<1000x8xf32>
    %slice3A = vector.extract_strided_slice %get3A_1 {offsets = [0, 0], sizes = [1000, 1], strides = [1, 1]} : vector<1000x8xf32> to vector<1000x1xf32>
    %max3A = arith.constant 1.000000e+00 : f32
    %max3A_2 = vector.broadcast %max3A : f32 to vector<1000x1xf32>
    %max3A_3 = arith.maximumf %slice3A, %max3A_2 : vector<1000x1xf32>
    %div3A = arith.constant 1.000000e+00 : f32
    %div3A_4 = vector.broadcast %div3A : f32 to vector<1000x1xf32>
    %div3A_5 = arith.divf %div3A_4, %max3A_3 : vector<1000x1xf32>
    %get3A_6 = arith.constant 0 : index
    %get3A_7 = arith.constant 0 : index
    %get3A_8 = vector.load %arg1[%get3A_6, %get3A_7] : memref<1000x32xf32, #tpu.memory_space<vmem>>, vector<1000x32xf32>
    %mul3A = vector.broadcast %div3A_5 : vector<1000x1xf32> to vector<1000x32xf32>
    %mul3A_9 = arith.mulf %get3A_8, %mul3A : vector<1000x32xf32>
    %get3A_10 = arith.constant 0 : index
    %get3A_11 = arith.constant 0 : index
    %get3A_12 = vector.load %arg2[%get3A_10, %get3A_11] : memref<1000x32xf32, #tpu.memory_space<vmem>>, vector<1000x32xf32>
    %mul3A_13 = vector.broadcast %div3A_5 : vector<1000x1xf32> to vector<1000x32xf32>
    %mul3A_14 = arith.mulf %get3A_12, %mul3A_13 : vector<1000x32xf32>
    %get3A_15 = arith.constant 0 : index
    %get3A_16 = arith.constant 0 : index
    %get3A_17 = vector.load %arg5[%get3A_15, %get3A_16] : memref<64x64xf32, #tpu.memory_space<vmem>>, vector<64x64xf32>
    %slice3A_18 = vector.extract_strided_slice %get3A_17 {offsets = [0, 0], sizes = [32, 64], strides = [1, 1]} : vector<64x64xf32> to vector<32x64xf32>
    %dot_general3A = arith.constant dense<0.000000e+00> : vector<1000x64xf32>
    %dot_general3A_19 = tpu.matmul %mul3A_9, %slice3A_18, %dot_general3A {dimension_numbers = #tpu.dot_dimension_numbers<[1], [0], [0], [1], [0, 0, 1, 1], [], []>, transpose_lhs_hint = false} : vector<1000x32xf32>, vector<32x64xf32>, vector<1000x64xf32> -> vector<1000x64xf32>
    %slice3A_20 = vector.extract_strided_slice %get3A_17 {offsets = [32, 0], sizes = [32, 64], strides = [1, 1]} : vector<64x64xf32> to vector<32x64xf32>
    %dot_general3A_21 = arith.constant dense<0.000000e+00> : vector<1000x64xf32>
    %dot_general3A_22 = tpu.matmul %mul3A_14, %slice3A_20, %dot_general3A_21 {dimension_numbers = #tpu.dot_dimension_numbers<[1], [0], [0], [1], [0, 0, 1, 1], [], []>, transpose_lhs_hint = false} : vector<1000x32xf32>, vector<32x64xf32>, vector<1000x64xf32> -> vector<1000x64xf32>
    %add3A = arith.addf %dot_general3A_19, %dot_general3A_22 : vector<1000x64xf32>
    %get3A_23 = arith.constant 0 : index
    %get3A_24 = arith.constant 0 : index
    %get3A_25 = vector.load %arg4[%get3A_23, %get3A_24] : memref<1000x64xf32, #tpu.memory_space<vmem>>, vector<1000x64xf32>
    %get3A_26 = arith.constant 0 : index
    %get3A_27 = arith.constant 0 : index
    %get3A_28 = vector.load %arg7[%get3A_26, %get3A_27] : memref<64x64xf32, #tpu.memory_space<vmem>>, vector<64x64xf32>
    %dot_general3A_29 = arith.constant dense<0.000000e+00> : vector<1000x64xf32>
    %dot_general3A_30 = tpu.matmul %get3A_25, %get3A_28, %dot_general3A_29 {dimension_numbers = #tpu.dot_dimension_numbers<[1], [0], [0], [1], [0, 0, 1, 1], [], []>, transpose_lhs_hint = false} : vector<1000x64xf32>, vector<64x64xf32>, vector<1000x64xf32> -> vector<1000x64xf32>
    %add3A_31 = arith.addf %add3A, %dot_general3A_30 : vector<1000x64xf32>
    %get3A_32 = arith.constant 0 : index
    %get3A_33 = arith.constant 0 : index
    %get3A_34 = vector.load %arg6[%get3A_32, %get3A_33] : memref<1x64xf32, #tpu.memory_space<vmem>>, vector<1x64xf32>
    %add3A_35 = vector.broadcast %get3A_34 : vector<1x64xf32> to vector<1000x64xf32>
    %add3A_36 = arith.addf %add3A_31, %add3A_35 : vector<1000x64xf32>
    %max3A_37 = arith.constant 0.000000e+00 : f32
    %max3A_38 = vector.broadcast %max3A_37 : f32 to vector<1000x64xf32>
    %max3A_39 = arith.maximumf %add3A_36, %max3A_38 : vector<1000x64xf32>
    %get3A_40 = arith.constant 0 : index
    %get3A_41 = arith.constant 0 : index
    %get3A_42 = vector.load %arg8[%get3A_40, %get3A_41] : memref<64x32xf32, #tpu.memory_space<vmem>>, vector<64x32xf32>
    %dot_general3A_43 = arith.constant dense<0.000000e+00> : vector<1000x32xf32>
    %dot_general3A_44 = tpu.matmul %max3A_39, %get3A_42, %dot_general3A_43 {dimension_numbers = #tpu.dot_dimension_numbers<[1], [0], [0], [1], [0, 0, 1, 1], [], []>, transpose_lhs_hint = false} : vector<1000x64xf32>, vector<64x32xf32>, vector<1000x32xf32> -> vector<1000x32xf32>
    %get3A_45 = arith.constant 0 : index
    %get3A_46 = arith.constant 0 : index
    %get3A_47 = vector.load %arg9[%get3A_45, %get3A_46] : memref<1x32xf32, #tpu.memory_space<vmem>>, vector<1x32xf32>
    %add3A_48 = vector.broadcast %get3A_47 : vector<1x32xf32> to vector<1000x32xf32>
    %add3A_49 = arith.addf %dot_general3A_44, %add3A_48 : vector<1000x32xf32>
    %max3A_50 = arith.constant 0.000000e+00 : f32
    %max3A_51 = vector.broadcast %max3A_50 : f32 to vector<1000x32xf32>
    %max3A_52 = arith.maximumf %add3A_49, %max3A_51 : vector<1000x32xf32>
    %get3A_53 = arith.constant 0 : index
    %get3A_54 = arith.constant 0 : index
    %get3A_55 = vector.load %arg10[%get3A_53, %get3A_54] : memref<1x32xf32, #tpu.memory_space<vmem>>, vector<1x32xf32>
    %mul3A_56 = vector.broadcast %get3A_55 : vector<1x32xf32> to vector<1000x32xf32>
    %mul3A_57 = arith.mulf %max3A_52, %mul3A_56 : vector<1000x32xf32>
    %reduce_sum3A = arith.constant dense<0.000000e+00> : vector<1000xf32>
    %reduce_sum3A_58 = vector.multi_reduction <add>, %mul3A_57, %reduce_sum3A [1] : vector<1000x32xf32> to vector<1000xf32>
    %broadcast_in_dim3A = vector.shape_cast %reduce_sum3A_58 : vector<1000xf32> to vector<1000x1xf32>
    %get3A_59 = arith.constant 0 : index
    %get3A_60 = arith.constant 0 : index
    %get3A_61 = vector.load %arg11[%get3A_59, %get3A_60] : memref<1x1xf32, #tpu.memory_space<vmem>>, vector<1x1xf32>
    %add3A_62 = vector.broadcast %get3A_61 : vector<1x1xf32> to vector<1000x1xf32>
    %add3A_63 = arith.addf %broadcast_in_dim3A, %add3A_62 : vector<1000x1xf32>
    %swap3A = arith.constant 0 : index
    %swap3A_64 = arith.constant 0 : index
    %swap3A_65 = vector.load %arg12[%swap3A, %swap3A_64] : memref<1000x1xf32, #tpu.memory_space<vmem>>, vector<1000x1xf32>
    tpu.vector_store %arg12[%swap3A, %swap3A_64], %add3A_63 {strides = array<i32>} : memref<1000x1xf32, #tpu.memory_space<vmem>>, vector<1000x1xf32>,
    return
  }
  func.func @transform_0(%arg0: i32) -> (i32, i32) {
    %c0_i32 = arith.constant 0 : i32
    %c0_i32_0 = arith.constant 0 : i32
    return %arg0, %c0_i32 : i32, i32
  }
  func.func @transform_1(%arg0: i32) -> (i32, i32) {
    %add3A = arith.constant 50 : i32
    %add3A_0 = arith.addi %arg0, %add3A : i32
    %c0_i32 = arith.constant 0 : i32
    %c0_i32_1 = arith.constant 0 : i32
    return %add3A_0, %c0_i32 : i32, i32
  }
  func.func @transform_2(%arg0: i32) -> (i32, i32) {
    %c0_i32 = arith.constant 0 : i32
    %c0_i32_0 = arith.constant 0 : i32
    return %arg0, %c0_i32 : i32, i32
  }
  func.func @transform_3(%arg0: i32) -> (i32, i32) {
    %c0_i32 = arith.constant 0 : i32
    %c0_i32_0 = arith.constant 0 : i32
    return %arg0, %c0_i32 : i32, i32
  }
  func.func @transform_4(%arg0: i32) -> (i32, i32) {
    %c0_i32 = arith.constant 0 : i32
    %c0_i32_0 = arith.constant 0 : i32
    %c0_i32_1 = arith.constant 0 : i32
    return %c0_i32, %c0_i32_0 : i32, i32
  }
  func.func @transform_5(%arg0: i32) -> (i32, i32) {
    %c0_i32 = arith.constant 0 : i32
    %c0_i32_0 = arith.constant 0 : i32
    %c0_i32_1 = arith.constant 0 : i32
    return %c0_i32, %c0_i32_0 : i32, i32
  }
  func.func @transform_6(%arg0: i32) -> (i32, i32) {
    %c0_i32 = arith.constant 0 : i32
    %c0_i32_0 = arith.constant 0 : i32
    %c0_i32_1 = arith.constant 0 : i32
    return %c0_i32, %c0_i32_0 : i32, i32
  }
  func.func @transform_7(%arg0: i32) -> (i32, i32) {
    %c0_i32 = arith.constant 0 : i32
    %c0_i32_0 = arith.constant 0 : i32
    %c0_i32_1 = arith.constant 0 : i32
    return %c0_i32, %c0_i32_0 : i32, i32
  }
  func.func @transform_8(%arg0: i32) -> (i32, i32) {
    %c0_i32 = arith.constant 0 : i32
    %c0_i32_0 = arith.constant 0 : i32
    %c0_i32_1 = arith.constant 0 : i32
    return %c0_i32, %c0_i32_0 : i32, i32
  }
  func.func @transform_9(%arg0: i32) -> (i32, i32) {
    %c0_i32 = arith.constant 0 : i32
    %c0_i32_0 = arith.constant 0 : i32
    %c0_i32_1 = arith.constant 0 : i32
    return %c0_i32, %c0_i32_0 : i32, i32
  }
  func.func @transform_10(%arg0: i32) -> (i32, i32) {
    %c0_i32 = arith.constant 0 : i32
    %c0_i32_0 = arith.constant 0 : i32
    %c0_i32_1 = arith.constant 0 : i32
    return %c0_i32, %c0_i32_0 : i32, i32
  }
  func.func @transform_11(%arg0: i32) -> (i32, i32) {
    %c0_i32 = arith.constant 0 : i32
    %c0_i32_0 = arith.constant 0 : i32
    return %arg0, %c0_i32 : i32, i32
  }
}

</mosaic_0001>

<sc_bundles>
// kernel: kernel.6.cloned.1.call-start
scs
__scs_entry_jumppad:
0x0: {  	(pc) =	sbr.rel $0x88, $3  }
0x1: {  	(tag) =	ssettag $0x0;
	lr =	simm.s32 $0x1  }
0x2: {  	[smem:$0x3F93] =	sst lr;
	_ =	strace $0xD0000000  }
0x3: {  	_ = 	snop  }
0x4: {  	_ = 	snop  }
0x5: {  	_ = 	snop  }
0x6: {  	_ = 	snop  }
0x7: {  	_ = 	snop  }
__scs_overlays_trampoline_lowered:
0x8: {  	[smem:$0x3FA2] =	sst s0  }
0x9: {  	[smem:$0x3FA3] =	sst s1  }
0xa: {  	[smem:$0x3FA4] =	sst s2  }
0xb: {  	[smem:$0x3FA5] =	sst s3  }
0xc: {  	[smem:$0x3FA6] =	sst s4  }
0xd: {  	[smem:$0x3FA7] =	sst s5  }
0xe: {  	[smem:$0x3FA8] =	sst s6  }
0xf: {  	[smem:$0x3FA9] =	sst s7  }
0x10: {  	[smem:$0x3FAA] =	sst s8  }
0x11: {  	[smem:$0x3FAB] =	sst s9;
	s0 =	simm.s32 @!p0 $0x0  }
0x12: {  	s1 =	sld [smem:$0x3F91];
	s0 =	simm.s32 @p0 $0x1  }
0x13: {  	[smem:$0x3FAC] =	sst s0;
	s0 =	simm.s32 @!p1 $0x0  }
0x14: {  	s2 =	sld [smem:$0x3F90];
	s0 =	simm.s32 @p1 $0x1  }
0x15: {  	[smem:$0x3FAD] =	sst s0;
	s0 =	simm.s32 @!p2 $0x0  }
0x16: {  	s3 =	sld [smem:$0x3FDB];
	s0 =	simm.s32 @p2 $0x1  }
0x17: {  	s4 =	simm.s32 $0x1BF5;
	[smem:$0x3FAF] =	sst s0  }
0x18: {  	s0 =	sld [smem:$0x3F92];
	_ =	swait.ge [sflag:s4], $0x0  }
0x19: {  	s7 =	sld [smem:$0x3F93]  }
0x1a: {  	s8 =	sadd.s32 $0xFFFFE003, lr  }
0x1b: {  	s9 =	sadd.s32 $0xFFFFFEF7, lr;
	s5 =	simm.s32 $0xFFFFFFFF;
	p2 =	slt.u32 s8, $0xFFFFF086  }
0x1c: {  	p1 =	slt.u32 s9, $0xF7A;
	s5 =	simm.s32 @!p2 $0x0  }
0x1d: {  	s5 =	simm.s32 @p1 $0x1;
	p0 =	seq.s32 s7, s2  }
0x1e: {  	s7 =	smul.u32 @!p0 $0xF7A, s2;
	p2 =	seq.s32 @!p0 s5, $0x0  }
0x1f: {  	s9 =	smul.u32 $0xF7A, s1;
	s8 =	simm.s32 @!p0 $0x1BF5;
	p2 =	por !p2, p0  }
0x20: {  	[sflag:s8] =	ssyncset.s32 @!p0 $0xFFFFF086;
	s6 =	sadd.s32 @!p0 s3, s7;
	s7 =	simm.s32 @!p0 $0x108  }
0x21: {  	s3 =	sadd.s32 s3, s9;
	s6 =	sadd.s32 @!p0 $0x88, s6;
	s7 =	simm.s32 @p2 $0x1082  }
0x22: {  	[simem:s7], [sflag:s8] =	dma.local @!p0 [hbm:s6], $0xF7A  }
0x23: {  	s9 =	sor.u32 $0xD0000000, s2;
	s6 =	simm.s32 $0x108;
	_ =	swait.ge @!p0 [sflag:s8], $0x0  }
0x24: {  	s3 =	sadd.s32 $0x88, s3;
	s6 =	simm.s32 @!p1 $0x1082;
	[sflag:s4] =	ssyncset.s32 $0xFFFFF086  }
0x25: {  	[simem:s6], [sflag:s4] =	dma.local [hbm:s3], $0xF7A  }
0x26: {  	[smem:$0x3F93] =	sst s1;
	(tag) =	ssettag s2;
	_ =	strace s9  }
0x27: {  	s1 =	sld [smem:$0x3FA3]  }
0x28: {  	s2 =	sld [smem:$0x3FA4]  }
0x29: {  	s4 =	sld [smem:$0x3FA6]  }
0x2a: {  	p0 =	seq.s32 s5, $0x0;
	s5 =	sld [smem:$0x3FA7]  }
0x2b: {  	s6 =	sld [smem:$0x3FA8]  }
0x2c: {  	s7 =	sld [smem:$0x3FA9]  }
0x2d: {  	s3 =	simm.s32 $0x108;
	s8 =	sld [smem:$0x3FAA]  }
0x2e: {  	s3 =	simm.s32 @!p0 $0x1082;
	s9 =	sld [smem:$0x3FAB]  }
0x2f: {  	lr =	sadd.s32 s0, s3;
	s0 =	sld [smem:$0x3FA2]  }
0x30: {  	s3 =	sld [smem:$0x3FA5]  }
0x31: {  	[smem:$0x3FAE] =	sst s10  }
0x32: {  	s10 =	sld [smem:$0x3FAC];
	_ =	sdelay $0x3  }
0x33: {  	p0 =	seq.s32 s10, $0x1;
	s10 =	sld [smem:$0x3FAE];
	_ =	sdelay $0x3  }
0x34: {  	[smem:$0x3FAE] =	sst s10  }
0x35: {  	s10 =	sld [smem:$0x3FAD];
	_ =	sdelay $0x3  }
0x36: {  	p1 =	seq.s32 s10, $0x1;
	s10 =	sld [smem:$0x3FAE];
	_ =	sdelay $0x3  }
0x37: {  	[smem:$0x3FAE] =	sst s10  }
0x38: {  	s10 =	sld [smem:$0x3FAF]  }
0x39: {  	_ = 	snop;
	(pc) =	sbr.ind lr, $3  }
0x3a: {  	_ = 	snop  }
0x3b: {  	_ = 	snop  }
0x3c: {  	p2 =	seq.s32 s10, $0x1;
	s10 =	sld [smem:$0x3FAE]  }
0x3d: {  	_ =	shalt  }
0x3e: {  	_ =	shalt  }
0x3f: {  	_ =	shalt  }
0x40: {  	_ =	shalt  }
0x41: {  	_ =	shalt  }
0x42: {  	_ =	shalt  }
0x43: {  	_ =	shalt  }
0x44: {  	_ =	shalt  }
0x45: {  	_ =	shalt  }
0x46: {  	_ =	shalt  }
0x47: {  	_ =	shalt  }
0x48: {  	_ =	shalt  }
0x49: {  	_ =	shalt  }
0x4a: {  	_ =	shalt  }
0x4b: {  	_ =	shalt  }
0x4c: {  	_ =	shalt  }
0x4d: {  	_ =	shalt  }
0x4e: {  	_ =	shalt  }
0x4f: {  	_ =	shalt  }
0x50: {  	_ =	shalt  }
0x51: {  	_ =	shalt  }
0x52: {  	_ =	shalt  }
0x53: {  	_ =	shalt  }
0x54: {  	_ =	shalt  }
0x55: {  	_ =	shalt  }
0x56: {  	_ =	shalt  }
0x57: {  	_ =	shalt  }
0x58: {  	_ =	shalt  }
0x59: {  	_ =	shalt  }
0x5a: {  	_ =	shalt  }
0x5b: {  	_ =	shalt  }
0x5c: {  	_ =	shalt  }
0x5d: {  	_ =	shalt  }
0x5e: {  	_ =	shalt  }
0x5f: {  	_ =	shalt  }
0x60: {  	_ =	shalt  }
0x61: {  	_ =	shalt  }
0x62: {  	_ =	shalt  }
0x63: {  	_ =	shalt  }
0x64: {  	_ =	shalt  }
0x65: {  	_ =	shalt  }
0x66: {  	_ =	shalt  }
0x67: {  	_ =	shalt  }
0x68: {  	_ =	shalt  }
0x69: {  	_ =	shalt  }
0x6a: {  	_ =	shalt  }
0x6b: {  	_ =	shalt  }
0x6c: {  	_ =	shalt  }
0x6d: {  	_ =	shalt  }
0x6e: {  	_ =	shalt  }
0x6f: {  	_ =	shalt  }
0x70: {  	_ =	shalt  }
0x71: {  	_ =	shalt  }
0x72: {  	_ =	shalt  }
0x73: {  	_ =	shalt  }
0x74: {  	_ =	shalt  }
0x75: {  	_ =	shalt  }
0x76: {  	_ =	shalt  }
0x77: {  	_ =	shalt  }
0x78: {  	_ =	shalt  }
0x79: {  	_ =	shalt  }
0x7a: {  	_ =	shalt  }
0x7b: {  	_ =	shalt  }
0x7c: {  	_ =	shalt  }
0x7d: {  	_ =	shalt  }
0x7e: {  	_ =	shalt  }
0x7f: {  	_ =	shalt  }
0x80: {  	_ =	shalt  }
0x81: {  	_ =	shalt  }
0x82: {  	_ =	shalt  }
0x83: {  	_ =	shalt  }
0x84: {  	_ =	shalt  }
0x85: {  	_ =	shalt  }
0x86: {  	_ =	shalt  }
0x87: {  	_ =	shalt  }
.Lfunc_end0:
.L_simem_size_0:
called_computation_lowered:
.L_overlay_start_0:
0x88: {  	s2 =	sld [smem:$0x3FD9]  }
0x89: {  	s3 =	sld [smem:$0x3FFE];
	_ =	sdelay $0x1  }
0x8a: {  	s1 =	srdreg.scid  }
0x8b: {  	s0 =	sand.u32 $0x1, s1  }
0x8c: {  	s17 =	sshll.u32 s0, $0xA;
	s2 =	sadd.s32 s3, s2  }
0x8d: {  	s2 =	sadd.s32 s2, s17  }
0x8e: {  	[smem:$0x3FBA] =	sst s2  }
0x8f: {  	_ = 	snop  }
0x90: {  	s2 =	sld [smem:$0x3FD0];
	(tm) =	ssettm $0x1  }
0x91: {  	s18 =	sld [smem:$0x3FFB];
	_ =	sdelay $0x3  }
0x92: {  	_ =	strace s18  }
0x93: {  	s3 =	sld [smem:$0x3FFC];
	_ =	sdelay $0x3  }
0x94: {  	_ =	strace s3  }
0x95: {  	s3 =	sld [smem:$0x3FFD];
	_ =	sdelay $0x3  }
0x96: {  	_ =	strace s3  }
0x97: {  	_ =	strace $0x8FFFFFFF  }
0x98: {  	s19 =	sld [smem:$0x3FDB];
	_ =	sdelay $0x1  }
0x99: {  	s4 =	simm.s32 $_scs_section_size  }
0x9a: {  	s5 =	simm.s32 $_size__tile_overlayer_lowered;
	s6 =	simm.s32 $_tile_overlayer_lowered  }
0x9b: {  	s22 =	simm.s32 $0x1BFF;
	s21 =	sshll.u32 s6, $0x1;
	s3 =	sadd.s32 s4, s19  }
0x9c: {  	s7 =	simm.s32 $0x0;
	s20 =	sshll.u32 s5, $0x1;
	s5 =	sadd.s32 s21, s3  }
0x9d: {  	[timem:s7], [sflag:s22] =	dma.local [hbm:s5], s20  }
0x9e: {  	_ =	swait.ge [sflag:s22], s20  }
0x9f: {  	s4 =	ssub.s32 $0x0, s20;
	[sflag:s22] =	ssyncset.done $0x0  }
0xa0: {  	[sflag:s22] =	ssyncadd.s32 s4;
	_ =	sdelay $0x1  }
0xa1: {  	s23 =	simm.s32 $0x1B8B  }
0xa2: {  	_ =	swait.ge [sflag:s23], $0x1  }
0xa3: {  	[sflag:s23] =	ssyncset.done $0x0  }
0xa4: {  	s25 =	simm.s32 $0x1B8E;
	s24 =	sld [smem:$0x3FFE];
	[sflag:s23] =	ssyncadd.s32 $0xFFFFFFFF  }
0xa5: {  	s26 =	simm.s32 $execute0_lowered;
	[smem:$0x3FD2] =	sst s25  }
0xa6: {  	s5 =	sshll.u32 s26, $0x1;
	_ =	strace $0x80000046;
	[dreg:$0x1] =	wrdreg $0xFFFFFFFF  }
0xa7: {  	s28 =	simm.s32 $_size_execute0_lowered;
	s3 =	sadd.s32 s3, s5;
	[dreg:$0x0] =	wrdreg $0x0  }
0xa8: {  	s5 =	sshll.u32 s28, $0x1;
	[dreg:$0x2] =	wrdreg s3  }
0xa9: {  	[dreg:$0x3] =	wrdreg s5  }
0xaa: {  	[dreg:$0x4] =	wrdreg $0xC0  }
0xab: {  	_ =	task [dreg:s7], $0x5FFFF  }
0xac: {  	[dreg:$0x1] =	wrdreg $0xFFFFFFFF  }
0xad: {  	[dreg:$0x0] =	wrdreg $0x60  }
0xae: {  	[dreg:$0x2] =	wrdreg s24  }
0xaf: {  	[dreg:$0x3] =	wrdreg s2  }
0xb0: {  	[dreg:$0x4] =	wrdreg $0x187000  }
0xb1: {  	[dreg:$0x5] =	wrdreg $0x0  }
0xb2: {  	[dreg:$0x6] =	wrdreg $0x9  }
0xb3: {  	_ =	task.clear_ibuf [dreg:s7], $0x7FFFF;
	_ =	strace $0x90000046  }
0xb4: {  	s29 =	simm.s32 $0x9;
	_ =	strace $0x80000048  }
0xb5: {  	_ =	swait.ge [sflag:s29], $0x1  }
0xb6: {  	[sflag:s29] =	ssyncadd.s32 $0xFFFFFFFF  }
0xb7: {  	_ =	strace $0x90000048  }
0xb8: {  	_ =	sfence  }
0xb9: {  	s30 =	sld [smem:$0x0];
	_ =	sdelay $0x2  }
0xba: {  	s31 =	sshll.u32 s1, $0xD;
	s1 =	sshrl.u32 s1, $0x2  }
0xbb: {  	s3 =	sand.u32 $0x4000, s31;
	s1 =	sadd.s32 s1, s30  }
0xbc: {  	s0 =	sor.u32 s3, s0;
	s1 =	sshll.u32 s1, $0x11  }
0xbd: {  	s0 =	sor.u32 s1, s0  }
0xbe: {  	s0 =	sadd.s32 $0x8F2B, s0  }
0xbf: {  	[sflag:s0] =	ssyncadd.remote.s32 $0x1  }
0xc0: {  	_ =	sfence.sel $0xFFFF  }
0xc1: {  	[dreg:$0x0] =	wrdreg $0xFFFFFFFF;
	(pc) =	sbr.abs _section_cstart, $3  }
0xc2: {  	[dreg:$0x1] =	wrdreg $0xFFFFFFFF  }
0xc3: {  	_ =	task.clear_ibuf [dreg:s7], $0x2FFFF;
	_ =	strace $0x9FFFFFFF  }
0xc4: {  	(tm) =	ssettm $0x7FFFFFFF  }
0xc5: {  	_ =	shalt  }
tec
execute0_lowered:
.L_overlay_start_1:
0x0: {  	(tag) =	ssettag $0x1  }
0x1: {  	s24 =	rddreg [dreg:$0x0]  }
0x2: {  	s0 =	srdreg.scid;
	s9 =	stileid.u32  }
0x3: {  	s2 =	sadd.s32 $0x70800, s24;
	s16 =	sand.u32 $0x1, s0;
	s17 =	sor.u32 $0x50, s9  }
0x4: {  	s14 =	sshll.u32 s9, $0xC;
	s21 =	sor.u32 $0x60, s9;
	[smem:$0x79F] =	sst s17  }
0x5: {  	s25 =	sor.u32 $0x10, s9;
	s23 =	sor.u32 $0x70, s9;
	[smem:$0x7A1] =	sst s21  }
0x6: {  	s26 =	sor.u32 $0x20, s9;
	s7 =	sshll.u32 s25, $0xC;
	[smem:$0x7A3] =	sst s23  }
0x7: {  	s28 =	sor.u32 $0x30, s9;
	s10 =	sshll.u32 s26, $0xC;
	[smem:$0x7A9] =	sst s7  }
0x8: {  	s29 =	sor.u32 $0x40, s9;
	s3 =	sshll.u32 s28, $0xC;
	[smem:$0x7AB] =	sst s10  }
0x9: {  	s31 =	smul.u32 $0xC8, s9;
	s13 =	sshll.u32 s29, $0xC;
	[smem:$0x7AD] =	sst s3  }
0xa: {  	s0 =	ssub.s32 $0x2, s16;
	s19 =	sshll.u32 s17, $0xC;
	[smem:$0x7AF] =	sst s13  }
0xb: {  	s5 =	smul.u32 $0x186A00, s16;
	s22 =	sshll.u32 s21, $0xC;
	[smem:$0x7B1] =	sst s19  }
0xc: {  	s4 =	sshll.u32 s23, $0xC;
	s30 =	sor.u32 $0xD0000, s14;
	[smem:$0x7B3] =	sst s22  }
0xd: {  	s23 =	sor.u32 $0xE0000, s14;
	s1 =	sshrl.u32 s0, $0x1;
	[smem:$0x7B5] =	sst s4  }
0xe: {  	s0 =	ssub.s32 s0, s1;
	s6 =	sadd.s32 s5, s14;
	s1 =	sadd.s32 s5, s7  }
0xf: {  	s11 =	sadd.s32 s5, s10;
	s12 =	sadd.s32 s5, s3;
	s15 =	sadd.s32 s5, s13  }
0x10: {  	s20 =	sadd.s32 s5, s19;
	s3 =	sadd.s32 s5, s22;
	s13 =	sor.u32 $0xA0000, s14  }
0x11: {  	s22 =	sadd.s32 s5, s30;
	[smem:$0x7D9] =	sst s0;
	s0 =	sshrl.u32 s6, $0x3  }
0x12: {  	s8 =	sshrl.u32 s1, $0x3;
	s18 =	sshrl.u32 s15, $0x3;
	s1 =	sadd.s32 s5, s4  }
0x13: {  	s6 =	sor.u32 $0x80000, s14;
	[smem:$0x7BB] =	sst s13;
	s15 =	sor.u32 $0xB0000, s14  }
0x14: {  	s4 =	sadd.s32 s5, s23;
	s0 =	sadd.s32 s2, s0;
	[smem:$0x7B7] =	sst s6  }
0x15: {  	s7 =	sshrl.u32 s1, $0x3;
	s1 =	sadd.s32 s5, s13;
	[smem:$0x7BD] =	sst s15  }
0x16: {  	[dreg:$0x5] =	wrdreg s0;
	s0 =	sadd.s32 s2, s8;
	s8 =	sadd.s32 s5, s6  }
0x17: {  	s17 =	sshrl.u32 s1, $0x3;
	[dreg:$0x6] =	wrdreg s0;
	s0 =	sshrl.u32 s11, $0x3  }
0x18: {  	s6 =	sshrl.u32 s4, $0x3;
	s1 =	smul.u32 $0x61A8, s16;
	s0 =	sadd.s32 s2, s0  }
0x19: {  	s11 =	sor.u32 $0x90000, s14;
	[dreg:$0x7] =	wrdreg s0;
	s0 =	sshrl.u32 s12, $0x3  }
0x1a: {  	s10 =	sshrl.u32 s8, $0x3;
	[smem:$0x7B9] =	sst s11;
	s0 =	sadd.s32 s2, s0  }
0x1b: {  	s12 =	sadd.s32 s5, s11;
	[dreg:$0x8] =	wrdreg s0;
	s0 =	sadd.s32 s2, s18  }
0x1c: {  	s18 =	sadd.s32 s5, s15;
	[dreg:$0x9] =	wrdreg s0;
	s0 =	sshrl.u32 s20, $0x3  }
0x1d: {  	s19 =	sshrl.u32 s18, $0x3;
	s20 =	sor.u32 $0xC0000, s14;
	s0 =	sadd.s32 s2, s0  }
0x1e: {  	s18 =	sor.u32 $0x130000, s14;
	[dreg:$0xa] =	wrdreg s0;
	s0 =	sshrl.u32 s3, $0x3  }
0x1f: {  	[smem:$0x7BF] =	sst s20;
	s21 =	sadd.s32 s5, s20;
	s0 =	sadd.s32 s2, s0  }
0x20: {  	s20 =	sor.u32 $0x110000, s14;
	[dreg:$0xb] =	wrdreg s0;
	s0 =	sadd.s32 s2, s7  }
0x21: {  	s15 =	sadd.s32 s5, s18;
	[dreg:$0xc] =	wrdreg s0;
	s0 =	sadd.s32 s2, s10  }
0x22: {  	s3 =	sshrl.u32 s22, $0x3;
	[dreg:$0xd] =	wrdreg s0;
	s0 =	sshrl.u32 s12, $0x3  }
0x23: {  	s22 =	sor.u32 $0xF0000, s14;
	s11 =	sadd.s32 s5, s20;
	s0 =	sadd.s32 s2, s0  }
0x24: {  	s7 =	sadd.s32 s5, s22;
	[dreg:$0xe] =	wrdreg s0;
	s0 =	sadd.s32 s2, s17  }
0x25: {  	s12 =	sshrl.u32 s11, $0x3;
	[dreg:$0xf] =	wrdreg s0;
	s0 =	sadd.s32 s2, s19  }
0x26: {  	s17 =	sor.u32 $0x140000, s14;
	[dreg:$0x10] =	wrdreg s0;
	s0 =	sshrl.u32 s21, $0x3  }
0x27: {  	s19 =	sor.u32 $0x120000, s14;
	s4 =	sadd.s32 s5, s17;
	s0 =	sadd.s32 s2, s0  }
0x28: {  	s21 =	sor.u32 $0x100000, s14;
	[dreg:$0x11] =	wrdreg s0;
	s0 =	sadd.s32 s2, s3  }
0x29: {  	s13 =	sadd.s32 s5, s19;
	[dreg:$0x12] =	wrdreg s0;
	s0 =	sadd.s32 s2, s6  }
0x2a: {  	s8 =	sadd.s32 s5, s21;
	[dreg:$0x13] =	wrdreg s0;
	s0 =	sshrl.u32 s7, $0x3  }
0x2b: {  	s10 =	sshrl.u32 s8, $0x3;
	s3 =	sshrl.u32 s15, $0x3;
	s0 =	sadd.s32 s2, s0  }
0x2c: {  	s8 =	sor.u32 $0x160000, s14;
	[dreg:$0x14] =	wrdreg s0;
	s0 =	sadd.s32 s2, s10  }
0x2d: {  	s6 =	sshrl.u32 s4, $0x3;
	[dreg:$0x15] =	wrdreg s0;
	s0 =	sadd.s32 s2, s12  }
0x2e: {  	s10 =	sor.u32 $0x150000, s14;
	[dreg:$0x16] =	wrdreg s0;
	s0 =	sshrl.u32 s13, $0x3  }
0x2f: {  	s4 =	sor.u32 $0x170000, s14;
	s7 =	sadd.s32 s5, s10;
	s0 =	sadd.s32 s2, s0  }
0x30: {  	s12 =	sadd.s32 s5, s4;
	[dreg:$0x17] =	wrdreg s0;
	s0 =	sadd.s32 s2, s3  }
0x31: {  	s3 =	sor.u32 $0x180000, s14;
	[dreg:$0x18] =	wrdreg s0;
	s0 =	sadd.s32 s2, s6  }
0x32: {  	s6 =	sadd.s32 s5, s8;
	[dreg:$0x19] =	wrdreg s0;
	s0 =	sshrl.u32 s7, $0x3  }
0x33: {  	s11 =	sshrl.u32 s6, $0x3;
	s7 =	sshrl.u32 s5, $0x3;
	s0 =	sadd.s32 s2, s0  }
0x34: {  	s5 =	sadd.s32 s5, s3;
	s15 =	sadd.s32 s2, s7;
	[dreg:$0x1a] =	wrdreg s0  }
0x35: {  	s5 =	sshrl.u32 s5, $0x3;
	s0 =	sadd.s32 s2, s11;
	[smem:$0x7CC] =	sst s15  }
0x36: {  	s13 =	sshrl.u32 s12, $0x3;
	s5 =	sadd.s32 s2, s5;
	[dreg:$0x1b] =	wrdreg s0  }
0x37: {  	s7 =	smul.u32 $0xC8, s25;
	s11 =	simm.s32 $0x0;
	[dreg:$0x1d] =	wrdreg s5  }
0x38: {  	s0 =	sadd.s32 s2, s13;
	[smem:$0x7FF] =	sst s11;
	s13 =	sadd.s32 $0x64400, s24  }
0x39: {  	s15 =	smul.u32 $0xC8, s28;
	[dreg:$0x1c] =	wrdreg s0;
	s11 =	sadd.s32 s13, s31  }
0x3a: {  	s12 =	smul.u32 $0xC8, s26;
	s5 =	sadd.s32 s13, s1;
	[smem:$0x7D0] =	sst s11  }
0x3b: {  	s7 =	sadd.s32 s7, s5;
	s0 =	sadd.s32 s15, s5;
	s15 =	sld [smem:$0x7A1]  }
0x3c: {  	s31 =	smul.u32 $0xC8, s29;
	s12 =	sadd.s32 s12, s5;
	[dreg:$0x1e] =	wrdreg s7  }
0x3d: {  	[dreg:$0x1f] =	wrdreg s12  }
0x3e: {  	s12 =	sld [smem:$0x79F];
	s13 =	sadd.s32 s31, s5  }
0x3f: {  	s16 =	smul.u32 $0xC350, s16;
	[smem:$0x7A2] =	sst s13  }
0x40: {  	s11 =	smov.u32 s1;
	s13 =	sld [smem:$0x7A3];
	s1 =	smul.u32 $0xC8, s15  }
0x41: {  	[smem:$0x7A0] =	sst s0;
	s2 =	smul.u32 $0xC8, s12  }
0x42: {  	s6 =	smul.u32 $0xC400, s9;
	s31 =	rddreg [dreg:$0x2];
	s1 =	sadd.s32 s1, s5  }
0x43: {  	s7 =	smul.u32 $0xC8, s13;
	s2 =	sadd.s32 s2, s5;
	[smem:$0x7A5] =	sst s1  }
0x44: {  	s1 =	sshrl.u32 s6, $0x2;
	s6 =	sadd.s32 $0x4B200, s24;
	[smem:$0x7A4] =	sst s2  }
0x45: {  	s2 =	rddreg [dreg:$0x3];
	s7 =	sadd.s32 s7, s5;
	s5 =	sadd.s32 $0x1400, s24  }
0x46: {  	[smem:$0x7A6] =	sst s7;
	s7 =	sadd.s32 $0x32200, s24;
	s24 =	sadd.s32 $0x64200, s24  }
0x47: {  	_ =	strace $0x80000047;
	[smem:$0x7A7] =	sst s24  }
0x48: {  	s0 =	smul.u32 $0x61C00, s9;
	s22 =	sadd.s32 s22, s2;
	[smem:$0x7FD] =	sst s16  }
0x49: {  	s18 =	sadd.s32 s18, s2;
	[smem:$0x7C3] =	sst s22  }
0x4a: {  	s0 =	sshrl.u32 s0, $0x2;
	s3 =	sadd.s32 s3, s2;
	[smem:$0x7C7] =	sst s18  }
0x4b: {  	s0 =	sadd.s32 s0, s2;
	[smem:$0x7CE] =	sst s3  }
0x4c: {  	s16 =	sadd.s32 s14, s2;
	[smem:$0x7FB] =	sst s0  }
0x4d: {  	[smem:$0x7A8] =	sst s16  }
0x4e: {  	s14 =	sld [smem:$0x7A9]  }
0x4f: {  	s22 =	sadd.s32 s8, s2;
	s16 =	sld [smem:$0x7AB]  }
0x50: {  	[smem:$0x7CA] =	sst s22  }
0x51: {  	s8 =	sld [smem:$0x7CC]  }
0x52: {  	s18 =	sld [smem:$0x7D0]  }
0x53: {  	s24 =	sadd.s32 s1, s31;
	s22 =	smul.u32 $0x1900, s12;
	s12 =	sld [smem:$0x7D9]  }
0x54: {  	[smem:$0x7E3] =	sst s24  }
0x55: {  	s1 =	sadd.s32 s14, s2;
	s14 =	sld [smem:$0x7AD]  }
0x56: {  	[smem:$0x7AA] =	sst s1  }
0x57: {  	s3 =	sadd.s32 s11, s18;
	s1 =	sadd.s32 s16, s2;
	s16 =	sld [smem:$0x7AF]  }
0x58: {  	s18 =	sadd.s32 $0x12C0, s24;
	[smem:$0x7D1] =	sst s3  }
0x59: {  	[smem:$0x7E0] =	sst s18  }
0x5a: {  	s18 =	sadd.s32 $0x11000, s0;
	[smem:$0x7AC] =	sst s1  }
0x5b: {  	[smem:$0x7F5] =	sst s18  }
0x5c: {  	s1 =	sadd.s32 s14, s2;
	s14 =	sld [smem:$0x7B1]  }
0x5d: {  	[smem:$0x7AE] =	sst s1  }
0x5e: {  	s1 =	sadd.s32 s16, s2;
	s16 =	sld [smem:$0x7B3]  }
0x5f: {  	[smem:$0x7B0] =	sst s1  }
0x60: {  	s1 =	sadd.s32 s14, s2;
	s14 =	sld [smem:$0x7B5]  }
0x61: {  	[smem:$0x7B2] =	sst s1  }
0x62: {  	s1 =	sadd.s32 s16, s2;
	s16 =	sld [smem:$0x7B7]  }
0x63: {  	[smem:$0x7B4] =	sst s1  }
0x64: {  	s1 =	sadd.s32 s14, s2;
	s14 =	sld [smem:$0x7B9]  }
0x65: {  	[smem:$0x7B6] =	sst s1  }
0x66: {  	s1 =	sadd.s32 s16, s2;
	s16 =	sld [smem:$0x7BB]  }
0x67: {  	[smem:$0x7B8] =	sst s1  }
0x68: {  	s1 =	sadd.s32 s14, s2;
	s14 =	sld [smem:$0x7BD]  }
0x69: {  	[smem:$0x7BA] =	sst s1  }
0x6a: {  	s1 =	sadd.s32 s16, s2;
	s16 =	sld [smem:$0x7BF]  }
0x6b: {  	[smem:$0x7BC] =	sst s1;
	s1 =	sadd.s32 s14, s2  }
0x6c: {  	s14 =	sadd.s32 s30, s2;
	[smem:$0x7BE] =	sst s1  }
0x6d: {  	s1 =	sadd.s32 s16, s2;
	[smem:$0x7C1] =	sst s14  }
0x6e: {  	s16 =	sadd.s32 s23, s2;
	[smem:$0x7C0] =	sst s1  }
0x6f: {  	p0 =	sgt.u32 s9, $0x5;
	s23 =	sadd.s32 s21, s2;
	[smem:$0x7C2] =	sst s16  }
0x70: {  	p2 =	sgt.u32 s9, $0xC;
	s14 =	sadd.s32 s20, s2;
	[smem:$0x7C4] =	sst s23  }
0x71: {  	p1 =	sne.s32 @p0 s9, $0xF;
	s20 =	sadd.s32 s10, s2;
	[smem:$0x7C5] =	sst s14  }
0x72: {  	s25 =	smul.u32 $0x1900, s25;
	s16 =	sadd.s32 s19, s2;
	[smem:$0x7C9] =	sst s20  }
0x73: {  	s21 =	smul.u32 $0x1900, s9;
	s19 =	sadd.s32 s17, s2;
	[smem:$0x7C6] =	sst s16  }
0x74: {  	s23 =	sadd.s32 s4, s2;
	s4 =	sadd.s32 $0x30C00, s8;
	[smem:$0x7C8] =	sst s19  }
0x75: {  	s14 =	smul.u32 $0x1900, s26;
	s1 =	sshrl.u32 s25, $0x2;
	[smem:$0x7CB] =	sst s23  }
0x76: {  	s26 =	smul.u32 $0x1900, s13;
	s13 =	sadd.s32 $0x2BC0, s24;
	[smem:$0x7CD] =	sst s4  }
0x77: {  	s25 =	smul.u32 $0x1900, s15;
	s15 =	sadd.s32 $0x186000, s2;
	[smem:$0x7DB] =	sst s13  }
0x78: {  	s17 =	smul.u32 $0x1900, s28;
	s8 =	sadd.s32 $0x7000, s0;
	[smem:$0x7DD] =	sst s15  }
0x79: {  	s28 =	smul.u32 $0xC800, s9;
	s9 =	sadd.s32 $0x8000, s0;
	[smem:$0x7EB] =	sst s8  }
0x7a: {  	s1 =	sadd.s32 s1, s31;
	[smem:$0x7EC] =	sst s9  }
0x7b: {  	s4 =	sshrl.u32 s22, $0x2;
	s22 =	sadd.s32 $0x2580, s24;
	[smem:$0x7D2] =	sst s1  }
0x7c: {  	s13 =	sadd.s32 $0xC000, s0;
	[smem:$0x7E4] =	sst s22  }
0x7d: {  	s10 =	sshrl.u32 s21, $0x2;
	s15 =	sadd.s32 $0xE000, s0;
	[smem:$0x7F0] =	sst s13  }
0x7e: {  	s16 =	sadd.s32 s10, s31;
	[smem:$0x7F2] =	sst s15  }
0x7f: {  	s20 =	smov.u32 s11;
	s4 =	sadd.s32 s4, s31;
	[smem:$0x7CF] =	sst s16  }
0x80: {  	s21 =	sshrl.u32 s14, $0x2;
	s14 =	sadd.s32 $0x18000, s0;
	[smem:$0x7D6] =	sst s4  }
0x81: {  	s23 =	sshrl.u32 s17, $0x2;
	s17 =	sadd.s32 $0xC80, s24;
	[smem:$0x7DC] =	sst s14  }
0x82: {  	s11 =	sshrl.u32 s26, $0x2;
	s26 =	sadd.s32 $0x4000, s0;
	[smem:$0x7DF] =	sst s17  }
0x83: {  	s22 =	sadd.s32 $0x14000, s0;
	[smem:$0x7E8] =	sst s26  }
0x84: {  	s1 =	sadd.s32 s21, s31;
	[smem:$0x7F8] =	sst s22  }
0x85: {  	s19 =	smul.u32 $0x1900, s29;
	s10 =	sadd.s32 s23, s31;
	[smem:$0x7D3] =	sst s1  }
0x86: {  	s16 =	sadd.s32 $0x640, s24;
	[smem:$0x7D4] =	sst s10  }
0x87: {  	s3 =	sshrl.u32 s19, $0x2;
	s19 =	sadd.s32 $0x1900, s24;
	[smem:$0x7DE] =	sst s16  }
0x88: {  	p1 =	por p1, !p0;
	s21 =	sadd.s32 $0x1F40, s24;
	[smem:$0x7E1] =	sst s19  }
0x89: {  	s18 =	simm.s32 $0x80;
	s23 =	sadd.s32 $0x1000, s0;
	[smem:$0x7E2] =	sst s21  }
0x8a: {  	s30 =	simm.s32 $0x0;
	s24 =	sadd.s32 $0x2000, s0;
	[smem:$0x7E5] =	sst s23  }
0x8b: {  	s29 =	simm.s32 $0x2;
	s4 =	sadd.s32 $0x6000, s0;
	[smem:$0x7E6] =	sst s24  }
0x8c: {  	s9 =	simm.s32 $0x1BF00;
	s14 =	sadd.s32 $0xD000, s0;
	[smem:$0x7EA] =	sst s4  }
0x8d: {  	v0 =	vmov s20;
	s20 =	simm.s32 $0x1BF80;
	s17 =	sadd.s32 $0x10000, s0;
	[smem:$0x7F1] =	sst s14  }
0x8e: {  	s8 =	simm.s32 $0x0;
	s3 =	sadd.s32 s3, s31;
	[smem:$0x7F4] =	sst s17  }
0x8f: {  	s13 =	simm.s32 $0x7;
	s1 =	sadd.s32 s11, s31;
	[smem:$0x7D5] =	sst s3  }
0x90: {  	s10 =	sshrl.u32 s25, $0x2;
	s25 =	sadd.s32 $0x3000, s0;
	[smem:$0x7D8] =	sst s1  }
0x91: {  	s15 =	simm.s32 $0x1E800;
	s11 =	sadd.s32 $0xA000, s0;
	[smem:$0x7E7] =	sst s25  }
0x92: {  	s22 =	simm.s32 $0x1;
	s16 =	sadd.s32 $0xF000, s0;
	[smem:$0x7EE] =	sst s11  }
0x93: {  	s26 =	simm.s32 $0x1C300;
	s19 =	sadd.s32 $0x12000, s0;
	[smem:$0x7F3] =	sst s16  }
0x94: {  	s21 =	sadd.s32 $0x13000, s0;
	s23 =	sadd.s32 $0x15000, s0;
	[smem:$0x7F6] =	sst s19  }
0x95: {  	s24 =	sadd.s32 $0x16000, s0;
	s17 =	simm.s32 $0x1BC00;
	[smem:$0x7F7] =	sst s21  }
0x96: {  	s4 =	simm.s32 $0x5;
	s14 =	simm.s32 $0x6;
	[smem:$0x7F9] =	sst s23  }
0x97: {  	s3 =	sadd.s32 s10, s31;
	s1 =	smax.u32 s12, $0x1;
	[smem:$0x7FA] =	sst s24  }
0x98: {  	s10 =	sadd.s32 $0x9000, s0;
	s12 =	sadd.s32 $0xB000, s0;
	s25 =	sld [smem:$0x7FD]  }
0x99: {  	s16 =	simm.s32 $0x1B800;
	s19 =	simm.s32 $0x1C400;
	[smem:$0x7D7] =	sst s3  }
0x9a: {  	s21 =	simm.s32 $0x1CC00;
	s23 =	simm.s32 $0x1D400;
	[smem:$0x7DA] =	sst s1  }
0x9b: {  	s11 =	simm.s32 $0x1BB80;
	s24 =	simm.s32 $0x1C380;
	[smem:$0x7ED] =	sst s10  }
0x9c: {  	s3 =	sadd.s32 $0x5000, s0;
	[smem:$0x7EF] =	sst s12;
	s0 =	sadd.s32 $0x17000, s0  }
0x9d: {  	s12 =	simm.s32 $0x1E400;
	s1 =	simm.s32 $0x1F800;
	[smem:$0x7E9] =	sst s3  }
0x9e: {  	v2 =	vimm.f32 $0.0e+00;
	s10 =	simm.s32 $0x4;
	[smem:$0x7FC] =	sst s0;
	s3 =	simm.s32 $0x3;
	v1 =	vmov s25  }
.LBB2_1:
0x9f: {  	s0 =	sld [smem:$0x7A7];
	_ =	sdelay $0x1  }
0xa0: {  	[smem:$0x79E] =	sst s8  }
0xa1: {  	[tilespmem:s12], [sflag:$0x7] =	stream.linear.gather [hbm4b:s0+s30], $0x400, $0x38;
	[tilespmem:$0x1FE40] =	vst v63  }
0xa2: {  	_ =	swait.ge [sflag:s13], $0x400  }
0xa3: {  	[sflag:s13] =	ssyncset.done $0x0  }
0xa4: {  	[sflag:s13] =	ssyncadd.s32 $0xFFFFFC00  }
0xa5: {  	s8 =	rddreg [dreg:$0x1]  }
0xa6: {  	[tilespmem:s1], [sflag:$0x7] =	stream.linear.gather [hbm4b:s8+s30], $0x640, $0x38;
	[tilespmem:$0x1FE40] =	vst v63  }
0xa7: {  	_ =	swait.ge [sflag:s13], $0x640  }
0xa8: {  	s25 =	sld [smem:$0x7E3]  }
0xa9: {  	[sflag:s13] =	ssyncset.done $0x0  }
0xaa: {  	[sflag:s13] =	ssyncadd.s32 $0xFFFFF9C0  }
0xab: {  	[spmem:s25] =	stream.linear.scatter [tilespmem:s1], [sflag:$0x7], $0x640, $0x38;
	[tilespmem:$0x1FE40] =	vst v63  }
0xac: {  	_ =	swait.ge [sflag:s13], $0x640  }
0xad: {  	s30 =	sld [smem:$0x7DE]  }
0xae: {  	[sflag:s13] =	ssyncset.done $0x0  }
0xaf: {  	[sflag:s13] =	ssyncadd.s32 $0xFFFFF9C0  }
0xb0: {  	[spmem:s30] =	stream.linear.scatter [tilespmem:s1], [sflag:$0x7], $0x640, $0x38;
	[tilespmem:$0x1FE40] =	vst v63  }
0xb1: {  	_ =	swait.ge [sflag:s13], $0x640  }
0xb2: {  	s8 =	sld [smem:$0x7DF]  }
0xb3: {  	[sflag:s13] =	ssyncset.done $0x0  }
0xb4: {  	[sflag:s13] =	ssyncadd.s32 $0xFFFFF9C0  }
0xb5: {  	[spmem:s8] =	stream.linear.scatter [tilespmem:s1], [sflag:$0x7], $0x640, $0x38;
	[tilespmem:$0x1FE40] =	vst v63  }
0xb6: {  	_ =	swait.ge [sflag:s13], $0x640  }
0xb7: {  	s25 =	sld [smem:$0x7E0]  }
0xb8: {  	[sflag:s13] =	ssyncset.done $0x0  }
0xb9: {  	[sflag:s13] =	ssyncadd.s32 $0xFFFFF9C0  }
0xba: {  	[spmem:s25] =	stream.linear.scatter [tilespmem:s1], [sflag:$0x7], $0x640, $0x38;
	[tilespmem:$0x1FE40] =	vst v63  }
0xbb: {  	_ =	swait.ge [sflag:s13], $0x640  }
0xbc: {  	s30 =	sld [smem:$0x7E1]  }
0xbd: {  	[sflag:s13] =	ssyncset.done $0x0  }
0xbe: {  	[sflag:s13] =	ssyncadd.s32 $0xFFFFF9C0  }
0xbf: {  	[spmem:s30] =	stream.linear.scatter [tilespmem:s1], [sflag:$0x7], $0x640, $0x38;
	[tilespmem:$0x1FE40] =	vst v63  }
0xc0: {  	_ =	swait.ge [sflag:s13], $0x640  }
0xc1: {  	s8 =	sld [smem:$0x7E2]  }
0xc2: {  	[sflag:s13] =	ssyncset.done $0x0  }
0xc3: {  	[sflag:s13] =	ssyncadd.s32 $0xFFFFF9C0  }
0xc4: {  	[spmem:s8] =	stream.linear.scatter [tilespmem:s1], [sflag:$0x7], $0x640, $0x38;
	[tilespmem:$0x1FE40] =	vst v63  }
0xc5: {  	_ =	swait.ge [sflag:s13], $0x640  }
0xc6: {  	s25 =	sld [smem:$0x7E4]  }
0xc7: {  	[sflag:s13] =	ssyncset.done $0x0  }
0xc8: {  	[sflag:s13] =	ssyncadd.s32 $0xFFFFF9C0  }
0xc9: {  	[spmem:s25] =	stream.linear.scatter [tilespmem:s1], [sflag:$0x7], $0x640, $0x38;
	[tilespmem:$0x1FE40] =	vst v63  }
0xca: {  	_ =	swait.ge [sflag:s13], $0x640  }
0xcb: {  	s30 =	sld [smem:$0x7DB]  }
0xcc: {  	[sflag:s13] =	ssyncset.done $0x0  }
0xcd: {  	[sflag:s13] =	ssyncadd.s32 $0xFFFFF9C0  }
0xce: {  	[spmem:s30] =	stream.linear.scatter [tilespmem:s1], [sflag:$0x7], $0x540, $0x38;
	[tilespmem:$0x1FE40] =	vst v63  }
0xcf: {  	_ =	swait.ge [sflag:s13], $0x540  }
0xd0: {  	[sflag:s13] =	ssyncset.done $0x0  }
0xd1: {  	s0 =	simm.s32 $0x80;
	s1 =	simm.s32 $0x0;
	[sflag:s13] =	ssyncadd.s32 $0xFFFFFAC0  }
.LBB2_2:
0xd2: {  	p3 =	sne.s32 s0, $0x3F80;
	[tilespmem:s1+$0x1E800] =	vst v2;
	s8 =	smov.u32 s0;
	s0 =	sadd.s32 $0x80, s0  }
.Ltmp0:
0xd3: {  	[tilespmem:s1+$0x1E810] =	vst v2;
	(pc) =	sbr.rel @p3 .LBB2_2-.Ltmp0, $2  }
0xd4: {  	_ =	sdelay $0x2  }
0xd5: {  	s1 =	sshra.s32 s8, $0x2  }
0xd6: {  	s0 =	sld [smem:$0x7FB]  }
0xd7: {  	[tilespmem:s1+$0x1E800] =	vst v2  }
0xd8: {  	[tilespmem:s1+$0x1E810] =	vst v2  }
0xd9: {  	[spmem:s0] =	stream.linear.scatter [tilespmem:s15], [sflag:$0x7], $0x1000, $0x38;
	[tilespmem:$0x1FE40] =	vst v63  }
0xda: {  	_ =	swait.ge [sflag:s13], $0x1000  }
0xdb: {  	s1 =	sld [smem:$0x7E5]  }
0xdc: {  	[sflag:s13] =	ssyncset.done $0x0  }
0xdd: {  	[sflag:s13] =	ssyncadd.s32 $0xFFFFF000  }
0xde: {  	[spmem:s1] =	stream.linear.scatter [tilespmem:s15], [sflag:$0x7], $0x1000, $0x38;
	[tilespmem:$0x1FE40] =	vst v63  }
0xdf: {  	_ =	swait.ge [sflag:s13], $0x1000  }
0xe0: {  	s8 =	sld [smem:$0x7E6]  }
0xe1: {  	[sflag:s13] =	ssyncset.done $0x0  }
0xe2: {  	[sflag:s13] =	ssyncadd.s32 $0xFFFFF000  }
0xe3: {  	[spmem:s8] =	stream.linear.scatter [tilespmem:s15], [sflag:$0x7], $0x1000, $0x38;
	[tilespmem:$0x1FE40] =	vst v63  }
0xe4: {  	_ =	swait.ge [sflag:s13], $0x1000  }
0xe5: {  	s25 =	sld [smem:$0x7E7]  }
0xe6: {  	[sflag:s13] =	ssyncset.done $0x0  }
0xe7: {  	[sflag:s13] =	ssyncadd.s32 $0xFFFFF000  }
0xe8: {  	[spmem:s25] =	stream.linear.scatter [tilespmem:s15], [sflag:$0x7], $0x1000, $0x38;
	[tilespmem:$0x1FE40] =	vst v63  }
0xe9: {  	_ =	swait.ge [sflag:s13], $0x1000  }
0xea: {  	s1 =	sld [smem:$0x7E8]  }
0xeb: {  	[sflag:s13] =	ssyncset.done $0x0  }
0xec: {  	[sflag:s13] =	ssyncadd.s32 $0xFFFFF000  }
0xed: {  	[spmem:s1] =	stream.linear.scatter [tilespmem:s15], [sflag:$0x7], $0x1000, $0x38;
	[tilespmem:$0x1FE40] =	vst v63  }
0xee: {  	_ =	swait.ge [sflag:s13], $0x1000  }
0xef: {  	s8 =	sld [smem:$0x7E9]  }
0xf0: {  	[sflag:s13] =	ssyncset.done $0x0  }
0xf1: {  	[sflag:s13] =	ssyncadd.s32 $0xFFFFF000  }
0xf2: {  	[spmem:s8] =	stream.linear.scatter [tilespmem:s15], [sflag:$0x7], $0x1000, $0x38;
	[tilespmem:$0x1FE40] =	vst v63  }
0xf3: {  	_ =	swait.ge [sflag:s13], $0x1000  }
0xf4: {  	s25 =	sld [smem:$0x7EA]  }
0xf5: {  	[sflag:s13] =	ssyncset.done $0x0  }
0xf6: {  	[sflag:s13] =	ssyncadd.s32 $0xFFFFF000  }
0xf7: {  	[spmem:s25] =	stream.linear.scatter [tilespmem:s15], [sflag:$0x7], $0x1000, $0x38;
	[tilespmem:$0x1FE40] =	vst v63  }
0xf8: {  	_ =	swait.ge [sflag:s13], $0x1000  }
0xf9: {  	s1 =	sld [smem:$0x7EB]  }
0xfa: {  	[sflag:s13] =	ssyncset.done $0x0  }
0xfb: {  	[sflag:s13] =	ssyncadd.s32 $0xFFFFF000  }
0xfc: {  	[spmem:s1] =	stream.linear.scatter [tilespmem:s15], [sflag:$0x7], $0x1000, $0x38;
	[tilespmem:$0x1FE40] =	vst v63  }
0xfd: {  	_ =	swait.ge [sflag:s13], $0x1000  }
0xfe: {  	s8 =	sld [smem:$0x7EC]  }
0xff: {  	[sflag:s13] =	ssyncset.done $0x0  }
0x100: {  	[sflag:s13] =	ssyncadd.s32 $0xFFFFF000  }
0x101: {  	[spmem:s8] =	stream.linear.scatter [tilespmem:s15], [sflag:$0x7], $0x1000, $0x38;
	[tilespmem:$0x1FE40] =	vst v63  }
0x102: {  	_ =	swait.ge [sflag:s13], $0x1000  }
0x103: {  	s25 =	sld [smem:$0x7ED]  }
0x104: {  	[sflag:s13] =	ssyncset.done $0x0  }
0x105: {  	[sflag:s13] =	ssyncadd.s32 $0xFFFFF000  }
0x106: {  	[spmem:s25] =	stream.linear.scatter [tilespmem:s15], [sflag:$0x7], $0x1000, $0x38;
	[tilespmem:$0x1FE40] =	vst v63  }
0x107: {  	_ =	swait.ge [sflag:s13], $0x1000  }
0x108: {  	s1 =	sld [smem:$0x7EE]  }
0x109: {  	[sflag:s13] =	ssyncset.done $0x0  }
0x10a: {  	[sflag:s13] =	ssyncadd.s32 $0xFFFFF000  }
0x10b: {  	[spmem:s1] =	stream.linear.scatter [tilespmem:s15], [sflag:$0x7], $0x1000, $0x38;
	[tilespmem:$0x1FE40] =	vst v63  }
0x10c: {  	_ =	swait.ge [sflag:s13], $0x1000  }
0x10d: {  	s8 =	sld [smem:$0x7EF]  }
0x10e: {  	[sflag:s13] =	ssyncset.done $0x0  }
0x10f: {  	[sflag:s13] =	ssyncadd.s32 $0xFFFFF000  }
0x110: {  	[spmem:s8] =	stream.linear.scatter [tilespmem:s15], [sflag:$0x7], $0x1000, $0x38;
	[tilespmem:$0x1FE40] =	vst v63  }
0x111: {  	_ =	swait.ge [sflag:s13], $0x1000  }
0x112: {  	s25 =	sld [smem:$0x7F0]  }
0x113: {  	[sflag:s13] =	ssyncset.done $0x0  }
0x114: {  	[sflag:s13] =	ssyncadd.s32 $0xFFFFF000  }
0x115: {  	[spmem:s25] =	stream.linear.scatter [tilespmem:s15], [sflag:$0x7], $0x1000, $0x38;
	[tilespmem:$0x1FE40] =	vst v63  }
0x116: {  	_ =	swait.ge [sflag:s13], $0x1000  }
0x117: {  	s1 =	sld [smem:$0x7F1]  }
0x118: {  	[sflag:s13] =	ssyncset.done $0x0  }
0x119: {  	[sflag:s13] =	ssyncadd.s32 $0xFFFFF000  }
0x11a: {  	[spmem:s1] =	stream.linear.scatter [tilespmem:s15], [sflag:$0x7], $0x1000, $0x38;
	[tilespmem:$0x1FE40] =	vst v63  }
0x11b: {  	_ =	swait.ge [sflag:s13], $0x1000  }
0x11c: {  	s8 =	sld [smem:$0x7F2]  }
0x11d: {  	[sflag:s13] =	ssyncset.done $0x0  }
0x11e: {  	[sflag:s13] =	ssyncadd.s32 $0xFFFFF000  }
0x11f: {  	[spmem:s8] =	stream.linear.scatter [tilespmem:s15], [sflag:$0x7], $0x1000, $0x38;
	[tilespmem:$0x1FE40] =	vst v63  }
0x120: {  	_ =	swait.ge [sflag:s13], $0x1000  }
0x121: {  	s25 =	sld [smem:$0x7F3]  }
0x122: {  	[sflag:s13] =	ssyncset.done $0x0  }
0x123: {  	[sflag:s13] =	ssyncadd.s32 $0xFFFFF000  }
0x124: {  	[spmem:s25] =	stream.linear.scatter [tilespmem:s15], [sflag:$0x7], $0x1000, $0x38;
	[tilespmem:$0x1FE40] =	vst v63  }
0x125: {  	_ =	swait.ge [sflag:s13], $0x1000  }
0x126: {  	s1 =	sld [smem:$0x7F4]  }
0x127: {  	[sflag:s13] =	ssyncset.done $0x0  }
0x128: {  	[sflag:s13] =	ssyncadd.s32 $0xFFFFF000  }
0x129: {  	[spmem:s1] =	stream.linear.scatter [tilespmem:s15], [sflag:$0x7], $0x1000, $0x38;
	[tilespmem:$0x1FE40] =	vst v63  }
0x12a: {  	_ =	swait.ge [sflag:s13], $0x1000  }
0x12b: {  	s8 =	sld [smem:$0x7F5]  }
0x12c: {  	[sflag:s13] =	ssyncset.done $0x0  }
0x12d: {  	[sflag:s13] =	ssyncadd.s32 $0xFFFFF000  }
0x12e: {  	[spmem:s8] =	stream.linear.scatter [tilespmem:s15], [sflag:$0x7], $0x1000, $0x38;
	[tilespmem:$0x1FE40] =	vst v63  }
0x12f: {  	_ =	swait.ge [sflag:s13], $0x1000  }
0x130: {  	s25 =	sld [smem:$0x7F6]  }
0x131: {  	[sflag:s13] =	ssyncset.done $0x0  }
0x132: {  	[sflag:s13] =	ssyncadd.s32 $0xFFFFF000  }
0x133: {  	[spmem:s25] =	stream.linear.scatter [tilespmem:s15], [sflag:$0x7], $0x1000, $0x38;
	[tilespmem:$0x1FE40] =	vst v63  }
0x134: {  	_ =	swait.ge [sflag:s13], $0x1000  }
0x135: {  	s1 =	sld [smem:$0x7F7]  }
0x136: {  	[sflag:s13] =	ssyncset.done $0x0  }
0x137: {  	[sflag:s13] =	ssyncadd.s32 $0xFFFFF000  }
0x138: {  	[spmem:s1] =	stream.linear.scatter [tilespmem:s15], [sflag:$0x7], $0x1000, $0x38;
	[tilespmem:$0x1FE40] =	vst v63  }
0x139: {  	_ =	swait.ge [sflag:s13], $0x1000  }
0x13a: {  	s8 =	sld [smem:$0x7F8]  }
0x13b: {  	[sflag:s13] =	ssyncset.done $0x0  }
0x13c: {  	[sflag:s13] =	ssyncadd.s32 $0xFFFFF000  }
0x13d: {  	[spmem:s8] =	stream.linear.scatter [tilespmem:s15], [sflag:$0x7], $0x1000, $0x38;
	[tilespmem:$0x1FE40] =	vst v63  }
0x13e: {  	_ =	swait.ge [sflag:s13], $0x1000  }
0x13f: {  	s25 =	sld [smem:$0x7F9]  }
0x140: {  	[sflag:s13] =	ssyncset.done $0x0  }
0x141: {  	[sflag:s13] =	ssyncadd.s32 $0xFFFFF000  }
0x142: {  	[spmem:s25] =	stream.linear.scatter [tilespmem:s15], [sflag:$0x7], $0x1000, $0x38;
	[tilespmem:$0x1FE40] =	vst v63  }
0x143: {  	_ =	swait.ge [sflag:s13], $0x1000  }
0x144: {  	s1 =	sld [smem:$0x7FA]  }
0x145: {  	[sflag:s13] =	ssyncset.done $0x0  }
0x146: {  	[sflag:s13] =	ssyncadd.s32 $0xFFFFF000  }
0x147: {  	[spmem:s1] =	stream.linear.scatter [tilespmem:s15], [sflag:$0x7], $0x1000, $0x38;
	[tilespmem:$0x1FE40] =	vst v63  }
0x148: {  	_ =	swait.ge [sflag:s13], $0x1000  }
0x149: {  	s8 =	sld [smem:$0x7FC]  }
0x14a: {  	[sflag:s13] =	ssyncset.done $0x0  }
0x14b: {  	[sflag:s13] =	ssyncadd.s32 $0xFFFFF000  }
0x14c: {  	[spmem:s8] =	stream.linear.scatter [tilespmem:s15], [sflag:$0x7], $0x1000, $0x38;
	[tilespmem:$0x1FE40] =	vst v63  }
0x14d: {  	_ =	swait.ge [sflag:s13], $0x1000  }
0x14e: {  	s25 =	sld [smem:$0x7DC]  }
0x14f: {  	[sflag:s13] =	ssyncset.done $0x0  }
0x150: {  	[sflag:s13] =	ssyncadd.s32 $0xFFFFF000  }
0x151: {  	[spmem:s25] =	stream.linear.scatter [tilespmem:s15], [sflag:$0x7], $0x700, $0x38;
	[tilespmem:$0x1FE40] =	vst v63  }
0x152: {  	_ =	swait.ge [sflag:s13], $0x700  }
0x153: {  	[sflag:s13] =	ssyncset.done $0x0  }
0x154: {  	[sflag:s13] =	ssyncadd.s32 $0xFFFFF900  }
0x155: {  	s30 =	simm.s32 $0x0;
	s25 =	simm.s32 $0x0;
	[bflag:$0x0] =	sbarrier.arrive $0xFFFF  }
.LBB2_4:
0x156: {  	s0 =	sshll.u32 s30, $0xA  }
0x157: {  	s0 =	sadd.s32 s28, s0  }
0x158: {  	s0 =	sshrl.u32 s0, $0x3  }
0x159: {  	s1 =	sadd.s32 s6, s0  }
0x15a: {  	[tilespmem:s16], [sflag:$0x7] =	stream.linear.gather [hbm4b:s1+s25], $0x400, $0x38;
	[tilespmem:$0x1FE40] =	vst v63  }
0x15b: {  	_ =	swait.ge [sflag:s13], $0x400  }
0x15c: {  	[sflag:s13] =	ssyncset.done $0x0  }
0x15d: {  	s0 =	sadd.s32 s7, s0;
	[sflag:s13] =	ssyncadd.s32 $0xFFFFFC00  }
0x15e: {  	[tilespmem:s17], [sflag:$0x7] =	stream.linear.gather [hbm4b:s0+s25], $0x400, $0x38;
	[tilespmem:$0x1FE40] =	vst v63  }
0x15f: {  	_ =	swait.ge [sflag:s13], $0x400  }
0x160: {  	[sflag:s13] =	ssyncset.done $0x0  }
0x161: {  	s0 =	simm.s32 $0x0;
	[sflag:s13] =	ssyncadd.s32 $0xFFFFFC00  }
0x162: {  	v3 =	vld [tilespmem:s0+$0x1B800]  }
0x163: {  	v4 =	vld [tilespmem:s0+$0x1B810]  }
0x164: {  	v5 =	vld [tilespmem:s0+$0x1B820]  }
0x165: {  	v6 =	vld [tilespmem:s0+$0x1B830]  }
0x166: {  	v7 =	vld [tilespmem:s0+$0x1B840]  }
0x167: {  	v8 =	vld [tilespmem:s0+$0x1B850]  }
0x168: {  	v9 =	vld [tilespmem:s0+$0x1BC00];
	v3 =	vadd.s32 v1, v3  }
0x169: {  	[tilespmem:s0+$0x1B800] =	vst v3;
	v3 =	vadd.s32 v1, v4;
	v4 =	vld [tilespmem:s0+$0x1B860]  }
0x16a: {  	[tilespmem:s0+$0x1B810] =	vst v3;
	v3 =	vld [tilespmem:s0+$0x1B870]  }
0x16b: {  	v5 =	vadd.s32 v1, v5  }
0x16c: {  	[tilespmem:s0+$0x1B820] =	vst v5;
	v5 =	vadd.s32 v1, v6;
	v6 =	vld [tilespmem:s0+$0x1BC10]  }
0x16d: {  	[tilespmem:s0+$0x1B830] =	vst v5;
	v5 =	vadd.s32 v1, v7;
	v7 =	vld [tilespmem:s0+$0x1BC20]  }
0x16e: {  	[tilespmem:s0+$0x1B840] =	vst v5;
	v5 =	vadd.s32 v1, v8;
	v8 =	vld [tilespmem:s0+$0x1BC30];
	v4 =	vadd.s32 v1, v4  }
0x16f: {  	v10 =	vld [tilespmem:s0+$0x1BC40];
	[tilespmem:s0+$0x1B860] =	vst v4;
	v3 =	vadd.s32 v1, v3;
	v4 =	vsub.s32 v9, v0  }
0x170: {  	v11 =	vld [tilespmem:s0+$0x1BC50];
	[tilespmem:s0+$0x1B870] =	vst v3;
	v3 =	vmin.u32 v4, $0x61A8  }
0x171: {  	v9 =	vld [tilespmem:s0+$0x1BC60];
	[tilespmem:s0+$0x1C000] =	vst v3;
	v3 =	vsub.s32 v6, v0  }
0x172: {  	s1 =	simm.s32 $0x80;
	v12 =	vld [tilespmem:s0+$0x1BC70];
	[tilespmem:s0+$0x1B850] =	vst v5;
	v4 =	vsub.s32 v7, v0;
	v3 =	vmin.u32 v3, $0x61A8  }
0x173: {  	v5 =	vsub.s32 v8, v0;
	v13 =	vld [tilespmem:s1+$0x1B800];
	[tilespmem:s0+$0x1C010] =	vst v3;
	v3 =	vmin.u32 v4, $0x61A8  }
0x174: {  	v6 =	vsub.s32 v10, v0;
	v4 =	vld [tilespmem:s1+$0x1B810];
	[tilespmem:s0+$0x1C020] =	vst v3;
	v3 =	vmin.u32 v5, $0x61A8  }
0x175: {  	v7 =	vsub.s32 v11, v0;
	v5 =	vld [tilespmem:s1+$0x1B820];
	[tilespmem:s0+$0x1C030] =	vst v3;
	v3 =	vmin.u32 v6, $0x61A8  }
0x176: {  	v8 =	vsub.s32 v9, v0;
	v6 =	vld [tilespmem:s1+$0x1B830];
	[tilespmem:s0+$0x1C040] =	vst v3;
	v3 =	vmin.u32 v7, $0x61A8  }
0x177: {  	v10 =	vsub.s32 v12, v0;
	v7 =	vld [tilespmem:s1+$0x1B840];
	[tilespmem:s0+$0x1C050] =	vst v3;
	v3 =	vmin.u32 v8, $0x61A8  }
0x178: {  	s8 =	simm.s32 $0x400;
	v9 =	vadd.s32 v1, v13;
	v8 =	vld [tilespmem:s1+$0x1B850];
	[tilespmem:s0+$0x1C060] =	vst v3;
	v3 =	vmin.u32 v10, $0x61A8  }
.LBB2_5:
0x179: {  	p3 =	sne.s32 s8, $0xE00;
	[tilespmem:s1+$0x1B800] =	vst v9;
	v4 =	vadd.s32 v1, v4;
	v9 =	vld [tilespmem:s1+$0x1B860]  }
0x17a: {  	[tilespmem:s1+$0x1B810] =	vst v4;
	v4 =	vadd.s32 v1, v5;
	v5 =	vld [tilespmem:s1+$0x1B870]  }
0x17b: {  	v10 =	vld [tilespmem:s1+$0x1BC00];
	[tilespmem:s1+$0x1B820] =	vst v4;
	v4 =	vadd.s32 v1, v6  }
0x17c: {  	v6 =	vld [tilespmem:s1+$0x1BC10];
	[tilespmem:s1+$0x1B830] =	vst v4;
	v4 =	vadd.s32 v1, v7  }
0x17d: {  	v7 =	vld [tilespmem:s1+$0x1BC20];
	[tilespmem:s1+$0x1B840] =	vst v4;
	v4 =	vadd.s32 v1, v8  }
0x17e: {  	v8 =	vld [tilespmem:s1+$0x1BC30];
	[tilespmem:s1+$0x1B850] =	vst v4;
	v4 =	vadd.s32 v1, v9  }
0x17f: {  	v9 =	vld [tilespmem:s1+$0x1BC40];
	[tilespmem:s1+$0x1B860] =	vst v4;
	v4 =	vadd.s32 v1, v5  }
0x180: {  	v5 =	vsub.s32 v10, v0;
	v10 =	vld [tilespmem:s1+$0x1BC50];
	[tilespmem:s1+$0x1B870] =	vst v4  }
0x181: {  	v4 =	vmin.u32 v5, $0x61A8;
	v5 =	vsub.s32 v6, v0;
	v11 =	vld [tilespmem:s1+$0x1BC60];
	[tilespmem:s0+$0x1C070] =	vst v3;
	s0 =	smov.u32 s1  }
0x182: {  	s1 =	sshra.s32 s8, $0x2;
	[tilespmem:s0+$0x1C000] =	vst v4;
	v3 =	vmin.u32 v5, $0x61A8;
	v4 =	vsub.s32 v7, v0;
	v12 =	vld [tilespmem:s0+$0x1BC70]  }
0x183: {  	v13 =	vld [tilespmem:s1+$0x1B800];
	[tilespmem:s0+$0x1C010] =	vst v3;
	v3 =	vmin.u32 v4, $0x61A8;
	v5 =	vsub.s32 v8, v0  }
.Ltmp1:
0x184: {  	v4 =	vld [tilespmem:s1+$0x1B810];
	[tilespmem:s0+$0x1C020] =	vst v3;
	v3 =	vmin.u32 v5, $0x61A8;
	v6 =	vsub.s32 v9, v0;
	(pc) =	sbr.rel @p3 .LBB2_5-.Ltmp1, $4  }
0x185: {  	v5 =	vld [tilespmem:s1+$0x1B820];
	[tilespmem:s0+$0x1C030] =	vst v3;
	v3 =	vmin.u32 v6, $0x61A8;
	v7 =	vsub.s32 v10, v0  }
0x186: {  	v6 =	vld [tilespmem:s1+$0x1B830];
	[tilespmem:s0+$0x1C040] =	vst v3;
	v3 =	vmin.u32 v7, $0x61A8;
	v8 =	vsub.s32 v11, v0  }
0x187: {  	v7 =	vld [tilespmem:s1+$0x1B840];
	[tilespmem:s0+$0x1C050] =	vst v3;
	v3 =	vmin.u32 v8, $0x61A8;
	v10 =	vsub.s32 v12, v0  }
0x188: {  	s8 =	sadd.s32 $0x200, s8;
	v9 =	vadd.s32 v1, v13;
	v8 =	vld [tilespmem:s1+$0x1B850];
	[tilespmem:s0+$0x1C060] =	vst v3;
	v3 =	vmin.u32 v10, $0x61A8  }
0x189: {  	[tilespmem:s1+$0x1B800] =	vst v9;
	v4 =	vadd.s32 v1, v4;
	v43 =	vld [tilespmem:s1+$0x1B860]  }
0x18a: {  	v44 =	vld [tilespmem:s1+$0x1B870];
	[tilespmem:s1+$0x1B810] =	vst v4;
	v5 =	vadd.s32 v1, v5  }
0x18b: {  	v10 =	vld [tilespmem:s1+$0x1BC00];
	[tilespmem:s1+$0x1B820] =	vst v5;
	v45 =	vadd.s32 v1, v6  }
0x18c: {  	v46 =	vld [tilespmem:s1+$0x1BC10];
	[tilespmem:s1+$0x1B830] =	vst v45;
	v47 =	vadd.s32 v1, v7  }
0x18d: {  	v48 =	vld [tilespmem:s1+$0x1BC20];
	[tilespmem:s1+$0x1B840] =	vst v47;
	v49 =	vadd.s32 v1, v8  }
0x18e: {  	v50 =	vld [tilespmem:s1+$0x1BC30];
	[tilespmem:s1+$0x1B850] =	vst v49;
	v51 =	vadd.s32 v1, v43  }
0x18f: {  	v52 =	vld [tilespmem:s1+$0x1BC40];
	v4 =	vadd.s32 v1, v44;
	[tilespmem:s1+$0x1B860] =	vst v51  }
0x190: {  	v53 =	vld [tilespmem:s1+$0x1BC50];
	v54 =	vsub.s32 v10, v0;
	[tilespmem:s1+$0x1B870] =	vst v4  }
0x191: {  	v55 =	vld [tilespmem:s1+$0x1BC60];
	v4 =	vmin.u32 v54, $0x61A8;
	[tilespmem:s0+$0x1C070] =	vst v3;
	v3 =	vsub.s32 v46, v0  }
0x192: {  	v56 =	vsub.s32 v48, v0;
	[tilespmem:s1+$0x1C000] =	vst v4;
	v3 =	vmin.u32 v3, $0x61A8;
	v57 =	vld [tilespmem:s1+$0x1BC70]  }
0x193: {  	v58 =	vsub.s32 v50, v0;
	[tilespmem:s1+$0x1C010] =	vst v3;
	v3 =	vmin.u32 v56, $0x61A8  }
0x194: {  	v59 =	vsub.s32 v52, v0;
	[tilespmem:s1+$0x1C020] =	vst v3;
	v3 =	vmin.u32 v58, $0x61A8  }
0x195: {  	v60 =	vsub.s32 v53, v0;
	[tilespmem:s1+$0x1C030] =	vst v3;
	v3 =	vmin.u32 v59, $0x61A8  }
0x196: {  	v61 =	vsub.s32 v55, v0;
	[tilespmem:s1+$0x1C040] =	vst v3;
	v3 =	vmin.u32 v60, $0x61A8  }
0x197: {  	[tilespmem:s1+$0x1C050] =	vst v3;
	v3 =	vmin.u32 v61, $0x61A8;
	v62 =	vsub.s32 v57, v0  }
0x198: {  	[tilespmem:s1+$0x1C060] =	vst v3;
	v3 =	vmin.u32 v62, $0x61A8  }
0x199: {  	[tilespmem:s1+$0x1C070] =	vst v3  }
0x19a: {  	[tilespmem:s19], [sflag:$0x1] =	stream.indirect.gather [hbm4b:s5+s18], $0x10, s16, s18, $0xb8;
	[tilespmem:$0x1FE40] =	vst v63  }
0x19b: {  	s1 =	simm.s32 $0x1B880  }
0x19c: {  	[tilespmem:s21], [sflag:$0x2] =	stream.indirect.gather [hbm4b:s5+s18], $0x10, s1, s18, $0xb8;
	[tilespmem:$0x1FE40] =	vst v63  }
0x19d: {  	_ =	swait.ge [sflag:s22], $0x800  }
0x19e: {  	[sflag:s22] =	ssyncset.done $0x0  }
0x19f: {  	s8 =	simm.s32 $0x0;
	[sflag:s22] =	ssyncadd.s32 $0xFFFFF800  }
0x1a0: {  	v3 =	vld [tilespmem:s8+$0x1C400];
	_ =	sdelay $0x4  }
0x1a1: {  	s0 =	simm.s32 $0x1D410;
	v63 =	vshll.u32 v3, $0x10  }
0x1a2: {  	v3 =	vand.u32 $0xFFFF0000, v3;
	[tilespmem:s0+$0xFFFFFFF0] =	vst v63  }
0x1a3: {  	s1 =	simm.s32 $0x80;
	s8 =	simm.s32 $0x10;
	[tilespmem:s0+$0x0] =	vst v3  }
.LBB2_7:
0x1a4: {  	p3 =	sne.s32 s1, $0x1FC0;
	v3 =	vld [tilespmem:s8+$0x1C400];
	_ =	sdelay $0x2  }
.Ltmp2:
0x1a5: {  	(pc) =	sbr.rel @p3 .LBB2_7-.Ltmp2, $4  }
0x1a6: {  	_ = 	snop  }
0x1a7: {  	s0 =	sadd.s32 $0x20, s0;
	v4 =	vshll.u32 v3, $0x10;
	v3 =	vand.u32 $0xFFFF0000, v3  }
0x1a8: {  	[tilespmem:s0+$0xFFFFFFF0] =	vst v4  }
0x1a9: {  	s8 =	sshra.s32 s1, $0x2;
	s1 =	sadd.s32 $0x40, s1;
	[tilespmem:s0+$0x0] =	vst v3  }
0x1aa: {  	v3 =	vld [tilespmem:s8+$0x1C400];
	_ =	sdelay $0x4  }
0x1ab: {  	s0 =	sadd.s32 $0x20, s0;
	v4 =	vshll.u32 v3, $0x10  }
0x1ac: {  	v3 =	vand.u32 $0xFFFF0000, v3;
	[tilespmem:s0+$0xFFFFFFF0] =	vst v4  }
0x1ad: {  	[tilespmem:s0+$0x0] =	vst v3  }
0x1ae: {  	[spmem:s2] =	stream.indirect.scatter.add.f32 [tilespmem:s23], [sflag:$0x3], $0x20, s17, s18, $0xb8;
	[tilespmem:$0x1FE40] =	vst v63  }
0x1af: {  	s8 =	simm.s32 $0x1C000  }
0x1b0: {  	[spmem:s31] =	stream.indirect.scatter.add.f32 [tilespmem:s12], [sflag:$0x5], $0x8, s8, s18, $0xb8;
	[tilespmem:$0x1FE40] =	vst v63  }
0x1b1: {  	s1 =	simm.s32 $0x1B900  }
0x1b2: {  	[tilespmem:s19], [sflag:$0x1] =	stream.indirect.gather [hbm4b:s5+s18], $0x10, s1, s18, $0xb8;
	[tilespmem:$0x1FE40] =	vst v63  }
0x1b3: {  	_ =	swait.ge [sflag:s29], $0x800  }
0x1b4: {  	[sflag:s29] =	ssyncset.done $0x0  }
0x1b5: {  	s8 =	simm.s32 $0x0;
	[sflag:s29] =	ssyncadd.s32 $0xFFFFF800  }
0x1b6: {  	v3 =	vld [tilespmem:s8+$0x1CC00];
	_ =	sdelay $0x4  }
0x1b7: {  	s0 =	simm.s32 $0x1E810;
	v63 =	vshll.u32 v3, $0x10  }
0x1b8: {  	v3 =	vand.u32 $0xFFFF0000, v3;
	[tilespmem:s0+$0xFFFFFFF0] =	vst v63  }
0x1b9: {  	s1 =	simm.s32 $0x80;
	s8 =	simm.s32 $0x10;
	[tilespmem:s0+$0x0] =	vst v3  }
.LBB2_9:
0x1ba: {  	p3 =	sne.s32 s1, $0x1FC0;
	v3 =	vld [tilespmem:s8+$0x1CC00];
	_ =	sdelay $0x2  }
.Ltmp3:
0x1bb: {  	(pc) =	sbr.rel @p3 .LBB2_9-.Ltmp3, $4  }
0x1bc: {  	_ = 	snop  }
0x1bd: {  	s0 =	sadd.s32 $0x20, s0;
	v4 =	vshll.u32 v3, $0x10;
	v3 =	vand.u32 $0xFFFF0000, v3  }
0x1be: {  	[tilespmem:s0+$0xFFFFFFF0] =	vst v4  }
0x1bf: {  	s8 =	sshra.s32 s1, $0x2;
	s1 =	sadd.s32 $0x40, s1;
	[tilespmem:s0+$0x0] =	vst v3  }
0x1c0: {  	v3 =	vld [tilespmem:s8+$0x1CC00];
	_ =	sdelay $0x4  }
0x1c1: {  	s0 =	sadd.s32 $0x20, s0;
	v4 =	vshll.u32 v3, $0x10  }
0x1c2: {  	v3 =	vand.u32 $0xFFFF0000, v3;
	[tilespmem:s0+$0xFFFFFFF0] =	vst v4  }
0x1c3: {  	s1 =	simm.s32 $0x1BC80;
	[tilespmem:s0+$0x0] =	vst v3  }
0x1c4: {  	[spmem:s2] =	stream.indirect.scatter.add.f32 [tilespmem:s15], [sflag:$0x4], $0x20, s1, s18, $0xb8;
	[tilespmem:$0x1FE40] =	vst v63  }
0x1c5: {  	s8 =	simm.s32 $0x1C080  }
0x1c6: {  	[spmem:s31] =	stream.indirect.scatter.add.f32 [tilespmem:s12], [sflag:$0x6], $0x8, s8, s18, $0xb8;
	[tilespmem:$0x1FE40] =	vst v63  }
0x1c7: {  	s1 =	simm.s32 $0x1B980  }
0x1c8: {  	[tilespmem:s21], [sflag:$0x2] =	stream.indirect.gather [hbm4b:s5+s18], $0x10, s1, s18, $0xb8;
	[tilespmem:$0x1FE40] =	vst v63  }
0x1c9: {  	_ =	swait.ge [sflag:s22], $0x800  }
0x1ca: {  	[sflag:s22] =	ssyncset.done $0x0  }
0x1cb: {  	[sflag:s22] =	ssyncadd.s32 $0xFFFFF800  }
0x1cc: {  	_ =	swait.ge [sflag:s3], $0x1000  }
0x1cd: {  	[sflag:s3] =	ssyncset.done $0x0  }
0x1ce: {  	[sflag:s3] =	ssyncadd.s32 $0xFFFFF000  }
0x1cf: {  	_ =	swait.ge [sflag:s4], $0x400  }
0x1d0: {  	[sflag:s4] =	ssyncset.done $0x0  }
0x1d1: {  	s8 =	simm.s32 $0x0;
	[sflag:s4] =	ssyncadd.s32 $0xFFFFFC00  }
0x1d2: {  	v3 =	vld [tilespmem:s8+$0x1C400];
	_ =	sdelay $0x4  }
0x1d3: {  	s0 =	simm.s32 $0x1D410;
	v63 =	vshll.u32 v3, $0x10  }
0x1d4: {  	v3 =	vand.u32 $0xFFFF0000, v3;
	[tilespmem:s0+$0xFFFFFFF0] =	vst v63  }
0x1d5: {  	s1 =	simm.s32 $0x80;
	s8 =	simm.s32 $0x10;
	[tilespmem:s0+$0x0] =	vst v3  }
.LBB2_11:
0x1d6: {  	p3 =	sne.s32 s1, $0x1FC0;
	v3 =	vld [tilespmem:s8+$0x1C400];
	_ =	sdelay $0x2  }
.Ltmp4:
0x1d7: {  	(pc) =	sbr.rel @p3 .LBB2_11-.Ltmp4, $4  }
0x1d8: {  	_ = 	snop  }
0x1d9: {  	s0 =	sadd.s32 $0x20, s0;
	v4 =	vshll.u32 v3, $0x10;
	v3 =	vand.u32 $0xFFFF0000, v3  }
0x1da: {  	[tilespmem:s0+$0xFFFFFFF0] =	vst v4  }
0x1db: {  	s8 =	sshra.s32 s1, $0x2;
	s1 =	sadd.s32 $0x40, s1;
	[tilespmem:s0+$0x0] =	vst v3  }
0x1dc: {  	v3 =	vld [tilespmem:s8+$0x1C400];
	_ =	sdelay $0x4  }
0x1dd: {  	s0 =	sadd.s32 $0x20, s0;
	v4 =	vshll.u32 v3, $0x10  }
0x1de: {  	v3 =	vand.u32 $0xFFFF0000, v3;
	[tilespmem:s0+$0xFFFFFFF0] =	vst v4  }
0x1df: {  	s1 =	simm.s32 $0x1BD00;
	[tilespmem:s0+$0x0] =	vst v3  }
0x1e0: {  	[spmem:s2] =	stream.indirect.scatter.add.f32 [tilespmem:s23], [sflag:$0x3], $0x20, s1, s18, $0xb8;
	[tilespmem:$0x1FE40] =	vst v63  }
0x1e1: {  	s8 =	simm.s32 $0x1C100  }
0x1e2: {  	[spmem:s31] =	stream.indirect.scatter.add.f32 [tilespmem:s12], [sflag:$0x5], $0x8, s8, s18, $0xb8;
	[tilespmem:$0x1FE40] =	vst v63  }
0x1e3: {  	s1 =	simm.s32 $0x1BA00  }
0x1e4: {  	[tilespmem:s19], [sflag:$0x1] =	stream.indirect.gather [hbm4b:s5+s18], $0x10, s1, s18, $0xb8;
	[tilespmem:$0x1FE40] =	vst v63  }
0x1e5: {  	_ =	swait.ge [sflag:s29], $0x800  }
0x1e6: {  	[sflag:s29] =	ssyncset.done $0x0  }
0x1e7: {  	[sflag:s29] =	ssyncadd.s32 $0xFFFFF800  }
0x1e8: {  	_ =	swait.ge [sflag:s10], $0x1000  }
0x1e9: {  	[sflag:s10] =	ssyncset.done $0x0  }
0x1ea: {  	[sflag:s10] =	ssyncadd.s32 $0xFFFFF000  }
0x1eb: {  	_ =	swait.ge [sflag:s14], $0x400  }
0x1ec: {  	[sflag:s14] =	ssyncset.done $0x0  }
0x1ed: {  	s8 =	simm.s32 $0x0;
	[sflag:s14] =	ssyncadd.s32 $0xFFFFFC00  }
0x1ee: {  	v3 =	vld [tilespmem:s8+$0x1CC00];
	_ =	sdelay $0x4  }
0x1ef: {  	s0 =	simm.s32 $0x1E810;
	v63 =	vshll.u32 v3, $0x10  }
0x1f0: {  	v3 =	vand.u32 $0xFFFF0000, v3;
	[tilespmem:s0+$0xFFFFFFF0] =	vst v63  }
0x1f1: {  	s1 =	simm.s32 $0x80;
	s8 =	simm.s32 $0x10;
	[tilespmem:s0+$0x0] =	vst v3  }
.LBB2_13:
0x1f2: {  	p3 =	sne.s32 s1, $0x1FC0;
	v3 =	vld [tilespmem:s8+$0x1CC00];
	_ =	sdelay $0x2  }
.Ltmp5:
0x1f3: {  	(pc) =	sbr.rel @p3 .LBB2_13-.Ltmp5, $4  }
0x1f4: {  	_ = 	snop  }
0x1f5: {  	s0 =	sadd.s32 $0x20, s0;
	v4 =	vshll.u32 v3, $0x10;
	v3 =	vand.u32 $0xFFFF0000, v3  }
0x1f6: {  	[tilespmem:s0+$0xFFFFFFF0] =	vst v4  }
0x1f7: {  	s8 =	sshra.s32 s1, $0x2;
	s1 =	sadd.s32 $0x40, s1;
	[tilespmem:s0+$0x0] =	vst v3  }
0x1f8: {  	v3 =	vld [tilespmem:s8+$0x1CC00];
	_ =	sdelay $0x4  }
0x1f9: {  	s0 =	sadd.s32 $0x20, s0;
	v4 =	vshll.u32 v3, $0x10  }
0x1fa: {  	v3 =	vand.u32 $0xFFFF0000, v3;
	[tilespmem:s0+$0xFFFFFFF0] =	vst v4  }
0x1fb: {  	s1 =	simm.s32 $0x1BD80;
	[tilespmem:s0+$0x0] =	vst v3  }
0x1fc: {  	[spmem:s2] =	stream.indirect.scatter.add.f32 [tilespmem:s15], [sflag:$0x4], $0x20, s1, s18, $0xb8;
	[tilespmem:$0x1FE40] =	vst v63  }
0x1fd: {  	s8 =	simm.s32 $0x1C180  }
0x1fe: {  	[spmem:s31] =	stream.indirect.scatter.add.f32 [tilespmem:s12], [sflag:$0x6], $0x8, s8, s18, $0xb8;
	[tilespmem:$0x1FE40] =	vst v63  }
0x1ff: {  	s1 =	simm.s32 $0x1BA80  }
0x200: {  	[tilespmem:s21], [sflag:$0x2] =	stream.indirect.gather [hbm4b:s5+s18], $0x10, s1, s18, $0xb8;
	[tilespmem:$0x1FE40] =	vst v63  }
0x201: {  	_ =	swait.ge [sflag:s22], $0x800  }
0x202: {  	[sflag:s22] =	ssyncset.done $0x0  }
0x203: {  	[sflag:s22] =	ssyncadd.s32 $0xFFFFF800  }
0x204: {  	_ =	swait.ge [sflag:s3], $0x1000  }
0x205: {  	[sflag:s3] =	ssyncset.done $0x0  }
0x206: {  	[sflag:s3] =	ssyncadd.s32 $0xFFFFF000  }
0x207: {  	_ =	swait.ge [sflag:s4], $0x400  }
0x208: {  	[sflag:s4] =	ssyncset.done $0x0  }
0x209: {  	s8 =	simm.s32 $0x0;
	[sflag:s4] =	ssyncadd.s32 $0xFFFFFC00  }
0x20a: {  	v3 =	vld [tilespmem:s8+$0x1C400];
	_ =	sdelay $0x4  }
0x20b: {  	s0 =	simm.s32 $0x1D410;
	v63 =	vshll.u32 v3, $0x10  }
0x20c: {  	v3 =	vand.u32 $0xFFFF0000, v3;
	[tilespmem:s0+$0xFFFFFFF0] =	vst v63  }
0x20d: {  	s1 =	simm.s32 $0x80;
	s8 =	simm.s32 $0x10;
	[tilespmem:s0+$0x0] =	vst v3  }
.LBB2_15:
0x20e: {  	p3 =	sne.s32 s1, $0x1FC0;
	v3 =	vld [tilespmem:s8+$0x1C400];
	_ =	sdelay $0x2  }
.Ltmp6:
0x20f: {  	(pc) =	sbr.rel @p3 .LBB2_15-.Ltmp6, $4  }
0x210: {  	_ = 	snop  }
0x211: {  	s0 =	sadd.s32 $0x20, s0;
	v4 =	vshll.u32 v3, $0x10;
	v3 =	vand.u32 $0xFFFF0000, v3  }
0x212: {  	[tilespmem:s0+$0xFFFFFFF0] =	vst v4  }
0x213: {  	s8 =	sshra.s32 s1, $0x2;
	s1 =	sadd.s32 $0x40, s1;
	[tilespmem:s0+$0x0] =	vst v3  }
0x214: {  	v3 =	vld [tilespmem:s8+$0x1C400];
	_ =	sdelay $0x4  }
0x215: {  	s0 =	sadd.s32 $0x20, s0;
	v4 =	vshll.u32 v3, $0x10  }
0x216: {  	v3 =	vand.u32 $0xFFFF0000, v3;
	[tilespmem:s0+$0xFFFFFFF0] =	vst v4  }
0x217: {  	s1 =	simm.s32 $0x1BE00;
	[tilespmem:s0+$0x0] =	vst v3  }
0x218: {  	[spmem:s2] =	stream.indirect.scatter.add.f32 [tilespmem:s23], [sflag:$0x3], $0x20, s1, s18, $0xb8;
	[tilespmem:$0x1FE40] =	vst v63  }
0x219: {  	s8 =	simm.s32 $0x1C200  }
0x21a: {  	[spmem:s31] =	stream.indirect.scatter.add.f32 [tilespmem:s12], [sflag:$0x5], $0x8, s8, s18, $0xb8;
	[tilespmem:$0x1FE40] =	vst v63  }
0x21b: {  	s1 =	simm.s32 $0x1BB00  }
0x21c: {  	[tilespmem:s19], [sflag:$0x1] =	stream.indirect.gather [hbm4b:s5+s18], $0x10, s1, s18, $0xb8;
	[tilespmem:$0x1FE40] =	vst v63  }
0x21d: {  	_ =	swait.ge [sflag:s29], $0x800  }
0x21e: {  	[sflag:s29] =	ssyncset.done $0x0  }
0x21f: {  	[sflag:s29] =	ssyncadd.s32 $0xFFFFF800  }
0x220: {  	_ =	swait.ge [sflag:s10], $0x1000  }
0x221: {  	[sflag:s10] =	ssyncset.done $0x0  }
0x222: {  	[sflag:s10] =	ssyncadd.s32 $0xFFFFF000  }
0x223: {  	_ =	swait.ge [sflag:s14], $0x400  }
0x224: {  	[sflag:s14] =	ssyncset.done $0x0  }
0x225: {  	s8 =	simm.s32 $0x0;
	[sflag:s14] =	ssyncadd.s32 $0xFFFFFC00  }
0x226: {  	v3 =	vld [tilespmem:s8+$0x1CC00];
	_ =	sdelay $0x4  }
0x227: {  	s0 =	simm.s32 $0x1E810;
	v63 =	vshll.u32 v3, $0x10  }
0x228: {  	v3 =	vand.u32 $0xFFFF0000, v3;
	[tilespmem:s0+$0xFFFFFFF0] =	vst v63  }
0x229: {  	s1 =	simm.s32 $0x80;
	s8 =	simm.s32 $0x10;
	[tilespmem:s0+$0x0] =	vst v3  }
.LBB2_17:
0x22a: {  	p3 =	sne.s32 s1, $0x1FC0;
	v3 =	vld [tilespmem:s8+$0x1CC00];
	_ =	sdelay $0x2  }
.Ltmp7:
0x22b: {  	(pc) =	sbr.rel @p3 .LBB2_17-.Ltmp7, $4  }
0x22c: {  	_ = 	snop  }
0x22d: {  	s0 =	sadd.s32 $0x20, s0;
	v4 =	vshll.u32 v3, $0x10;
	v3 =	vand.u32 $0xFFFF0000, v3  }
0x22e: {  	[tilespmem:s0+$0xFFFFFFF0] =	vst v4  }
0x22f: {  	s8 =	sshra.s32 s1, $0x2;
	s1 =	sadd.s32 $0x40, s1;
	[tilespmem:s0+$0x0] =	vst v3  }
0x230: {  	v3 =	vld [tilespmem:s8+$0x1CC00];
	_ =	sdelay $0x4  }
0x231: {  	s0 =	sadd.s32 $0x20, s0;
	v4 =	vshll.u32 v3, $0x10  }
0x232: {  	v3 =	vand.u32 $0xFFFF0000, v3;
	[tilespmem:s0+$0xFFFFFFF0] =	vst v4  }
0x233: {  	s8 =	simm.s32 $0x1BE80;
	[tilespmem:s0+$0x0] =	vst v3  }
0x234: {  	[spmem:s2] =	stream.indirect.scatter.add.f32 [tilespmem:s15], [sflag:$0x4], $0x20, s8, s18, $0xb8;
	[tilespmem:$0x1FE40] =	vst v63  }
0x235: {  	s1 =	simm.s32 $0x1C280  }
0x236: {  	[spmem:s31] =	stream.indirect.scatter.add.f32 [tilespmem:s12], [sflag:$0x6], $0x8, s1, s18, $0xb8;
	[tilespmem:$0x1FE40] =	vst v63  }
0x237: {  	_ = 	snop  }
0x238: {  	[tilespmem:s21], [sflag:$0x2] =	stream.indirect.gather [hbm4b:s5+s18], $0x10, s11, s18, $0xb8;
	[tilespmem:$0x1FE40] =	vst v63  }
0x239: {  	_ =	swait.ge [sflag:s22], $0x800  }
0x23a: {  	[sflag:s22] =	ssyncset.done $0x0  }
0x23b: {  	[sflag:s22] =	ssyncadd.s32 $0xFFFFF800  }
0x23c: {  	_ =	swait.ge [sflag:s3], $0x1000  }
0x23d: {  	[sflag:s3] =	ssyncset.done $0x0  }
0x23e: {  	[sflag:s3] =	ssyncadd.s32 $0xFFFFF000  }
0x23f: {  	_ =	swait.ge [sflag:s4], $0x400  }
0x240: {  	[sflag:s4] =	ssyncset.done $0x0  }
0x241: {  	s8 =	simm.s32 $0x0;
	[sflag:s4] =	ssyncadd.s32 $0xFFFFFC00  }
0x242: {  	v3 =	vld [tilespmem:s8+$0x1C400];
	_ =	sdelay $0x4  }
0x243: {  	s0 =	simm.s32 $0x1D410;
	v63 =	vshll.u32 v3, $0x10  }
0x244: {  	v3 =	vand.u32 $0xFFFF0000, v3;
	[tilespmem:s0+$0xFFFFFFF0] =	vst v63  }
0x245: {  	s1 =	simm.s32 $0x80;
	s8 =	simm.s32 $0x10;
	[tilespmem:s0+$0x0] =	vst v3  }
.LBB2_19:
0x246: {  	p3 =	sne.s32 s1, $0x1FC0;
	v3 =	vld [tilespmem:s8+$0x1C400];
	_ =	sdelay $0x2  }
.Ltmp8:
0x247: {  	(pc) =	sbr.rel @p3 .LBB2_19-.Ltmp8, $4  }
0x248: {  	_ = 	snop  }
0x249: {  	s0 =	sadd.s32 $0x20, s0;
	v4 =	vshll.u32 v3, $0x10;
	v3 =	vand.u32 $0xFFFF0000, v3  }
0x24a: {  	[tilespmem:s0+$0xFFFFFFF0] =	vst v4  }
0x24b: {  	s8 =	sshra.s32 s1, $0x2;
	s1 =	sadd.s32 $0x40, s1;
	[tilespmem:s0+$0x0] =	vst v3  }
0x24c: {  	v3 =	vld [tilespmem:s8+$0x1C400];
	_ =	sdelay $0x4  }
0x24d: {  	s0 =	sadd.s32 $0x20, s0;
	v4 =	vshll.u32 v3, $0x10  }
0x24e: {  	v3 =	vand.u32 $0xFFFF0000, v3;
	[tilespmem:s0+$0xFFFFFFF0] =	vst v4  }
0x24f: {  	[tilespmem:s0+$0x0] =	vst v3  }
0x250: {  	[spmem:s2] =	stream.indirect.scatter.add.f32 [tilespmem:s23], [sflag:$0x3], $0x20, s9, s18, $0xb8;
	[tilespmem:$0x1FE40] =	vst v63  }
0x251: {  	_ = 	snop  }
0x252: {  	[spmem:s31] =	stream.indirect.scatter.add.f32 [tilespmem:s12], [sflag:$0x5], $0x8, s26, s18, $0xb8;
	[tilespmem:$0x1FE40] =	vst v63  }
0x253: {  	_ =	swait.ge [sflag:s29], $0x800  }
0x254: {  	[sflag:s29] =	ssyncset.done $0x0  }
0x255: {  	[sflag:s29] =	ssyncadd.s32 $0xFFFFF800  }
0x256: {  	_ =	swait.ge [sflag:s10], $0x1000  }
0x257: {  	[sflag:s10] =	ssyncset.done $0x0  }
0x258: {  	[sflag:s10] =	ssyncadd.s32 $0xFFFFF000  }
0x259: {  	_ =	swait.ge [sflag:s14], $0x400  }
0x25a: {  	[sflag:s14] =	ssyncset.done $0x0  }
0x25b: {  	s8 =	simm.s32 $0x0;
	[sflag:s14] =	ssyncadd.s32 $0xFFFFFC00  }
0x25c: {  	v3 =	vld [tilespmem:s8+$0x1CC00];
	_ =	sdelay $0x4  }
0x25d: {  	s0 =	simm.s32 $0x1E810;
	v63 =	vshll.u32 v3, $0x10  }
0x25e: {  	v3 =	vand.u32 $0xFFFF0000, v3;
	[tilespmem:s0+$0xFFFFFFF0] =	vst v63  }
0x25f: {  	s1 =	simm.s32 $0x80;
	s8 =	simm.s32 $0x10;
	[tilespmem:s0+$0x0] =	vst v3  }
.LBB2_21:
0x260: {  	p3 =	sne.s32 s1, $0x1FC0;
	v3 =	vld [tilespmem:s8+$0x1CC00];
	_ =	sdelay $0x2  }
.Ltmp9:
0x261: {  	(pc) =	sbr.rel @p3 .LBB2_21-.Ltmp9, $4  }
0x262: {  	_ = 	snop  }
0x263: {  	s0 =	sadd.s32 $0x20, s0;
	v4 =	vshll.u32 v3, $0x10;
	v3 =	vand.u32 $0xFFFF0000, v3  }
0x264: {  	[tilespmem:s0+$0xFFFFFFF0] =	vst v4  }
0x265: {  	s8 =	sshra.s32 s1, $0x2;
	s1 =	sadd.s32 $0x40, s1;
	[tilespmem:s0+$0x0] =	vst v3  }
0x266: {  	v3 =	vld [tilespmem:s8+$0x1CC00];
	_ =	sdelay $0x4  }
0x267: {  	s0 =	sadd.s32 $0x20, s0;
	v4 =	vshll.u32 v3, $0x10  }
0x268: {  	v3 =	vand.u32 $0xFFFF0000, v3;
	[tilespmem:s0+$0xFFFFFFF0] =	vst v4  }
0x269: {  	[tilespmem:s0+$0x0] =	vst v3  }
0x26a: {  	[spmem:s2] =	stream.indirect.scatter.add.f32 [tilespmem:s15], [sflag:$0x4], $0x20, s20, s18, $0xb8;
	[tilespmem:$0x1FE40] =	vst v63  }
0x26b: {  	_ = 	snop  }
0x26c: {  	[spmem:s31] =	stream.indirect.scatter.add.f32 [tilespmem:s12], [sflag:$0x6], $0x8, s24, s18, $0xb8;
	[tilespmem:$0x1FE40] =	vst v63  }
0x26d: {  	_ =	swait.ge [sflag:s3], $0x1000  }
0x26e: {  	[sflag:s3] =	ssyncset.done $0x0  }
0x26f: {  	[sflag:s3] =	ssyncadd.s32 $0xFFFFF000  }
0x270: {  	_ =	swait.ge [sflag:s4], $0x400  }
0x271: {  	[sflag:s4] =	ssyncset.done $0x0  }
0x272: {  	s30 =	sadd.s32 $0x1, s30;
	[sflag:s4] =	ssyncadd.s32 $0xFFFFFC00  }
0x273: {  	p3 =	sne.s32 s30, $0x32;
	_ =	swait.ge [sflag:s10], $0x1000  }
.Ltmp10:
0x274: {  	[sflag:s10] =	ssyncset.done $0x0;
	(pc) =	sbr.rel @p3 .LBB2_4-.Ltmp10, $4  }
0x275: {  	[sflag:s10] =	ssyncadd.s32 $0xFFFFF000  }
0x276: {  	_ =	swait.ge [sflag:s14], $0x400  }
0x277: {  	[sflag:s14] =	ssyncset.done $0x0  }
0x278: {  	[sflag:s14] =	ssyncadd.s32 $0xFFFFFC00  }
0x279: {  	[bflag:$0x0] =	sbarrier.arrive $0xFFFF  }
0x27a: {  	s0 =	sld [smem:$0x7A8];
	_ =	sdelay $0x2  }
0x27b: {  	[tilespmem:s15], [sflag:$0x7] =	stream.linear.gather [spmem:s0], $0x1000, $0x38;
	[tilespmem:$0x1FE40] =	vst v63  }
0x27c: {  	_ =	swait.ge [sflag:s13], $0x1000  }
0x27d: {  	[sflag:s13] =	ssyncset.done $0x0  }
0x27e: {  	s30 =	simm.s32 $0x0;
	s25 =	rddreg [dreg:$0x5];
	[sflag:s13] =	ssyncadd.s32 $0xFFFFF000  }
0x27f: {  	[hbm4b:s25+s30] =	stream.linear.scatter [tilespmem:s15], [sflag:$0x7], $0x1000, $0x38;
	[tilespmem:$0x1FE40] =	vst v63  }
0x280: {  	_ =	swait.ge [sflag:s13], $0x1000  }
0x281: {  	s1 =	sld [smem:$0x7AA]  }
0x282: {  	[sflag:s13] =	ssyncset.done $0x0  }
0x283: {  	[sflag:s13] =	ssyncadd.s32 $0xFFFFF000  }
0x284: {  	[tilespmem:s15], [sflag:$0x7] =	stream.linear.gather [spmem:s1], $0x1000, $0x38;
	[tilespmem:$0x1FE40] =	vst v63  }
0x285: {  	_ =	swait.ge [sflag:s13], $0x1000  }
0x286: {  	[sflag:s13] =	ssyncset.done $0x0  }
0x287: {  	s8 =	rddreg [dreg:$0x6];
	[sflag:s13] =	ssyncadd.s32 $0xFFFFF000  }
0x288: {  	[hbm4b:s8+s30] =	stream.linear.scatter [tilespmem:s15], [sflag:$0x7], $0x1000, $0x38;
	[tilespmem:$0x1FE40] =	vst v63  }
0x289: {  	_ =	swait.ge [sflag:s13], $0x1000  }
0x28a: {  	s25 =	sld [smem:$0x7AC]  }
0x28b: {  	[sflag:s13] =	ssyncset.done $0x0  }
0x28c: {  	[sflag:s13] =	ssyncadd.s32 $0xFFFFF000  }
0x28d: {  	[tilespmem:s15], [sflag:$0x7] =	stream.linear.gather [spmem:s25], $0x1000, $0x38;
	[tilespmem:$0x1FE40] =	vst v63  }
0x28e: {  	_ =	swait.ge [sflag:s13], $0x1000  }
0x28f: {  	[sflag:s13] =	ssyncset.done $0x0  }
0x290: {  	s1 =	rddreg [dreg:$0x7];
	[sflag:s13] =	ssyncadd.s32 $0xFFFFF000  }
0x291: {  	[hbm4b:s1+s30] =	stream.linear.scatter [tilespmem:s15], [sflag:$0x7], $0x1000, $0x38;
	[tilespmem:$0x1FE40] =	vst v63  }
0x292: {  	_ =	swait.ge [sflag:s13], $0x1000  }
0x293: {  	s8 =	sld [smem:$0x7AE]  }
0x294: {  	[sflag:s13] =	ssyncset.done $0x0  }
0x295: {  	[sflag:s13] =	ssyncadd.s32 $0xFFFFF000  }
0x296: {  	[tilespmem:s15], [sflag:$0x7] =	stream.linear.gather [spmem:s8], $0x1000, $0x38;
	[tilespmem:$0x1FE40] =	vst v63  }
0x297: {  	_ =	swait.ge [sflag:s13], $0x1000  }
0x298: {  	[sflag:s13] =	ssyncset.done $0x0  }
0x299: {  	s25 =	rddreg [dreg:$0x8];
	[sflag:s13] =	ssyncadd.s32 $0xFFFFF000  }
0x29a: {  	[hbm4b:s25+s30] =	stream.linear.scatter [tilespmem:s15], [sflag:$0x7], $0x1000, $0x38;
	[tilespmem:$0x1FE40] =	vst v63  }
0x29b: {  	_ =	swait.ge [sflag:s13], $0x1000  }
0x29c: {  	s1 =	sld [smem:$0x7B0]  }
0x29d: {  	[sflag:s13] =	ssyncset.done $0x0  }
0x29e: {  	[sflag:s13] =	ssyncadd.s32 $0xFFFFF000  }
0x29f: {  	[tilespmem:s15], [sflag:$0x7] =	stream.linear.gather [spmem:s1], $0x1000, $0x38;
	[tilespmem:$0x1FE40] =	vst v63  }
0x2a0: {  	_ =	swait.ge [sflag:s13], $0x1000  }
0x2a1: {  	[sflag:s13] =	ssyncset.done $0x0  }
0x2a2: {  	s8 =	rddreg [dreg:$0x9];
	[sflag:s13] =	ssyncadd.s32 $0xFFFFF000  }
0x2a3: {  	[hbm4b:s8+s30] =	stream.linear.scatter [tilespmem:s15], [sflag:$0x7], $0x1000, $0x38;
	[tilespmem:$0x1FE40] =	vst v63  }
0x2a4: {  	_ =	swait.ge [sflag:s13], $0x1000  }
0x2a5: {  	s25 =	sld [smem:$0x7B2]  }
0x2a6: {  	[sflag:s13] =	ssyncset.done $0x0  }
0x2a7: {  	[sflag:s13] =	ssyncadd.s32 $0xFFFFF000  }
0x2a8: {  	[tilespmem:s15], [sflag:$0x7] =	stream.linear.gather [spmem:s25], $0x1000, $0x38;
	[tilespmem:$0x1FE40] =	vst v63  }
0x2a9: {  	_ =	swait.ge [sflag:s13], $0x1000  }
0x2aa: {  	[sflag:s13] =	ssyncset.done $0x0  }
0x2ab: {  	s1 =	rddreg [dreg:$0xa];
	[sflag:s13] =	ssyncadd.s32 $0xFFFFF000  }
0x2ac: {  	[hbm4b:s1+s30] =	stream.linear.scatter [tilespmem:s15], [sflag:$0x7], $0x1000, $0x38;
	[tilespmem:$0x1FE40] =	vst v63  }
0x2ad: {  	_ =	swait.ge [sflag:s13], $0x1000  }
0x2ae: {  	s8 =	sld [smem:$0x7B4]  }
0x2af: {  	[sflag:s13] =	ssyncset.done $0x0  }
0x2b0: {  	[sflag:s13] =	ssyncadd.s32 $0xFFFFF000  }
0x2b1: {  	[tilespmem:s15], [sflag:$0x7] =	stream.linear.gather [spmem:s8], $0x1000, $0x38;
	[tilespmem:$0x1FE40] =	vst v63  }
0x2b2: {  	_ =	swait.ge [sflag:s13], $0x1000  }
0x2b3: {  	[sflag:s13] =	ssyncset.done $0x0  }
0x2b4: {  	s25 =	rddreg [dreg:$0xb];
	[sflag:s13] =	ssyncadd.s32 $0xFFFFF000  }
0x2b5: {  	[hbm4b:s25+s30] =	stream.linear.scatter [tilespmem:s15], [sflag:$0x7], $0x1000, $0x38;
	[tilespmem:$0x1FE40] =	vst v63  }
0x2b6: {  	_ =	swait.ge [sflag:s13], $0x1000  }
0x2b7: {  	s1 =	sld [smem:$0x7B6]  }
0x2b8: {  	[sflag:s13] =	ssyncset.done $0x0  }
0x2b9: {  	[sflag:s13] =	ssyncadd.s32 $0xFFFFF000  }
0x2ba: {  	[tilespmem:s15], [sflag:$0x7] =	stream.linear.gather [spmem:s1], $0x1000, $0x38;
	[tilespmem:$0x1FE40] =	vst v63  }
0x2bb: {  	_ =	swait.ge [sflag:s13], $0x1000  }
0x2bc: {  	[sflag:s13] =	ssyncset.done $0x0  }
0x2bd: {  	s8 =	rddreg [dreg:$0xc];
	[sflag:s13] =	ssyncadd.s32 $0xFFFFF000  }
0x2be: {  	[hbm4b:s8+s30] =	stream.linear.scatter [tilespmem:s15], [sflag:$0x7], $0x1000, $0x38;
	[tilespmem:$0x1FE40] =	vst v63  }
0x2bf: {  	_ =	swait.ge [sflag:s13], $0x1000  }
0x2c0: {  	s25 =	sld [smem:$0x7B8]  }
0x2c1: {  	[sflag:s13] =	ssyncset.done $0x0  }
0x2c2: {  	[sflag:s13] =	ssyncadd.s32 $0xFFFFF000  }
0x2c3: {  	[tilespmem:s15], [sflag:$0x7] =	stream.linear.gather [spmem:s25], $0x1000, $0x38;
	[tilespmem:$0x1FE40] =	vst v63  }
0x2c4: {  	_ =	swait.ge [sflag:s13], $0x1000  }
0x2c5: {  	[sflag:s13] =	ssyncset.done $0x0  }
0x2c6: {  	s1 =	rddreg [dreg:$0xd];
	[sflag:s13] =	ssyncadd.s32 $0xFFFFF000  }
0x2c7: {  	[hbm4b:s1+s30] =	stream.linear.scatter [tilespmem:s15], [sflag:$0x7], $0x1000, $0x38;
	[tilespmem:$0x1FE40] =	vst v63  }
0x2c8: {  	_ =	swait.ge [sflag:s13], $0x1000  }
0x2c9: {  	s8 =	sld [smem:$0x7BA]  }
0x2ca: {  	[sflag:s13] =	ssyncset.done $0x0  }
0x2cb: {  	[sflag:s13] =	ssyncadd.s32 $0xFFFFF000  }
0x2cc: {  	[tilespmem:s15], [sflag:$0x7] =	stream.linear.gather [spmem:s8], $0x1000, $0x38;
	[tilespmem:$0x1FE40] =	vst v63  }
0x2cd: {  	_ =	swait.ge [sflag:s13], $0x1000  }
0x2ce: {  	[sflag:s13] =	ssyncset.done $0x0  }
0x2cf: {  	s25 =	rddreg [dreg:$0xe];
	[sflag:s13] =	ssyncadd.s32 $0xFFFFF000  }
0x2d0: {  	[hbm4b:s25+s30] =	stream.linear.scatter [tilespmem:s15], [sflag:$0x7], $0x1000, $0x38;
	[tilespmem:$0x1FE40] =	vst v63  }
0x2d1: {  	_ =	swait.ge [sflag:s13], $0x1000  }
0x2d2: {  	s1 =	sld [smem:$0x7BC]  }
0x2d3: {  	[sflag:s13] =	ssyncset.done $0x0  }
0x2d4: {  	[sflag:s13] =	ssyncadd.s32 $0xFFFFF000  }
0x2d5: {  	[tilespmem:s15], [sflag:$0x7] =	stream.linear.gather [spmem:s1], $0x1000, $0x38;
	[tilespmem:$0x1FE40] =	vst v63  }
0x2d6: {  	_ =	swait.ge [sflag:s13], $0x1000  }
0x2d7: {  	[sflag:s13] =	ssyncset.done $0x0  }
0x2d8: {  	s8 =	rddreg [dreg:$0xf];
	[sflag:s13] =	ssyncadd.s32 $0xFFFFF000  }
0x2d9: {  	[hbm4b:s8+s30] =	stream.linear.scatter [tilespmem:s15], [sflag:$0x7], $0x1000, $0x38;
	[tilespmem:$0x1FE40] =	vst v63  }
0x2da: {  	_ =	swait.ge [sflag:s13], $0x1000  }
0x2db: {  	s25 =	sld [smem:$0x7BE]  }
0x2dc: {  	[sflag:s13] =	ssyncset.done $0x0  }
0x2dd: {  	[sflag:s13] =	ssyncadd.s32 $0xFFFFF000  }
0x2de: {  	[tilespmem:s15], [sflag:$0x7] =	stream.linear.gather [spmem:s25], $0x1000, $0x38;
	[tilespmem:$0x1FE40] =	vst v63  }
0x2df: {  	_ =	swait.ge [sflag:s13], $0x1000  }
0x2e0: {  	[sflag:s13] =	ssyncset.done $0x0  }
0x2e1: {  	s1 =	rddreg [dreg:$0x10];
	[sflag:s13] =	ssyncadd.s32 $0xFFFFF000  }
0x2e2: {  	[hbm4b:s1+s30] =	stream.linear.scatter [tilespmem:s15], [sflag:$0x7], $0x1000, $0x38;
	[tilespmem:$0x1FE40] =	vst v63  }
0x2e3: {  	_ =	swait.ge [sflag:s13], $0x1000  }
0x2e4: {  	s8 =	sld [smem:$0x7C0]  }
0x2e5: {  	[sflag:s13] =	ssyncset.done $0x0  }
0x2e6: {  	[sflag:s13] =	ssyncadd.s32 $0xFFFFF000  }
0x2e7: {  	[tilespmem:s15], [sflag:$0x7] =	stream.linear.gather [spmem:s8], $0x1000, $0x38;
	[tilespmem:$0x1FE40] =	vst v63  }
0x2e8: {  	_ =	swait.ge [sflag:s13], $0x1000  }
0x2e9: {  	[sflag:s13] =	ssyncset.done $0x0  }
0x2ea: {  	s25 =	rddreg [dreg:$0x11];
	[sflag:s13] =	ssyncadd.s32 $0xFFFFF000  }
0x2eb: {  	[hbm4b:s25+s30] =	stream.linear.scatter [tilespmem:s15], [sflag:$0x7], $0x1000, $0x38;
	[tilespmem:$0x1FE40] =	vst v63  }
0x2ec: {  	_ =	swait.ge [sflag:s13], $0x1000  }
0x2ed: {  	s1 =	sld [smem:$0x7C1]  }
0x2ee: {  	[sflag:s13] =	ssyncset.done $0x0  }
0x2ef: {  	[sflag:s13] =	ssyncadd.s32 $0xFFFFF000  }
0x2f0: {  	[tilespmem:s15], [sflag:$0x7] =	stream.linear.gather [spmem:s1], $0x1000, $0x38;
	[tilespmem:$0x1FE40] =	vst v63  }
0x2f1: {  	_ =	swait.ge [sflag:s13], $0x1000  }
0x2f2: {  	[sflag:s13] =	ssyncset.done $0x0  }
0x2f3: {  	s8 =	rddreg [dreg:$0x12];
	[sflag:s13] =	ssyncadd.s32 $0xFFFFF000  }
0x2f4: {  	[hbm4b:s8+s30] =	stream.linear.scatter [tilespmem:s15], [sflag:$0x7], $0x1000, $0x38;
	[tilespmem:$0x1FE40] =	vst v63  }
0x2f5: {  	_ =	swait.ge [sflag:s13], $0x1000  }
0x2f6: {  	s25 =	sld [smem:$0x7C2]  }
0x2f7: {  	[sflag:s13] =	ssyncset.done $0x0  }
0x2f8: {  	[sflag:s13] =	ssyncadd.s32 $0xFFFFF000  }
0x2f9: {  	[tilespmem:s15], [sflag:$0x7] =	stream.linear.gather [spmem:s25], $0x1000, $0x38;
	[tilespmem:$0x1FE40] =	vst v63  }
0x2fa: {  	_ =	swait.ge [sflag:s13], $0x1000  }
0x2fb: {  	[sflag:s13] =	ssyncset.done $0x0  }
0x2fc: {  	s1 =	rddreg [dreg:$0x13];
	[sflag:s13] =	ssyncadd.s32 $0xFFFFF000  }
0x2fd: {  	[hbm4b:s1+s30] =	stream.linear.scatter [tilespmem:s15], [sflag:$0x7], $0x1000, $0x38;
	[tilespmem:$0x1FE40] =	vst v63  }
0x2fe: {  	_ =	swait.ge [sflag:s13], $0x1000  }
0x2ff: {  	s8 =	sld [smem:$0x7C3]  }
0x300: {  	[sflag:s13] =	ssyncset.done $0x0  }
0x301: {  	[sflag:s13] =	ssyncadd.s32 $0xFFFFF000  }
0x302: {  	[tilespmem:s15], [sflag:$0x7] =	stream.linear.gather [spmem:s8], $0x1000, $0x38;
	[tilespmem:$0x1FE40] =	vst v63  }
0x303: {  	_ =	swait.ge [sflag:s13], $0x1000  }
0x304: {  	[sflag:s13] =	ssyncset.done $0x0  }
0x305: {  	s25 =	rddreg [dreg:$0x14];
	[sflag:s13] =	ssyncadd.s32 $0xFFFFF000  }
0x306: {  	[hbm4b:s25+s30] =	stream.linear.scatter [tilespmem:s15], [sflag:$0x7], $0x1000, $0x38;
	[tilespmem:$0x1FE40] =	vst v63  }
0x307: {  	_ =	swait.ge [sflag:s13], $0x1000  }
0x308: {  	s1 =	sld [smem:$0x7C4]  }
0x309: {  	[sflag:s13] =	ssyncset.done $0x0  }
0x30a: {  	[sflag:s13] =	ssyncadd.s32 $0xFFFFF000  }
0x30b: {  	[tilespmem:s15], [sflag:$0x7] =	stream.linear.gather [spmem:s1], $0x1000, $0x38;
	[tilespmem:$0x1FE40] =	vst v63  }
0x30c: {  	_ =	swait.ge [sflag:s13], $0x1000  }
0x30d: {  	[sflag:s13] =	ssyncset.done $0x0  }
0x30e: {  	s8 =	rddreg [dreg:$0x15];
	[sflag:s13] =	ssyncadd.s32 $0xFFFFF000  }
0x30f: {  	[hbm4b:s8+s30] =	stream.linear.scatter [tilespmem:s15], [sflag:$0x7], $0x1000, $0x38;
	[tilespmem:$0x1FE40] =	vst v63  }
0x310: {  	_ =	swait.ge [sflag:s13], $0x1000  }
0x311: {  	s25 =	sld [smem:$0x7C5]  }
0x312: {  	[sflag:s13] =	ssyncset.done $0x0  }
0x313: {  	[sflag:s13] =	ssyncadd.s32 $0xFFFFF000  }
0x314: {  	[tilespmem:s15], [sflag:$0x7] =	stream.linear.gather [spmem:s25], $0x1000, $0x38;
	[tilespmem:$0x1FE40] =	vst v63  }
0x315: {  	_ =	swait.ge [sflag:s13], $0x1000  }
0x316: {  	[sflag:s13] =	ssyncset.done $0x0  }
0x317: {  	s1 =	rddreg [dreg:$0x16];
	[sflag:s13] =	ssyncadd.s32 $0xFFFFF000  }
0x318: {  	[hbm4b:s1+s30] =	stream.linear.scatter [tilespmem:s15], [sflag:$0x7], $0x1000, $0x38;
	[tilespmem:$0x1FE40] =	vst v63  }
0x319: {  	_ =	swait.ge [sflag:s13], $0x1000  }
0x31a: {  	s8 =	sld [smem:$0x7C6]  }
0x31b: {  	[sflag:s13] =	ssyncset.done $0x0  }
0x31c: {  	[sflag:s13] =	ssyncadd.s32 $0xFFFFF000  }
0x31d: {  	[tilespmem:s15], [sflag:$0x7] =	stream.linear.gather [spmem:s8], $0x1000, $0x38;
	[tilespmem:$0x1FE40] =	vst v63  }
0x31e: {  	_ =	swait.ge [sflag:s13], $0x1000  }
0x31f: {  	[sflag:s13] =	ssyncset.done $0x0  }
0x320: {  	s25 =	rddreg [dreg:$0x17];
	[sflag:s13] =	ssyncadd.s32 $0xFFFFF000  }
0x321: {  	[hbm4b:s25+s30] =	stream.linear.scatter [tilespmem:s15], [sflag:$0x7], $0x1000, $0x38;
	[tilespmem:$0x1FE40] =	vst v63  }
0x322: {  	_ =	swait.ge [sflag:s13], $0x1000  }
0x323: {  	s1 =	sld [smem:$0x7C7]  }
0x324: {  	[sflag:s13] =	ssyncset.done $0x0  }
0x325: {  	[sflag:s13] =	ssyncadd.s32 $0xFFFFF000  }
0x326: {  	[tilespmem:s15], [sflag:$0x7] =	stream.linear.gather [spmem:s1], $0x1000, $0x38;
	[tilespmem:$0x1FE40] =	vst v63  }
0x327: {  	_ =	swait.ge [sflag:s13], $0x1000  }
0x328: {  	[sflag:s13] =	ssyncset.done $0x0  }
0x329: {  	s8 =	rddreg [dreg:$0x18];
	[sflag:s13] =	ssyncadd.s32 $0xFFFFF000  }
0x32a: {  	[hbm4b:s8+s30] =	stream.linear.scatter [tilespmem:s15], [sflag:$0x7], $0x1000, $0x38;
	[tilespmem:$0x1FE40] =	vst v63  }
0x32b: {  	_ =	swait.ge [sflag:s13], $0x1000  }
0x32c: {  	s25 =	sld [smem:$0x7C8]  }
0x32d: {  	[sflag:s13] =	ssyncset.done $0x0  }
0x32e: {  	[sflag:s13] =	ssyncadd.s32 $0xFFFFF000  }
0x32f: {  	[tilespmem:s15], [sflag:$0x7] =	stream.linear.gather [spmem:s25], $0x1000, $0x38;
	[tilespmem:$0x1FE40] =	vst v63  }
0x330: {  	_ =	swait.ge [sflag:s13], $0x1000  }
0x331: {  	[sflag:s13] =	ssyncset.done $0x0  }
0x332: {  	s1 =	rddreg [dreg:$0x19];
	[sflag:s13] =	ssyncadd.s32 $0xFFFFF000  }
0x333: {  	[hbm4b:s1+s30] =	stream.linear.scatter [tilespmem:s15], [sflag:$0x7], $0x1000, $0x38;
	[tilespmem:$0x1FE40] =	vst v63  }
0x334: {  	_ =	swait.ge [sflag:s13], $0x1000  }
0x335: {  	s8 =	sld [smem:$0x7C9]  }
0x336: {  	[sflag:s13] =	ssyncset.done $0x0  }
0x337: {  	[sflag:s13] =	ssyncadd.s32 $0xFFFFF000  }
0x338: {  	[tilespmem:s15], [sflag:$0x7] =	stream.linear.gather [spmem:s8], $0x1000, $0x38;
	[tilespmem:$0x1FE40] =	vst v63  }
0x339: {  	_ =	swait.ge [sflag:s13], $0x1000  }
0x33a: {  	[sflag:s13] =	ssyncset.done $0x0  }
0x33b: {  	s25 =	rddreg [dreg:$0x1a];
	[sflag:s13] =	ssyncadd.s32 $0xFFFFF000  }
0x33c: {  	[hbm4b:s25+s30] =	stream.linear.scatter [tilespmem:s15], [sflag:$0x7], $0x1000, $0x38;
	[tilespmem:$0x1FE40] =	vst v63  }
0x33d: {  	_ =	swait.ge [sflag:s13], $0x1000  }
0x33e: {  	s1 =	sld [smem:$0x7CA]  }
0x33f: {  	[sflag:s13] =	ssyncset.done $0x0  }
0x340: {  	[sflag:s13] =	ssyncadd.s32 $0xFFFFF000  }
0x341: {  	[tilespmem:s15], [sflag:$0x7] =	stream.linear.gather [spmem:s1], $0x1000, $0x38;
	[tilespmem:$0x1FE40] =	vst v63  }
0x342: {  	_ =	swait.ge [sflag:s13], $0x1000  }
0x343: {  	[sflag:s13] =	ssyncset.done $0x0  }
0x344: {  	s8 =	rddreg [dreg:$0x1b];
	[sflag:s13] =	ssyncadd.s32 $0xFFFFF000  }
0x345: {  	[hbm4b:s8+s30] =	stream.linear.scatter [tilespmem:s15], [sflag:$0x7], $0x1000, $0x38;
	[tilespmem:$0x1FE40] =	vst v63  }
0x346: {  	_ =	swait.ge [sflag:s13], $0x1000  }
0x347: {  	s25 =	sld [smem:$0x7CB]  }
0x348: {  	[sflag:s13] =	ssyncset.done $0x0  }
0x349: {  	[sflag:s13] =	ssyncadd.s32 $0xFFFFF000  }
0x34a: {  	[tilespmem:s15], [sflag:$0x7] =	stream.linear.gather [spmem:s25], $0x1000, $0x38;
	[tilespmem:$0x1FE40] =	vst v63  }
0x34b: {  	_ =	swait.ge [sflag:s13], $0x1000  }
0x34c: {  	[sflag:s13] =	ssyncset.done $0x0  }
0x34d: {  	s1 =	rddreg [dreg:$0x1c];
	[sflag:s13] =	ssyncadd.s32 $0xFFFFF000  }
0x34e: {  	[hbm4b:s1+s30] =	stream.linear.scatter [tilespmem:s15], [sflag:$0x7], $0x1000, $0x38;
	[tilespmem:$0x1FE40] =	vst v63  }
0x34f: {  	_ =	swait.ge [sflag:s13], $0x1000  }
0x350: {  	s1 =	sld [smem:$0x7DD]  }
0x351: {  	[sflag:s13] =	ssyncset.done $0x0  }
0x352: {  	s0 =	simm.s32 @!p1 $0x1E800;
	[sflag:s13] =	ssyncadd.s32 $0xFFFFF000  }
0x353: {  	[tilespmem:s0], [sflag:$0x7] =	stream.linear.gather @!p1 [spmem:s1], $0xA00, $0x38;
	[tilespmem:$0x1FE40] =	vst v63  }
0x354: {  	s1 =	simm.s32 @!p1 $0x7  }
0x355: {  	_ =	swait.ge @!p1 [sflag:s1], $0xA00  }
0x356: {  	s25 =	sld [smem:$0x7CD]  }
0x357: {  	[sflag:s1] =	ssyncset.done @!p1 $0x0  }
0x358: {  	s8 =	simm.s32 @!p1 $0x0;
	[sflag:s1] =	ssyncadd.s32 @!p1 $0xFFFFF600  }
0x359: {  	[hbm4b:s25+s8] =	stream.linear.scatter @!p1 [tilespmem:s0], [sflag:$0x7], $0xA00, $0x38;
	[tilespmem:$0x1FE40] =	vst v63  }
0x35a: {  	_ =	swait.ge @!p1 [sflag:s1], $0xA00  }
0x35b: {  	[sflag:s1] =	ssyncset.done @!p1 $0x0  }
0x35c: {  	[sflag:s1] =	ssyncadd.s32 @!p1 $0xFFFFF600;
	s1 =	sld [smem:$0x7CE];
	_ =	sdelay $0x1  }
0x35d: {  	s0 =	simm.s32 @!p0 $0x1E800  }
0x35e: {  	[tilespmem:s0], [sflag:$0x7] =	stream.linear.gather @!p0 [spmem:s1], $0x1000, $0x38;
	[tilespmem:$0x1FE40] =	vst v63  }
0x35f: {  	s1 =	simm.s32 @!p0 $0x7  }
0x360: {  	_ =	swait.ge @!p0 [sflag:s1], $0x1000  }
0x361: {  	[sflag:s1] =	ssyncset.done @!p0 $0x0  }
0x362: {  	s8 =	simm.s32 @!p0 $0x0;
	s25 =	rddreg [dreg:$0x1d];
	[sflag:s1] =	ssyncadd.s32 @!p0 $0xFFFFF000  }
0x363: {  	[hbm4b:s25+s8] =	stream.linear.scatter @!p0 [tilespmem:s0], [sflag:$0x7], $0x1000, $0x38;
	[tilespmem:$0x1FE40] =	vst v63  }
0x364: {  	_ =	swait.ge @!p0 [sflag:s1], $0x1000  }
0x365: {  	s8 =	sld [smem:$0x7CF]  }
0x366: {  	[sflag:s1] =	ssyncset.done @!p0 $0x0  }
0x367: {  	[sflag:s1] =	ssyncadd.s32 @!p0 $0xFFFFF000;
	s1 =	simm.s32 $0x1F800  }
0x368: {  	[tilespmem:s1], [sflag:$0x7] =	stream.linear.gather [spmem:s8], $0x640, $0x38;
	[tilespmem:$0x1FE40] =	vst v63  }
0x369: {  	_ =	swait.ge [sflag:s13], $0x640  }
0x36a: {  	s25 =	sld [smem:$0x7D1]  }
0x36b: {  	[sflag:s13] =	ssyncset.done $0x0  }
0x36c: {  	[sflag:s13] =	ssyncadd.s32 $0xFFFFF9C0  }
0x36d: {  	[hbm4b:s25+s30] =	stream.linear.scatter [tilespmem:s1], [sflag:$0x7], $0x640, $0x38;
	[tilespmem:$0x1FE40] =	vst v63  }
0x36e: {  	_ =	swait.ge [sflag:s13], $0x640  }
0x36f: {  	s8 =	sld [smem:$0x7D2]  }
0x370: {  	[sflag:s13] =	ssyncset.done $0x0  }
0x371: {  	[sflag:s13] =	ssyncadd.s32 $0xFFFFF9C0  }
0x372: {  	[tilespmem:s1], [sflag:$0x7] =	stream.linear.gather [spmem:s8], $0x640, $0x38;
	[tilespmem:$0x1FE40] =	vst v63  }
0x373: {  	_ =	swait.ge [sflag:s13], $0x640  }
0x374: {  	[sflag:s13] =	ssyncset.done $0x0  }
0x375: {  	s25 =	rddreg [dreg:$0x1e];
	[sflag:s13] =	ssyncadd.s32 $0xFFFFF9C0  }
0x376: {  	[hbm4b:s25+s30] =	stream.linear.scatter [tilespmem:s1], [sflag:$0x7], $0x640, $0x38;
	[tilespmem:$0x1FE40] =	vst v63  }
0x377: {  	_ =	swait.ge [sflag:s13], $0x640  }
0x378: {  	s8 =	sld [smem:$0x7D3]  }
0x379: {  	[sflag:s13] =	ssyncset.done $0x0  }
0x37a: {  	[sflag:s13] =	ssyncadd.s32 $0xFFFFF9C0  }
0x37b: {  	[tilespmem:s1], [sflag:$0x7] =	stream.linear.gather [spmem:s8], $0x640, $0x38;
	[tilespmem:$0x1FE40] =	vst v63  }
0x37c: {  	_ =	swait.ge [sflag:s13], $0x640  }
0x37d: {  	[sflag:s13] =	ssyncset.done $0x0  }
0x37e: {  	s25 =	rddreg [dreg:$0x1f];
	[sflag:s13] =	ssyncadd.s32 $0xFFFFF9C0  }
0x37f: {  	[hbm4b:s25+s30] =	stream.linear.scatter [tilespmem:s1], [sflag:$0x7], $0x640, $0x38;
	[tilespmem:$0x1FE40] =	vst v63  }
0x380: {  	_ =	swait.ge [sflag:s13], $0x640  }
0x381: {  	s8 =	sld [smem:$0x7D4]  }
0x382: {  	[sflag:s13] =	ssyncset.done $0x0  }
0x383: {  	[sflag:s13] =	ssyncadd.s32 $0xFFFFF9C0  }
0x384: {  	[tilespmem:s1], [sflag:$0x7] =	stream.linear.gather [spmem:s8], $0x640, $0x38;
	[tilespmem:$0x1FE40] =	vst v63  }
0x385: {  	_ =	swait.ge [sflag:s13], $0x640  }
0x386: {  	s25 =	sld [smem:$0x7A0]  }
0x387: {  	[sflag:s13] =	ssyncset.done $0x0  }
0x388: {  	[sflag:s13] =	ssyncadd.s32 $0xFFFFF9C0  }
0x389: {  	[hbm4b:s25+s30] =	stream.linear.scatter [tilespmem:s1], [sflag:$0x7], $0x640, $0x38;
	[tilespmem:$0x1FE40] =	vst v63  }
0x38a: {  	_ =	swait.ge [sflag:s13], $0x640  }
0x38b: {  	s8 =	sld [smem:$0x7D5]  }
0x38c: {  	[sflag:s13] =	ssyncset.done $0x0  }
0x38d: {  	[sflag:s13] =	ssyncadd.s32 $0xFFFFF9C0  }
0x38e: {  	[tilespmem:s1], [sflag:$0x7] =	stream.linear.gather [spmem:s8], $0x640, $0x38;
	[tilespmem:$0x1FE40] =	vst v63  }
0x38f: {  	_ =	swait.ge [sflag:s13], $0x640  }
0x390: {  	s25 =	sld [smem:$0x7A2]  }
0x391: {  	[sflag:s13] =	ssyncset.done $0x0  }
0x392: {  	[sflag:s13] =	ssyncadd.s32 $0xFFFFF9C0  }
0x393: {  	[hbm4b:s25+s30] =	stream.linear.scatter [tilespmem:s1], [sflag:$0x7], $0x640, $0x38;
	[tilespmem:$0x1FE40] =	vst v63  }
0x394: {  	_ =	swait.ge [sflag:s13], $0x640  }
0x395: {  	s8 =	sld [smem:$0x7D6]  }
0x396: {  	[sflag:s13] =	ssyncset.done $0x0  }
0x397: {  	[sflag:s13] =	ssyncadd.s32 $0xFFFFF9C0  }
0x398: {  	[tilespmem:s1], [sflag:$0x7] =	stream.linear.gather [spmem:s8], $0x640, $0x38;
	[tilespmem:$0x1FE40] =	vst v63  }
0x399: {  	_ =	swait.ge [sflag:s13], $0x640  }
0x39a: {  	s25 =	sld [smem:$0x7A4]  }
0x39b: {  	[sflag:s13] =	ssyncset.done $0x0  }
0x39c: {  	[sflag:s13] =	ssyncadd.s32 $0xFFFFF9C0  }
0x39d: {  	[hbm4b:s25+s30] =	stream.linear.scatter [tilespmem:s1], [sflag:$0x7], $0x640, $0x38;
	[tilespmem:$0x1FE40] =	vst v63  }
0x39e: {  	_ =	swait.ge [sflag:s13], $0x640  }
0x39f: {  	s8 =	sld [smem:$0x7D7]  }
0x3a0: {  	[sflag:s13] =	ssyncset.done $0x0  }
0x3a1: {  	[sflag:s13] =	ssyncadd.s32 $0xFFFFF9C0  }
0x3a2: {  	[tilespmem:s1], [sflag:$0x7] =	stream.linear.gather [spmem:s8], $0x640, $0x38;
	[tilespmem:$0x1FE40] =	vst v63  }
0x3a3: {  	_ =	swait.ge [sflag:s13], $0x640  }
0x3a4: {  	s25 =	sld [smem:$0x7A5]  }
0x3a5: {  	[sflag:s13] =	ssyncset.done $0x0  }
0x3a6: {  	[sflag:s13] =	ssyncadd.s32 $0xFFFFF9C0  }
0x3a7: {  	[hbm4b:s25+s30] =	stream.linear.scatter [tilespmem:s1], [sflag:$0x7], $0x640, $0x38;
	[tilespmem:$0x1FE40] =	vst v63  }
0x3a8: {  	_ =	swait.ge [sflag:s13], $0x640  }
0x3a9: {  	s1 =	sld [smem:$0x7D8]  }
0x3aa: {  	[sflag:s13] =	ssyncset.done $0x0  }
0x3ab: {  	s0 =	simm.s32 @!p2 $0x1F800;
	[sflag:s13] =	ssyncadd.s32 $0xFFFFF9C0  }
0x3ac: {  	[tilespmem:s0], [sflag:$0x7] =	stream.linear.gather @!p2 [spmem:s1], $0x640, $0x38;
	[tilespmem:$0x1FE40] =	vst v63  }
0x3ad: {  	s1 =	simm.s32 @!p2 $0x7  }
0x3ae: {  	_ =	swait.ge @!p2 [sflag:s1], $0x640  }
0x3af: {  	s25 =	sld [smem:$0x7A6]  }
0x3b0: {  	[sflag:s1] =	ssyncset.done @!p2 $0x0  }
0x3b1: {  	s8 =	simm.s32 @!p2 $0x0;
	[sflag:s1] =	ssyncadd.s32 @!p2 $0xFFFFF9C0  }
0x3b2: {  	[hbm4b:s25+s8] =	stream.linear.scatter @!p2 [tilespmem:s0], [sflag:$0x7], $0x640, $0x38;
	[tilespmem:$0x1FE40] =	vst v63  }
0x3b3: {  	_ =	swait.ge @!p2 [sflag:s1], $0x640  }
0x3b4: {  	s0 =	sld [smem:$0x79E]  }
0x3b5: {  	s25 =	sld [smem:$0x7DA];
	_ =	sdelay $0x1  }
0x3b6: {  	s8 =	sadd.s32 $0x1, s0  }
0x3b7: {  	p3 =	sne.s32 s8, s25  }
.Ltmp11:
0x3b8: {  	_ = 	snop;
	(pc) =	sbr.rel @p3 .LBB2_1-.Ltmp11, $3  }
0x3b9: {  	_ =	sdelay $0x1  }
0x3ba: {  	[sflag:s1] =	ssyncset.done @!p2 $0x0  }
0x3bb: {  	[sflag:s1] =	ssyncadd.s32 @!p2 $0xFFFFF9C0;
	s1 =	simm.s32 $0x1F800  }
0x3bc: {  	_ =	sfence.sel $0x180000  }
0x3bd: {  	[bflag:$0x0] =	sbarrier.arrive $0xFFFF  }
0x3be: {  	_ =	strace $0x90000047  }
0x3bf: {  	s0 =	stileid.u32;
	[bflag:$0x2] =	sbarrier.arrive $0xFFFF  }
0x3c0: {  	p0 =	sne.s32 s0, $0x0;
	s0 =	rddreg [dreg:$0x4]  }
0x3c1: {  	s0 =	sadd.s32 @!p0 $0x100000, s0  }
0x3c2: {  	[sflag:s0] =	ssyncadd.tile.s32 @!p0 $0x1;
	_ =	shalt  }
.Lfunc_end2:
_tile_overlayer_lowered:
.L_overlay_start_2:
0x3c3: {  	(tag) =	ssettag $0x2  }
0x3c4: {  	s0 =	rddreg [dreg:$0x0];
	s2 =	stileid.u32  }
0x3c5: {  	s1 =	rddreg [dreg:$0x1];
	p0 =	sne.s32 s2, $0x0  }
0x3c6: {  	s3 =	rddreg [dreg:$0x2];
	[bflag:$0x3] =	sbarrier.arrive $0xFFFF;
	s2 =	simm.s32 @!p0 $0x1C07  }
0x3c7: {  	[timem:s3], [sflag:s2] =	dma.local @!p0 [hbm:s0], s1  }
0x3c8: {  	s0 =	simm.s32 @!p0 $0x7  }
0x3c9: {  	_ =	swait.ge @!p0 [sflag:s0], s1  }
0x3ca: {  	s1 =	ssub.s32 @!p0 $0x0, s1;
	[sflag:s0] =	ssyncset.done @!p0 $0x0  }
0x3cb: {  	[sflag:s0] =	ssyncadd.s32 @!p0 s1  }
0x3cc: {  	[bflag:$0x3] =	sbarrier.arrive $0xFFFF  }
0x3cd: {  	_ =	shalt  }

</sc_bundles>
